<compile_context>
chip_gen: v7x
topology: tpu7x:2x2x1
jax: 0.10.2.dev20260603
libtpu: 0.0.44.dev20260713+nightly
codegen_flags: <defaults>
</compile_context>

<pallas_src>
import jax
import jax.numpy as jnp
from jax import lax
from jax.experimental import pallas as pl
from jax.experimental.pallas import tpu as pltpu
from jax.experimental.pallas import tpu_sc as plsc

NUM_CORES = 2
NUM_SUBCORES = 16
NW = NUM_CORES * NUM_SUBCORES
LANES = 16
H = 64
BN = 12800


def _sc_mesh():
    return plsc.VectorSubcoreMesh(
        core_axis_name="c", subcore_axis_name="s",
        num_cores=NUM_CORES, num_subcores=NUM_SUBCORES)


_SC_PARAMS = pltpu.CompilerParams(needs_layout_passes=False)


def _pack_group(rowbuf, colbuf, pkbuf, table, acc, ngroups):
    @plsc.parallel_loop(0, ngroups * LANES, LANES, unroll=8)
    def grp(j):
        r = rowbuf[pl.ds(j, LANES)]
        c = colbuf[pl.ds(j, LANES)]
        pk = jnp.bitwise_or(
            lax.shift_left(r, jnp.full((LANES,), 16, jnp.int32)), c)
        pkbuf[pl.ds(j, LANES)] = pk
        v = plsc.load_gather(table, [c])
        plsc.addupdate_scatter(acc, [r], v)


def _edge_loop(buf, table, acc, ngroups):
    @plsc.parallel_loop(0, ngroups * LANES, LANES, unroll=8)
    def grp(j):
        pk = buf[pl.ds(j, LANES)]
        col = jnp.bitwise_and(pk, 0xFFFF)
        row = lax.shift_right_logical(pk, jnp.full((LANES,), 16, jnp.int32))
        v = plsc.load_gather(table, [col])
        plsc.addupdate_scatter(acc, [row], v)


def _zero_acc(acc, nwords):
    @plsc.parallel_loop(0, nwords, LANES, unroll=8)
    def z(j):
        acc[pl.ds(j, LANES)] = jnp.zeros((LANES,), jnp.float32)


def _sc_pool(hflat, packed, NP, EP, CH):
    nch = EP // CH
    assert nch % 2 == 0

    def body(h_hbm, pk_hbm, out_hbm, table, acc, buf0, buf1, sem0, sem1):
        wid = lax.axis_index("s") * NUM_CORES + lax.axis_index("c")
        bufs = (buf0, buf1)
        sems = (sem0, sem1)
        for p in range(2):
            f = p * NW + wid
            pltpu.sync_copy(h_hbm.at[pl.ds(f * NP, NP)], table)
            _zero_acc(acc, NP)
            for b in range(2):
                pltpu.async_copy(pk_hbm.at[pl.ds(b * CH, CH)],
                                 bufs[b], sems[b])

            def pair(ci2, carry):
                for b in range(2):
                    ci = ci2 * 2 + b
                    pltpu.make_async_copy(
                        pk_hbm.at[pl.ds(0, CH)], bufs[b], sems[b]).wait()
                    _edge_loop(bufs[b], table, acc, CH // LANES)
                    nxt = ci + 2

                    @pl.when(nxt < nch)
                    def _():
                        pltpu.async_copy(pk_hbm.at[pl.ds(nxt * CH, CH)],
                                         bufs[b], sems[b])
                return carry
            lax.fori_loop(0, nch // 2, pair, 0)
            pltpu.sync_copy(acc, out_hbm.at[pl.ds(f * NP, NP)])

    fn = pl.kernel(
        body,
        out_type=jax.ShapeDtypeStruct((H * NP,), jnp.float32),
        mesh=_sc_mesh(),
        compiler_params=_SC_PARAMS,
        scratch_types=[
            pltpu.VMEM((NP,), jnp.float32),
            pltpu.VMEM((NP,), jnp.float32),
            pltpu.VMEM((CH,), jnp.int32),
            pltpu.VMEM((CH,), jnp.int32),
            pltpu.SemaphoreType.DMA,
            pltpu.SemaphoreType.DMA,
        ],
    )
    return fn(hflat, packed)


def _sc_pool0(bgflat, h0p, N, NP, E, EP, CH):
    EW = EP // NW
    EW_LAST = E - (NW - 1) * EW
    n_full = EW // CH
    tail_sizes = []
    rem = EW_LAST
    while rem >= CH:
        tail_sizes.append(CH)
        rem -= CH
    if rem:
        tail_sizes.append(rem)
    PAD = EP - E
    assert EW % CH == 0 and EW_LAST % LANES == 0 and (rem % LANES == 0)
    assert PAD % LANES == 0 and E % 8 == 0

    def body(bg_hbm, h_hbm, pk_hbm, out_hbm, table, acc, rowb, colb, pkb):
        wid = lax.axis_index("s") * NUM_CORES + lax.axis_index("c")
        pltpu.sync_copy(h_hbm, table)
        _zero_acc(acc, NP)
        base = wid * EW

        def window(sizes):
            off = 0
            for cl in sizes:
                pltpu.sync_copy(bg_hbm.at[pl.ds(base + off, cl)],
                                rowb.at[pl.ds(0, cl)])
                pltpu.sync_copy(bg_hbm.at[pl.ds(E + base + off, cl)],
                                colb.at[pl.ds(0, cl)])
                _pack_group(rowb, colb, pkb, table, acc, cl // LANES)
                pltpu.sync_copy(pkb.at[pl.ds(0, cl)],
                                pk_hbm.at[pl.ds(base + off, cl)])
                off += cl

        @pl.when(wid != NW - 1)
        def _():
            window([CH] * n_full)

        @pl.when(wid == NW - 1)
        def _():
            window(tail_sizes)

            @plsc.parallel_loop(0, PAD, LANES, unroll=8)
            def pz(j):
                pkb[pl.ds(j, LANES)] = jnp.full((LANES,), N << 16, jnp.int32)
            pltpu.sync_copy(pkb.at[pl.ds(0, PAD)], pk_hbm.at[pl.ds(E, PAD)])

        pltpu.sync_copy(acc, out_hbm.at[pl.ds(wid * NP, NP)])

    fn = pl.kernel(
        body,
        out_type=(jax.ShapeDtypeStruct((EP,), jnp.int32),
                  jax.ShapeDtypeStruct((NW * NP,), jnp.float32)),
        mesh=_sc_mesh(),
        compiler_params=_SC_PARAMS,
        scratch_types=[
            pltpu.VMEM((NP,), jnp.float32),
            pltpu.VMEM((NP,), jnp.float32),
            pltpu.VMEM((CH,), jnp.int32),
            pltpu.VMEM((CH,), jnp.int32),
            pltpu.VMEM((CH,), jnp.int32),
        ],
    )
    return fn(bgflat, h0p)


def _stats_update(stats_ref, z2, i, n_valid):
    lane = lax.broadcasted_iota(jnp.int32, (H, BN), 1) + i * BN
    zm = jnp.where(lane < n_valid, z2, 0.0)
    part = jnp.sum(zm, axis=1, keepdims=True)

    @pl.when(i == 0)
    def _():
        stats_ref[...] = jnp.zeros_like(stats_ref)
    stats_ref[...] += jnp.broadcast_to(part, (H, 128))


def _tc_var(z, stats_sum, alc, NP, n_valid):
    grid = NP // BN
    inv_n = 1.0 / n_valid

    def body(z_ref, s_ref, a_ref, v_ref):
        i = pl.program_id(0)
        m = s_ref[:, 0:1] * inv_n
        zc = z_ref[...] - a_ref[...] * m
        lane = lax.broadcasted_iota(jnp.int32, (H, BN), 1) + i * BN
        zc = jnp.where(lane < n_valid, zc, 0.0)
        part = jnp.sum(zc * zc, axis=1, keepdims=True)

        @pl.when(i == 0)
        def _():
            v_ref[...] = jnp.zeros_like(v_ref)
        v_ref[...] += jnp.broadcast_to(part, (H, 128))

    full = lambda s: pl.BlockSpec(s, lambda i: tuple(0 for _ in s))
    return pl.pallas_call(
        body,
        grid=(grid,),
        in_specs=[
            pl.BlockSpec((H, BN), lambda i: (0, i)),
            full((H, 128)), full((H, 1)),
        ],
        out_specs=pl.BlockSpec((H, 128), lambda i: (0, 0)),
        out_shape=jax.ShapeDtypeStruct((H, 128), jnp.float32),
    )(z, stats_sum, alc)


def _tc_mlp(pooled, hprev, w1t, w2t, b1c, b2c, bngc, bnbc, epsv, NP, n_valid,
            head):
    grid = NP // BN
    mode = head[0]

    def body(*refs):
        if mode == "init":
            (p_ref, h_ref, w1_ref, w2_ref, b1_ref, b2_ref, g_ref, bb_ref,
             e_ref, wpr_ref, h0_ref, wp0_ref, bt_ref,
             z_ref, stats_ref, so_ref) = refs
            so_ref[...] = (wp0_ref[...] * h0_ref[...] + bt_ref[...]
                           + jnp.dot(wpr_ref[...], h_ref[...],
                                     preferred_element_type=jnp.float32))
        else:
            (p_ref, h_ref, w1_ref, w2_ref, b1_ref, b2_ref, g_ref, bb_ref,
             e_ref, wpr_ref, s_ref,
             z_ref, stats_ref, so_ref) = refs
            so_ref[...] = s_ref[...] + jnp.dot(
                wpr_ref[...], h_ref[...], preferred_element_type=jnp.float32)
        i = pl.program_id(0)
        x = p_ref[...] + e_ref[0, 0] * h_ref[...]
        z1 = jnp.dot(w1_ref[...], x, preferred_element_type=jnp.float32)
        z1 = jnp.maximum(z1 * g_ref[...] + (b1_ref[...] * g_ref[...]
                                            + bb_ref[...]), 0.0)
        z2 = jnp.dot(w2_ref[...], z1,
                     preferred_element_type=jnp.float32) + b2_ref[...]
        z_ref[...] = z2
        _stats_update(stats_ref, z2, i, n_valid)

    full = lambda s: pl.BlockSpec(s, lambda i: tuple(0 for _ in s))
    nblk = lambda s0: pl.BlockSpec((s0, BN), lambda i: (0, i))
    common = [nblk(H), nblk(H), full((H, H)), full((H, H)), full((H, 1)),
              full((H, 1)), full((H, 1)), full((H, 1)), full((1, 1)),
              full((2, H))]
    if mode == "init":
        in_specs = common + [nblk(1), full((2, 1)), full((2, 1))]
        operands = (pooled, hprev, w1t, w2t, b1c, b2c, bngc, bnbc, epsv,
                    head[1], head[2], head[3], head[4])
        aliases = {}
    else:
        in_specs = common + [nblk(2)]
        operands = (pooled, hprev, w1t, w2t, b1c, b2c, bngc, bnbc, epsv,
                    head[1], head[2])
        aliases = {10: 2}
    return pl.pallas_call(
        body,
        grid=(grid,),
        in_specs=in_specs,
        out_specs=[
            nblk(H),
            pl.BlockSpec((H, 128), lambda i: (0, 0)),
            nblk(2),
        ],
        out_shape=[
            jax.ShapeDtypeStruct((H, NP), jnp.float32),
            jax.ShapeDtypeStruct((H, 128), jnp.float32),
            jax.ShapeDtypeStruct((2, NP), jnp.float32),
        ],
        input_output_aliases=aliases,
    )(*operands)


def _tc_mlp0(parts, h02d, w10t, w2t, b1c, b2c, bngc, bnbc, epsv, NP, n_valid):
    grid = NP // BN

    def body(p_ref, h_ref, w1_ref, w2_ref, b1_ref, b2_ref, g_ref, bb_ref,
             e_ref, z_ref, stats_ref):
        i = pl.program_id(0)
        x = jnp.sum(p_ref[...], axis=0, keepdims=True) \
            + e_ref[0, 0] * h_ref[...]
        z1 = w1_ref[...] * x
        z1 = jnp.maximum(z1 * g_ref[...] + (b1_ref[...] * g_ref[...]
                                            + bb_ref[...]), 0.0)
        z2 = jnp.dot(w2_ref[...], z1,
                     preferred_element_type=jnp.float32) + b2_ref[...]
        z_ref[...] = z2
        _stats_update(stats_ref, z2, i, n_valid)

    full = lambda s: pl.BlockSpec(s, lambda i: tuple(0 for _ in s))
    return pl.pallas_call(
        body,
        grid=(grid,),
        in_specs=[
            pl.BlockSpec((NW, BN), lambda i: (0, i)),
            pl.BlockSpec((1, BN), lambda i: (0, i)),
            full((H, 1)), full((H, H)), full((H, 1)), full((H, 1)),
            full((H, 1)), full((H, 1)), full((1, 1)),
        ],
        out_specs=[
            pl.BlockSpec((H, BN), lambda i: (0, i)),
            pl.BlockSpec((H, 128), lambda i: (0, 0)),
        ],
        out_shape=[
            jax.ShapeDtypeStruct((H, NP), jnp.float32),
            jax.ShapeDtypeStruct((H, 128), jnp.float32),
        ],
    )(parts, h02d, w10t, w2t, b1c, b2c, bngc, bnbc, epsv)


def _tc_norm(z, stats, var_acc, alc, gac, bec, NP, n_valid):
    grid = NP // BN
    inv_n = 1.0 / n_valid

    def body(z_ref, stats_ref, v_ref, a_ref, g_ref, b_ref, h_ref):
        m = stats_ref[:, 0:1] * inv_n
        var = v_ref[:, 0:1] * inv_n
        inv = lax.rsqrt(var + 1e-5)
        h_ref[...] = jnp.maximum(
            g_ref[...] * (z_ref[...] - a_ref[...] * m) * inv + b_ref[...],
            0.0)

    full = lambda s: pl.BlockSpec(s, lambda i: tuple(0 for _ in s))
    return pl.pallas_call(
        body,
        grid=(grid,),
        in_specs=[
            pl.BlockSpec((H, BN), lambda i: (0, i)),
            full((H, 128)), full((H, 128)),
            full((H, 1)), full((H, 1)), full((H, 1)),
        ],
        out_specs=pl.BlockSpec((H, BN), lambda i: (0, i)),
        out_shape=jax.ShapeDtypeStruct((H, NP), jnp.float32),
    )(z, stats, var_acc, alc, gac, bec)


def _tc_head(score_in, h, wprt, NP):
    grid = NP // BN

    def body(s_ref, h_ref, w_ref, so_ref):
        so_ref[...] = s_ref[...] + jnp.dot(
            w_ref[...], h_ref[...], preferred_element_type=jnp.float32)

    full = lambda s: pl.BlockSpec(s, lambda i: tuple(0 for _ in s))
    return pl.pallas_call(
        body,
        grid=(grid,),
        in_specs=[
            pl.BlockSpec((2, BN), lambda i: (0, i)),
            pl.BlockSpec((H, BN), lambda i: (0, i)),
            full((2, H)),
        ],
        out_specs=pl.BlockSpec((2, BN), lambda i: (0, i)),
        out_shape=jax.ShapeDtypeStruct((2, NP), jnp.float32),
        input_output_aliases={0: 0},
    )(score_in, h, wprt)


def kernel(batch_size, biggraph, clause_feat, var_feat, graph_pooler,
           eps, W1_0, W1r, b1, bn_g, bn_b, W2, b2,
           gn_alpha, gn_gamma, gn_beta, Wp0, bp0, Wpr, bpr):
    N = var_feat.shape[0]
    E = biggraph.shape[1]
    L = W2.shape[0] + 1

    NP = -(-N // BN) * BN
    EP = -(-E // (NW * LANES)) * (NW * LANES)
    nch = 96
    while EP % (nch * LANES) != 0:
        nch += 1
    CH = EP // nch

    bgflat = biggraph.astype(jnp.int32).reshape(2 * E)
    h0p = jnp.pad(var_feat[:, 0], (0, NP - N))
    h02d = h0p.reshape(1, NP)

    w10t = W1_0.T
    w2t = jnp.transpose(W2, (0, 2, 1))
    w1rt = jnp.transpose(W1r, (0, 2, 1))
    wprt = jnp.transpose(Wpr, (0, 2, 1))
    wp0t = Wp0.T
    btot = (bp0 + jnp.sum(bpr, axis=0)).reshape(2, 1)
    col = lambda v: v.reshape(-1, 1)
    epsv = (1.0 + eps).reshape(L - 1, 1, 1)

    packed, parts = _sc_pool0(bgflat, h0p, N, NP, E, EP, CH)
    parts = parts.reshape(NW, NP)
    z, stats = _tc_mlp0(parts, h02d, w10t, w2t[0], col(b1[0]), col(b2[0]),
                        col(bn_g[0]), col(bn_b[0]), epsv[0], NP, N)
    var_acc = _tc_var(z, stats, col(gn_alpha[0]), NP, N)
    h = _tc_norm(z, stats, var_acc, col(gn_alpha[0]), col(gn_gamma[0]),
                 col(gn_beta[0]), NP, N)

    score = None
    for l in range(1, L - 1):
        pooled = _sc_pool(h.reshape(H * NP), packed, NP, EP, CH)
        head = (("init", wprt[0], h02d, wp0t, btot) if l == 1
                else ("acc", wprt[l - 1], score))
        z, stats, score = _tc_mlp(pooled.reshape(H, NP), h, w1rt[l - 1],
                                  w2t[l], col(b1[l]), col(b2[l]),
                                  col(bn_g[l]), col(bn_b[l]), epsv[l],
                                  NP, N, head)
        var_acc = _tc_var(z, stats, col(gn_alpha[l]), NP, N)
        h = _tc_norm(z, stats, var_acc, col(gn_alpha[l]), col(gn_gamma[l]),
                     col(gn_beta[l]), NP, N)
    score = _tc_head(score, h, wprt[L - 2], NP)

    return score[:, :N].T

# --- scband reference (transcript-rebuilt; emitter-appended) ---
"""Pipeline reference for scband-graph-cnnsat-38792144617931 (READ-ONLY COPY).

The authoritative reference and input builder live on the scoring server;
editing this copy changes nothing except your own understanding.
"""

import jax, jax.numpy as jnp
import numpy as np

N = 50000
E = 800000
H = 64
IN = 1
OUT = 2
L = 5


def setup_inputs(seed: int = 0) -> dict:
    key = jax.random.key(seed)
    k = jax.random.split(key, 20)
    s = 0.05
    inp = {}
    inp["batch_size"] = 1
    inp["biggraph"] = jax.random.randint(k[0], (2, E), 0, N, dtype=jnp.int32)
    inp["clause_feat"] = jnp.zeros((1, 1), dtype=jnp.float32)
    inp["var_feat"] = jax.random.normal(k[1], (N, IN), dtype=jnp.float32)
    inp["graph_pooler"] = jnp.zeros((1, 1), dtype=jnp.float32)
    inp["eps"] = jnp.ones((L - 1,), dtype=jnp.float32)
    inp["W1_0"] = jax.random.normal(k[2], (IN, H), dtype=jnp.float32) * s
    inp["W1r"] = jax.random.normal(k[3], (L - 2, H, H), dtype=jnp.float32) * s
    inp["b1"] = jnp.zeros((L - 1, H), dtype=jnp.float32)
    inp["bn_g"] = jnp.ones((L - 1, H), dtype=jnp.float32)
    inp["bn_b"] = jnp.zeros((L - 1, H), dtype=jnp.float32)
    inp["W2"] = jax.random.normal(k[4], (L - 1, H, H), dtype=jnp.float32) * s
    inp["b2"] = jnp.zeros((L - 1, H), dtype=jnp.float32)
    inp["gn_alpha"] = jnp.ones((L - 1, H), dtype=jnp.float32)
    inp["gn_gamma"] = jnp.ones((L - 1, H), dtype=jnp.float32)
    inp["gn_beta"] = jnp.zeros((L - 1, H), dtype=jnp.float32)
    inp["Wp0"] = jax.random.normal(k[5], (IN, OUT), dtype=jnp.float32) * s
    inp["bp0"] = jnp.zeros((OUT,), dtype=jnp.float32)
    inp["Wpr"] = jax.random.normal(k[6], (L - 1, H, OUT), dtype=jnp.float32) * s
    inp["bpr"] = jnp.zeros((L - 1, OUT), dtype=jnp.float32)
    return inp


def reference(batch_size, biggraph, clause_feat, var_feat, graph_pooler,
              eps, W1_0, W1r, b1, bn_g, bn_b, W2, b2,
              gn_alpha, gn_gamma, gn_beta, Wp0, bp0, Wpr, bpr):
    # var.var graph: biggraph is the adjacency as an edge list [2, E] (rows=dst, cols=src).
    rows = biggraph[0]
    cols = biggraph[1]
    h = var_feat
    hidden_rep = [h]
    for layer in range(L - 1):
        # pooled = torch.sparse.mm(biggraph, h)  -> scatter-add gather of neighbor features
        pooled = jnp.zeros((N, h.shape[1]), dtype=h.dtype).at[rows].add(h[cols])
        # pooled += (1 + eps[layer]) * h
        pooled = pooled + (1.0 + eps[layer]) * h
        # MLP (num_mlp_layers=2): Linear -> norm -> relu -> Linear
        W1 = W1_0 if layer == 0 else W1r[layer - 1]
        z = pooled @ W1 + b1[layer]
        z = z * bn_g[layer] + bn_b[layer]
        z = jax.nn.relu(z)
        z = z @ W2[layer] + b2[layer]
        # GraphNorm (batch_size=1 -> normalize across all var nodes per feature)
        mean = jnp.mean(z, axis=0, keepdims=True)
        zc = z - gn_alpha[layer] * mean
        var = jnp.mean(zc * zc, axis=0, keepdims=True)
        z = gn_gamma[layer] * zc / jnp.sqrt(var + 1e-5) + gn_beta[layer]
        h = jax.nn.relu(z)
        hidden_rep.append(h)
    # var classification head: sum over layers of linears_prediction (dropout=identity in eval)
    score = hidden_rep[0] @ Wp0 + bp0
    for layer in range(1, L):
        score = score + hidden_rep[layer] @ Wpr[layer - 1] + bpr[layer - 1]
    return score

if __name__ == "__main__":
    import jax
    _d = setup_inputs()
    print(jax.jit(kernel)(*tuple(_d.values())))

</pallas_src>

<mosaic_0001>
#map = affine_map<(d0, d1) -> (0)>
module attributes {stable_mosaic.version = 14 : i64} {
  func.func @body(%arg0: i32, %arg1: i32, %arg2: memref<1600000xi32, #tpu.memory_space<hbm>>, %arg3: memref<51200xf32, #tpu.memory_space<hbm>>, %arg4: memref<800256xi32, #tpu.memory_space<hbm>>, %arg5: memref<1638400xf32, #tpu.memory_space<hbm>>, %arg6: memref<51200xf32, #tpu.memory_space<vmem>>, %arg7: memref<51200xf32, #tpu.memory_space<vmem>>, %arg8: memref<8336xi32, #tpu.memory_space<vmem>>, %arg9: memref<8336xi32, #tpu.memory_space<vmem>>, %arg10: memref<8336xi32, #tpu.memory_space<vmem>>) attributes {dimension_semantics = [#tpu.dimension_semantics<core_parallel>, #tpu.dimension_semantics<subcore_parallel>], iteration_bounds = array<i64: 2, 16>, scalar_prefetch = 0 : i64, scratch_operands = 5 : i64, tpu.core_type = #tpu.core_type<sc_vector_subcore>, window_params = [{transform_indices = #map}, {transform_indices = #map}, {transform_indices = #map}, {transform_indices = #map}]} {
    %mul3A = arith.constant 2 : i32
    %mul3A_0 = arith.muli %arg1, %mul3A : i32
    %add3A = arith.addi %mul3A_0, %arg0 : i32
    "tpu.region"() ({
      %run_scoped3A = tpu.sem_alloc : memref<!tpu.dma_semaphore, #tpu.memory_space<semaphore_mem>>
      tpu.enqueue_dma source(%arg3 : memref<51200xf32, #tpu.memory_space<hbm>>) target(%arg6 : memref<51200xf32, #tpu.memory_space<vmem>>) target_semaphore(%run_scoped3A : memref<!tpu.dma_semaphore, #tpu.memory_space<semaphore_mem>>)
      tpu.wait_dma2 semaphore(%run_scoped3A : memref<!tpu.dma_semaphore, #tpu.memory_space<semaphore_mem>>) src(%arg3 : memref<51200xf32, #tpu.memory_space<hbm>>) dst(%arg6 : memref<51200xf32, #tpu.memory_space<vmem>>)
      tpu.yield
    }) : () -> ()
    %parallel_loop3A = arith.constant 0 : i32
    %parallel_loop3A_1 = arith.constant 51200 : i32
    %parallel_loop3A_2 = arith.constant 16 : i32
    scf.for %parallel_loop3A_13 = %parallel_loop3A to %parallel_loop3A_1 step %parallel_loop3A_2  : i32 {
      %parallel_loop3A_14 = arith.constant 0.000000e+00 : f32
      %parallel_loop3A_15 = vector.broadcast %parallel_loop3A_14 : f32 to vector<16xf32>
      %parallel_loop3A_16 = arith.index_cast %parallel_loop3A_13 : i32 to index
      %parallel_loop3A_17 = tpu.vector_load %arg7[%parallel_loop3A_16] {strides = array<i32>} : memref<51200xf32, #tpu.memory_space<vmem>>, vector<16xf32>,
      tpu.vector_store %arg7[%parallel_loop3A_16], %parallel_loop3A_15 {strides = array<i32>} : memref<51200xf32, #tpu.memory_space<vmem>>, vector<16xf32>,
    } {sc.loop_unroll_factor = 8 : i64, sc.parallel_access}
    %mul3A_3 = arith.constant 25008 : i32
    %mul3A_4 = arith.muli %add3A, %mul3A_3 : i32
    %ne3A = arith.constant 31 : i32
    %ne3A_5 = arith.cmpi ne, %add3A, %ne3A : i32
    %convert_element_type3A = arith.extui %ne3A_5 : i1 to i32
    %cond3A = arith.constant 0 : i32
    %cond3A_6 = arith.cmpi ne, %convert_element_type3A, %cond3A : i32
    scf.if %cond3A_6 {
      %add3A_13 = arith.constant 0 : i32
      %add3A_14 = arith.addi %mul3A_4, %add3A_13 : i32
      "tpu.region"() ({
        %run_scoped3A = tpu.sem_alloc : memref<!tpu.dma_semaphore, #tpu.memory_space<semaphore_mem>>
        %dma_start3A = arith.constant 0 : i32
        %dma_start3A_46 = tpu.memref_slice %arg8[%dma_start3A] : memref<8336xi32, #tpu.memory_space<vmem>> -> memref<8336xi32, #tpu.memory_space<vmem>>
        %dma_start3A_47 = tpu.memref_slice %arg2[%add3A_14] : memref<1600000xi32, #tpu.memory_space<hbm>> -> memref<8336xi32, #tpu.memory_space<hbm>>
        %dma_start3A_48 = arith.constant 0 : i32
        %dma_start3A_49 = tpu.memref_slice %arg8[%dma_start3A_48] : memref<8336xi32, #tpu.memory_space<vmem>> -> memref<8336xi32, #tpu.memory_space<vmem>>
        %dma_start3A_50 = tpu.memref_slice %arg2[%add3A_14] : memref<1600000xi32, #tpu.memory_space<hbm>> -> memref<8336xi32, #tpu.memory_space<hbm>>
        tpu.enqueue_dma source(%dma_start3A_50 : memref<8336xi32, #tpu.memory_space<hbm>>) target(%dma_start3A_49 : memref<8336xi32, #tpu.memory_space<vmem>>) target_semaphore(%run_scoped3A : memref<!tpu.dma_semaphore, #tpu.memory_space<semaphore_mem>>)
        %dma_wait3A = arith.constant 0 : i32
        %dma_wait3A_51 = tpu.memref_slice %arg8[%dma_wait3A] : memref<8336xi32, #tpu.memory_space<vmem>> -> memref<8336xi32, #tpu.memory_space<vmem>>
        %dma_wait3A_52 = tpu.memref_slice %arg2[%add3A_14] : memref<1600000xi32, #tpu.memory_space<hbm>> -> memref<8336xi32, #tpu.memory_space<hbm>>
        %dma_wait3A_53 = arith.constant 0 : i32
        %dma_wait3A_54 = tpu.memref_slice %arg8[%dma_wait3A_53] : memref<8336xi32, #tpu.memory_space<vmem>> -> memref<8336xi32, #tpu.memory_space<vmem>>
        %dma_wait3A_55 = tpu.memref_slice %arg2[%add3A_14] : memref<1600000xi32, #tpu.memory_space<hbm>> -> memref<8336xi32, #tpu.memory_space<hbm>>
        tpu.wait_dma2 semaphore(%run_scoped3A : memref<!tpu.dma_semaphore, #tpu.memory_space<semaphore_mem>>) src(%dma_wait3A_55 : memref<8336xi32, #tpu.memory_space<hbm>>) dst(%dma_wait3A_54 : memref<8336xi32, #tpu.memory_space<vmem>>)
        tpu.yield
      }) : () -> ()
      %add3A_15 = arith.constant 800000 : i32
      %add3A_16 = arith.addi %add3A_15, %mul3A_4 : i32
      %add3A_17 = arith.constant 0 : i32
      %add3A_18 = arith.addi %add3A_16, %add3A_17 : i32
      "tpu.region"() ({
        %run_scoped3A = tpu.sem_alloc : memref<!tpu.dma_semaphore, #tpu.memory_space<semaphore_mem>>
        %dma_start3A = arith.constant 0 : i32
        %dma_start3A_46 = tpu.memref_slice %arg9[%dma_start3A] : memref<8336xi32, #tpu.memory_space<vmem>> -> memref<8336xi32, #tpu.memory_space<vmem>>
        %dma_start3A_47 = tpu.memref_slice %arg2[%add3A_18] : memref<1600000xi32, #tpu.memory_space<hbm>> -> memref<8336xi32, #tpu.memory_space<hbm>>
        %dma_start3A_48 = arith.constant 0 : i32
        %dma_start3A_49 = tpu.memref_slice %arg9[%dma_start3A_48] : memref<8336xi32, #tpu.memory_space<vmem>> -> memref<8336xi32, #tpu.memory_space<vmem>>
        %dma_start3A_50 = tpu.memref_slice %arg2[%add3A_18] : memref<1600000xi32, #tpu.memory_space<hbm>> -> memref<8336xi32, #tpu.memory_space<hbm>>
        tpu.enqueue_dma source(%dma_start3A_50 : memref<8336xi32, #tpu.memory_space<hbm>>) target(%dma_start3A_49 : memref<8336xi32, #tpu.memory_space<vmem>>) target_semaphore(%run_scoped3A : memref<!tpu.dma_semaphore, #tpu.memory_space<semaphore_mem>>)
        %dma_wait3A = arith.constant 0 : i32
        %dma_wait3A_51 = tpu.memref_slice %arg9[%dma_wait3A] : memref<8336xi32, #tpu.memory_space<vmem>> -> memref<8336xi32, #tpu.memory_space<vmem>>
        %dma_wait3A_52 = tpu.memref_slice %arg2[%add3A_18] : memref<1600000xi32, #tpu.memory_space<hbm>> -> memref<8336xi32, #tpu.memory_space<hbm>>
        %dma_wait3A_53 = arith.constant 0 : i32
        %dma_wait3A_54 = tpu.memref_slice %arg9[%dma_wait3A_53] : memref<8336xi32, #tpu.memory_space<vmem>> -> memref<8336xi32, #tpu.memory_space<vmem>>
        %dma_wait3A_55 = tpu.memref_slice %arg2[%add3A_18] : memref<1600000xi32, #tpu.memory_space<hbm>> -> memref<8336xi32, #tpu.memory_space<hbm>>
        tpu.wait_dma2 semaphore(%run_scoped3A : memref<!tpu.dma_semaphore, #tpu.memory_space<semaphore_mem>>) src(%dma_wait3A_55 : memref<8336xi32, #tpu.memory_space<hbm>>) dst(%dma_wait3A_54 : memref<8336xi32, #tpu.memory_space<vmem>>)
        tpu.yield
      }) : () -> ()
      %parallel_loop3A_19 = arith.constant 0 : i32
      %parallel_loop3A_20 = arith.constant 8336 : i32
      %parallel_loop3A_21 = arith.constant 16 : i32
      scf.for %parallel_loop3A_46 = %parallel_loop3A_19 to %parallel_loop3A_20 step %parallel_loop3A_21  : i32 {
        %parallel_loop3A_47 = arith.index_cast %parallel_loop3A_46 : i32 to index
        %parallel_loop3A_48 = tpu.vector_load %arg8[%parallel_loop3A_47] {strides = array<i32>} : memref<8336xi32, #tpu.memory_space<vmem>>, vector<16xi32>,
        %parallel_loop3A_49 = arith.index_cast %parallel_loop3A_46 : i32 to index
        %parallel_loop3A_50 = tpu.vector_load %arg9[%parallel_loop3A_49] {strides = array<i32>} : memref<8336xi32, #tpu.memory_space<vmem>>, vector<16xi32>,
        %parallel_loop3A_51 = arith.constant 16 : i32
        %parallel_loop3A_52 = vector.broadcast %parallel_loop3A_51 : i32 to vector<16xi32>
        %parallel_loop3A_53 = arith.shli %parallel_loop3A_48, %parallel_loop3A_52 : vector<16xi32>
        %parallel_loop3A_54 = arith.ori %parallel_loop3A_53, %parallel_loop3A_50 : vector<16xi32>
        %parallel_loop3A_55 = arith.index_cast %parallel_loop3A_46 : i32 to index
        %parallel_loop3A_56 = tpu.vector_load %arg10[%parallel_loop3A_55] {strides = array<i32>} : memref<8336xi32, #tpu.memory_space<vmem>>, vector<16xi32>,
        tpu.vector_store %arg10[%parallel_loop3A_55], %parallel_loop3A_54 {strides = array<i32>} : memref<8336xi32, #tpu.memory_space<vmem>>, vector<16xi32>,
        %parallel_loop3A_57 = tpu.vector_load_idx %arg6[%parallel_loop3A_50] : memref<51200xf32, #tpu.memory_space<vmem>>[vector<16xi32>], vector<16xf32>,
        tpu.vector_store_idx %arg7[%parallel_loop3A_48], %parallel_loop3A_57 {add = true} : memref<51200xf32, #tpu.memory_space<vmem>>[vector<16xi32>], vector<16xf32>,
      } {sc.loop_unroll_factor = 8 : i64, sc.parallel_access}
      %add3A_22 = arith.constant 0 : i32
      %add3A_23 = arith.addi %mul3A_4, %add3A_22 : i32
      "tpu.region"() ({
        %run_scoped3A = tpu.sem_alloc : memref<!tpu.dma_semaphore, #tpu.memory_space<semaphore_mem>>
        %dma_start3A = arith.constant 0 : i32
        %dma_start3A_46 = tpu.memref_slice %arg10[%dma_start3A] : memref<8336xi32, #tpu.memory_space<vmem>> -> memref<8336xi32, #tpu.memory_space<vmem>>
        %dma_start3A_47 = tpu.memref_slice %arg4[%add3A_23] : memref<800256xi32, #tpu.memory_space<hbm>> -> memref<8336xi32, #tpu.memory_space<hbm>>
        %dma_start3A_48 = tpu.memref_slice %arg4[%add3A_23] : memref<800256xi32, #tpu.memory_space<hbm>> -> memref<8336xi32, #tpu.memory_space<hbm>>
        %dma_start3A_49 = arith.constant 0 : i32
        %dma_start3A_50 = tpu.memref_slice %arg10[%dma_start3A_49] : memref<8336xi32, #tpu.memory_space<vmem>> -> memref<8336xi32, #tpu.memory_space<vmem>>
        tpu.enqueue_dma source(%dma_start3A_50 : memref<8336xi32, #tpu.memory_space<vmem>>) target(%dma_start3A_48 : memref<8336xi32, #tpu.memory_space<hbm>>) target_semaphore(%run_scoped3A : memref<!tpu.dma_semaphore, #tpu.memory_space<semaphore_mem>>)
        %dma_wait3A = arith.constant 0 : i32
        %dma_wait3A_51 = tpu.memref_slice %arg10[%dma_wait3A] : memref<8336xi32, #tpu.memory_space<vmem>> -> memref<8336xi32, #tpu.memory_space<vmem>>
        %dma_wait3A_52 = tpu.memref_slice %arg4[%add3A_23] : memref<800256xi32, #tpu.memory_space<hbm>> -> memref<8336xi32, #tpu.memory_space<hbm>>
        %dma_wait3A_53 = tpu.memref_slice %arg4[%add3A_23] : memref<800256xi32, #tpu.memory_space<hbm>> -> memref<8336xi32, #tpu.memory_space<hbm>>
        %dma_wait3A_54 = arith.constant 0 : i32
        %dma_wait3A_55 = tpu.memref_slice %arg10[%dma_wait3A_54] : memref<8336xi32, #tpu.memory_space<vmem>> -> memref<8336xi32, #tpu.memory_space<vmem>>
        tpu.wait_dma2 semaphore(%run_scoped3A : memref<!tpu.dma_semaphore, #tpu.memory_space<semaphore_mem>>) src(%dma_wait3A_55 : memref<8336xi32, #tpu.memory_space<vmem>>) dst(%dma_wait3A_53 : memref<8336xi32, #tpu.memory_space<hbm>>)
        tpu.yield
      }) : () -> ()
      %add3A_24 = arith.constant 8336 : i32
      %add3A_25 = arith.addi %mul3A_4, %add3A_24 : i32
      "tpu.region"() ({
        %run_scoped3A = tpu.sem_alloc : memref<!tpu.dma_semaphore, #tpu.memory_space<semaphore_mem>>
        %dma_start3A = arith.constant 0 : i32
        %dma_start3A_46 = tpu.memref_slice %arg8[%dma_start3A] : memref<8336xi32, #tpu.memory_space<vmem>> -> memref<8336xi32, #tpu.memory_space<vmem>>
        %dma_start3A_47 = tpu.memref_slice %arg2[%add3A_25] : memref<1600000xi32, #tpu.memory_space<hbm>> -> memref<8336xi32, #tpu.memory_space<hbm>>
        %dma_start3A_48 = arith.constant 0 : i32
        %dma_start3A_49 = tpu.memref_slice %arg8[%dma_start3A_48] : memref<8336xi32, #tpu.memory_space<vmem>> -> memref<8336xi32, #tpu.memory_space<vmem>>
        %dma_start3A_50 = tpu.memref_slice %arg2[%add3A_25] : memref<1600000xi32, #tpu.memory_space<hbm>> -> memref<8336xi32, #tpu.memory_space<hbm>>
        tpu.enqueue_dma source(%dma_start3A_50 : memref<8336xi32, #tpu.memory_space<hbm>>) target(%dma_start3A_49 : memref<8336xi32, #tpu.memory_space<vmem>>) target_semaphore(%run_scoped3A : memref<!tpu.dma_semaphore, #tpu.memory_space<semaphore_mem>>)
        %dma_wait3A = arith.constant 0 : i32
        %dma_wait3A_51 = tpu.memref_slice %arg8[%dma_wait3A] : memref<8336xi32, #tpu.memory_space<vmem>> -> memref<8336xi32, #tpu.memory_space<vmem>>
        %dma_wait3A_52 = tpu.memref_slice %arg2[%add3A_25] : memref<1600000xi32, #tpu.memory_space<hbm>> -> memref<8336xi32, #tpu.memory_space<hbm>>
        %dma_wait3A_53 = arith.constant 0 : i32
        %dma_wait3A_54 = tpu.memref_slice %arg8[%dma_wait3A_53] : memref<8336xi32, #tpu.memory_space<vmem>> -> memref<8336xi32, #tpu.memory_space<vmem>>
        %dma_wait3A_55 = tpu.memref_slice %arg2[%add3A_25] : memref<1600000xi32, #tpu.memory_space<hbm>> -> memref<8336xi32, #tpu.memory_space<hbm>>
        tpu.wait_dma2 semaphore(%run_scoped3A : memref<!tpu.dma_semaphore, #tpu.memory_space<semaphore_mem>>) src(%dma_wait3A_55 : memref<8336xi32, #tpu.memory_space<hbm>>) dst(%dma_wait3A_54 : memref<8336xi32, #tpu.memory_space<vmem>>)
        tpu.yield
      }) : () -> ()
      %add3A_26 = arith.constant 800000 : i32
      %add3A_27 = arith.addi %add3A_26, %mul3A_4 : i32
      %add3A_28 = arith.constant 8336 : i32
      %add3A_29 = arith.addi %add3A_27, %add3A_28 : i32
      "tpu.region"() ({
        %run_scoped3A = tpu.sem_alloc : memref<!tpu.dma_semaphore, #tpu.memory_space<semaphore_mem>>
        %dma_start3A = arith.constant 0 : i32
        %dma_start3A_46 = tpu.memref_slice %arg9[%dma_start3A] : memref<8336xi32, #tpu.memory_space<vmem>> -> memref<8336xi32, #tpu.memory_space<vmem>>
        %dma_start3A_47 = tpu.memref_slice %arg2[%add3A_29] : memref<1600000xi32, #tpu.memory_space<hbm>> -> memref<8336xi32, #tpu.memory_space<hbm>>
        %dma_start3A_48 = arith.constant 0 : i32
        %dma_start3A_49 = tpu.memref_slice %arg9[%dma_start3A_48] : memref<8336xi32, #tpu.memory_space<vmem>> -> memref<8336xi32, #tpu.memory_space<vmem>>
        %dma_start3A_50 = tpu.memref_slice %arg2[%add3A_29] : memref<1600000xi32, #tpu.memory_space<hbm>> -> memref<8336xi32, #tpu.memory_space<hbm>>
        tpu.enqueue_dma source(%dma_start3A_50 : memref<8336xi32, #tpu.memory_space<hbm>>) target(%dma_start3A_49 : memref<8336xi32, #tpu.memory_space<vmem>>) target_semaphore(%run_scoped3A : memref<!tpu.dma_semaphore, #tpu.memory_space<semaphore_mem>>)
        %dma_wait3A = arith.constant 0 : i32
        %dma_wait3A_51 = tpu.memref_slice %arg9[%dma_wait3A] : memref<8336xi32, #tpu.memory_space<vmem>> -> memref<8336xi32, #tpu.memory_space<vmem>>
        %dma_wait3A_52 = tpu.memref_slice %arg2[%add3A_29] : memref<1600000xi32, #tpu.memory_space<hbm>> -> memref<8336xi32, #tpu.memory_space<hbm>>
        %dma_wait3A_53 = arith.constant 0 : i32
        %dma_wait3A_54 = tpu.memref_slice %arg9[%dma_wait3A_53] : memref<8336xi32, #tpu.memory_space<vmem>> -> memref<8336xi32, #tpu.memory_space<vmem>>
        %dma_wait3A_55 = tpu.memref_slice %arg2[%add3A_29] : memref<1600000xi32, #tpu.memory_space<hbm>> -> memref<8336xi32, #tpu.memory_space<hbm>>
        tpu.wait_dma2 semaphore(%run_scoped3A : memref<!tpu.dma_semaphore, #tpu.memory_space<semaphore_mem>>) src(%dma_wait3A_55 : memref<8336xi32, #tpu.memory_space<hbm>>) dst(%dma_wait3A_54 : memref<8336xi32, #tpu.memory_space<vmem>>)
        tpu.yield
      }) : () -> ()
      %parallel_loop3A_30 = arith.constant 0 : i32
      %parallel_loop3A_31 = arith.constant 8336 : i32
      %parallel_loop3A_32 = arith.constant 16 : i32
      scf.for %parallel_loop3A_46 = %parallel_loop3A_30 to %parallel_loop3A_31 step %parallel_loop3A_32  : i32 {
        %parallel_loop3A_47 = arith.index_cast %parallel_loop3A_46 : i32 to index
        %parallel_loop3A_48 = tpu.vector_load %arg8[%parallel_loop3A_47] {strides = array<i32>} : memref<8336xi32, #tpu.memory_space<vmem>>, vector<16xi32>,
        %parallel_loop3A_49 = arith.index_cast %parallel_loop3A_46 : i32 to index
        %parallel_loop3A_50 = tpu.vector_load %arg9[%parallel_loop3A_49] {strides = array<i32>} : memref<8336xi32, #tpu.memory_space<vmem>>, vector<16xi32>,
        %parallel_loop3A_51 = arith.constant 16 : i32
        %parallel_loop3A_52 = vector.broadcast %parallel_loop3A_51 : i32 to vector<16xi32>
        %parallel_loop3A_53 = arith.shli %parallel_loop3A_48, %parallel_loop3A_52 : vector<16xi32>
        %parallel_loop3A_54 = arith.ori %parallel_loop3A_53, %parallel_loop3A_50 : vector<16xi32>
        %parallel_loop3A_55 = arith.index_cast %parallel_loop3A_46 : i32 to index
        %parallel_loop3A_56 = tpu.vector_load %arg10[%parallel_loop3A_55] {strides = array<i32>} : memref<8336xi32, #tpu.memory_space<vmem>>, vector<16xi32>,
        tpu.vector_store %arg10[%parallel_loop3A_55], %parallel_loop3A_54 {strides = array<i32>} : memref<8336xi32, #tpu.memory_space<vmem>>, vector<16xi32>,
        %parallel_loop3A_57 = tpu.vector_load_idx %arg6[%parallel_loop3A_50] : memref<51200xf32, #tpu.memory_space<vmem>>[vector<16xi32>], vector<16xf32>,
        tpu.vector_store_idx %arg7[%parallel_loop3A_48], %parallel_loop3A_57 {add = true} : memref<51200xf32, #tpu.memory_space<vmem>>[vector<16xi32>], vector<16xf32>,
      } {sc.loop_unroll_factor = 8 : i64, sc.parallel_access}
      %add3A_33 = arith.constant 8336 : i32
      %add3A_34 = arith.addi %mul3A_4, %add3A_33 : i32
      "tpu.region"() ({
        %run_scoped3A = tpu.sem_alloc : memref<!tpu.dma_semaphore, #tpu.memory_space<semaphore_mem>>
        %dma_start3A = arith.constant 0 : i32
        %dma_start3A_46 = tpu.memref_slice %arg10[%dma_start3A] : memref<8336xi32, #tpu.memory_space<vmem>> -> memref<8336xi32, #tpu.memory_space<vmem>>
        %dma_start3A_47 = tpu.memref_slice %arg4[%add3A_34] : memref<800256xi32, #tpu.memory_space<hbm>> -> memref<8336xi32, #tpu.memory_space<hbm>>
        %dma_start3A_48 = tpu.memref_slice %arg4[%add3A_34] : memref<800256xi32, #tpu.memory_space<hbm>> -> memref<8336xi32, #tpu.memory_space<hbm>>
        %dma_start3A_49 = arith.constant 0 : i32
        %dma_start3A_50 = tpu.memref_slice %arg10[%dma_start3A_49] : memref<8336xi32, #tpu.memory_space<vmem>> -> memref<8336xi32, #tpu.memory_space<vmem>>
        tpu.enqueue_dma source(%dma_start3A_50 : memref<8336xi32, #tpu.memory_space<vmem>>) target(%dma_start3A_48 : memref<8336xi32, #tpu.memory_space<hbm>>) target_semaphore(%run_scoped3A : memref<!tpu.dma_semaphore, #tpu.memory_space<semaphore_mem>>)
        %dma_wait3A = arith.constant 0 : i32
        %dma_wait3A_51 = tpu.memref_slice %arg10[%dma_wait3A] : memref<8336xi32, #tpu.memory_space<vmem>> -> memref<8336xi32, #tpu.memory_space<vmem>>
        %dma_wait3A_52 = tpu.memref_slice %arg4[%add3A_34] : memref<800256xi32, #tpu.memory_space<hbm>> -> memref<8336xi32, #tpu.memory_space<hbm>>
        %dma_wait3A_53 = tpu.memref_slice %arg4[%add3A_34] : memref<800256xi32, #tpu.memory_space<hbm>> -> memref<8336xi32, #tpu.memory_space<hbm>>
        %dma_wait3A_54 = arith.constant 0 : i32
        %dma_wait3A_55 = tpu.memref_slice %arg10[%dma_wait3A_54] : memref<8336xi32, #tpu.memory_space<vmem>> -> memref<8336xi32, #tpu.memory_space<vmem>>
        tpu.wait_dma2 semaphore(%run_scoped3A : memref<!tpu.dma_semaphore, #tpu.memory_space<semaphore_mem>>) src(%dma_wait3A_55 : memref<8336xi32, #tpu.memory_space<vmem>>) dst(%dma_wait3A_53 : memref<8336xi32, #tpu.memory_space<hbm>>)
        tpu.yield
      }) : () -> ()
      %add3A_35 = arith.constant 16672 : i32
      %add3A_36 = arith.addi %mul3A_4, %add3A_35 : i32
      "tpu.region"() ({
        %run_scoped3A = tpu.sem_alloc : memref<!tpu.dma_semaphore, #tpu.memory_space<semaphore_mem>>
        %dma_start3A = arith.constant 0 : i32
        %dma_start3A_46 = tpu.memref_slice %arg8[%dma_start3A] : memref<8336xi32, #tpu.memory_space<vmem>> -> memref<8336xi32, #tpu.memory_space<vmem>>
        %dma_start3A_47 = tpu.memref_slice %arg2[%add3A_36] : memref<1600000xi32, #tpu.memory_space<hbm>> -> memref<8336xi32, #tpu.memory_space<hbm>>
        %dma_start3A_48 = arith.constant 0 : i32
        %dma_start3A_49 = tpu.memref_slice %arg8[%dma_start3A_48] : memref<8336xi32, #tpu.memory_space<vmem>> -> memref<8336xi32, #tpu.memory_space<vmem>>
        %dma_start3A_50 = tpu.memref_slice %arg2[%add3A_36] : memref<1600000xi32, #tpu.memory_space<hbm>> -> memref<8336xi32, #tpu.memory_space<hbm>>
        tpu.enqueue_dma source(%dma_start3A_50 : memref<8336xi32, #tpu.memory_space<hbm>>) target(%dma_start3A_49 : memref<8336xi32, #tpu.memory_space<vmem>>) target_semaphore(%run_scoped3A : memref<!tpu.dma_semaphore, #tpu.memory_space<semaphore_mem>>)
        %dma_wait3A = arith.constant 0 : i32
        %dma_wait3A_51 = tpu.memref_slice %arg8[%dma_wait3A] : memref<8336xi32, #tpu.memory_space<vmem>> -> memref<8336xi32, #tpu.memory_space<vmem>>
        %dma_wait3A_52 = tpu.memref_slice %arg2[%add3A_36] : memref<1600000xi32, #tpu.memory_space<hbm>> -> memref<8336xi32, #tpu.memory_space<hbm>>
        %dma_wait3A_53 = arith.constant 0 : i32
        %dma_wait3A_54 = tpu.memref_slice %arg8[%dma_wait3A_53] : memref<8336xi32, #tpu.memory_space<vmem>> -> memref<8336xi32, #tpu.memory_space<vmem>>
        %dma_wait3A_55 = tpu.memref_slice %arg2[%add3A_36] : memref<1600000xi32, #tpu.memory_space<hbm>> -> memref<8336xi32, #tpu.memory_space<hbm>>
        tpu.wait_dma2 semaphore(%run_scoped3A : memref<!tpu.dma_semaphore, #tpu.memory_space<semaphore_mem>>) src(%dma_wait3A_55 : memref<8336xi32, #tpu.memory_space<hbm>>) dst(%dma_wait3A_54 : memref<8336xi32, #tpu.memory_space<vmem>>)
        tpu.yield
      }) : () -> ()
      %add3A_37 = arith.constant 800000 : i32
      %add3A_38 = arith.addi %add3A_37, %mul3A_4 : i32
      %add3A_39 = arith.constant 16672 : i32
      %add3A_40 = arith.addi %add3A_38, %add3A_39 : i32
      "tpu.region"() ({
        %run_scoped3A = tpu.sem_alloc : memref<!tpu.dma_semaphore, #tpu.memory_space<semaphore_mem>>
        %dma_start3A = arith.constant 0 : i32
        %dma_start3A_46 = tpu.memref_slice %arg9[%dma_start3A] : memref<8336xi32, #tpu.memory_space<vmem>> -> memref<8336xi32, #tpu.memory_space<vmem>>
        %dma_start3A_47 = tpu.memref_slice %arg2[%add3A_40] : memref<1600000xi32, #tpu.memory_space<hbm>> -> memref<8336xi32, #tpu.memory_space<hbm>>
        %dma_start3A_48 = arith.constant 0 : i32
        %dma_start3A_49 = tpu.memref_slice %arg9[%dma_start3A_48] : memref<8336xi32, #tpu.memory_space<vmem>> -> memref<8336xi32, #tpu.memory_space<vmem>>
        %dma_start3A_50 = tpu.memref_slice %arg2[%add3A_40] : memref<1600000xi32, #tpu.memory_space<hbm>> -> memref<8336xi32, #tpu.memory_space<hbm>>
        tpu.enqueue_dma source(%dma_start3A_50 : memref<8336xi32, #tpu.memory_space<hbm>>) target(%dma_start3A_49 : memref<8336xi32, #tpu.memory_space<vmem>>) target_semaphore(%run_scoped3A : memref<!tpu.dma_semaphore, #tpu.memory_space<semaphore_mem>>)
        %dma_wait3A = arith.constant 0 : i32
        %dma_wait3A_51 = tpu.memref_slice %arg9[%dma_wait3A] : memref<8336xi32, #tpu.memory_space<vmem>> -> memref<8336xi32, #tpu.memory_space<vmem>>
        %dma_wait3A_52 = tpu.memref_slice %arg2[%add3A_40] : memref<1600000xi32, #tpu.memory_space<hbm>> -> memref<8336xi32, #tpu.memory_space<hbm>>
        %dma_wait3A_53 = arith.constant 0 : i32
        %dma_wait3A_54 = tpu.memref_slice %arg9[%dma_wait3A_53] : memref<8336xi32, #tpu.memory_space<vmem>> -> memref<8336xi32, #tpu.memory_space<vmem>>
        %dma_wait3A_55 = tpu.memref_slice %arg2[%add3A_40] : memref<1600000xi32, #tpu.memory_space<hbm>> -> memref<8336xi32, #tpu.memory_space<hbm>>
        tpu.wait_dma2 semaphore(%run_scoped3A : memref<!tpu.dma_semaphore, #tpu.memory_space<semaphore_mem>>) src(%dma_wait3A_55 : memref<8336xi32, #tpu.memory_space<hbm>>) dst(%dma_wait3A_54 : memref<8336xi32, #tpu.memory_space<vmem>>)
        tpu.yield
      }) : () -> ()
      %parallel_loop3A_41 = arith.constant 0 : i32
      %parallel_loop3A_42 = arith.constant 8336 : i32
      %parallel_loop3A_43 = arith.constant 16 : i32
      scf.for %parallel_loop3A_46 = %parallel_loop3A_41 to %parallel_loop3A_42 step %parallel_loop3A_43  : i32 {
        %parallel_loop3A_47 = arith.index_cast %parallel_loop3A_46 : i32 to index
        %parallel_loop3A_48 = tpu.vector_load %arg8[%parallel_loop3A_47] {strides = array<i32>} : memref<8336xi32, #tpu.memory_space<vmem>>, vector<16xi32>,
        %parallel_loop3A_49 = arith.index_cast %parallel_loop3A_46 : i32 to index
        %parallel_loop3A_50 = tpu.vector_load %arg9[%parallel_loop3A_49] {strides = array<i32>} : memref<8336xi32, #tpu.memory_space<vmem>>, vector<16xi32>,
        %parallel_loop3A_51 = arith.constant 16 : i32
        %parallel_loop3A_52 = vector.broadcast %parallel_loop3A_51 : i32 to vector<16xi32>
        %parallel_loop3A_53 = arith.shli %parallel_loop3A_48, %parallel_loop3A_52 : vector<16xi32>
        %parallel_loop3A_54 = arith.ori %parallel_loop3A_53, %parallel_loop3A_50 : vector<16xi32>
        %parallel_loop3A_55 = arith.index_cast %parallel_loop3A_46 : i32 to index
        %parallel_loop3A_56 = tpu.vector_load %arg10[%parallel_loop3A_55] {strides = array<i32>} : memref<8336xi32, #tpu.memory_space<vmem>>, vector<16xi32>,
        tpu.vector_store %arg10[%parallel_loop3A_55], %parallel_loop3A_54 {strides = array<i32>} : memref<8336xi32, #tpu.memory_space<vmem>>, vector<16xi32>,
        %parallel_loop3A_57 = tpu.vector_load_idx %arg6[%parallel_loop3A_50] : memref<51200xf32, #tpu.memory_space<vmem>>[vector<16xi32>], vector<16xf32>,
        tpu.vector_store_idx %arg7[%parallel_loop3A_48], %parallel_loop3A_57 {add = true} : memref<51200xf32, #tpu.memory_space<vmem>>[vector<16xi32>], vector<16xf32>,
      } {sc.loop_unroll_factor = 8 : i64, sc.parallel_access}
      %add3A_44 = arith.constant 16672 : i32
      %add3A_45 = arith.addi %mul3A_4, %add3A_44 : i32
      "tpu.region"() ({
        %run_scoped3A = tpu.sem_alloc : memref<!tpu.dma_semaphore, #tpu.memory_space<semaphore_mem>>
        %dma_start3A = arith.constant 0 : i32
        %dma_start3A_46 = tpu.memref_slice %arg10[%dma_start3A] : memref<8336xi32, #tpu.memory_space<vmem>> -> memref<8336xi32, #tpu.memory_space<vmem>>
        %dma_start3A_47 = tpu.memref_slice %arg4[%add3A_45] : memref<800256xi32, #tpu.memory_space<hbm>> -> memref<8336xi32, #tpu.memory_space<hbm>>
        %dma_start3A_48 = tpu.memref_slice %arg4[%add3A_45] : memref<800256xi32, #tpu.memory_space<hbm>> -> memref<8336xi32, #tpu.memory_space<hbm>>
        %dma_start3A_49 = arith.constant 0 : i32
        %dma_start3A_50 = tpu.memref_slice %arg10[%dma_start3A_49] : memref<8336xi32, #tpu.memory_space<vmem>> -> memref<8336xi32, #tpu.memory_space<vmem>>
        tpu.enqueue_dma source(%dma_start3A_50 : memref<8336xi32, #tpu.memory_space<vmem>>) target(%dma_start3A_48 : memref<8336xi32, #tpu.memory_space<hbm>>) target_semaphore(%run_scoped3A : memref<!tpu.dma_semaphore, #tpu.memory_space<semaphore_mem>>)
        %dma_wait3A = arith.constant 0 : i32
        %dma_wait3A_51 = tpu.memref_slice %arg10[%dma_wait3A] : memref<8336xi32, #tpu.memory_space<vmem>> -> memref<8336xi32, #tpu.memory_space<vmem>>
        %dma_wait3A_52 = tpu.memref_slice %arg4[%add3A_45] : memref<800256xi32, #tpu.memory_space<hbm>> -> memref<8336xi32, #tpu.memory_space<hbm>>
        %dma_wait3A_53 = tpu.memref_slice %arg4[%add3A_45] : memref<800256xi32, #tpu.memory_space<hbm>> -> memref<8336xi32, #tpu.memory_space<hbm>>
        %dma_wait3A_54 = arith.constant 0 : i32
        %dma_wait3A_55 = tpu.memref_slice %arg10[%dma_wait3A_54] : memref<8336xi32, #tpu.memory_space<vmem>> -> memref<8336xi32, #tpu.memory_space<vmem>>
        tpu.wait_dma2 semaphore(%run_scoped3A : memref<!tpu.dma_semaphore, #tpu.memory_space<semaphore_mem>>) src(%dma_wait3A_55 : memref<8336xi32, #tpu.memory_space<vmem>>) dst(%dma_wait3A_53 : memref<8336xi32, #tpu.memory_space<hbm>>)
        tpu.yield
      }) : () -> ()
    } else {
    }
    %eq3A = arith.constant 31 : i32
    %eq3A_7 = arith.cmpi eq, %add3A, %eq3A : i32
    %convert_element_type3A_8 = arith.extui %eq3A_7 : i1 to i32
    %cond3A_9 = arith.constant 0 : i32
    %cond3A_10 = arith.cmpi ne, %convert_element_type3A_8, %cond3A_9 : i32
    scf.if %cond3A_10 {
      %add3A_13 = arith.constant 0 : i32
      %add3A_14 = arith.addi %mul3A_4, %add3A_13 : i32
      "tpu.region"() ({
        %run_scoped3A = tpu.sem_alloc : memref<!tpu.dma_semaphore, #tpu.memory_space<semaphore_mem>>
        %dma_start3A = arith.constant 0 : i32
        %dma_start3A_49 = tpu.memref_slice %arg8[%dma_start3A] : memref<8336xi32, #tpu.memory_space<vmem>> -> memref<8336xi32, #tpu.memory_space<vmem>>
        %dma_start3A_50 = tpu.memref_slice %arg2[%add3A_14] : memref<1600000xi32, #tpu.memory_space<hbm>> -> memref<8336xi32, #tpu.memory_space<hbm>>
        %dma_start3A_51 = arith.constant 0 : i32
        %dma_start3A_52 = tpu.memref_slice %arg8[%dma_start3A_51] : memref<8336xi32, #tpu.memory_space<vmem>> -> memref<8336xi32, #tpu.memory_space<vmem>>
        %dma_start3A_53 = tpu.memref_slice %arg2[%add3A_14] : memref<1600000xi32, #tpu.memory_space<hbm>> -> memref<8336xi32, #tpu.memory_space<hbm>>
        tpu.enqueue_dma source(%dma_start3A_53 : memref<8336xi32, #tpu.memory_space<hbm>>) target(%dma_start3A_52 : memref<8336xi32, #tpu.memory_space<vmem>>) target_semaphore(%run_scoped3A : memref<!tpu.dma_semaphore, #tpu.memory_space<semaphore_mem>>)
        %dma_wait3A = arith.constant 0 : i32
        %dma_wait3A_54 = tpu.memref_slice %arg8[%dma_wait3A] : memref<8336xi32, #tpu.memory_space<vmem>> -> memref<8336xi32, #tpu.memory_space<vmem>>
        %dma_wait3A_55 = tpu.memref_slice %arg2[%add3A_14] : memref<1600000xi32, #tpu.memory_space<hbm>> -> memref<8336xi32, #tpu.memory_space<hbm>>
        %dma_wait3A_56 = arith.constant 0 : i32
        %dma_wait3A_57 = tpu.memref_slice %arg8[%dma_wait3A_56] : memref<8336xi32, #tpu.memory_space<vmem>> -> memref<8336xi32, #tpu.memory_space<vmem>>
        %dma_wait3A_58 = tpu.memref_slice %arg2[%add3A_14] : memref<1600000xi32, #tpu.memory_space<hbm>> -> memref<8336xi32, #tpu.memory_space<hbm>>
        tpu.wait_dma2 semaphore(%run_scoped3A : memref<!tpu.dma_semaphore, #tpu.memory_space<semaphore_mem>>) src(%dma_wait3A_58 : memref<8336xi32, #tpu.memory_space<hbm>>) dst(%dma_wait3A_57 : memref<8336xi32, #tpu.memory_space<vmem>>)
        tpu.yield
      }) : () -> ()
      %add3A_15 = arith.constant 800000 : i32
      %add3A_16 = arith.addi %add3A_15, %mul3A_4 : i32
      %add3A_17 = arith.constant 0 : i32
      %add3A_18 = arith.addi %add3A_16, %add3A_17 : i32
      "tpu.region"() ({
        %run_scoped3A = tpu.sem_alloc : memref<!tpu.dma_semaphore, #tpu.memory_space<semaphore_mem>>
        %dma_start3A = arith.constant 0 : i32
        %dma_start3A_49 = tpu.memref_slice %arg9[%dma_start3A] : memref<8336xi32, #tpu.memory_space<vmem>> -> memref<8336xi32, #tpu.memory_space<vmem>>
        %dma_start3A_50 = tpu.memref_slice %arg2[%add3A_18] : memref<1600000xi32, #tpu.memory_space<hbm>> -> memref<8336xi32, #tpu.memory_space<hbm>>
        %dma_start3A_51 = arith.constant 0 : i32
        %dma_start3A_52 = tpu.memref_slice %arg9[%dma_start3A_51] : memref<8336xi32, #tpu.memory_space<vmem>> -> memref<8336xi32, #tpu.memory_space<vmem>>
        %dma_start3A_53 = tpu.memref_slice %arg2[%add3A_18] : memref<1600000xi32, #tpu.memory_space<hbm>> -> memref<8336xi32, #tpu.memory_space<hbm>>
        tpu.enqueue_dma source(%dma_start3A_53 : memref<8336xi32, #tpu.memory_space<hbm>>) target(%dma_start3A_52 : memref<8336xi32, #tpu.memory_space<vmem>>) target_semaphore(%run_scoped3A : memref<!tpu.dma_semaphore, #tpu.memory_space<semaphore_mem>>)
        %dma_wait3A = arith.constant 0 : i32
        %dma_wait3A_54 = tpu.memref_slice %arg9[%dma_wait3A] : memref<8336xi32, #tpu.memory_space<vmem>> -> memref<8336xi32, #tpu.memory_space<vmem>>
        %dma_wait3A_55 = tpu.memref_slice %arg2[%add3A_18] : memref<1600000xi32, #tpu.memory_space<hbm>> -> memref<8336xi32, #tpu.memory_space<hbm>>
        %dma_wait3A_56 = arith.constant 0 : i32
        %dma_wait3A_57 = tpu.memref_slice %arg9[%dma_wait3A_56] : memref<8336xi32, #tpu.memory_space<vmem>> -> memref<8336xi32, #tpu.memory_space<vmem>>
        %dma_wait3A_58 = tpu.memref_slice %arg2[%add3A_18] : memref<1600000xi32, #tpu.memory_space<hbm>> -> memref<8336xi32, #tpu.memory_space<hbm>>
        tpu.wait_dma2 semaphore(%run_scoped3A : memref<!tpu.dma_semaphore, #tpu.memory_space<semaphore_mem>>) src(%dma_wait3A_58 : memref<8336xi32, #tpu.memory_space<hbm>>) dst(%dma_wait3A_57 : memref<8336xi32, #tpu.memory_space<vmem>>)
        tpu.yield
      }) : () -> ()
      %parallel_loop3A_19 = arith.constant 0 : i32
      %parallel_loop3A_20 = arith.constant 8336 : i32
      %parallel_loop3A_21 = arith.constant 16 : i32
      scf.for %parallel_loop3A_49 = %parallel_loop3A_19 to %parallel_loop3A_20 step %parallel_loop3A_21  : i32 {
        %parallel_loop3A_50 = arith.index_cast %parallel_loop3A_49 : i32 to index
        %parallel_loop3A_51 = tpu.vector_load %arg8[%parallel_loop3A_50] {strides = array<i32>} : memref<8336xi32, #tpu.memory_space<vmem>>, vector<16xi32>,
        %parallel_loop3A_52 = arith.index_cast %parallel_loop3A_49 : i32 to index
        %parallel_loop3A_53 = tpu.vector_load %arg9[%parallel_loop3A_52] {strides = array<i32>} : memref<8336xi32, #tpu.memory_space<vmem>>, vector<16xi32>,
        %parallel_loop3A_54 = arith.constant 16 : i32
        %parallel_loop3A_55 = vector.broadcast %parallel_loop3A_54 : i32 to vector<16xi32>
        %parallel_loop3A_56 = arith.shli %parallel_loop3A_51, %parallel_loop3A_55 : vector<16xi32>
        %parallel_loop3A_57 = arith.ori %parallel_loop3A_56, %parallel_loop3A_53 : vector<16xi32>
        %parallel_loop3A_58 = arith.index_cast %parallel_loop3A_49 : i32 to index
        %parallel_loop3A_59 = tpu.vector_load %arg10[%parallel_loop3A_58] {strides = array<i32>} : memref<8336xi32, #tpu.memory_space<vmem>>, vector<16xi32>,
        tpu.vector_store %arg10[%parallel_loop3A_58], %parallel_loop3A_57 {strides = array<i32>} : memref<8336xi32, #tpu.memory_space<vmem>>, vector<16xi32>,
        %parallel_loop3A_60 = tpu.vector_load_idx %arg6[%parallel_loop3A_53] : memref<51200xf32, #tpu.memory_space<vmem>>[vector<16xi32>], vector<16xf32>,
        tpu.vector_store_idx %arg7[%parallel_loop3A_51], %parallel_loop3A_60 {add = true} : memref<51200xf32, #tpu.memory_space<vmem>>[vector<16xi32>], vector<16xf32>,
      } {sc.loop_unroll_factor = 8 : i64, sc.parallel_access}
      %add3A_22 = arith.constant 0 : i32
      %add3A_23 = arith.addi %mul3A_4, %add3A_22 : i32
      "tpu.region"() ({
        %run_scoped3A = tpu.sem_alloc : memref<!tpu.dma_semaphore, #tpu.memory_space<semaphore_mem>>
        %dma_start3A = arith.constant 0 : i32
        %dma_start3A_49 = tpu.memref_slice %arg10[%dma_start3A] : memref<8336xi32, #tpu.memory_space<vmem>> -> memref<8336xi32, #tpu.memory_space<vmem>>
        %dma_start3A_50 = tpu.memref_slice %arg4[%add3A_23] : memref<800256xi32, #tpu.memory_space<hbm>> -> memref<8336xi32, #tpu.memory_space<hbm>>
        %dma_start3A_51 = tpu.memref_slice %arg4[%add3A_23] : memref<800256xi32, #tpu.memory_space<hbm>> -> memref<8336xi32, #tpu.memory_space<hbm>>
        %dma_start3A_52 = arith.constant 0 : i32
        %dma_start3A_53 = tpu.memref_slice %arg10[%dma_start3A_52] : memref<8336xi32, #tpu.memory_space<vmem>> -> memref<8336xi32, #tpu.memory_space<vmem>>
        tpu.enqueue_dma source(%dma_start3A_53 : memref<8336xi32, #tpu.memory_space<vmem>>) target(%dma_start3A_51 : memref<8336xi32, #tpu.memory_space<hbm>>) target_semaphore(%run_scoped3A : memref<!tpu.dma_semaphore, #tpu.memory_space<semaphore_mem>>)
        %dma_wait3A = arith.constant 0 : i32
        %dma_wait3A_54 = tpu.memref_slice %arg10[%dma_wait3A] : memref<8336xi32, #tpu.memory_space<vmem>> -> memref<8336xi32, #tpu.memory_space<vmem>>
        %dma_wait3A_55 = tpu.memref_slice %arg4[%add3A_23] : memref<800256xi32, #tpu.memory_space<hbm>> -> memref<8336xi32, #tpu.memory_space<hbm>>
        %dma_wait3A_56 = tpu.memref_slice %arg4[%add3A_23] : memref<800256xi32, #tpu.memory_space<hbm>> -> memref<8336xi32, #tpu.memory_space<hbm>>
        %dma_wait3A_57 = arith.constant 0 : i32
        %dma_wait3A_58 = tpu.memref_slice %arg10[%dma_wait3A_57] : memref<8336xi32, #tpu.memory_space<vmem>> -> memref<8336xi32, #tpu.memory_space<vmem>>
        tpu.wait_dma2 semaphore(%run_scoped3A : memref<!tpu.dma_semaphore, #tpu.memory_space<semaphore_mem>>) src(%dma_wait3A_58 : memref<8336xi32, #tpu.memory_space<vmem>>) dst(%dma_wait3A_56 : memref<8336xi32, #tpu.memory_space<hbm>>)
        tpu.yield
      }) : () -> ()
      %add3A_24 = arith.constant 8336 : i32
      %add3A_25 = arith.addi %mul3A_4, %add3A_24 : i32
      "tpu.region"() ({
        %run_scoped3A = tpu.sem_alloc : memref<!tpu.dma_semaphore, #tpu.memory_space<semaphore_mem>>
        %dma_start3A = arith.constant 0 : i32
        %dma_start3A_49 = tpu.memref_slice %arg8[%dma_start3A] : memref<8336xi32, #tpu.memory_space<vmem>> -> memref<8336xi32, #tpu.memory_space<vmem>>
        %dma_start3A_50 = tpu.memref_slice %arg2[%add3A_25] : memref<1600000xi32, #tpu.memory_space<hbm>> -> memref<8336xi32, #tpu.memory_space<hbm>>
        %dma_start3A_51 = arith.constant 0 : i32
        %dma_start3A_52 = tpu.memref_slice %arg8[%dma_start3A_51] : memref<8336xi32, #tpu.memory_space<vmem>> -> memref<8336xi32, #tpu.memory_space<vmem>>
        %dma_start3A_53 = tpu.memref_slice %arg2[%add3A_25] : memref<1600000xi32, #tpu.memory_space<hbm>> -> memref<8336xi32, #tpu.memory_space<hbm>>
        tpu.enqueue_dma source(%dma_start3A_53 : memref<8336xi32, #tpu.memory_space<hbm>>) target(%dma_start3A_52 : memref<8336xi32, #tpu.memory_space<vmem>>) target_semaphore(%run_scoped3A : memref<!tpu.dma_semaphore, #tpu.memory_space<semaphore_mem>>)
        %dma_wait3A = arith.constant 0 : i32
        %dma_wait3A_54 = tpu.memref_slice %arg8[%dma_wait3A] : memref<8336xi32, #tpu.memory_space<vmem>> -> memref<8336xi32, #tpu.memory_space<vmem>>
        %dma_wait3A_55 = tpu.memref_slice %arg2[%add3A_25] : memref<1600000xi32, #tpu.memory_space<hbm>> -> memref<8336xi32, #tpu.memory_space<hbm>>
        %dma_wait3A_56 = arith.constant 0 : i32
        %dma_wait3A_57 = tpu.memref_slice %arg8[%dma_wait3A_56] : memref<8336xi32, #tpu.memory_space<vmem>> -> memref<8336xi32, #tpu.memory_space<vmem>>
        %dma_wait3A_58 = tpu.memref_slice %arg2[%add3A_25] : memref<1600000xi32, #tpu.memory_space<hbm>> -> memref<8336xi32, #tpu.memory_space<hbm>>
        tpu.wait_dma2 semaphore(%run_scoped3A : memref<!tpu.dma_semaphore, #tpu.memory_space<semaphore_mem>>) src(%dma_wait3A_58 : memref<8336xi32, #tpu.memory_space<hbm>>) dst(%dma_wait3A_57 : memref<8336xi32, #tpu.memory_space<vmem>>)
        tpu.yield
      }) : () -> ()
      %add3A_26 = arith.constant 800000 : i32
      %add3A_27 = arith.addi %add3A_26, %mul3A_4 : i32
      %add3A_28 = arith.constant 8336 : i32
      %add3A_29 = arith.addi %add3A_27, %add3A_28 : i32
      "tpu.region"() ({
        %run_scoped3A = tpu.sem_alloc : memref<!tpu.dma_semaphore, #tpu.memory_space<semaphore_mem>>
        %dma_start3A = arith.constant 0 : i32
        %dma_start3A_49 = tpu.memref_slice %arg9[%dma_start3A] : memref<8336xi32, #tpu.memory_space<vmem>> -> memref<8336xi32, #tpu.memory_space<vmem>>
        %dma_start3A_50 = tpu.memref_slice %arg2[%add3A_29] : memref<1600000xi32, #tpu.memory_space<hbm>> -> memref<8336xi32, #tpu.memory_space<hbm>>
        %dma_start3A_51 = arith.constant 0 : i32
        %dma_start3A_52 = tpu.memref_slice %arg9[%dma_start3A_51] : memref<8336xi32, #tpu.memory_space<vmem>> -> memref<8336xi32, #tpu.memory_space<vmem>>
        %dma_start3A_53 = tpu.memref_slice %arg2[%add3A_29] : memref<1600000xi32, #tpu.memory_space<hbm>> -> memref<8336xi32, #tpu.memory_space<hbm>>
        tpu.enqueue_dma source(%dma_start3A_53 : memref<8336xi32, #tpu.memory_space<hbm>>) target(%dma_start3A_52 : memref<8336xi32, #tpu.memory_space<vmem>>) target_semaphore(%run_scoped3A : memref<!tpu.dma_semaphore, #tpu.memory_space<semaphore_mem>>)
        %dma_wait3A = arith.constant 0 : i32
        %dma_wait3A_54 = tpu.memref_slice %arg9[%dma_wait3A] : memref<8336xi32, #tpu.memory_space<vmem>> -> memref<8336xi32, #tpu.memory_space<vmem>>
        %dma_wait3A_55 = tpu.memref_slice %arg2[%add3A_29] : memref<1600000xi32, #tpu.memory_space<hbm>> -> memref<8336xi32, #tpu.memory_space<hbm>>
        %dma_wait3A_56 = arith.constant 0 : i32
        %dma_wait3A_57 = tpu.memref_slice %arg9[%dma_wait3A_56] : memref<8336xi32, #tpu.memory_space<vmem>> -> memref<8336xi32, #tpu.memory_space<vmem>>
        %dma_wait3A_58 = tpu.memref_slice %arg2[%add3A_29] : memref<1600000xi32, #tpu.memory_space<hbm>> -> memref<8336xi32, #tpu.memory_space<hbm>>
        tpu.wait_dma2 semaphore(%run_scoped3A : memref<!tpu.dma_semaphore, #tpu.memory_space<semaphore_mem>>) src(%dma_wait3A_58 : memref<8336xi32, #tpu.memory_space<hbm>>) dst(%dma_wait3A_57 : memref<8336xi32, #tpu.memory_space<vmem>>)
        tpu.yield
      }) : () -> ()
      %parallel_loop3A_30 = arith.constant 0 : i32
      %parallel_loop3A_31 = arith.constant 8336 : i32
      %parallel_loop3A_32 = arith.constant 16 : i32
      scf.for %parallel_loop3A_49 = %parallel_loop3A_30 to %parallel_loop3A_31 step %parallel_loop3A_32  : i32 {
        %parallel_loop3A_50 = arith.index_cast %parallel_loop3A_49 : i32 to index
        %parallel_loop3A_51 = tpu.vector_load %arg8[%parallel_loop3A_50] {strides = array<i32>} : memref<8336xi32, #tpu.memory_space<vmem>>, vector<16xi32>,
        %parallel_loop3A_52 = arith.index_cast %parallel_loop3A_49 : i32 to index
        %parallel_loop3A_53 = tpu.vector_load %arg9[%parallel_loop3A_52] {strides = array<i32>} : memref<8336xi32, #tpu.memory_space<vmem>>, vector<16xi32>,
        %parallel_loop3A_54 = arith.constant 16 : i32
        %parallel_loop3A_55 = vector.broadcast %parallel_loop3A_54 : i32 to vector<16xi32>
        %parallel_loop3A_56 = arith.shli %parallel_loop3A_51, %parallel_loop3A_55 : vector<16xi32>
        %parallel_loop3A_57 = arith.ori %parallel_loop3A_56, %parallel_loop3A_53 : vector<16xi32>
        %parallel_loop3A_58 = arith.index_cast %parallel_loop3A_49 : i32 to index
        %parallel_loop3A_59 = tpu.vector_load %arg10[%parallel_loop3A_58] {strides = array<i32>} : memref<8336xi32, #tpu.memory_space<vmem>>, vector<16xi32>,
        tpu.vector_store %arg10[%parallel_loop3A_58], %parallel_loop3A_57 {strides = array<i32>} : memref<8336xi32, #tpu.memory_space<vmem>>, vector<16xi32>,
        %parallel_loop3A_60 = tpu.vector_load_idx %arg6[%parallel_loop3A_53] : memref<51200xf32, #tpu.memory_space<vmem>>[vector<16xi32>], vector<16xf32>,
        tpu.vector_store_idx %arg7[%parallel_loop3A_51], %parallel_loop3A_60 {add = true} : memref<51200xf32, #tpu.memory_space<vmem>>[vector<16xi32>], vector<16xf32>,
      } {sc.loop_unroll_factor = 8 : i64, sc.parallel_access}
      %add3A_33 = arith.constant 8336 : i32
      %add3A_34 = arith.addi %mul3A_4, %add3A_33 : i32
      "tpu.region"() ({
        %run_scoped3A = tpu.sem_alloc : memref<!tpu.dma_semaphore, #tpu.memory_space<semaphore_mem>>
        %dma_start3A = arith.constant 0 : i32
        %dma_start3A_49 = tpu.memref_slice %arg10[%dma_start3A] : memref<8336xi32, #tpu.memory_space<vmem>> -> memref<8336xi32, #tpu.memory_space<vmem>>
        %dma_start3A_50 = tpu.memref_slice %arg4[%add3A_34] : memref<800256xi32, #tpu.memory_space<hbm>> -> memref<8336xi32, #tpu.memory_space<hbm>>
        %dma_start3A_51 = tpu.memref_slice %arg4[%add3A_34] : memref<800256xi32, #tpu.memory_space<hbm>> -> memref<8336xi32, #tpu.memory_space<hbm>>
        %dma_start3A_52 = arith.constant 0 : i32
        %dma_start3A_53 = tpu.memref_slice %arg10[%dma_start3A_52] : memref<8336xi32, #tpu.memory_space<vmem>> -> memref<8336xi32, #tpu.memory_space<vmem>>
        tpu.enqueue_dma source(%dma_start3A_53 : memref<8336xi32, #tpu.memory_space<vmem>>) target(%dma_start3A_51 : memref<8336xi32, #tpu.memory_space<hbm>>) target_semaphore(%run_scoped3A : memref<!tpu.dma_semaphore, #tpu.memory_space<semaphore_mem>>)
        %dma_wait3A = arith.constant 0 : i32
        %dma_wait3A_54 = tpu.memref_slice %arg10[%dma_wait3A] : memref<8336xi32, #tpu.memory_space<vmem>> -> memref<8336xi32, #tpu.memory_space<vmem>>
        %dma_wait3A_55 = tpu.memref_slice %arg4[%add3A_34] : memref<800256xi32, #tpu.memory_space<hbm>> -> memref<8336xi32, #tpu.memory_space<hbm>>
        %dma_wait3A_56 = tpu.memref_slice %arg4[%add3A_34] : memref<800256xi32, #tpu.memory_space<hbm>> -> memref<8336xi32, #tpu.memory_space<hbm>>
        %dma_wait3A_57 = arith.constant 0 : i32
        %dma_wait3A_58 = tpu.memref_slice %arg10[%dma_wait3A_57] : memref<8336xi32, #tpu.memory_space<vmem>> -> memref<8336xi32, #tpu.memory_space<vmem>>
        tpu.wait_dma2 semaphore(%run_scoped3A : memref<!tpu.dma_semaphore, #tpu.memory_space<semaphore_mem>>) src(%dma_wait3A_58 : memref<8336xi32, #tpu.memory_space<vmem>>) dst(%dma_wait3A_56 : memref<8336xi32, #tpu.memory_space<hbm>>)
        tpu.yield
      }) : () -> ()
      %add3A_35 = arith.constant 16672 : i32
      %add3A_36 = arith.addi %mul3A_4, %add3A_35 : i32
      "tpu.region"() ({
        %run_scoped3A = tpu.sem_alloc : memref<!tpu.dma_semaphore, #tpu.memory_space<semaphore_mem>>
        %dma_start3A = arith.constant 0 : i32
        %dma_start3A_49 = tpu.memref_slice %arg8[%dma_start3A] : memref<8336xi32, #tpu.memory_space<vmem>> -> memref<8080xi32, #tpu.memory_space<vmem>>
        %dma_start3A_50 = tpu.memref_slice %arg2[%add3A_36] : memref<1600000xi32, #tpu.memory_space<hbm>> -> memref<8080xi32, #tpu.memory_space<hbm>>
        %dma_start3A_51 = arith.constant 0 : i32
        %dma_start3A_52 = tpu.memref_slice %arg8[%dma_start3A_51] : memref<8336xi32, #tpu.memory_space<vmem>> -> memref<8080xi32, #tpu.memory_space<vmem>>
        %dma_start3A_53 = tpu.memref_slice %arg2[%add3A_36] : memref<1600000xi32, #tpu.memory_space<hbm>> -> memref<8080xi32, #tpu.memory_space<hbm>>
        tpu.enqueue_dma source(%dma_start3A_53 : memref<8080xi32, #tpu.memory_space<hbm>>) target(%dma_start3A_52 : memref<8080xi32, #tpu.memory_space<vmem>>) target_semaphore(%run_scoped3A : memref<!tpu.dma_semaphore, #tpu.memory_space<semaphore_mem>>)
        %dma_wait3A = arith.constant 0 : i32
        %dma_wait3A_54 = tpu.memref_slice %arg8[%dma_wait3A] : memref<8336xi32, #tpu.memory_space<vmem>> -> memref<8080xi32, #tpu.memory_space<vmem>>
        %dma_wait3A_55 = tpu.memref_slice %arg2[%add3A_36] : memref<1600000xi32, #tpu.memory_space<hbm>> -> memref<8080xi32, #tpu.memory_space<hbm>>
        %dma_wait3A_56 = arith.constant 0 : i32
        %dma_wait3A_57 = tpu.memref_slice %arg8[%dma_wait3A_56] : memref<8336xi32, #tpu.memory_space<vmem>> -> memref<8080xi32, #tpu.memory_space<vmem>>
        %dma_wait3A_58 = tpu.memref_slice %arg2[%add3A_36] : memref<1600000xi32, #tpu.memory_space<hbm>> -> memref<8080xi32, #tpu.memory_space<hbm>>
        tpu.wait_dma2 semaphore(%run_scoped3A : memref<!tpu.dma_semaphore, #tpu.memory_space<semaphore_mem>>) src(%dma_wait3A_58 : memref<8080xi32, #tpu.memory_space<hbm>>) dst(%dma_wait3A_57 : memref<8080xi32, #tpu.memory_space<vmem>>)
        tpu.yield
      }) : () -> ()
      %add3A_37 = arith.constant 800000 : i32
      %add3A_38 = arith.addi %add3A_37, %mul3A_4 : i32
      %add3A_39 = arith.constant 16672 : i32
      %add3A_40 = arith.addi %add3A_38, %add3A_39 : i32
      "tpu.region"() ({
        %run_scoped3A = tpu.sem_alloc : memref<!tpu.dma_semaphore, #tpu.memory_space<semaphore_mem>>
        %dma_start3A = arith.constant 0 : i32
        %dma_start3A_49 = tpu.memref_slice %arg9[%dma_start3A] : memref<8336xi32, #tpu.memory_space<vmem>> -> memref<8080xi32, #tpu.memory_space<vmem>>
        %dma_start3A_50 = tpu.memref_slice %arg2[%add3A_40] : memref<1600000xi32, #tpu.memory_space<hbm>> -> memref<8080xi32, #tpu.memory_space<hbm>>
        %dma_start3A_51 = arith.constant 0 : i32
        %dma_start3A_52 = tpu.memref_slice %arg9[%dma_start3A_51] : memref<8336xi32, #tpu.memory_space<vmem>> -> memref<8080xi32, #tpu.memory_space<vmem>>
        %dma_start3A_53 = tpu.memref_slice %arg2[%add3A_40] : memref<1600000xi32, #tpu.memory_space<hbm>> -> memref<8080xi32, #tpu.memory_space<hbm>>
        tpu.enqueue_dma source(%dma_start3A_53 : memref<8080xi32, #tpu.memory_space<hbm>>) target(%dma_start3A_52 : memref<8080xi32, #tpu.memory_space<vmem>>) target_semaphore(%run_scoped3A : memref<!tpu.dma_semaphore, #tpu.memory_space<semaphore_mem>>)
        %dma_wait3A = arith.constant 0 : i32
        %dma_wait3A_54 = tpu.memref_slice %arg9[%dma_wait3A] : memref<8336xi32, #tpu.memory_space<vmem>> -> memref<8080xi32, #tpu.memory_space<vmem>>
        %dma_wait3A_55 = tpu.memref_slice %arg2[%add3A_40] : memref<1600000xi32, #tpu.memory_space<hbm>> -> memref<8080xi32, #tpu.memory_space<hbm>>
        %dma_wait3A_56 = arith.constant 0 : i32
        %dma_wait3A_57 = tpu.memref_slice %arg9[%dma_wait3A_56] : memref<8336xi32, #tpu.memory_space<vmem>> -> memref<8080xi32, #tpu.memory_space<vmem>>
        %dma_wait3A_58 = tpu.memref_slice %arg2[%add3A_40] : memref<1600000xi32, #tpu.memory_space<hbm>> -> memref<8080xi32, #tpu.memory_space<hbm>>
        tpu.wait_dma2 semaphore(%run_scoped3A : memref<!tpu.dma_semaphore, #tpu.memory_space<semaphore_mem>>) src(%dma_wait3A_58 : memref<8080xi32, #tpu.memory_space<hbm>>) dst(%dma_wait3A_57 : memref<8080xi32, #tpu.memory_space<vmem>>)
        tpu.yield
      }) : () -> ()
      %parallel_loop3A_41 = arith.constant 0 : i32
      %parallel_loop3A_42 = arith.constant 8080 : i32
      %parallel_loop3A_43 = arith.constant 16 : i32
      scf.for %parallel_loop3A_49 = %parallel_loop3A_41 to %parallel_loop3A_42 step %parallel_loop3A_43  : i32 {
        %parallel_loop3A_50 = arith.index_cast %parallel_loop3A_49 : i32 to index
        %parallel_loop3A_51 = tpu.vector_load %arg8[%parallel_loop3A_50] {strides = array<i32>} : memref<8336xi32, #tpu.memory_space<vmem>>, vector<16xi32>,
        %parallel_loop3A_52 = arith.index_cast %parallel_loop3A_49 : i32 to index
        %parallel_loop3A_53 = tpu.vector_load %arg9[%parallel_loop3A_52] {strides = array<i32>} : memref<8336xi32, #tpu.memory_space<vmem>>, vector<16xi32>,
        %parallel_loop3A_54 = arith.constant 16 : i32
        %parallel_loop3A_55 = vector.broadcast %parallel_loop3A_54 : i32 to vector<16xi32>
        %parallel_loop3A_56 = arith.shli %parallel_loop3A_51, %parallel_loop3A_55 : vector<16xi32>
        %parallel_loop3A_57 = arith.ori %parallel_loop3A_56, %parallel_loop3A_53 : vector<16xi32>
        %parallel_loop3A_58 = arith.index_cast %parallel_loop3A_49 : i32 to index
        %parallel_loop3A_59 = tpu.vector_load %arg10[%parallel_loop3A_58] {strides = array<i32>} : memref<8336xi32, #tpu.memory_space<vmem>>, vector<16xi32>,
        tpu.vector_store %arg10[%parallel_loop3A_58], %parallel_loop3A_57 {strides = array<i32>} : memref<8336xi32, #tpu.memory_space<vmem>>, vector<16xi32>,
        %parallel_loop3A_60 = tpu.vector_load_idx %arg6[%parallel_loop3A_53] : memref<51200xf32, #tpu.memory_space<vmem>>[vector<16xi32>], vector<16xf32>,
        tpu.vector_store_idx %arg7[%parallel_loop3A_51], %parallel_loop3A_60 {add = true} : memref<51200xf32, #tpu.memory_space<vmem>>[vector<16xi32>], vector<16xf32>,
      } {sc.loop_unroll_factor = 8 : i64, sc.parallel_access}
      %add3A_44 = arith.constant 16672 : i32
      %add3A_45 = arith.addi %mul3A_4, %add3A_44 : i32
      "tpu.region"() ({
        %run_scoped3A = tpu.sem_alloc : memref<!tpu.dma_semaphore, #tpu.memory_space<semaphore_mem>>
        %dma_start3A = arith.constant 0 : i32
        %dma_start3A_49 = tpu.memref_slice %arg10[%dma_start3A] : memref<8336xi32, #tpu.memory_space<vmem>> -> memref<8080xi32, #tpu.memory_space<vmem>>
        %dma_start3A_50 = tpu.memref_slice %arg4[%add3A_45] : memref<800256xi32, #tpu.memory_space<hbm>> -> memref<8080xi32, #tpu.memory_space<hbm>>
        %dma_start3A_51 = tpu.memref_slice %arg4[%add3A_45] : memref<800256xi32, #tpu.memory_space<hbm>> -> memref<8080xi32, #tpu.memory_space<hbm>>
        %dma_start3A_52 = arith.constant 0 : i32
        %dma_start3A_53 = tpu.memref_slice %arg10[%dma_start3A_52] : memref<8336xi32, #tpu.memory_space<vmem>> -> memref<8080xi32, #tpu.memory_space<vmem>>
        tpu.enqueue_dma source(%dma_start3A_53 : memref<8080xi32, #tpu.memory_space<vmem>>) target(%dma_start3A_51 : memref<8080xi32, #tpu.memory_space<hbm>>) target_semaphore(%run_scoped3A : memref<!tpu.dma_semaphore, #tpu.memory_space<semaphore_mem>>)
        %dma_wait3A = arith.constant 0 : i32
        %dma_wait3A_54 = tpu.memref_slice %arg10[%dma_wait3A] : memref<8336xi32, #tpu.memory_space<vmem>> -> memref<8080xi32, #tpu.memory_space<vmem>>
        %dma_wait3A_55 = tpu.memref_slice %arg4[%add3A_45] : memref<800256xi32, #tpu.memory_space<hbm>> -> memref<8080xi32, #tpu.memory_space<hbm>>
        %dma_wait3A_56 = tpu.memref_slice %arg4[%add3A_45] : memref<800256xi32, #tpu.memory_space<hbm>> -> memref<8080xi32, #tpu.memory_space<hbm>>
        %dma_wait3A_57 = arith.constant 0 : i32
        %dma_wait3A_58 = tpu.memref_slice %arg10[%dma_wait3A_57] : memref<8336xi32, #tpu.memory_space<vmem>> -> memref<8080xi32, #tpu.memory_space<vmem>>
        tpu.wait_dma2 semaphore(%run_scoped3A : memref<!tpu.dma_semaphore, #tpu.memory_space<semaphore_mem>>) src(%dma_wait3A_58 : memref<8080xi32, #tpu.memory_space<vmem>>) dst(%dma_wait3A_56 : memref<8080xi32, #tpu.memory_space<hbm>>)
        tpu.yield
      }) : () -> ()
      %parallel_loop3A_46 = arith.constant 0 : i32
      %parallel_loop3A_47 = arith.constant 256 : i32
      %parallel_loop3A_48 = arith.constant 16 : i32
      scf.for %parallel_loop3A_49 = %parallel_loop3A_46 to %parallel_loop3A_47 step %parallel_loop3A_48  : i32 {
        %parallel_loop3A_50 = arith.constant -1018167296 : i32
        %parallel_loop3A_51 = vector.broadcast %parallel_loop3A_50 : i32 to vector<16xi32>
        %parallel_loop3A_52 = arith.index_cast %parallel_loop3A_49 : i32 to index
        %parallel_loop3A_53 = tpu.vector_load %arg10[%parallel_loop3A_52] {strides = array<i32>} : memref<8336xi32, #tpu.memory_space<vmem>>, vector<16xi32>,
        tpu.vector_store %arg10[%parallel_loop3A_52], %parallel_loop3A_51 {strides = array<i32>} : memref<8336xi32, #tpu.memory_space<vmem>>, vector<16xi32>,
      } {sc.loop_unroll_factor = 8 : i64, sc.parallel_access}
      "tpu.region"() ({
        %run_scoped3A = tpu.sem_alloc : memref<!tpu.dma_semaphore, #tpu.memory_space<semaphore_mem>>
        %dma_start3A = arith.constant 0 : i32
        %dma_start3A_49 = tpu.memref_slice %arg10[%dma_start3A] : memref<8336xi32, #tpu.memory_space<vmem>> -> memref<256xi32, #tpu.memory_space<vmem>>
        %dma_start3A_50 = arith.constant 800000 : i32
        %dma_start3A_51 = tpu.memref_slice %arg4[%dma_start3A_50] : memref<800256xi32, #tpu.memory_space<hbm>> -> memref<256xi32, #tpu.memory_space<hbm>>
        %dma_start3A_52 = arith.constant 800000 : i32
        %dma_start3A_53 = tpu.memref_slice %arg4[%dma_start3A_52] : memref<800256xi32, #tpu.memory_space<hbm>> -> memref<256xi32, #tpu.memory_space<hbm>>
        %dma_start3A_54 = arith.constant 0 : i32
        %dma_start3A_55 = tpu.memref_slice %arg10[%dma_start3A_54] : memref<8336xi32, #tpu.memory_space<vmem>> -> memref<256xi32, #tpu.memory_space<vmem>>
        tpu.enqueue_dma source(%dma_start3A_55 : memref<256xi32, #tpu.memory_space<vmem>>) target(%dma_start3A_53 : memref<256xi32, #tpu.memory_space<hbm>>) target_semaphore(%run_scoped3A : memref<!tpu.dma_semaphore, #tpu.memory_space<semaphore_mem>>)
        %dma_wait3A = arith.constant 0 : i32
        %dma_wait3A_56 = tpu.memref_slice %arg10[%dma_wait3A] : memref<8336xi32, #tpu.memory_space<vmem>> -> memref<256xi32, #tpu.memory_space<vmem>>
        %dma_wait3A_57 = arith.constant 800000 : i32
        %dma_wait3A_58 = tpu.memref_slice %arg4[%dma_wait3A_57] : memref<800256xi32, #tpu.memory_space<hbm>> -> memref<256xi32, #tpu.memory_space<hbm>>
        %dma_wait3A_59 = arith.constant 800000 : i32
        %dma_wait3A_60 = tpu.memref_slice %arg4[%dma_wait3A_59] : memref<800256xi32, #tpu.memory_space<hbm>> -> memref<256xi32, #tpu.memory_space<hbm>>
        %dma_wait3A_61 = arith.constant 0 : i32
        %dma_wait3A_62 = tpu.memref_slice %arg10[%dma_wait3A_61] : memref<8336xi32, #tpu.memory_space<vmem>> -> memref<256xi32, #tpu.memory_space<vmem>>
        tpu.wait_dma2 semaphore(%run_scoped3A : memref<!tpu.dma_semaphore, #tpu.memory_space<semaphore_mem>>) src(%dma_wait3A_62 : memref<256xi32, #tpu.memory_space<vmem>>) dst(%dma_wait3A_60 : memref<256xi32, #tpu.memory_space<hbm>>)
        tpu.yield
      }) : () -> ()
    } else {
    }
    %mul3A_11 = arith.constant 51200 : i32
    %mul3A_12 = arith.muli %add3A, %mul3A_11 : i32
    "tpu.region"() ({
      %run_scoped3A = tpu.sem_alloc : memref<!tpu.dma_semaphore, #tpu.memory_space<semaphore_mem>>
      %dma_start3A = tpu.memref_slice %arg5[%mul3A_12] : memref<1638400xf32, #tpu.memory_space<hbm>> -> memref<51200xf32, #tpu.memory_space<hbm>>
      %dma_start3A_13 = tpu.memref_slice %arg5[%mul3A_12] : memref<1638400xf32, #tpu.memory_space<hbm>> -> memref<51200xf32, #tpu.memory_space<hbm>>
      tpu.enqueue_dma source(%arg7 : memref<51200xf32, #tpu.memory_space<vmem>>) target(%dma_start3A_13 : memref<51200xf32, #tpu.memory_space<hbm>>) target_semaphore(%run_scoped3A : memref<!tpu.dma_semaphore, #tpu.memory_space<semaphore_mem>>)
      %dma_wait3A = tpu.memref_slice %arg5[%mul3A_12] : memref<1638400xf32, #tpu.memory_space<hbm>> -> memref<51200xf32, #tpu.memory_space<hbm>>
      %dma_wait3A_14 = tpu.memref_slice %arg5[%mul3A_12] : memref<1638400xf32, #tpu.memory_space<hbm>> -> memref<51200xf32, #tpu.memory_space<hbm>>
      tpu.wait_dma2 semaphore(%run_scoped3A : memref<!tpu.dma_semaphore, #tpu.memory_space<semaphore_mem>>) src(%arg7 : memref<51200xf32, #tpu.memory_space<vmem>>) dst(%dma_wait3A_14 : memref<51200xf32, #tpu.memory_space<hbm>>)
      tpu.yield
    }) : () -> ()
    return
  }
}

#map = affine_map<(d0, d1) -> (0)>
module attributes {stable_mosaic.version = 14 : i64} {
  func.func @body(%arg0: i32, %arg1: i32, %arg2: memref<3276800xf32, #tpu.memory_space<hbm>>, %arg3: memref<800256xi32, #tpu.memory_space<hbm>>, %arg4: memref<3276800xf32, #tpu.memory_space<hbm>>, %arg5: memref<51200xf32, #tpu.memory_space<vmem>>, %arg6: memref<51200xf32, #tpu.memory_space<vmem>>, %arg7: memref<8336xi32, #tpu.memory_space<vmem>>, %arg8: memref<8336xi32, #tpu.memory_space<vmem>>, %arg9: memref<!tpu.dma_semaphore, #tpu.memory_space<semaphore_mem>>, %arg10: memref<!tpu.dma_semaphore, #tpu.memory_space<semaphore_mem>>) attributes {dimension_semantics = [#tpu.dimension_semantics<core_parallel>, #tpu.dimension_semantics<subcore_parallel>], iteration_bounds = array<i64: 2, 16>, scalar_prefetch = 0 : i64, scratch_operands = 6 : i64, tpu.core_type = #tpu.core_type<sc_vector_subcore>, window_params = [{transform_indices = #map}, {transform_indices = #map}, {transform_indices = #map}]} {
    %mul3A = arith.constant 2 : i32
    %mul3A_0 = arith.muli %arg1, %mul3A : i32
    %add3A = arith.addi %mul3A_0, %arg0 : i32
    %add3A_1 = arith.constant 0 : i32
    %add3A_2 = arith.addi %add3A_1, %add3A : i32
    %mul3A_3 = arith.constant 51200 : i32
    %mul3A_4 = arith.muli %add3A_2, %mul3A_3 : i32
    "tpu.region"() ({
      %run_scoped3A = tpu.sem_alloc : memref<!tpu.dma_semaphore, #tpu.memory_space<semaphore_mem>>
      %dma_start3A_44 = tpu.memref_slice %arg2[%mul3A_4] : memref<3276800xf32, #tpu.memory_space<hbm>> -> memref<51200xf32, #tpu.memory_space<hbm>>
      %dma_start3A_45 = tpu.memref_slice %arg2[%mul3A_4] : memref<3276800xf32, #tpu.memory_space<hbm>> -> memref<51200xf32, #tpu.memory_space<hbm>>
      tpu.enqueue_dma source(%dma_start3A_45 : memref<51200xf32, #tpu.memory_space<hbm>>) target(%arg5 : memref<51200xf32, #tpu.memory_space<vmem>>) target_semaphore(%run_scoped3A : memref<!tpu.dma_semaphore, #tpu.memory_space<semaphore_mem>>)
      %dma_wait3A = tpu.memref_slice %arg2[%mul3A_4] : memref<3276800xf32, #tpu.memory_space<hbm>> -> memref<51200xf32, #tpu.memory_space<hbm>>
      %dma_wait3A_46 = tpu.memref_slice %arg2[%mul3A_4] : memref<3276800xf32, #tpu.memory_space<hbm>> -> memref<51200xf32, #tpu.memory_space<hbm>>
      tpu.wait_dma2 semaphore(%run_scoped3A : memref<!tpu.dma_semaphore, #tpu.memory_space<semaphore_mem>>) src(%dma_wait3A_46 : memref<51200xf32, #tpu.memory_space<hbm>>) dst(%arg5 : memref<51200xf32, #tpu.memory_space<vmem>>)
      tpu.yield
    }) : () -> ()
    %parallel_loop3A = arith.constant 0 : i32
    %parallel_loop3A_5 = arith.constant 51200 : i32
    %parallel_loop3A_6 = arith.constant 16 : i32
    scf.for %parallel_loop3A_44 = %parallel_loop3A to %parallel_loop3A_5 step %parallel_loop3A_6  : i32 {
      %parallel_loop3A_45 = arith.constant 0.000000e+00 : f32
      %parallel_loop3A_46 = vector.broadcast %parallel_loop3A_45 : f32 to vector<16xf32>
      %parallel_loop3A_47 = arith.index_cast %parallel_loop3A_44 : i32 to index
      %parallel_loop3A_48 = tpu.vector_load %arg6[%parallel_loop3A_47] {strides = array<i32>} : memref<51200xf32, #tpu.memory_space<vmem>>, vector<16xf32>,
      tpu.vector_store %arg6[%parallel_loop3A_47], %parallel_loop3A_46 {strides = array<i32>} : memref<51200xf32, #tpu.memory_space<vmem>>, vector<16xf32>,
    } {sc.loop_unroll_factor = 8 : i64, sc.parallel_access}
    %dma_start3A = arith.constant 0 : i32
    %dma_start3A_7 = tpu.memref_slice %arg3[%dma_start3A] : memref<800256xi32, #tpu.memory_space<hbm>> -> memref<8336xi32, #tpu.memory_space<hbm>>
    %dma_start3A_8 = arith.constant 0 : i32
    %dma_start3A_9 = tpu.memref_slice %arg3[%dma_start3A_8] : memref<800256xi32, #tpu.memory_space<hbm>> -> memref<8336xi32, #tpu.memory_space<hbm>>
    tpu.enqueue_dma source(%dma_start3A_9 : memref<8336xi32, #tpu.memory_space<hbm>>) target(%arg7 : memref<8336xi32, #tpu.memory_space<vmem>>) target_semaphore(%arg9 : memref<!tpu.dma_semaphore, #tpu.memory_space<semaphore_mem>>)
    %dma_start3A_10 = arith.constant 8336 : i32
    %dma_start3A_11 = tpu.memref_slice %arg3[%dma_start3A_10] : memref<800256xi32, #tpu.memory_space<hbm>> -> memref<8336xi32, #tpu.memory_space<hbm>>
    %dma_start3A_12 = arith.constant 8336 : i32
    %dma_start3A_13 = tpu.memref_slice %arg3[%dma_start3A_12] : memref<800256xi32, #tpu.memory_space<hbm>> -> memref<8336xi32, #tpu.memory_space<hbm>>
    tpu.enqueue_dma source(%dma_start3A_13 : memref<8336xi32, #tpu.memory_space<hbm>>) target(%arg8 : memref<8336xi32, #tpu.memory_space<vmem>>) target_semaphore(%arg10 : memref<!tpu.dma_semaphore, #tpu.memory_space<semaphore_mem>>)
    %scan3A = arith.constant 0 : i32
    %scan3A_14 = arith.constant 0 : i32
    %scan3A_15 = arith.constant 48 : i32
    %scan3A_16 = arith.addi %scan3A_14, %scan3A_15 : i32
    %scan3A_17 = arith.constant 1 : i32
    scf.for %scan3A_44 = %scan3A_14 to %scan3A_16 step %scan3A_17  : i32 {
      %mul3A_45 = arith.constant 2 : i32
      %mul3A_46 = arith.muli %scan3A_44, %mul3A_45 : i32
      %add3A_47 = arith.constant 0 : i32
      %add3A_48 = arith.addi %mul3A_46, %add3A_47 : i32
      %dma_wait3A = arith.constant 0 : i32
      %dma_wait3A_49 = tpu.memref_slice %arg3[%dma_wait3A] : memref<800256xi32, #tpu.memory_space<hbm>> -> memref<8336xi32, #tpu.memory_space<hbm>>
      %dma_wait3A_50 = arith.constant 0 : i32
      %dma_wait3A_51 = tpu.memref_slice %arg3[%dma_wait3A_50] : memref<800256xi32, #tpu.memory_space<hbm>> -> memref<8336xi32, #tpu.memory_space<hbm>>
      tpu.wait_dma2 semaphore(%arg9 : memref<!tpu.dma_semaphore, #tpu.memory_space<semaphore_mem>>) src(%dma_wait3A_51 : memref<8336xi32, #tpu.memory_space<hbm>>) dst(%arg7 : memref<8336xi32, #tpu.memory_space<vmem>>)
      %parallel_loop3A_52 = arith.constant 0 : i32
      %parallel_loop3A_53 = arith.constant 8336 : i32
      %parallel_loop3A_54 = arith.constant 16 : i32
      scf.for %parallel_loop3A_77 = %parallel_loop3A_52 to %parallel_loop3A_53 step %parallel_loop3A_54  : i32 {
        %parallel_loop3A_78 = arith.index_cast %parallel_loop3A_77 : i32 to index
        %parallel_loop3A_79 = tpu.vector_load %arg7[%parallel_loop3A_78] {strides = array<i32>} : memref<8336xi32, #tpu.memory_space<vmem>>, vector<16xi32>,
        %parallel_loop3A_80 = arith.constant 65535 : i32
        %parallel_loop3A_81 = vector.broadcast %parallel_loop3A_80 : i32 to vector<16xi32>
        %parallel_loop3A_82 = arith.andi %parallel_loop3A_79, %parallel_loop3A_81 : vector<16xi32>
        %parallel_loop3A_83 = arith.constant 16 : i32
        %parallel_loop3A_84 = vector.broadcast %parallel_loop3A_83 : i32 to vector<16xi32>
        %parallel_loop3A_85 = arith.shrui %parallel_loop3A_79, %parallel_loop3A_84 : vector<16xi32>
        %parallel_loop3A_86 = tpu.vector_load_idx %arg5[%parallel_loop3A_82] : memref<51200xf32, #tpu.memory_space<vmem>>[vector<16xi32>], vector<16xf32>,
        tpu.vector_store_idx %arg6[%parallel_loop3A_85], %parallel_loop3A_86 {add = true} : memref<51200xf32, #tpu.memory_space<vmem>>[vector<16xi32>], vector<16xf32>,
      } {sc.loop_unroll_factor = 8 : i64, sc.parallel_access}
      %add3A_55 = arith.constant 2 : i32
      %add3A_56 = arith.addi %add3A_48, %add3A_55 : i32
      %lt3A = arith.constant 96 : i32
      %lt3A_57 = arith.cmpi slt, %add3A_56, %lt3A : i32
      %convert_element_type3A = arith.extui %lt3A_57 : i1 to i32
      %cond3A = arith.constant 0 : i32
      %cond3A_58 = arith.cmpi ne, %convert_element_type3A, %cond3A : i32
      scf.if %cond3A_58 {
        %mul3A_77 = arith.constant 8336 : i32
        %mul3A_78 = arith.muli %add3A_56, %mul3A_77 : i32
        %dma_start3A_79 = tpu.memref_slice %arg3[%mul3A_78] : memref<800256xi32, #tpu.memory_space<hbm>> -> memref<8336xi32, #tpu.memory_space<hbm>>
        %dma_start3A_80 = tpu.memref_slice %arg3[%mul3A_78] : memref<800256xi32, #tpu.memory_space<hbm>> -> memref<8336xi32, #tpu.memory_space<hbm>>
        tpu.enqueue_dma source(%dma_start3A_80 : memref<8336xi32, #tpu.memory_space<hbm>>) target(%arg7 : memref<8336xi32, #tpu.memory_space<vmem>>) target_semaphore(%arg9 : memref<!tpu.dma_semaphore, #tpu.memory_space<semaphore_mem>>)
      } else {
      }
      %mul3A_59 = arith.constant 2 : i32
      %mul3A_60 = arith.muli %scan3A_44, %mul3A_59 : i32
      %add3A_61 = arith.constant 1 : i32
      %add3A_62 = arith.addi %mul3A_60, %add3A_61 : i32
      %dma_wait3A_63 = arith.constant 0 : i32
      %dma_wait3A_64 = tpu.memref_slice %arg3[%dma_wait3A_63] : memref<800256xi32, #tpu.memory_space<hbm>> -> memref<8336xi32, #tpu.memory_space<hbm>>
      %dma_wait3A_65 = arith.constant 0 : i32
      %dma_wait3A_66 = tpu.memref_slice %arg3[%dma_wait3A_65] : memref<800256xi32, #tpu.memory_space<hbm>> -> memref<8336xi32, #tpu.memory_space<hbm>>
      tpu.wait_dma2 semaphore(%arg10 : memref<!tpu.dma_semaphore, #tpu.memory_space<semaphore_mem>>) src(%dma_wait3A_66 : memref<8336xi32, #tpu.memory_space<hbm>>) dst(%arg8 : memref<8336xi32, #tpu.memory_space<vmem>>)
      %parallel_loop3A_67 = arith.constant 0 : i32
      %parallel_loop3A_68 = arith.constant 8336 : i32
      %parallel_loop3A_69 = arith.constant 16 : i32
      scf.for %parallel_loop3A_77 = %parallel_loop3A_67 to %parallel_loop3A_68 step %parallel_loop3A_69  : i32 {
        %parallel_loop3A_78 = arith.index_cast %parallel_loop3A_77 : i32 to index
        %parallel_loop3A_79 = tpu.vector_load %arg8[%parallel_loop3A_78] {strides = array<i32>} : memref<8336xi32, #tpu.memory_space<vmem>>, vector<16xi32>,
        %parallel_loop3A_80 = arith.constant 65535 : i32
        %parallel_loop3A_81 = vector.broadcast %parallel_loop3A_80 : i32 to vector<16xi32>
        %parallel_loop3A_82 = arith.andi %parallel_loop3A_79, %parallel_loop3A_81 : vector<16xi32>
        %parallel_loop3A_83 = arith.constant 16 : i32
        %parallel_loop3A_84 = vector.broadcast %parallel_loop3A_83 : i32 to vector<16xi32>
        %parallel_loop3A_85 = arith.shrui %parallel_loop3A_79, %parallel_loop3A_84 : vector<16xi32>
        %parallel_loop3A_86 = tpu.vector_load_idx %arg5[%parallel_loop3A_82] : memref<51200xf32, #tpu.memory_space<vmem>>[vector<16xi32>], vector<16xf32>,
        tpu.vector_store_idx %arg6[%parallel_loop3A_85], %parallel_loop3A_86 {add = true} : memref<51200xf32, #tpu.memory_space<vmem>>[vector<16xi32>], vector<16xf32>,
      } {sc.loop_unroll_factor = 8 : i64, sc.parallel_access}
      %add3A_70 = arith.constant 2 : i32
      %add3A_71 = arith.addi %add3A_62, %add3A_70 : i32
      %lt3A_72 = arith.constant 96 : i32
      %lt3A_73 = arith.cmpi slt, %add3A_71, %lt3A_72 : i32
      %convert_element_type3A_74 = arith.extui %lt3A_73 : i1 to i32
      %cond3A_75 = arith.constant 0 : i32
      %cond3A_76 = arith.cmpi ne, %convert_element_type3A_74, %cond3A_75 : i32
      scf.if %cond3A_76 {
        %mul3A_77 = arith.constant 8336 : i32
        %mul3A_78 = arith.muli %add3A_71, %mul3A_77 : i32
        %dma_start3A_79 = tpu.memref_slice %arg3[%mul3A_78] : memref<800256xi32, #tpu.memory_space<hbm>> -> memref<8336xi32, #tpu.memory_space<hbm>>
        %dma_start3A_80 = tpu.memref_slice %arg3[%mul3A_78] : memref<800256xi32, #tpu.memory_space<hbm>> -> memref<8336xi32, #tpu.memory_space<hbm>>
        tpu.enqueue_dma source(%dma_start3A_80 : memref<8336xi32, #tpu.memory_space<hbm>>) target(%arg8 : memref<8336xi32, #tpu.memory_space<vmem>>) target_semaphore(%arg10 : memref<!tpu.dma_semaphore, #tpu.memory_space<semaphore_mem>>)
      } else {
      }
    }
    %scan3A_18 = arith.constant 48 : i32
    %mul3A_19 = arith.constant 51200 : i32
    %mul3A_20 = arith.muli %add3A_2, %mul3A_19 : i32
    "tpu.region"() ({
      %run_scoped3A = tpu.sem_alloc : memref<!tpu.dma_semaphore, #tpu.memory_space<semaphore_mem>>
      %dma_start3A_44 = tpu.memref_slice %arg4[%mul3A_20] : memref<3276800xf32, #tpu.memory_space<hbm>> -> memref<51200xf32, #tpu.memory_space<hbm>>
      %dma_start3A_45 = tpu.memref_slice %arg4[%mul3A_20] : memref<3276800xf32, #tpu.memory_space<hbm>> -> memref<51200xf32, #tpu.memory_space<hbm>>
      tpu.enqueue_dma source(%arg6 : memref<51200xf32, #tpu.memory_space<vmem>>) target(%dma_start3A_45 : memref<51200xf32, #tpu.memory_space<hbm>>) target_semaphore(%run_scoped3A : memref<!tpu.dma_semaphore, #tpu.memory_space<semaphore_mem>>)
      %dma_wait3A = tpu.memref_slice %arg4[%mul3A_20] : memref<3276800xf32, #tpu.memory_space<hbm>> -> memref<51200xf32, #tpu.memory_space<hbm>>
      %dma_wait3A_46 = tpu.memref_slice %arg4[%mul3A_20] : memref<3276800xf32, #tpu.memory_space<hbm>> -> memref<51200xf32, #tpu.memory_space<hbm>>
      tpu.wait_dma2 semaphore(%run_scoped3A : memref<!tpu.dma_semaphore, #tpu.memory_space<semaphore_mem>>) src(%arg6 : memref<51200xf32, #tpu.memory_space<vmem>>) dst(%dma_wait3A_46 : memref<51200xf32, #tpu.memory_space<hbm>>)
      tpu.yield
    }) : () -> ()
    %add3A_21 = arith.constant 32 : i32
    %add3A_22 = arith.addi %add3A_21, %add3A : i32
    %mul3A_23 = arith.constant 51200 : i32
    %mul3A_24 = arith.muli %add3A_22, %mul3A_23 : i32
    "tpu.region"() ({
      %run_scoped3A = tpu.sem_alloc : memref<!tpu.dma_semaphore, #tpu.memory_space<semaphore_mem>>
      %dma_start3A_44 = tpu.memref_slice %arg2[%mul3A_24] : memref<3276800xf32, #tpu.memory_space<hbm>> -> memref<51200xf32, #tpu.memory_space<hbm>>
      %dma_start3A_45 = tpu.memref_slice %arg2[%mul3A_24] : memref<3276800xf32, #tpu.memory_space<hbm>> -> memref<51200xf32, #tpu.memory_space<hbm>>
      tpu.enqueue_dma source(%dma_start3A_45 : memref<51200xf32, #tpu.memory_space<hbm>>) target(%arg5 : memref<51200xf32, #tpu.memory_space<vmem>>) target_semaphore(%run_scoped3A : memref<!tpu.dma_semaphore, #tpu.memory_space<semaphore_mem>>)
      %dma_wait3A = tpu.memref_slice %arg2[%mul3A_24] : memref<3276800xf32, #tpu.memory_space<hbm>> -> memref<51200xf32, #tpu.memory_space<hbm>>
      %dma_wait3A_46 = tpu.memref_slice %arg2[%mul3A_24] : memref<3276800xf32, #tpu.memory_space<hbm>> -> memref<51200xf32, #tpu.memory_space<hbm>>
      tpu.wait_dma2 semaphore(%run_scoped3A : memref<!tpu.dma_semaphore, #tpu.memory_space<semaphore_mem>>) src(%dma_wait3A_46 : memref<51200xf32, #tpu.memory_space<hbm>>) dst(%arg5 : memref<51200xf32, #tpu.memory_space<vmem>>)
      tpu.yield
    }) : () -> ()
    %parallel_loop3A_25 = arith.constant 0 : i32
    %parallel_loop3A_26 = arith.constant 51200 : i32
    %parallel_loop3A_27 = arith.constant 16 : i32
    scf.for %parallel_loop3A_44 = %parallel_loop3A_25 to %parallel_loop3A_26 step %parallel_loop3A_27  : i32 {
      %parallel_loop3A_45 = arith.constant 0.000000e+00 : f32
      %parallel_loop3A_46 = vector.broadcast %parallel_loop3A_45 : f32 to vector<16xf32>
      %parallel_loop3A_47 = arith.index_cast %parallel_loop3A_44 : i32 to index
      %parallel_loop3A_48 = tpu.vector_load %arg6[%parallel_loop3A_47] {strides = array<i32>} : memref<51200xf32, #tpu.memory_space<vmem>>, vector<16xf32>,
      tpu.vector_store %arg6[%parallel_loop3A_47], %parallel_loop3A_46 {strides = array<i32>} : memref<51200xf32, #tpu.memory_space<vmem>>, vector<16xf32>,
    } {sc.loop_unroll_factor = 8 : i64, sc.parallel_access}
    %dma_start3A_28 = arith.constant 0 : i32
    %dma_start3A_29 = tpu.memref_slice %arg3[%dma_start3A_28] : memref<800256xi32, #tpu.memory_space<hbm>> -> memref<8336xi32, #tpu.memory_space<hbm>>
    %dma_start3A_30 = arith.constant 0 : i32
    %dma_start3A_31 = tpu.memref_slice %arg3[%dma_start3A_30] : memref<800256xi32, #tpu.memory_space<hbm>> -> memref<8336xi32, #tpu.memory_space<hbm>>
    tpu.enqueue_dma source(%dma_start3A_31 : memref<8336xi32, #tpu.memory_space<hbm>>) target(%arg7 : memref<8336xi32, #tpu.memory_space<vmem>>) target_semaphore(%arg9 : memref<!tpu.dma_semaphore, #tpu.memory_space<semaphore_mem>>)
    %dma_start3A_32 = arith.constant 8336 : i32
    %dma_start3A_33 = tpu.memref_slice %arg3[%dma_start3A_32] : memref<800256xi32, #tpu.memory_space<hbm>> -> memref<8336xi32, #tpu.memory_space<hbm>>
    %dma_start3A_34 = arith.constant 8336 : i32
    %dma_start3A_35 = tpu.memref_slice %arg3[%dma_start3A_34] : memref<800256xi32, #tpu.memory_space<hbm>> -> memref<8336xi32, #tpu.memory_space<hbm>>
    tpu.enqueue_dma source(%dma_start3A_35 : memref<8336xi32, #tpu.memory_space<hbm>>) target(%arg8 : memref<8336xi32, #tpu.memory_space<vmem>>) target_semaphore(%arg10 : memref<!tpu.dma_semaphore, #tpu.memory_space<semaphore_mem>>)
    %scan3A_36 = arith.constant 0 : i32
    %scan3A_37 = arith.constant 0 : i32
    %scan3A_38 = arith.constant 48 : i32
    %scan3A_39 = arith.addi %scan3A_37, %scan3A_38 : i32
    %scan3A_40 = arith.constant 1 : i32
    scf.for %scan3A_44 = %scan3A_37 to %scan3A_39 step %scan3A_40  : i32 {
      %mul3A_45 = arith.constant 2 : i32
      %mul3A_46 = arith.muli %scan3A_44, %mul3A_45 : i32
      %add3A_47 = arith.constant 0 : i32
      %add3A_48 = arith.addi %mul3A_46, %add3A_47 : i32
      %dma_wait3A = arith.constant 0 : i32
      %dma_wait3A_49 = tpu.memref_slice %arg3[%dma_wait3A] : memref<800256xi32, #tpu.memory_space<hbm>> -> memref<8336xi32, #tpu.memory_space<hbm>>
      %dma_wait3A_50 = arith.constant 0 : i32
      %dma_wait3A_51 = tpu.memref_slice %arg3[%dma_wait3A_50] : memref<800256xi32, #tpu.memory_space<hbm>> -> memref<8336xi32, #tpu.memory_space<hbm>>
      tpu.wait_dma2 semaphore(%arg9 : memref<!tpu.dma_semaphore, #tpu.memory_space<semaphore_mem>>) src(%dma_wait3A_51 : memref<8336xi32, #tpu.memory_space<hbm>>) dst(%arg7 : memref<8336xi32, #tpu.memory_space<vmem>>)
      %parallel_loop3A_52 = arith.constant 0 : i32
      %parallel_loop3A_53 = arith.constant 8336 : i32
      %parallel_loop3A_54 = arith.constant 16 : i32
      scf.for %parallel_loop3A_77 = %parallel_loop3A_52 to %parallel_loop3A_53 step %parallel_loop3A_54  : i32 {
        %parallel_loop3A_78 = arith.index_cast %parallel_loop3A_77 : i32 to index
        %parallel_loop3A_79 = tpu.vector_load %arg7[%parallel_loop3A_78] {strides = array<i32>} : memref<8336xi32, #tpu.memory_space<vmem>>, vector<16xi32>,
        %parallel_loop3A_80 = arith.constant 65535 : i32
        %parallel_loop3A_81 = vector.broadcast %parallel_loop3A_80 : i32 to vector<16xi32>
        %parallel_loop3A_82 = arith.andi %parallel_loop3A_79, %parallel_loop3A_81 : vector<16xi32>
        %parallel_loop3A_83 = arith.constant 16 : i32
        %parallel_loop3A_84 = vector.broadcast %parallel_loop3A_83 : i32 to vector<16xi32>
        %parallel_loop3A_85 = arith.shrui %parallel_loop3A_79, %parallel_loop3A_84 : vector<16xi32>
        %parallel_loop3A_86 = tpu.vector_load_idx %arg5[%parallel_loop3A_82] : memref<51200xf32, #tpu.memory_space<vmem>>[vector<16xi32>], vector<16xf32>,
        tpu.vector_store_idx %arg6[%parallel_loop3A_85], %parallel_loop3A_86 {add = true} : memref<51200xf32, #tpu.memory_space<vmem>>[vector<16xi32>], vector<16xf32>,
      } {sc.loop_unroll_factor = 8 : i64, sc.parallel_access}
      %add3A_55 = arith.constant 2 : i32
      %add3A_56 = arith.addi %add3A_48, %add3A_55 : i32
      %lt3A = arith.constant 96 : i32
      %lt3A_57 = arith.cmpi slt, %add3A_56, %lt3A : i32
      %convert_element_type3A = arith.extui %lt3A_57 : i1 to i32
      %cond3A = arith.constant 0 : i32
      %cond3A_58 = arith.cmpi ne, %convert_element_type3A, %cond3A : i32
      scf.if %cond3A_58 {
        %mul3A_77 = arith.constant 8336 : i32
        %mul3A_78 = arith.muli %add3A_56, %mul3A_77 : i32
        %dma_start3A_79 = tpu.memref_slice %arg3[%mul3A_78] : memref<800256xi32, #tpu.memory_space<hbm>> -> memref<8336xi32, #tpu.memory_space<hbm>>
        %dma_start3A_80 = tpu.memref_slice %arg3[%mul3A_78] : memref<800256xi32, #tpu.memory_space<hbm>> -> memref<8336xi32, #tpu.memory_space<hbm>>
        tpu.enqueue_dma source(%dma_start3A_80 : memref<8336xi32, #tpu.memory_space<hbm>>) target(%arg7 : memref<8336xi32, #tpu.memory_space<vmem>>) target_semaphore(%arg9 : memref<!tpu.dma_semaphore, #tpu.memory_space<semaphore_mem>>)
      } else {
      }
      %mul3A_59 = arith.constant 2 : i32
      %mul3A_60 = arith.muli %scan3A_44, %mul3A_59 : i32
      %add3A_61 = arith.constant 1 : i32
      %add3A_62 = arith.addi %mul3A_60, %add3A_61 : i32
      %dma_wait3A_63 = arith.constant 0 : i32
      %dma_wait3A_64 = tpu.memref_slice %arg3[%dma_wait3A_63] : memref<800256xi32, #tpu.memory_space<hbm>> -> memref<8336xi32, #tpu.memory_space<hbm>>
      %dma_wait3A_65 = arith.constant 0 : i32
      %dma_wait3A_66 = tpu.memref_slice %arg3[%dma_wait3A_65] : memref<800256xi32, #tpu.memory_space<hbm>> -> memref<8336xi32, #tpu.memory_space<hbm>>
      tpu.wait_dma2 semaphore(%arg10 : memref<!tpu.dma_semaphore, #tpu.memory_space<semaphore_mem>>) src(%dma_wait3A_66 : memref<8336xi32, #tpu.memory_space<hbm>>) dst(%arg8 : memref<8336xi32, #tpu.memory_space<vmem>>)
      %parallel_loop3A_67 = arith.constant 0 : i32
      %parallel_loop3A_68 = arith.constant 8336 : i32
      %parallel_loop3A_69 = arith.constant 16 : i32
      scf.for %parallel_loop3A_77 = %parallel_loop3A_67 to %parallel_loop3A_68 step %parallel_loop3A_69  : i32 {
        %parallel_loop3A_78 = arith.index_cast %parallel_loop3A_77 : i32 to index
        %parallel_loop3A_79 = tpu.vector_load %arg8[%parallel_loop3A_78] {strides = array<i32>} : memref<8336xi32, #tpu.memory_space<vmem>>, vector<16xi32>,
        %parallel_loop3A_80 = arith.constant 65535 : i32
        %parallel_loop3A_81 = vector.broadcast %parallel_loop3A_80 : i32 to vector<16xi32>
        %parallel_loop3A_82 = arith.andi %parallel_loop3A_79, %parallel_loop3A_81 : vector<16xi32>
        %parallel_loop3A_83 = arith.constant 16 : i32
        %parallel_loop3A_84 = vector.broadcast %parallel_loop3A_83 : i32 to vector<16xi32>
        %parallel_loop3A_85 = arith.shrui %parallel_loop3A_79, %parallel_loop3A_84 : vector<16xi32>
        %parallel_loop3A_86 = tpu.vector_load_idx %arg5[%parallel_loop3A_82] : memref<51200xf32, #tpu.memory_space<vmem>>[vector<16xi32>], vector<16xf32>,
        tpu.vector_store_idx %arg6[%parallel_loop3A_85], %parallel_loop3A_86 {add = true} : memref<51200xf32, #tpu.memory_space<vmem>>[vector<16xi32>], vector<16xf32>,
      } {sc.loop_unroll_factor = 8 : i64, sc.parallel_access}
      %add3A_70 = arith.constant 2 : i32
      %add3A_71 = arith.addi %add3A_62, %add3A_70 : i32
      %lt3A_72 = arith.constant 96 : i32
      %lt3A_73 = arith.cmpi slt, %add3A_71, %lt3A_72 : i32
      %convert_element_type3A_74 = arith.extui %lt3A_73 : i1 to i32
      %cond3A_75 = arith.constant 0 : i32
      %cond3A_76 = arith.cmpi ne, %convert_element_type3A_74, %cond3A_75 : i32
      scf.if %cond3A_76 {
        %mul3A_77 = arith.constant 8336 : i32
        %mul3A_78 = arith.muli %add3A_71, %mul3A_77 : i32
        %dma_start3A_79 = tpu.memref_slice %arg3[%mul3A_78] : memref<800256xi32, #tpu.memory_space<hbm>> -> memref<8336xi32, #tpu.memory_space<hbm>>
        %dma_start3A_80 = tpu.memref_slice %arg3[%mul3A_78] : memref<800256xi32, #tpu.memory_space<hbm>> -> memref<8336xi32, #tpu.memory_space<hbm>>
        tpu.enqueue_dma source(%dma_start3A_80 : memref<8336xi32, #tpu.memory_space<hbm>>) target(%arg8 : memref<8336xi32, #tpu.memory_space<vmem>>) target_semaphore(%arg10 : memref<!tpu.dma_semaphore, #tpu.memory_space<semaphore_mem>>)
      } else {
      }
    }
    %scan3A_41 = arith.constant 48 : i32
    %mul3A_42 = arith.constant 51200 : i32
    %mul3A_43 = arith.muli %add3A_22, %mul3A_42 : i32
    "tpu.region"() ({
      %run_scoped3A = tpu.sem_alloc : memref<!tpu.dma_semaphore, #tpu.memory_space<semaphore_mem>>
      %dma_start3A_44 = tpu.memref_slice %arg4[%mul3A_43] : memref<3276800xf32, #tpu.memory_space<hbm>> -> memref<51200xf32, #tpu.memory_space<hbm>>
      %dma_start3A_45 = tpu.memref_slice %arg4[%mul3A_43] : memref<3276800xf32, #tpu.memory_space<hbm>> -> memref<51200xf32, #tpu.memory_space<hbm>>
      tpu.enqueue_dma source(%arg6 : memref<51200xf32, #tpu.memory_space<vmem>>) target(%dma_start3A_45 : memref<51200xf32, #tpu.memory_space<hbm>>) target_semaphore(%run_scoped3A : memref<!tpu.dma_semaphore, #tpu.memory_space<semaphore_mem>>)
      %dma_wait3A = tpu.memref_slice %arg4[%mul3A_43] : memref<3276800xf32, #tpu.memory_space<hbm>> -> memref<51200xf32, #tpu.memory_space<hbm>>
      %dma_wait3A_46 = tpu.memref_slice %arg4[%mul3A_43] : memref<3276800xf32, #tpu.memory_space<hbm>> -> memref<51200xf32, #tpu.memory_space<hbm>>
      tpu.wait_dma2 semaphore(%run_scoped3A : memref<!tpu.dma_semaphore, #tpu.memory_space<semaphore_mem>>) src(%arg6 : memref<51200xf32, #tpu.memory_space<vmem>>) dst(%dma_wait3A_46 : memref<51200xf32, #tpu.memory_space<hbm>>)
      tpu.yield
    }) : () -> ()
    return
  }
}

#map = affine_map<(d0, d1) -> (0)>
module attributes {stable_mosaic.version = 14 : i64} {
  func.func @body(%arg0: i32, %arg1: i32, %arg2: memref<3276800xf32, #tpu.memory_space<hbm>>, %arg3: memref<800256xi32, #tpu.memory_space<hbm>>, %arg4: memref<3276800xf32, #tpu.memory_space<hbm>>, %arg5: memref<51200xf32, #tpu.memory_space<vmem>>, %arg6: memref<51200xf32, #tpu.memory_space<vmem>>, %arg7: memref<8336xi32, #tpu.memory_space<vmem>>, %arg8: memref<8336xi32, #tpu.memory_space<vmem>>, %arg9: memref<!tpu.dma_semaphore, #tpu.memory_space<semaphore_mem>>, %arg10: memref<!tpu.dma_semaphore, #tpu.memory_space<semaphore_mem>>) attributes {dimension_semantics = [#tpu.dimension_semantics<core_parallel>, #tpu.dimension_semantics<subcore_parallel>], iteration_bounds = array<i64: 2, 16>, scalar_prefetch = 0 : i64, scratch_operands = 6 : i64, tpu.core_type = #tpu.core_type<sc_vector_subcore>, window_params = [{transform_indices = #map}, {transform_indices = #map}, {transform_indices = #map}]} {
    %mul3A = arith.constant 2 : i32
    %mul3A_0 = arith.muli %arg1, %mul3A : i32
    %add3A = arith.addi %mul3A_0, %arg0 : i32
    %add3A_1 = arith.constant 0 : i32
    %add3A_2 = arith.addi %add3A_1, %add3A : i32
    %mul3A_3 = arith.constant 51200 : i32
    %mul3A_4 = arith.muli %add3A_2, %mul3A_3 : i32
    "tpu.region"() ({
      %run_scoped3A = tpu.sem_alloc : memref<!tpu.dma_semaphore, #tpu.memory_space<semaphore_mem>>
      %dma_start3A_44 = tpu.memref_slice %arg2[%mul3A_4] : memref<3276800xf32, #tpu.memory_space<hbm>> -> memref<51200xf32, #tpu.memory_space<hbm>>
      %dma_start3A_45 = tpu.memref_slice %arg2[%mul3A_4] : memref<3276800xf32, #tpu.memory_space<hbm>> -> memref<51200xf32, #tpu.memory_space<hbm>>
      tpu.enqueue_dma source(%dma_start3A_45 : memref<51200xf32, #tpu.memory_space<hbm>>) target(%arg5 : memref<51200xf32, #tpu.memory_space<vmem>>) target_semaphore(%run_scoped3A : memref<!tpu.dma_semaphore, #tpu.memory_space<semaphore_mem>>)
      %dma_wait3A = tpu.memref_slice %arg2[%mul3A_4] : memref<3276800xf32, #tpu.memory_space<hbm>> -> memref<51200xf32, #tpu.memory_space<hbm>>
      %dma_wait3A_46 = tpu.memref_slice %arg2[%mul3A_4] : memref<3276800xf32, #tpu.memory_space<hbm>> -> memref<51200xf32, #tpu.memory_space<hbm>>
      tpu.wait_dma2 semaphore(%run_scoped3A : memref<!tpu.dma_semaphore, #tpu.memory_space<semaphore_mem>>) src(%dma_wait3A_46 : memref<51200xf32, #tpu.memory_space<hbm>>) dst(%arg5 : memref<51200xf32, #tpu.memory_space<vmem>>)
      tpu.yield
    }) : () -> ()
    %parallel_loop3A = arith.constant 0 : i32
    %parallel_loop3A_5 = arith.constant 51200 : i32
    %parallel_loop3A_6 = arith.constant 16 : i32
    scf.for %parallel_loop3A_44 = %parallel_loop3A to %parallel_loop3A_5 step %parallel_loop3A_6  : i32 {
      %parallel_loop3A_45 = arith.constant 0.000000e+00 : f32
      %parallel_loop3A_46 = vector.broadcast %parallel_loop3A_45 : f32 to vector<16xf32>
      %parallel_loop3A_47 = arith.index_cast %parallel_loop3A_44 : i32 to index
      %parallel_loop3A_48 = tpu.vector_load %arg6[%parallel_loop3A_47] {strides = array<i32>} : memref<51200xf32, #tpu.memory_space<vmem>>, vector<16xf32>,
      tpu.vector_store %arg6[%parallel_loop3A_47], %parallel_loop3A_46 {strides = array<i32>} : memref<51200xf32, #tpu.memory_space<vmem>>, vector<16xf32>,
    } {sc.loop_unroll_factor = 8 : i64, sc.parallel_access}
    %dma_start3A = arith.constant 0 : i32
    %dma_start3A_7 = tpu.memref_slice %arg3[%dma_start3A] : memref<800256xi32, #tpu.memory_space<hbm>> -> memref<8336xi32, #tpu.memory_space<hbm>>
    %dma_start3A_8 = arith.constant 0 : i32
    %dma_start3A_9 = tpu.memref_slice %arg3[%dma_start3A_8] : memref<800256xi32, #tpu.memory_space<hbm>> -> memref<8336xi32, #tpu.memory_space<hbm>>
    tpu.enqueue_dma source(%dma_start3A_9 : memref<8336xi32, #tpu.memory_space<hbm>>) target(%arg7 : memref<8336xi32, #tpu.memory_space<vmem>>) target_semaphore(%arg9 : memref<!tpu.dma_semaphore, #tpu.memory_space<semaphore_mem>>)
    %dma_start3A_10 = arith.constant 8336 : i32
    %dma_start3A_11 = tpu.memref_slice %arg3[%dma_start3A_10] : memref<800256xi32, #tpu.memory_space<hbm>> -> memref<8336xi32, #tpu.memory_space<hbm>>
    %dma_start3A_12 = arith.constant 8336 : i32
    %dma_start3A_13 = tpu.memref_slice %arg3[%dma_start3A_12] : memref<800256xi32, #tpu.memory_space<hbm>> -> memref<8336xi32, #tpu.memory_space<hbm>>
    tpu.enqueue_dma source(%dma_start3A_13 : memref<8336xi32, #tpu.memory_space<hbm>>) target(%arg8 : memref<8336xi32, #tpu.memory_space<vmem>>) target_semaphore(%arg10 : memref<!tpu.dma_semaphore, #tpu.memory_space<semaphore_mem>>)
    %scan3A = arith.constant 0 : i32
    %scan3A_14 = arith.constant 0 : i32
    %scan3A_15 = arith.constant 48 : i32
    %scan3A_16 = arith.addi %scan3A_14, %scan3A_15 : i32
    %scan3A_17 = arith.constant 1 : i32
    scf.for %scan3A_44 = %scan3A_14 to %scan3A_16 step %scan3A_17  : i32 {
      %mul3A_45 = arith.constant 2 : i32
      %mul3A_46 = arith.muli %scan3A_44, %mul3A_45 : i32
      %add3A_47 = arith.constant 0 : i32
      %add3A_48 = arith.addi %mul3A_46, %add3A_47 : i32
      %dma_wait3A = arith.constant 0 : i32
      %dma_wait3A_49 = tpu.memref_slice %arg3[%dma_wait3A] : memref<800256xi32, #tpu.memory_space<hbm>> -> memref<8336xi32, #tpu.memory_space<hbm>>
      %dma_wait3A_50 = arith.constant 0 : i32
      %dma_wait3A_51 = tpu.memref_slice %arg3[%dma_wait3A_50] : memref<800256xi32, #tpu.memory_space<hbm>> -> memref<8336xi32, #tpu.memory_space<hbm>>
      tpu.wait_dma2 semaphore(%arg9 : memref<!tpu.dma_semaphore, #tpu.memory_space<semaphore_mem>>) src(%dma_wait3A_51 : memref<8336xi32, #tpu.memory_space<hbm>>) dst(%arg7 : memref<8336xi32, #tpu.memory_space<vmem>>)
      %parallel_loop3A_52 = arith.constant 0 : i32
      %parallel_loop3A_53 = arith.constant 8336 : i32
      %parallel_loop3A_54 = arith.constant 16 : i32
      scf.for %parallel_loop3A_77 = %parallel_loop3A_52 to %parallel_loop3A_53 step %parallel_loop3A_54  : i32 {
        %parallel_loop3A_78 = arith.index_cast %parallel_loop3A_77 : i32 to index
        %parallel_loop3A_79 = tpu.vector_load %arg7[%parallel_loop3A_78] {strides = array<i32>} : memref<8336xi32, #tpu.memory_space<vmem>>, vector<16xi32>,
        %parallel_loop3A_80 = arith.constant 65535 : i32
        %parallel_loop3A_81 = vector.broadcast %parallel_loop3A_80 : i32 to vector<16xi32>
        %parallel_loop3A_82 = arith.andi %parallel_loop3A_79, %parallel_loop3A_81 : vector<16xi32>
        %parallel_loop3A_83 = arith.constant 16 : i32
        %parallel_loop3A_84 = vector.broadcast %parallel_loop3A_83 : i32 to vector<16xi32>
        %parallel_loop3A_85 = arith.shrui %parallel_loop3A_79, %parallel_loop3A_84 : vector<16xi32>
        %parallel_loop3A_86 = tpu.vector_load_idx %arg5[%parallel_loop3A_82] : memref<51200xf32, #tpu.memory_space<vmem>>[vector<16xi32>], vector<16xf32>,
        tpu.vector_store_idx %arg6[%parallel_loop3A_85], %parallel_loop3A_86 {add = true} : memref<51200xf32, #tpu.memory_space<vmem>>[vector<16xi32>], vector<16xf32>,
      } {sc.loop_unroll_factor = 8 : i64, sc.parallel_access}
      %add3A_55 = arith.constant 2 : i32
      %add3A_56 = arith.addi %add3A_48, %add3A_55 : i32
      %lt3A = arith.constant 96 : i32
      %lt3A_57 = arith.cmpi slt, %add3A_56, %lt3A : i32
      %convert_element_type3A = arith.extui %lt3A_57 : i1 to i32
      %cond3A = arith.constant 0 : i32
      %cond3A_58 = arith.cmpi ne, %convert_element_type3A, %cond3A : i32
      scf.if %cond3A_58 {
        %mul3A_77 = arith.constant 8336 : i32
        %mul3A_78 = arith.muli %add3A_56, %mul3A_77 : i32
        %dma_start3A_79 = tpu.memref_slice %arg3[%mul3A_78] : memref<800256xi32, #tpu.memory_space<hbm>> -> memref<8336xi32, #tpu.memory_space<hbm>>
        %dma_start3A_80 = tpu.memref_slice %arg3[%mul3A_78] : memref<800256xi32, #tpu.memory_space<hbm>> -> memref<8336xi32, #tpu.memory_space<hbm>>
        tpu.enqueue_dma source(%dma_start3A_80 : memref<8336xi32, #tpu.memory_space<hbm>>) target(%arg7 : memref<8336xi32, #tpu.memory_space<vmem>>) target_semaphore(%arg9 : memref<!tpu.dma_semaphore, #tpu.memory_space<semaphore_mem>>)
      } else {
      }
      %mul3A_59 = arith.constant 2 : i32
      %mul3A_60 = arith.muli %scan3A_44, %mul3A_59 : i32
      %add3A_61 = arith.constant 1 : i32
      %add3A_62 = arith.addi %mul3A_60, %add3A_61 : i32
      %dma_wait3A_63 = arith.constant 0 : i32
      %dma_wait3A_64 = tpu.memref_slice %arg3[%dma_wait3A_63] : memref<800256xi32, #tpu.memory_space<hbm>> -> memref<8336xi32, #tpu.memory_space<hbm>>
      %dma_wait3A_65 = arith.constant 0 : i32
      %dma_wait3A_66 = tpu.memref_slice %arg3[%dma_wait3A_65] : memref<800256xi32, #tpu.memory_space<hbm>> -> memref<8336xi32, #tpu.memory_space<hbm>>
      tpu.wait_dma2 semaphore(%arg10 : memref<!tpu.dma_semaphore, #tpu.memory_space<semaphore_mem>>) src(%dma_wait3A_66 : memref<8336xi32, #tpu.memory_space<hbm>>) dst(%arg8 : memref<8336xi32, #tpu.memory_space<vmem>>)
      %parallel_loop3A_67 = arith.constant 0 : i32
      %parallel_loop3A_68 = arith.constant 8336 : i32
      %parallel_loop3A_69 = arith.constant 16 : i32
      scf.for %parallel_loop3A_77 = %parallel_loop3A_67 to %parallel_loop3A_68 step %parallel_loop3A_69  : i32 {
        %parallel_loop3A_78 = arith.index_cast %parallel_loop3A_77 : i32 to index
        %parallel_loop3A_79 = tpu.vector_load %arg8[%parallel_loop3A_78] {strides = array<i32>} : memref<8336xi32, #tpu.memory_space<vmem>>, vector<16xi32>,
        %parallel_loop3A_80 = arith.constant 65535 : i32
        %parallel_loop3A_81 = vector.broadcast %parallel_loop3A_80 : i32 to vector<16xi32>
        %parallel_loop3A_82 = arith.andi %parallel_loop3A_79, %parallel_loop3A_81 : vector<16xi32>
        %parallel_loop3A_83 = arith.constant 16 : i32
        %parallel_loop3A_84 = vector.broadcast %parallel_loop3A_83 : i32 to vector<16xi32>
        %parallel_loop3A_85 = arith.shrui %parallel_loop3A_79, %parallel_loop3A_84 : vector<16xi32>
        %parallel_loop3A_86 = tpu.vector_load_idx %arg5[%parallel_loop3A_82] : memref<51200xf32, #tpu.memory_space<vmem>>[vector<16xi32>], vector<16xf32>,
        tpu.vector_store_idx %arg6[%parallel_loop3A_85], %parallel_loop3A_86 {add = true} : memref<51200xf32, #tpu.memory_space<vmem>>[vector<16xi32>], vector<16xf32>,
      } {sc.loop_unroll_factor = 8 : i64, sc.parallel_access}
      %add3A_70 = arith.constant 2 : i32
      %add3A_71 = arith.addi %add3A_62, %add3A_70 : i32
      %lt3A_72 = arith.constant 96 : i32
      %lt3A_73 = arith.cmpi slt, %add3A_71, %lt3A_72 : i32
      %convert_element_type3A_74 = arith.extui %lt3A_73 : i1 to i32
      %cond3A_75 = arith.constant 0 : i32
      %cond3A_76 = arith.cmpi ne, %convert_element_type3A_74, %cond3A_75 : i32
      scf.if %cond3A_76 {
        %mul3A_77 = arith.constant 8336 : i32
        %mul3A_78 = arith.muli %add3A_71, %mul3A_77 : i32
        %dma_start3A_79 = tpu.memref_slice %arg3[%mul3A_78] : memref<800256xi32, #tpu.memory_space<hbm>> -> memref<8336xi32, #tpu.memory_space<hbm>>
        %dma_start3A_80 = tpu.memref_slice %arg3[%mul3A_78] : memref<800256xi32, #tpu.memory_space<hbm>> -> memref<8336xi32, #tpu.memory_space<hbm>>
        tpu.enqueue_dma source(%dma_start3A_80 : memref<8336xi32, #tpu.memory_space<hbm>>) target(%arg8 : memref<8336xi32, #tpu.memory_space<vmem>>) target_semaphore(%arg10 : memref<!tpu.dma_semaphore, #tpu.memory_space<semaphore_mem>>)
      } else {
      }
    }
    %scan3A_18 = arith.constant 48 : i32
    %mul3A_19 = arith.constant 51200 : i32
    %mul3A_20 = arith.muli %add3A_2, %mul3A_19 : i32
    "tpu.region"() ({
      %run_scoped3A = tpu.sem_alloc : memref<!tpu.dma_semaphore, #tpu.memory_space<semaphore_mem>>
      %dma_start3A_44 = tpu.memref_slice %arg4[%mul3A_20] : memref<3276800xf32, #tpu.memory_space<hbm>> -> memref<51200xf32, #tpu.memory_space<hbm>>
      %dma_start3A_45 = tpu.memref_slice %arg4[%mul3A_20] : memref<3276800xf32, #tpu.memory_space<hbm>> -> memref<51200xf32, #tpu.memory_space<hbm>>
      tpu.enqueue_dma source(%arg6 : memref<51200xf32, #tpu.memory_space<vmem>>) target(%dma_start3A_45 : memref<51200xf32, #tpu.memory_space<hbm>>) target_semaphore(%run_scoped3A : memref<!tpu.dma_semaphore, #tpu.memory_space<semaphore_mem>>)
      %dma_wait3A = tpu.memref_slice %arg4[%mul3A_20] : memref<3276800xf32, #tpu.memory_space<hbm>> -> memref<51200xf32, #tpu.memory_space<hbm>>
      %dma_wait3A_46 = tpu.memref_slice %arg4[%mul3A_20] : memref<3276800xf32, #tpu.memory_space<hbm>> -> memref<51200xf32, #tpu.memory_space<hbm>>
      tpu.wait_dma2 semaphore(%run_scoped3A : memref<!tpu.dma_semaphore, #tpu.memory_space<semaphore_mem>>) src(%arg6 : memref<51200xf32, #tpu.memory_space<vmem>>) dst(%dma_wait3A_46 : memref<51200xf32, #tpu.memory_space<hbm>>)
      tpu.yield
    }) : () -> ()
    %add3A_21 = arith.constant 32 : i32
    %add3A_22 = arith.addi %add3A_21, %add3A : i32
    %mul3A_23 = arith.constant 51200 : i32
    %mul3A_24 = arith.muli %add3A_22, %mul3A_23 : i32
    "tpu.region"() ({
      %run_scoped3A = tpu.sem_alloc : memref<!tpu.dma_semaphore, #tpu.memory_space<semaphore_mem>>
      %dma_start3A_44 = tpu.memref_slice %arg2[%mul3A_24] : memref<3276800xf32, #tpu.memory_space<hbm>> -> memref<51200xf32, #tpu.memory_space<hbm>>
      %dma_start3A_45 = tpu.memref_slice %arg2[%mul3A_24] : memref<3276800xf32, #tpu.memory_space<hbm>> -> memref<51200xf32, #tpu.memory_space<hbm>>
      tpu.enqueue_dma source(%dma_start3A_45 : memref<51200xf32, #tpu.memory_space<hbm>>) target(%arg5 : memref<51200xf32, #tpu.memory_space<vmem>>) target_semaphore(%run_scoped3A : memref<!tpu.dma_semaphore, #tpu.memory_space<semaphore_mem>>)
      %dma_wait3A = tpu.memref_slice %arg2[%mul3A_24] : memref<3276800xf32, #tpu.memory_space<hbm>> -> memref<51200xf32, #tpu.memory_space<hbm>>
      %dma_wait3A_46 = tpu.memref_slice %arg2[%mul3A_24] : memref<3276800xf32, #tpu.memory_space<hbm>> -> memref<51200xf32, #tpu.memory_space<hbm>>
      tpu.wait_dma2 semaphore(%run_scoped3A : memref<!tpu.dma_semaphore, #tpu.memory_space<semaphore_mem>>) src(%dma_wait3A_46 : memref<51200xf32, #tpu.memory_space<hbm>>) dst(%arg5 : memref<51200xf32, #tpu.memory_space<vmem>>)
      tpu.yield
    }) : () -> ()
    %parallel_loop3A_25 = arith.constant 0 : i32
    %parallel_loop3A_26 = arith.constant 51200 : i32
    %parallel_loop3A_27 = arith.constant 16 : i32
    scf.for %parallel_loop3A_44 = %parallel_loop3A_25 to %parallel_loop3A_26 step %parallel_loop3A_27  : i32 {
      %parallel_loop3A_45 = arith.constant 0.000000e+00 : f32
      %parallel_loop3A_46 = vector.broadcast %parallel_loop3A_45 : f32 to vector<16xf32>
      %parallel_loop3A_47 = arith.index_cast %parallel_loop3A_44 : i32 to index
      %parallel_loop3A_48 = tpu.vector_load %arg6[%parallel_loop3A_47] {strides = array<i32>} : memref<51200xf32, #tpu.memory_space<vmem>>, vector<16xf32>,
      tpu.vector_store %arg6[%parallel_loop3A_47], %parallel_loop3A_46 {strides = array<i32>} : memref<51200xf32, #tpu.memory_space<vmem>>, vector<16xf32>,
    } {sc.loop_unroll_factor = 8 : i64, sc.parallel_access}
    %dma_start3A_28 = arith.constant 0 : i32
    %dma_start3A_29 = tpu.memref_slice %arg3[%dma_start3A_28] : memref<800256xi32, #tpu.memory_space<hbm>> -> memref<8336xi32, #tpu.memory_space<hbm>>
    %dma_start3A_30 = arith.constant 0 : i32
    %dma_start3A_31 = tpu.memref_slice %arg3[%dma_start3A_30] : memref<800256xi32, #tpu.memory_space<hbm>> -> memref<8336xi32, #tpu.memory_space<hbm>>
    tpu.enqueue_dma source(%dma_start3A_31 : memref<8336xi32, #tpu.memory_space<hbm>>) target(%arg7 : memref<8336xi32, #tpu.memory_space<vmem>>) target_semaphore(%arg9 : memref<!tpu.dma_semaphore, #tpu.memory_space<semaphore_mem>>)
    %dma_start3A_32 = arith.constant 8336 : i32
    %dma_start3A_33 = tpu.memref_slice %arg3[%dma_start3A_32] : memref<800256xi32, #tpu.memory_space<hbm>> -> memref<8336xi32, #tpu.memory_space<hbm>>
    %dma_start3A_34 = arith.constant 8336 : i32
    %dma_start3A_35 = tpu.memref_slice %arg3[%dma_start3A_34] : memref<800256xi32, #tpu.memory_space<hbm>> -> memref<8336xi32, #tpu.memory_space<hbm>>
    tpu.enqueue_dma source(%dma_start3A_35 : memref<8336xi32, #tpu.memory_space<hbm>>) target(%arg8 : memref<8336xi32, #tpu.memory_space<vmem>>) target_semaphore(%arg10 : memref<!tpu.dma_semaphore, #tpu.memory_space<semaphore_mem>>)
    %scan3A_36 = arith.constant 0 : i32
    %scan3A_37 = arith.constant 0 : i32
    %scan3A_38 = arith.constant 48 : i32
    %scan3A_39 = arith.addi %scan3A_37, %scan3A_38 : i32
    %scan3A_40 = arith.constant 1 : i32
    scf.for %scan3A_44 = %scan3A_37 to %scan3A_39 step %scan3A_40  : i32 {
      %mul3A_45 = arith.constant 2 : i32
      %mul3A_46 = arith.muli %scan3A_44, %mul3A_45 : i32
      %add3A_47 = arith.constant 0 : i32
      %add3A_48 = arith.addi %mul3A_46, %add3A_47 : i32
      %dma_wait3A = arith.constant 0 : i32
      %dma_wait3A_49 = tpu.memref_slice %arg3[%dma_wait3A] : memref<800256xi32, #tpu.memory_space<hbm>> -> memref<8336xi32, #tpu.memory_space<hbm>>
      %dma_wait3A_50 = arith.constant 0 : i32
      %dma_wait3A_51 = tpu.memref_slice %arg3[%dma_wait3A_50] : memref<800256xi32, #tpu.memory_space<hbm>> -> memref<8336xi32, #tpu.memory_space<hbm>>
      tpu.wait_dma2 semaphore(%arg9 : memref<!tpu.dma_semaphore, #tpu.memory_space<semaphore_mem>>) src(%dma_wait3A_51 : memref<8336xi32, #tpu.memory_space<hbm>>) dst(%arg7 : memref<8336xi32, #tpu.memory_space<vmem>>)
      %parallel_loop3A_52 = arith.constant 0 : i32
      %parallel_loop3A_53 = arith.constant 8336 : i32
      %parallel_loop3A_54 = arith.constant 16 : i32
      scf.for %parallel_loop3A_77 = %parallel_loop3A_52 to %parallel_loop3A_53 step %parallel_loop3A_54  : i32 {
        %parallel_loop3A_78 = arith.index_cast %parallel_loop3A_77 : i32 to index
        %parallel_loop3A_79 = tpu.vector_load %arg7[%parallel_loop3A_78] {strides = array<i32>} : memref<8336xi32, #tpu.memory_space<vmem>>, vector<16xi32>,
        %parallel_loop3A_80 = arith.constant 65535 : i32
        %parallel_loop3A_81 = vector.broadcast %parallel_loop3A_80 : i32 to vector<16xi32>
        %parallel_loop3A_82 = arith.andi %parallel_loop3A_79, %parallel_loop3A_81 : vector<16xi32>
        %parallel_loop3A_83 = arith.constant 16 : i32
        %parallel_loop3A_84 = vector.broadcast %parallel_loop3A_83 : i32 to vector<16xi32>
        %parallel_loop3A_85 = arith.shrui %parallel_loop3A_79, %parallel_loop3A_84 : vector<16xi32>
        %parallel_loop3A_86 = tpu.vector_load_idx %arg5[%parallel_loop3A_82] : memref<51200xf32, #tpu.memory_space<vmem>>[vector<16xi32>], vector<16xf32>,
        tpu.vector_store_idx %arg6[%parallel_loop3A_85], %parallel_loop3A_86 {add = true} : memref<51200xf32, #tpu.memory_space<vmem>>[vector<16xi32>], vector<16xf32>,
      } {sc.loop_unroll_factor = 8 : i64, sc.parallel_access}
      %add3A_55 = arith.constant 2 : i32
      %add3A_56 = arith.addi %add3A_48, %add3A_55 : i32
      %lt3A = arith.constant 96 : i32
      %lt3A_57 = arith.cmpi slt, %add3A_56, %lt3A : i32
      %convert_element_type3A = arith.extui %lt3A_57 : i1 to i32
      %cond3A = arith.constant 0 : i32
      %cond3A_58 = arith.cmpi ne, %convert_element_type3A, %cond3A : i32
      scf.if %cond3A_58 {
        %mul3A_77 = arith.constant 8336 : i32
        %mul3A_78 = arith.muli %add3A_56, %mul3A_77 : i32
        %dma_start3A_79 = tpu.memref_slice %arg3[%mul3A_78] : memref<800256xi32, #tpu.memory_space<hbm>> -> memref<8336xi32, #tpu.memory_space<hbm>>
        %dma_start3A_80 = tpu.memref_slice %arg3[%mul3A_78] : memref<800256xi32, #tpu.memory_space<hbm>> -> memref<8336xi32, #tpu.memory_space<hbm>>
        tpu.enqueue_dma source(%dma_start3A_80 : memref<8336xi32, #tpu.memory_space<hbm>>) target(%arg7 : memref<8336xi32, #tpu.memory_space<vmem>>) target_semaphore(%arg9 : memref<!tpu.dma_semaphore, #tpu.memory_space<semaphore_mem>>)
      } else {
      }
      %mul3A_59 = arith.constant 2 : i32
      %mul3A_60 = arith.muli %scan3A_44, %mul3A_59 : i32
      %add3A_61 = arith.constant 1 : i32
      %add3A_62 = arith.addi %mul3A_60, %add3A_61 : i32
      %dma_wait3A_63 = arith.constant 0 : i32
      %dma_wait3A_64 = tpu.memref_slice %arg3[%dma_wait3A_63] : memref<800256xi32, #tpu.memory_space<hbm>> -> memref<8336xi32, #tpu.memory_space<hbm>>
      %dma_wait3A_65 = arith.constant 0 : i32
      %dma_wait3A_66 = tpu.memref_slice %arg3[%dma_wait3A_65] : memref<800256xi32, #tpu.memory_space<hbm>> -> memref<8336xi32, #tpu.memory_space<hbm>>
      tpu.wait_dma2 semaphore(%arg10 : memref<!tpu.dma_semaphore, #tpu.memory_space<semaphore_mem>>) src(%dma_wait3A_66 : memref<8336xi32, #tpu.memory_space<hbm>>) dst(%arg8 : memref<8336xi32, #tpu.memory_space<vmem>>)
      %parallel_loop3A_67 = arith.constant 0 : i32
      %parallel_loop3A_68 = arith.constant 8336 : i32
      %parallel_loop3A_69 = arith.constant 16 : i32
      scf.for %parallel_loop3A_77 = %parallel_loop3A_67 to %parallel_loop3A_68 step %parallel_loop3A_69  : i32 {
        %parallel_loop3A_78 = arith.index_cast %parallel_loop3A_77 : i32 to index
        %parallel_loop3A_79 = tpu.vector_load %arg8[%parallel_loop3A_78] {strides = array<i32>} : memref<8336xi32, #tpu.memory_space<vmem>>, vector<16xi32>,
        %parallel_loop3A_80 = arith.constant 65535 : i32
        %parallel_loop3A_81 = vector.broadcast %parallel_loop3A_80 : i32 to vector<16xi32>
        %parallel_loop3A_82 = arith.andi %parallel_loop3A_79, %parallel_loop3A_81 : vector<16xi32>
        %parallel_loop3A_83 = arith.constant 16 : i32
        %parallel_loop3A_84 = vector.broadcast %parallel_loop3A_83 : i32 to vector<16xi32>
        %parallel_loop3A_85 = arith.shrui %parallel_loop3A_79, %parallel_loop3A_84 : vector<16xi32>
        %parallel_loop3A_86 = tpu.vector_load_idx %arg5[%parallel_loop3A_82] : memref<51200xf32, #tpu.memory_space<vmem>>[vector<16xi32>], vector<16xf32>,
        tpu.vector_store_idx %arg6[%parallel_loop3A_85], %parallel_loop3A_86 {add = true} : memref<51200xf32, #tpu.memory_space<vmem>>[vector<16xi32>], vector<16xf32>,
      } {sc.loop_unroll_factor = 8 : i64, sc.parallel_access}
      %add3A_70 = arith.constant 2 : i32
      %add3A_71 = arith.addi %add3A_62, %add3A_70 : i32
      %lt3A_72 = arith.constant 96 : i32
      %lt3A_73 = arith.cmpi slt, %add3A_71, %lt3A_72 : i32
      %convert_element_type3A_74 = arith.extui %lt3A_73 : i1 to i32
      %cond3A_75 = arith.constant 0 : i32
      %cond3A_76 = arith.cmpi ne, %convert_element_type3A_74, %cond3A_75 : i32
      scf.if %cond3A_76 {
        %mul3A_77 = arith.constant 8336 : i32
        %mul3A_78 = arith.muli %add3A_71, %mul3A_77 : i32
        %dma_start3A_79 = tpu.memref_slice %arg3[%mul3A_78] : memref<800256xi32, #tpu.memory_space<hbm>> -> memref<8336xi32, #tpu.memory_space<hbm>>
        %dma_start3A_80 = tpu.memref_slice %arg3[%mul3A_78] : memref<800256xi32, #tpu.memory_space<hbm>> -> memref<8336xi32, #tpu.memory_space<hbm>>
        tpu.enqueue_dma source(%dma_start3A_80 : memref<8336xi32, #tpu.memory_space<hbm>>) target(%arg8 : memref<8336xi32, #tpu.memory_space<vmem>>) target_semaphore(%arg10 : memref<!tpu.dma_semaphore, #tpu.memory_space<semaphore_mem>>)
      } else {
      }
    }
    %scan3A_41 = arith.constant 48 : i32
    %mul3A_42 = arith.constant 51200 : i32
    %mul3A_43 = arith.muli %add3A_22, %mul3A_42 : i32
    "tpu.region"() ({
      %run_scoped3A = tpu.sem_alloc : memref<!tpu.dma_semaphore, #tpu.memory_space<semaphore_mem>>
      %dma_start3A_44 = tpu.memref_slice %arg4[%mul3A_43] : memref<3276800xf32, #tpu.memory_space<hbm>> -> memref<51200xf32, #tpu.memory_space<hbm>>
      %dma_start3A_45 = tpu.memref_slice %arg4[%mul3A_43] : memref<3276800xf32, #tpu.memory_space<hbm>> -> memref<51200xf32, #tpu.memory_space<hbm>>
      tpu.enqueue_dma source(%arg6 : memref<51200xf32, #tpu.memory_space<vmem>>) target(%dma_start3A_45 : memref<51200xf32, #tpu.memory_space<hbm>>) target_semaphore(%run_scoped3A : memref<!tpu.dma_semaphore, #tpu.memory_space<semaphore_mem>>)
      %dma_wait3A = tpu.memref_slice %arg4[%mul3A_43] : memref<3276800xf32, #tpu.memory_space<hbm>> -> memref<51200xf32, #tpu.memory_space<hbm>>
      %dma_wait3A_46 = tpu.memref_slice %arg4[%mul3A_43] : memref<3276800xf32, #tpu.memory_space<hbm>> -> memref<51200xf32, #tpu.memory_space<hbm>>
      tpu.wait_dma2 semaphore(%run_scoped3A : memref<!tpu.dma_semaphore, #tpu.memory_space<semaphore_mem>>) src(%arg6 : memref<51200xf32, #tpu.memory_space<vmem>>) dst(%dma_wait3A_46 : memref<51200xf32, #tpu.memory_space<hbm>>)
      tpu.yield
    }) : () -> ()
    return
  }
}

#map = affine_map<(d0, d1) -> (0)>
module attributes {stable_mosaic.version = 14 : i64} {
  func.func @body(%arg0: i32, %arg1: i32, %arg2: memref<3276800xf32, #tpu.memory_space<hbm>>, %arg3: memref<800256xi32, #tpu.memory_space<hbm>>, %arg4: memref<3276800xf32, #tpu.memory_space<hbm>>, %arg5: memref<51200xf32, #tpu.memory_space<vmem>>, %arg6: memref<51200xf32, #tpu.memory_space<vmem>>, %arg7: memref<8336xi32, #tpu.memory_space<vmem>>, %arg8: memref<8336xi32, #tpu.memory_space<vmem>>, %arg9: memref<!tpu.dma_semaphore, #tpu.memory_space<semaphore_mem>>, %arg10: memref<!tpu.dma_semaphore, #tpu.memory_space<semaphore_mem>>) attributes {dimension_semantics = [#tpu.dimension_semantics<core_parallel>, #tpu.dimension_semantics<subcore_parallel>], iteration_bounds = array<i64: 2, 16>, scalar_prefetch = 0 : i64, scratch_operands = 6 : i64, tpu.core_type = #tpu.core_type<sc_vector_subcore>, window_params = [{transform_indices = #map}, {transform_indices = #map}, {transform_indices = #map}]} {
    %mul3A = arith.constant 2 : i32
    %mul3A_0 = arith.muli %arg1, %mul3A : i32
    %add3A = arith.addi %mul3A_0, %arg0 : i32
    %add3A_1 = arith.constant 0 : i32
    %add3A_2 = arith.addi %add3A_1, %add3A : i32
    %mul3A_3 = arith.constant 51200 : i32
    %mul3A_4 = arith.muli %add3A_2, %mul3A_3 : i32
    "tpu.region"() ({
      %run_scoped3A = tpu.sem_alloc : memref<!tpu.dma_semaphore, #tpu.memory_space<semaphore_mem>>
      %dma_start3A_44 = tpu.memref_slice %arg2[%mul3A_4] : memref<3276800xf32, #tpu.memory_space<hbm>> -> memref<51200xf32, #tpu.memory_space<hbm>>
      %dma_start3A_45 = tpu.memref_slice %arg2[%mul3A_4] : memref<3276800xf32, #tpu.memory_space<hbm>> -> memref<51200xf32, #tpu.memory_space<hbm>>
      tpu.enqueue_dma source(%dma_start3A_45 : memref<51200xf32, #tpu.memory_space<hbm>>) target(%arg5 : memref<51200xf32, #tpu.memory_space<vmem>>) target_semaphore(%run_scoped3A : memref<!tpu.dma_semaphore, #tpu.memory_space<semaphore_mem>>)
      %dma_wait3A = tpu.memref_slice %arg2[%mul3A_4] : memref<3276800xf32, #tpu.memory_space<hbm>> -> memref<51200xf32, #tpu.memory_space<hbm>>
      %dma_wait3A_46 = tpu.memref_slice %arg2[%mul3A_4] : memref<3276800xf32, #tpu.memory_space<hbm>> -> memref<51200xf32, #tpu.memory_space<hbm>>
      tpu.wait_dma2 semaphore(%run_scoped3A : memref<!tpu.dma_semaphore, #tpu.memory_space<semaphore_mem>>) src(%dma_wait3A_46 : memref<51200xf32, #tpu.memory_space<hbm>>) dst(%arg5 : memref<51200xf32, #tpu.memory_space<vmem>>)
      tpu.yield
    }) : () -> ()
    %parallel_loop3A = arith.constant 0 : i32
    %parallel_loop3A_5 = arith.constant 51200 : i32
    %parallel_loop3A_6 = arith.constant 16 : i32
    scf.for %parallel_loop3A_44 = %parallel_loop3A to %parallel_loop3A_5 step %parallel_loop3A_6  : i32 {
      %parallel_loop3A_45 = arith.constant 0.000000e+00 : f32
      %parallel_loop3A_46 = vector.broadcast %parallel_loop3A_45 : f32 to vector<16xf32>
      %parallel_loop3A_47 = arith.index_cast %parallel_loop3A_44 : i32 to index
      %parallel_loop3A_48 = tpu.vector_load %arg6[%parallel_loop3A_47] {strides = array<i32>} : memref<51200xf32, #tpu.memory_space<vmem>>, vector<16xf32>,
      tpu.vector_store %arg6[%parallel_loop3A_47], %parallel_loop3A_46 {strides = array<i32>} : memref<51200xf32, #tpu.memory_space<vmem>>, vector<16xf32>,
    } {sc.loop_unroll_factor = 8 : i64, sc.parallel_access}
    %dma_start3A = arith.constant 0 : i32
    %dma_start3A_7 = tpu.memref_slice %arg3[%dma_start3A] : memref<800256xi32, #tpu.memory_space<hbm>> -> memref<8336xi32, #tpu.memory_space<hbm>>
    %dma_start3A_8 = arith.constant 0 : i32
    %dma_start3A_9 = tpu.memref_slice %arg3[%dma_start3A_8] : memref<800256xi32, #tpu.memory_space<hbm>> -> memref<8336xi32, #tpu.memory_space<hbm>>
    tpu.enqueue_dma source(%dma_start3A_9 : memref<8336xi32, #tpu.memory_space<hbm>>) target(%arg7 : memref<8336xi32, #tpu.memory_space<vmem>>) target_semaphore(%arg9 : memref<!tpu.dma_semaphore, #tpu.memory_space<semaphore_mem>>)
    %dma_start3A_10 = arith.constant 8336 : i32
    %dma_start3A_11 = tpu.memref_slice %arg3[%dma_start3A_10] : memref<800256xi32, #tpu.memory_space<hbm>> -> memref<8336xi32, #tpu.memory_space<hbm>>
    %dma_start3A_12 = arith.constant 8336 : i32
    %dma_start3A_13 = tpu.memref_slice %arg3[%dma_start3A_12] : memref<800256xi32, #tpu.memory_space<hbm>> -> memref<8336xi32, #tpu.memory_space<hbm>>
    tpu.enqueue_dma source(%dma_start3A_13 : memref<8336xi32, #tpu.memory_space<hbm>>) target(%arg8 : memref<8336xi32, #tpu.memory_space<vmem>>) target_semaphore(%arg10 : memref<!tpu.dma_semaphore, #tpu.memory_space<semaphore_mem>>)
    %scan3A = arith.constant 0 : i32
    %scan3A_14 = arith.constant 0 : i32
    %scan3A_15 = arith.constant 48 : i32
    %scan3A_16 = arith.addi %scan3A_14, %scan3A_15 : i32
    %scan3A_17 = arith.constant 1 : i32
    scf.for %scan3A_44 = %scan3A_14 to %scan3A_16 step %scan3A_17  : i32 {
      %mul3A_45 = arith.constant 2 : i32
      %mul3A_46 = arith.muli %scan3A_44, %mul3A_45 : i32
      %add3A_47 = arith.constant 0 : i32
      %add3A_48 = arith.addi %mul3A_46, %add3A_47 : i32
      %dma_wait3A = arith.constant 0 : i32
      %dma_wait3A_49 = tpu.memref_slice %arg3[%dma_wait3A] : memref<800256xi32, #tpu.memory_space<hbm>> -> memref<8336xi32, #tpu.memory_space<hbm>>
      %dma_wait3A_50 = arith.constant 0 : i32
      %dma_wait3A_51 = tpu.memref_slice %arg3[%dma_wait3A_50] : memref<800256xi32, #tpu.memory_space<hbm>> -> memref<8336xi32, #tpu.memory_space<hbm>>
      tpu.wait_dma2 semaphore(%arg9 : memref<!tpu.dma_semaphore, #tpu.memory_space<semaphore_mem>>) src(%dma_wait3A_51 : memref<8336xi32, #tpu.memory_space<hbm>>) dst(%arg7 : memref<8336xi32, #tpu.memory_space<vmem>>)
      %parallel_loop3A_52 = arith.constant 0 : i32
      %parallel_loop3A_53 = arith.constant 8336 : i32
      %parallel_loop3A_54 = arith.constant 16 : i32
      scf.for %parallel_loop3A_77 = %parallel_loop3A_52 to %parallel_loop3A_53 step %parallel_loop3A_54  : i32 {
        %parallel_loop3A_78 = arith.index_cast %parallel_loop3A_77 : i32 to index
        %parallel_loop3A_79 = tpu.vector_load %arg7[%parallel_loop3A_78] {strides = array<i32>} : memref<8336xi32, #tpu.memory_space<vmem>>, vector<16xi32>,
        %parallel_loop3A_80 = arith.constant 65535 : i32
        %parallel_loop3A_81 = vector.broadcast %parallel_loop3A_80 : i32 to vector<16xi32>
        %parallel_loop3A_82 = arith.andi %parallel_loop3A_79, %parallel_loop3A_81 : vector<16xi32>
        %parallel_loop3A_83 = arith.constant 16 : i32
        %parallel_loop3A_84 = vector.broadcast %parallel_loop3A_83 : i32 to vector<16xi32>
        %parallel_loop3A_85 = arith.shrui %parallel_loop3A_79, %parallel_loop3A_84 : vector<16xi32>
        %parallel_loop3A_86 = tpu.vector_load_idx %arg5[%parallel_loop3A_82] : memref<51200xf32, #tpu.memory_space<vmem>>[vector<16xi32>], vector<16xf32>,
        tpu.vector_store_idx %arg6[%parallel_loop3A_85], %parallel_loop3A_86 {add = true} : memref<51200xf32, #tpu.memory_space<vmem>>[vector<16xi32>], vector<16xf32>,
      } {sc.loop_unroll_factor = 8 : i64, sc.parallel_access}
      %add3A_55 = arith.constant 2 : i32
      %add3A_56 = arith.addi %add3A_48, %add3A_55 : i32
      %lt3A = arith.constant 96 : i32
      %lt3A_57 = arith.cmpi slt, %add3A_56, %lt3A : i32
      %convert_element_type3A = arith.extui %lt3A_57 : i1 to i32
      %cond3A = arith.constant 0 : i32
      %cond3A_58 = arith.cmpi ne, %convert_element_type3A, %cond3A : i32
      scf.if %cond3A_58 {
        %mul3A_77 = arith.constant 8336 : i32
        %mul3A_78 = arith.muli %add3A_56, %mul3A_77 : i32
        %dma_start3A_79 = tpu.memref_slice %arg3[%mul3A_78] : memref<800256xi32, #tpu.memory_space<hbm>> -> memref<8336xi32, #tpu.memory_space<hbm>>
        %dma_start3A_80 = tpu.memref_slice %arg3[%mul3A_78] : memref<800256xi32, #tpu.memory_space<hbm>> -> memref<8336xi32, #tpu.memory_space<hbm>>
        tpu.enqueue_dma source(%dma_start3A_80 : memref<8336xi32, #tpu.memory_space<hbm>>) target(%arg7 : memref<8336xi32, #tpu.memory_space<vmem>>) target_semaphore(%arg9 : memref<!tpu.dma_semaphore, #tpu.memory_space<semaphore_mem>>)
      } else {
      }
      %mul3A_59 = arith.constant 2 : i32
      %mul3A_60 = arith.muli %scan3A_44, %mul3A_59 : i32
      %add3A_61 = arith.constant 1 : i32
      %add3A_62 = arith.addi %mul3A_60, %add3A_61 : i32
      %dma_wait3A_63 = arith.constant 0 : i32
      %dma_wait3A_64 = tpu.memref_slice %arg3[%dma_wait3A_63] : memref<800256xi32, #tpu.memory_space<hbm>> -> memref<8336xi32, #tpu.memory_space<hbm>>
      %dma_wait3A_65 = arith.constant 0 : i32
      %dma_wait3A_66 = tpu.memref_slice %arg3[%dma_wait3A_65] : memref<800256xi32, #tpu.memory_space<hbm>> -> memref<8336xi32, #tpu.memory_space<hbm>>
      tpu.wait_dma2 semaphore(%arg10 : memref<!tpu.dma_semaphore, #tpu.memory_space<semaphore_mem>>) src(%dma_wait3A_66 : memref<8336xi32, #tpu.memory_space<hbm>>) dst(%arg8 : memref<8336xi32, #tpu.memory_space<vmem>>)
      %parallel_loop3A_67 = arith.constant 0 : i32
      %parallel_loop3A_68 = arith.constant 8336 : i32
      %parallel_loop3A_69 = arith.constant 16 : i32
      scf.for %parallel_loop3A_77 = %parallel_loop3A_67 to %parallel_loop3A_68 step %parallel_loop3A_69  : i32 {
        %parallel_loop3A_78 = arith.index_cast %parallel_loop3A_77 : i32 to index
        %parallel_loop3A_79 = tpu.vector_load %arg8[%parallel_loop3A_78] {strides = array<i32>} : memref<8336xi32, #tpu.memory_space<vmem>>, vector<16xi32>,
        %parallel_loop3A_80 = arith.constant 65535 : i32
        %parallel_loop3A_81 = vector.broadcast %parallel_loop3A_80 : i32 to vector<16xi32>
        %parallel_loop3A_82 = arith.andi %parallel_loop3A_79, %parallel_loop3A_81 : vector<16xi32>
        %parallel_loop3A_83 = arith.constant 16 : i32
        %parallel_loop3A_84 = vector.broadcast %parallel_loop3A_83 : i32 to vector<16xi32>
        %parallel_loop3A_85 = arith.shrui %parallel_loop3A_79, %parallel_loop3A_84 : vector<16xi32>
        %parallel_loop3A_86 = tpu.vector_load_idx %arg5[%parallel_loop3A_82] : memref<51200xf32, #tpu.memory_space<vmem>>[vector<16xi32>], vector<16xf32>,
        tpu.vector_store_idx %arg6[%parallel_loop3A_85], %parallel_loop3A_86 {add = true} : memref<51200xf32, #tpu.memory_space<vmem>>[vector<16xi32>], vector<16xf32>,
      } {sc.loop_unroll_factor = 8 : i64, sc.parallel_access}
      %add3A_70 = arith.constant 2 : i32
      %add3A_71 = arith.addi %add3A_62, %add3A_70 : i32
      %lt3A_72 = arith.constant 96 : i32
      %lt3A_73 = arith.cmpi slt, %add3A_71, %lt3A_72 : i32
      %convert_element_type3A_74 = arith.extui %lt3A_73 : i1 to i32
      %cond3A_75 = arith.constant 0 : i32
      %cond3A_76 = arith.cmpi ne, %convert_element_type3A_74, %cond3A_75 : i32
      scf.if %cond3A_76 {
        %mul3A_77 = arith.constant 8336 : i32
        %mul3A_78 = arith.muli %add3A_71, %mul3A_77 : i32
        %dma_start3A_79 = tpu.memref_slice %arg3[%mul3A_78] : memref<800256xi32, #tpu.memory_space<hbm>> -> memref<8336xi32, #tpu.memory_space<hbm>>
        %dma_start3A_80 = tpu.memref_slice %arg3[%mul3A_78] : memref<800256xi32, #tpu.memory_space<hbm>> -> memref<8336xi32, #tpu.memory_space<hbm>>
        tpu.enqueue_dma source(%dma_start3A_80 : memref<8336xi32, #tpu.memory_space<hbm>>) target(%arg8 : memref<8336xi32, #tpu.memory_space<vmem>>) target_semaphore(%arg10 : memref<!tpu.dma_semaphore, #tpu.memory_space<semaphore_mem>>)
      } else {
      }
    }
    %scan3A_18 = arith.constant 48 : i32
    %mul3A_19 = arith.constant 51200 : i32
    %mul3A_20 = arith.muli %add3A_2, %mul3A_19 : i32
    "tpu.region"() ({
      %run_scoped3A = tpu.sem_alloc : memref<!tpu.dma_semaphore, #tpu.memory_space<semaphore_mem>>
      %dma_start3A_44 = tpu.memref_slice %arg4[%mul3A_20] : memref<3276800xf32, #tpu.memory_space<hbm>> -> memref<51200xf32, #tpu.memory_space<hbm>>
      %dma_start3A_45 = tpu.memref_slice %arg4[%mul3A_20] : memref<3276800xf32, #tpu.memory_space<hbm>> -> memref<51200xf32, #tpu.memory_space<hbm>>
      tpu.enqueue_dma source(%arg6 : memref<51200xf32, #tpu.memory_space<vmem>>) target(%dma_start3A_45 : memref<51200xf32, #tpu.memory_space<hbm>>) target_semaphore(%run_scoped3A : memref<!tpu.dma_semaphore, #tpu.memory_space<semaphore_mem>>)
      %dma_wait3A = tpu.memref_slice %arg4[%mul3A_20] : memref<3276800xf32, #tpu.memory_space<hbm>> -> memref<51200xf32, #tpu.memory_space<hbm>>
      %dma_wait3A_46 = tpu.memref_slice %arg4[%mul3A_20] : memref<3276800xf32, #tpu.memory_space<hbm>> -> memref<51200xf32, #tpu.memory_space<hbm>>
      tpu.wait_dma2 semaphore(%run_scoped3A : memref<!tpu.dma_semaphore, #tpu.memory_space<semaphore_mem>>) src(%arg6 : memref<51200xf32, #tpu.memory_space<vmem>>) dst(%dma_wait3A_46 : memref<51200xf32, #tpu.memory_space<hbm>>)
      tpu.yield
    }) : () -> ()
    %add3A_21 = arith.constant 32 : i32
    %add3A_22 = arith.addi %add3A_21, %add3A : i32
    %mul3A_23 = arith.constant 51200 : i32
    %mul3A_24 = arith.muli %add3A_22, %mul3A_23 : i32
    "tpu.region"() ({
      %run_scoped3A = tpu.sem_alloc : memref<!tpu.dma_semaphore, #tpu.memory_space<semaphore_mem>>
      %dma_start3A_44 = tpu.memref_slice %arg2[%mul3A_24] : memref<3276800xf32, #tpu.memory_space<hbm>> -> memref<51200xf32, #tpu.memory_space<hbm>>
      %dma_start3A_45 = tpu.memref_slice %arg2[%mul3A_24] : memref<3276800xf32, #tpu.memory_space<hbm>> -> memref<51200xf32, #tpu.memory_space<hbm>>
      tpu.enqueue_dma source(%dma_start3A_45 : memref<51200xf32, #tpu.memory_space<hbm>>) target(%arg5 : memref<51200xf32, #tpu.memory_space<vmem>>) target_semaphore(%run_scoped3A : memref<!tpu.dma_semaphore, #tpu.memory_space<semaphore_mem>>)
      %dma_wait3A = tpu.memref_slice %arg2[%mul3A_24] : memref<3276800xf32, #tpu.memory_space<hbm>> -> memref<51200xf32, #tpu.memory_space<hbm>>
      %dma_wait3A_46 = tpu.memref_slice %arg2[%mul3A_24] : memref<3276800xf32, #tpu.memory_space<hbm>> -> memref<51200xf32, #tpu.memory_space<hbm>>
      tpu.wait_dma2 semaphore(%run_scoped3A : memref<!tpu.dma_semaphore, #tpu.memory_space<semaphore_mem>>) src(%dma_wait3A_46 : memref<51200xf32, #tpu.memory_space<hbm>>) dst(%arg5 : memref<51200xf32, #tpu.memory_space<vmem>>)
      tpu.yield
    }) : () -> ()
    %parallel_loop3A_25 = arith.constant 0 : i32
    %parallel_loop3A_26 = arith.constant 51200 : i32
    %parallel_loop3A_27 = arith.constant 16 : i32
    scf.for %parallel_loop3A_44 = %parallel_loop3A_25 to %parallel_loop3A_26 step %parallel_loop3A_27  : i32 {
      %parallel_loop3A_45 = arith.constant 0.000000e+00 : f32
      %parallel_loop3A_46 = vector.broadcast %parallel_loop3A_45 : f32 to vector<16xf32>
      %parallel_loop3A_47 = arith.index_cast %parallel_loop3A_44 : i32 to index
      %parallel_loop3A_48 = tpu.vector_load %arg6[%parallel_loop3A_47] {strides = array<i32>} : memref<51200xf32, #tpu.memory_space<vmem>>, vector<16xf32>,
      tpu.vector_store %arg6[%parallel_loop3A_47], %parallel_loop3A_46 {strides = array<i32>} : memref<51200xf32, #tpu.memory_space<vmem>>, vector<16xf32>,
    } {sc.loop_unroll_factor = 8 : i64, sc.parallel_access}
    %dma_start3A_28 = arith.constant 0 : i32
    %dma_start3A_29 = tpu.memref_slice %arg3[%dma_start3A_28] : memref<800256xi32, #tpu.memory_space<hbm>> -> memref<8336xi32, #tpu.memory_space<hbm>>
    %dma_start3A_30 = arith.constant 0 : i32
    %dma_start3A_31 = tpu.memref_slice %arg3[%dma_start3A_30] : memref<800256xi32, #tpu.memory_space<hbm>> -> memref<8336xi32, #tpu.memory_space<hbm>>
    tpu.enqueue_dma source(%dma_start3A_31 : memref<8336xi32, #tpu.memory_space<hbm>>) target(%arg7 : memref<8336xi32, #tpu.memory_space<vmem>>) target_semaphore(%arg9 : memref<!tpu.dma_semaphore, #tpu.memory_space<semaphore_mem>>)
    %dma_start3A_32 = arith.constant 8336 : i32
    %dma_start3A_33 = tpu.memref_slice %arg3[%dma_start3A_32] : memref<800256xi32, #tpu.memory_space<hbm>> -> memref<8336xi32, #tpu.memory_space<hbm>>
    %dma_start3A_34 = arith.constant 8336 : i32
    %dma_start3A_35 = tpu.memref_slice %arg3[%dma_start3A_34] : memref<800256xi32, #tpu.memory_space<hbm>> -> memref<8336xi32, #tpu.memory_space<hbm>>
    tpu.enqueue_dma source(%dma_start3A_35 : memref<8336xi32, #tpu.memory_space<hbm>>) target(%arg8 : memref<8336xi32, #tpu.memory_space<vmem>>) target_semaphore(%arg10 : memref<!tpu.dma_semaphore, #tpu.memory_space<semaphore_mem>>)
    %scan3A_36 = arith.constant 0 : i32
    %scan3A_37 = arith.constant 0 : i32
    %scan3A_38 = arith.constant 48 : i32
    %scan3A_39 = arith.addi %scan3A_37, %scan3A_38 : i32
    %scan3A_40 = arith.constant 1 : i32
    scf.for %scan3A_44 = %scan3A_37 to %scan3A_39 step %scan3A_40  : i32 {
      %mul3A_45 = arith.constant 2 : i32
      %mul3A_46 = arith.muli %scan3A_44, %mul3A_45 : i32
      %add3A_47 = arith.constant 0 : i32
      %add3A_48 = arith.addi %mul3A_46, %add3A_47 : i32
      %dma_wait3A = arith.constant 0 : i32
      %dma_wait3A_49 = tpu.memref_slice %arg3[%dma_wait3A] : memref<800256xi32, #tpu.memory_space<hbm>> -> memref<8336xi32, #tpu.memory_space<hbm>>
      %dma_wait3A_50 = arith.constant 0 : i32
      %dma_wait3A_51 = tpu.memref_slice %arg3[%dma_wait3A_50] : memref<800256xi32, #tpu.memory_space<hbm>> -> memref<8336xi32, #tpu.memory_space<hbm>>
      tpu.wait_dma2 semaphore(%arg9 : memref<!tpu.dma_semaphore, #tpu.memory_space<semaphore_mem>>) src(%dma_wait3A_51 : memref<8336xi32, #tpu.memory_space<hbm>>) dst(%arg7 : memref<8336xi32, #tpu.memory_space<vmem>>)
      %parallel_loop3A_52 = arith.constant 0 : i32
      %parallel_loop3A_53 = arith.constant 8336 : i32
      %parallel_loop3A_54 = arith.constant 16 : i32
      scf.for %parallel_loop3A_77 = %parallel_loop3A_52 to %parallel_loop3A_53 step %parallel_loop3A_54  : i32 {
        %parallel_loop3A_78 = arith.index_cast %parallel_loop3A_77 : i32 to index
        %parallel_loop3A_79 = tpu.vector_load %arg7[%parallel_loop3A_78] {strides = array<i32>} : memref<8336xi32, #tpu.memory_space<vmem>>, vector<16xi32>,
        %parallel_loop3A_80 = arith.constant 65535 : i32
        %parallel_loop3A_81 = vector.broadcast %parallel_loop3A_80 : i32 to vector<16xi32>
        %parallel_loop3A_82 = arith.andi %parallel_loop3A_79, %parallel_loop3A_81 : vector<16xi32>
        %parallel_loop3A_83 = arith.constant 16 : i32
        %parallel_loop3A_84 = vector.broadcast %parallel_loop3A_83 : i32 to vector<16xi32>
        %parallel_loop3A_85 = arith.shrui %parallel_loop3A_79, %parallel_loop3A_84 : vector<16xi32>
        %parallel_loop3A_86 = tpu.vector_load_idx %arg5[%parallel_loop3A_82] : memref<51200xf32, #tpu.memory_space<vmem>>[vector<16xi32>], vector<16xf32>,
        tpu.vector_store_idx %arg6[%parallel_loop3A_85], %parallel_loop3A_86 {add = true} : memref<51200xf32, #tpu.memory_space<vmem>>[vector<16xi32>], vector<16xf32>,
      } {sc.loop_unroll_factor = 8 : i64, sc.parallel_access}
      %add3A_55 = arith.constant 2 : i32
      %add3A_56 = arith.addi %add3A_48, %add3A_55 : i32
      %lt3A = arith.constant 96 : i32
      %lt3A_57 = arith.cmpi slt, %add3A_56, %lt3A : i32
      %convert_element_type3A = arith.extui %lt3A_57 : i1 to i32
      %cond3A = arith.constant 0 : i32
      %cond3A_58 = arith.cmpi ne, %convert_element_type3A, %cond3A : i32
      scf.if %cond3A_58 {
        %mul3A_77 = arith.constant 8336 : i32
        %mul3A_78 = arith.muli %add3A_56, %mul3A_77 : i32
        %dma_start3A_79 = tpu.memref_slice %arg3[%mul3A_78] : memref<800256xi32, #tpu.memory_space<hbm>> -> memref<8336xi32, #tpu.memory_space<hbm>>
        %dma_start3A_80 = tpu.memref_slice %arg3[%mul3A_78] : memref<800256xi32, #tpu.memory_space<hbm>> -> memref<8336xi32, #tpu.memory_space<hbm>>
        tpu.enqueue_dma source(%dma_start3A_80 : memref<8336xi32, #tpu.memory_space<hbm>>) target(%arg7 : memref<8336xi32, #tpu.memory_space<vmem>>) target_semaphore(%arg9 : memref<!tpu.dma_semaphore, #tpu.memory_space<semaphore_mem>>)
      } else {
      }
      %mul3A_59 = arith.constant 2 : i32
      %mul3A_60 = arith.muli %scan3A_44, %mul3A_59 : i32
      %add3A_61 = arith.constant 1 : i32
      %add3A_62 = arith.addi %mul3A_60, %add3A_61 : i32
      %dma_wait3A_63 = arith.constant 0 : i32
      %dma_wait3A_64 = tpu.memref_slice %arg3[%dma_wait3A_63] : memref<800256xi32, #tpu.memory_space<hbm>> -> memref<8336xi32, #tpu.memory_space<hbm>>
      %dma_wait3A_65 = arith.constant 0 : i32
      %dma_wait3A_66 = tpu.memref_slice %arg3[%dma_wait3A_65] : memref<800256xi32, #tpu.memory_space<hbm>> -> memref<8336xi32, #tpu.memory_space<hbm>>
      tpu.wait_dma2 semaphore(%arg10 : memref<!tpu.dma_semaphore, #tpu.memory_space<semaphore_mem>>) src(%dma_wait3A_66 : memref<8336xi32, #tpu.memory_space<hbm>>) dst(%arg8 : memref<8336xi32, #tpu.memory_space<vmem>>)
      %parallel_loop3A_67 = arith.constant 0 : i32
      %parallel_loop3A_68 = arith.constant 8336 : i32
      %parallel_loop3A_69 = arith.constant 16 : i32
      scf.for %parallel_loop3A_77 = %parallel_loop3A_67 to %parallel_loop3A_68 step %parallel_loop3A_69  : i32 {
        %parallel_loop3A_78 = arith.index_cast %parallel_loop3A_77 : i32 to index
        %parallel_loop3A_79 = tpu.vector_load %arg8[%parallel_loop3A_78] {strides = array<i32>} : memref<8336xi32, #tpu.memory_space<vmem>>, vector<16xi32>,
        %parallel_loop3A_80 = arith.constant 65535 : i32
        %parallel_loop3A_81 = vector.broadcast %parallel_loop3A_80 : i32 to vector<16xi32>
        %parallel_loop3A_82 = arith.andi %parallel_loop3A_79, %parallel_loop3A_81 : vector<16xi32>
        %parallel_loop3A_83 = arith.constant 16 : i32
        %parallel_loop3A_84 = vector.broadcast %parallel_loop3A_83 : i32 to vector<16xi32>
        %parallel_loop3A_85 = arith.shrui %parallel_loop3A_79, %parallel_loop3A_84 : vector<16xi32>
        %parallel_loop3A_86 = tpu.vector_load_idx %arg5[%parallel_loop3A_82] : memref<51200xf32, #tpu.memory_space<vmem>>[vector<16xi32>], vector<16xf32>,
        tpu.vector_store_idx %arg6[%parallel_loop3A_85], %parallel_loop3A_86 {add = true} : memref<51200xf32, #tpu.memory_space<vmem>>[vector<16xi32>], vector<16xf32>,
      } {sc.loop_unroll_factor = 8 : i64, sc.parallel_access}
      %add3A_70 = arith.constant 2 : i32
      %add3A_71 = arith.addi %add3A_62, %add3A_70 : i32
      %lt3A_72 = arith.constant 96 : i32
      %lt3A_73 = arith.cmpi slt, %add3A_71, %lt3A_72 : i32
      %convert_element_type3A_74 = arith.extui %lt3A_73 : i1 to i32
      %cond3A_75 = arith.constant 0 : i32
      %cond3A_76 = arith.cmpi ne, %convert_element_type3A_74, %cond3A_75 : i32
      scf.if %cond3A_76 {
        %mul3A_77 = arith.constant 8336 : i32
        %mul3A_78 = arith.muli %add3A_71, %mul3A_77 : i32
        %dma_start3A_79 = tpu.memref_slice %arg3[%mul3A_78] : memref<800256xi32, #tpu.memory_space<hbm>> -> memref<8336xi32, #tpu.memory_space<hbm>>
        %dma_start3A_80 = tpu.memref_slice %arg3[%mul3A_78] : memref<800256xi32, #tpu.memory_space<hbm>> -> memref<8336xi32, #tpu.memory_space<hbm>>
        tpu.enqueue_dma source(%dma_start3A_80 : memref<8336xi32, #tpu.memory_space<hbm>>) target(%arg8 : memref<8336xi32, #tpu.memory_space<vmem>>) target_semaphore(%arg10 : memref<!tpu.dma_semaphore, #tpu.memory_space<semaphore_mem>>)
      } else {
      }
    }
    %scan3A_41 = arith.constant 48 : i32
    %mul3A_42 = arith.constant 51200 : i32
    %mul3A_43 = arith.muli %add3A_22, %mul3A_42 : i32
    "tpu.region"() ({
      %run_scoped3A = tpu.sem_alloc : memref<!tpu.dma_semaphore, #tpu.memory_space<semaphore_mem>>
      %dma_start3A_44 = tpu.memref_slice %arg4[%mul3A_43] : memref<3276800xf32, #tpu.memory_space<hbm>> -> memref<51200xf32, #tpu.memory_space<hbm>>
      %dma_start3A_45 = tpu.memref_slice %arg4[%mul3A_43] : memref<3276800xf32, #tpu.memory_space<hbm>> -> memref<51200xf32, #tpu.memory_space<hbm>>
      tpu.enqueue_dma source(%arg6 : memref<51200xf32, #tpu.memory_space<vmem>>) target(%dma_start3A_45 : memref<51200xf32, #tpu.memory_space<hbm>>) target_semaphore(%run_scoped3A : memref<!tpu.dma_semaphore, #tpu.memory_space<semaphore_mem>>)
      %dma_wait3A = tpu.memref_slice %arg4[%mul3A_43] : memref<3276800xf32, #tpu.memory_space<hbm>> -> memref<51200xf32, #tpu.memory_space<hbm>>
      %dma_wait3A_46 = tpu.memref_slice %arg4[%mul3A_43] : memref<3276800xf32, #tpu.memory_space<hbm>> -> memref<51200xf32, #tpu.memory_space<hbm>>
      tpu.wait_dma2 semaphore(%run_scoped3A : memref<!tpu.dma_semaphore, #tpu.memory_space<semaphore_mem>>) src(%arg6 : memref<51200xf32, #tpu.memory_space<vmem>>) dst(%dma_wait3A_46 : memref<51200xf32, #tpu.memory_space<hbm>>)
      tpu.yield
    }) : () -> ()
    return
  }
}

module attributes {stable_mosaic.version = 14 : i64} {
  func.func @body(%arg0: i32, %arg1: memref<32x12800xf32, #tpu.memory_space<vmem>>, %arg2: memref<1x12800xf32, #tpu.memory_space<vmem>>, %arg3: memref<64x1xf32, #tpu.memory_space<vmem>>, %arg4: memref<64x64xf32, #tpu.memory_space<vmem>>, %arg5: memref<64x1xf32, #tpu.memory_space<vmem>>, %arg6: memref<64x1xf32, #tpu.memory_space<vmem>>, %arg7: memref<64x1xf32, #tpu.memory_space<vmem>>, %arg8: memref<64x1xf32, #tpu.memory_space<vmem>>, %arg9: memref<1x1xf32, #tpu.memory_space<vmem>>, %arg10: memref<64x12800xf32, #tpu.memory_space<vmem>>, %arg11: memref<64x128xf32, #tpu.memory_space<vmem>>) attributes {dimension_semantics = [#tpu.dimension_semantics<arbitrary>], iteration_bounds = array<i64: 4>, scalar_prefetch = 0 : i64, scratch_operands = 0 : i64, tpu.core_type = #tpu.core_type<tc>, window_params = [{transform_indices = @transform_0, window_bounds = array<i64: 32, 12800>}, {transform_indices = @transform_1, window_bounds = array<i64: 1, 12800>}, {pipeline_mode = #tpu.pipeline_mode<synchronous>, transform_indices = @transform_2, window_bounds = array<i64: 64, 1>}, {pipeline_mode = #tpu.pipeline_mode<synchronous>, transform_indices = @transform_3, window_bounds = array<i64: 64, 64>}, {pipeline_mode = #tpu.pipeline_mode<synchronous>, transform_indices = @transform_4, window_bounds = array<i64: 64, 1>}, {pipeline_mode = #tpu.pipeline_mode<synchronous>, transform_indices = @transform_5, window_bounds = array<i64: 64, 1>}, {pipeline_mode = #tpu.pipeline_mode<synchronous>, transform_indices = @transform_6, window_bounds = array<i64: 64, 1>}, {pipeline_mode = #tpu.pipeline_mode<synchronous>, transform_indices = @transform_7, window_bounds = array<i64: 64, 1>}, {pipeline_mode = #tpu.pipeline_mode<synchronous>, transform_indices = @transform_8, window_bounds = array<i64: 1, 1>}, {transform_indices = @transform_9, window_bounds = array<i64: 64, 12800>}, {pipeline_mode = #tpu.pipeline_mode<synchronous>, transform_indices = @transform_10, window_bounds = array<i64: 64, 128>}]} {
    %get3A = arith.constant 0 : index
    %get3A_0 = arith.constant 0 : index
    %get3A_1 = vector.load %arg1[%get3A, %get3A_0] : memref<32x12800xf32, #tpu.memory_space<vmem>>, vector<32x12800xf32>
    %reduce_sum3A = arith.constant dense<0.000000e+00> : vector<12800xf32>
    %reduce_sum3A_2 = vector.multi_reduction <add>, %get3A_1, %reduce_sum3A [0] : vector<32x12800xf32> to vector<12800xf32>
    %broadcast_in_dim3A = vector.shape_cast %reduce_sum3A_2 : vector<12800xf32> to vector<1x12800xf32>
    %get3A_3 = arith.constant 0 : index
    %get3A_4 = arith.constant 0 : index
    %get3A_5 = vector.load %arg9[%get3A_3, %get3A_4] : memref<1x1xf32, #tpu.memory_space<vmem>>, vector<1x1xf32>
    %get3A_6 = vector.extract %get3A_5[0, 0] : f32 from vector<1x1xf32>
    %get3A_7 = arith.constant 0 : index
    %get3A_8 = arith.constant 0 : index
    %get3A_9 = vector.load %arg2[%get3A_7, %get3A_8] : memref<1x12800xf32, #tpu.memory_space<vmem>>, vector<1x12800xf32>
    %mul3A = vector.broadcast %get3A_6 : f32 to vector<1x12800xf32>
    %mul3A_10 = arith.mulf %mul3A, %get3A_9 : vector<1x12800xf32>
    %add3A = arith.addf %broadcast_in_dim3A, %mul3A_10 : vector<1x12800xf32>
    %get3A_11 = arith.constant 0 : index
    %get3A_12 = arith.constant 0 : index
    %get3A_13 = vector.load %arg3[%get3A_11, %get3A_12] : memref<64x1xf32, #tpu.memory_space<vmem>>, vector<64x1xf32>
    %mul3A_14 = vector.broadcast %get3A_13 : vector<64x1xf32> to vector<64x12800xf32>
    %mul3A_15 = vector.broadcast %add3A : vector<1x12800xf32> to vector<64x12800xf32>
    %mul3A_16 = arith.mulf %mul3A_14, %mul3A_15 : vector<64x12800xf32>
    %get3A_17 = arith.constant 0 : index
    %get3A_18 = arith.constant 0 : index
    %get3A_19 = vector.load %arg7[%get3A_17, %get3A_18] : memref<64x1xf32, #tpu.memory_space<vmem>>, vector<64x1xf32>
    %mul3A_20 = vector.broadcast %get3A_19 : vector<64x1xf32> to vector<64x12800xf32>
    %mul3A_21 = arith.mulf %mul3A_16, %mul3A_20 : vector<64x12800xf32>
    %get3A_22 = arith.constant 0 : index
    %get3A_23 = arith.constant 0 : index
    %get3A_24 = vector.load %arg5[%get3A_22, %get3A_23] : memref<64x1xf32, #tpu.memory_space<vmem>>, vector<64x1xf32>
    %get3A_25 = arith.constant 0 : index
    %get3A_26 = arith.constant 0 : index
    %get3A_27 = vector.load %arg7[%get3A_25, %get3A_26] : memref<64x1xf32, #tpu.memory_space<vmem>>, vector<64x1xf32>
    %mul3A_28 = arith.mulf %get3A_24, %get3A_27 : vector<64x1xf32>
    %get3A_29 = arith.constant 0 : index
    %get3A_30 = arith.constant 0 : index
    %get3A_31 = vector.load %arg8[%get3A_29, %get3A_30] : memref<64x1xf32, #tpu.memory_space<vmem>>, vector<64x1xf32>
    %add3A_32 = arith.addf %mul3A_28, %get3A_31 : vector<64x1xf32>
    %add3A_33 = vector.broadcast %add3A_32 : vector<64x1xf32> to vector<64x12800xf32>
    %add3A_34 = arith.addf %mul3A_21, %add3A_33 : vector<64x12800xf32>
    %max3A = arith.constant 0.000000e+00 : f32
    %max3A_35 = vector.broadcast %max3A : f32 to vector<64x12800xf32>
    %max3A_36 = arith.maximumf %add3A_34, %max3A_35 : vector<64x12800xf32>
    %get3A_37 = arith.constant 0 : index
    %get3A_38 = arith.constant 0 : index
    %get3A_39 = vector.load %arg4[%get3A_37, %get3A_38] : memref<64x64xf32, #tpu.memory_space<vmem>>, vector<64x64xf32>
    %dot_general3A = arith.constant dense<0.000000e+00> : vector<64x12800xf32>
    %dot_general3A_40 = tpu.matmul %get3A_39, %max3A_36, %dot_general3A {dimension_numbers = #tpu.dot_dimension_numbers<[1], [0], [0], [1], [0, 0, 1, 1], [], []>, transpose_lhs_hint = false} : vector<64x64xf32>, vector<64x12800xf32>, vector<64x12800xf32> -> vector<64x12800xf32>
    %get3A_41 = arith.constant 0 : index
    %get3A_42 = arith.constant 0 : index
    %get3A_43 = vector.load %arg6[%get3A_41, %get3A_42] : memref<64x1xf32, #tpu.memory_space<vmem>>, vector<64x1xf32>
    %add3A_44 = vector.broadcast %get3A_43 : vector<64x1xf32> to vector<64x12800xf32>
    %add3A_45 = arith.addf %dot_general3A_40, %add3A_44 : vector<64x12800xf32>
    %swap3A = arith.constant 0 : index
    %swap3A_46 = arith.constant 0 : index
    %swap3A_47 = vector.load %arg10[%swap3A, %swap3A_46] : memref<64x12800xf32, #tpu.memory_space<vmem>>, vector<64x12800xf32>
    tpu.vector_store %arg10[%swap3A, %swap3A_46], %add3A_45 {strides = array<i32>} : memref<64x12800xf32, #tpu.memory_space<vmem>>, vector<64x12800xf32>,
    %iota3A = tpu.iota {dimensions = array<i32: 1>} : vector<64x12800xi32>
    %mul3A_48 = arith.constant 12800 : i32
    %mul3A_49 = arith.muli %arg0, %mul3A_48 : i32
    %add3A_50 = vector.broadcast %mul3A_49 : i32 to vector<64x12800xi32>
    %add3A_51 = arith.addi %iota3A, %add3A_50 : vector<64x12800xi32>
    %lt3A = arith.constant 50000 : i32
    %lt3A_52 = vector.broadcast %lt3A : i32 to vector<64x12800xi32>
    %lt3A_53 = arith.cmpi slt, %add3A_51, %lt3A_52 : vector<64x12800xi32>
    %jit3A = arith.constant 0.000000e+00 : f32
    %broadcast_in_dim3A_54 = vector.broadcast %jit3A : f32 to vector<64x12800xf32>
    %select_n3A = arith.select %lt3A_53, %add3A_45, %broadcast_in_dim3A_54 : vector<64x12800xi1>, vector<64x12800xf32>
    %reduce_sum3A_55 = arith.constant dense<0.000000e+00> : vector<64xf32>
    %reduce_sum3A_56 = vector.multi_reduction <add>, %select_n3A, %reduce_sum3A_55 [1] : vector<64x12800xf32> to vector<64xf32>
    %broadcast_in_dim3A_57 = vector.shape_cast %reduce_sum3A_56 : vector<64xf32> to vector<64x1xf32>
    %eq3A = arith.constant 0 : i32
    %eq3A_58 = arith.cmpi eq, %arg0, %eq3A : i32
    %convert_element_type3A = arith.extui %eq3A_58 : i1 to i32
    %cond3A = arith.constant 0 : i32
    %cond3A_59 = arith.cmpi ne, %convert_element_type3A, %cond3A : i32
    scf.if %cond3A_59 {
      %broadcast_in_dim3A_69 = arith.constant 0.000000e+00 : f32
      %broadcast_in_dim3A_70 = vector.broadcast %broadcast_in_dim3A_69 : f32 to vector<64x128xf32>
      %swap3A_71 = arith.constant 0 : index
      %swap3A_72 = arith.constant 0 : index
      %swap3A_73 = vector.load %arg11[%swap3A_71, %swap3A_72] : memref<64x128xf32, #tpu.memory_space<vmem>>, vector<64x128xf32>
      tpu.vector_store %arg11[%swap3A_71, %swap3A_72], %broadcast_in_dim3A_70 {strides = array<i32>} : memref<64x128xf32, #tpu.memory_space<vmem>>, vector<64x128xf32>,
    } else {
    }
    %get3A_60 = arith.constant 0 : index
    %get3A_61 = arith.constant 0 : index
    %get3A_62 = vector.load %arg11[%get3A_60, %get3A_61] : memref<64x128xf32, #tpu.memory_space<vmem>>, vector<64x128xf32>
    %broadcast_in_dim3A_63 = vector.shape_cast %broadcast_in_dim3A_57 : vector<64x1xf32> to vector<64x1xf32>
    %broadcast_in_dim3A_64 = vector.broadcast %broadcast_in_dim3A_63 : vector<64x1xf32> to vector<64x128xf32>
    %add3A_65 = arith.addf %get3A_62, %broadcast_in_dim3A_64 : vector<64x128xf32>
    %swap3A_66 = arith.constant 0 : index
    %swap3A_67 = arith.constant 0 : index
    %swap3A_68 = vector.load %arg11[%swap3A_66, %swap3A_67] : memref<64x128xf32, #tpu.memory_space<vmem>>, vector<64x128xf32>
    tpu.vector_store %arg11[%swap3A_66, %swap3A_67], %add3A_65 {strides = array<i32>} : memref<64x128xf32, #tpu.memory_space<vmem>>, vector<64x128xf32>,
    return
  }
  func.func @transform_0(%arg0: i32) -> (i32, i32) {
    %c0_i32 = arith.constant 0 : i32
    %c0_i32_0 = arith.constant 0 : i32
    return %c0_i32, %arg0 : i32, i32
  }
  func.func @transform_1(%arg0: i32) -> (i32, i32) {
    %c0_i32 = arith.constant 0 : i32
    %c0_i32_0 = arith.constant 0 : i32
    return %c0_i32, %arg0 : i32, i32
  }
  func.func @transform_2(%arg0: i32) -> (i32, i32) {
    %c0_i32 = arith.constant 0 : i32
    %c0_i32_0 = arith.constant 0 : i32
    %c0_i32_1 = arith.constant 0 : i32
    return %c0_i32, %c0_i32_0 : i32, i32
  }
  func.func @transform_3(%arg0: i32) -> (i32, i32) {
    %c0_i32 = arith.constant 0 : i32
    %c0_i32_0 = arith.constant 0 : i32
    %c0_i32_1 = arith.constant 0 : i32
    return %c0_i32, %c0_i32_0 : i32, i32
  }
  func.func @transform_4(%arg0: i32) -> (i32, i32) {
    %c0_i32 = arith.constant 0 : i32
    %c0_i32_0 = arith.constant 0 : i32
    %c0_i32_1 = arith.constant 0 : i32
    return %c0_i32, %c0_i32_0 : i32, i32
  }
  func.func @transform_5(%arg0: i32) -> (i32, i32) {
    %c0_i32 = arith.constant 0 : i32
    %c0_i32_0 = arith.constant 0 : i32
    %c0_i32_1 = arith.constant 0 : i32
    return %c0_i32, %c0_i32_0 : i32, i32
  }
  func.func @transform_6(%arg0: i32) -> (i32, i32) {
    %c0_i32 = arith.constant 0 : i32
    %c0_i32_0 = arith.constant 0 : i32
    %c0_i32_1 = arith.constant 0 : i32
    return %c0_i32, %c0_i32_0 : i32, i32
  }
  func.func @transform_7(%arg0: i32) -> (i32, i32) {
    %c0_i32 = arith.constant 0 : i32
    %c0_i32_0 = arith.constant 0 : i32
    %c0_i32_1 = arith.constant 0 : i32
    return %c0_i32, %c0_i32_0 : i32, i32
  }
  func.func @transform_8(%arg0: i32) -> (i32, i32) {
    %c0_i32 = arith.constant 0 : i32
    %c0_i32_0 = arith.constant 0 : i32
    %c0_i32_1 = arith.constant 0 : i32
    return %c0_i32, %c0_i32_0 : i32, i32
  }
  func.func @transform_9(%arg0: i32) -> (i32, i32) {
    %c0_i32 = arith.constant 0 : i32
    %c0_i32_0 = arith.constant 0 : i32
    return %c0_i32, %arg0 : i32, i32
  }
  func.func @transform_10(%arg0: i32) -> (i32, i32) {
    %c0_i32 = arith.constant 0 : i32
    %c0_i32_0 = arith.constant 0 : i32
    %c0_i32_1 = arith.constant 0 : i32
    return %c0_i32, %c0_i32_0 : i32, i32
  }
}

module attributes {stable_mosaic.version = 14 : i64} {
  func.func @body(%arg0: i32, %arg1: memref<64x12800xf32, #tpu.memory_space<vmem>>, %arg2: memref<64x128xf32, #tpu.memory_space<vmem>>, %arg3: memref<64x1xf32, #tpu.memory_space<vmem>>, %arg4: memref<64x128xf32, #tpu.memory_space<vmem>>) attributes {dimension_semantics = [#tpu.dimension_semantics<arbitrary>], iteration_bounds = array<i64: 4>, scalar_prefetch = 0 : i64, scratch_operands = 0 : i64, tpu.core_type = #tpu.core_type<tc>, window_params = [{transform_indices = @transform_0, window_bounds = array<i64: 64, 12800>}, {pipeline_mode = #tpu.pipeline_mode<synchronous>, transform_indices = @transform_1, window_bounds = array<i64: 64, 128>}, {pipeline_mode = #tpu.pipeline_mode<synchronous>, transform_indices = @transform_2, window_bounds = array<i64: 64, 1>}, {pipeline_mode = #tpu.pipeline_mode<synchronous>, transform_indices = @transform_3, window_bounds = array<i64: 64, 128>}]} {
    %get3A = arith.constant 0 : index
    %get3A_0 = arith.constant 0 : index
    %get3A_1 = vector.load %arg2[%get3A, %get3A_0] : memref<64x128xf32, #tpu.memory_space<vmem>>, vector<64x1xf32>
    %mul3A = arith.constant 2.000000e-05 : f32
    %mul3A_2 = vector.broadcast %mul3A : f32 to vector<64x1xf32>
    %mul3A_3 = arith.mulf %get3A_1, %mul3A_2 : vector<64x1xf32>
    %get3A_4 = arith.constant 0 : index
    %get3A_5 = arith.constant 0 : index
    %get3A_6 = vector.load %arg1[%get3A_4, %get3A_5] : memref<64x12800xf32, #tpu.memory_space<vmem>>, vector<64x12800xf32>
    %get3A_7 = arith.constant 0 : index
    %get3A_8 = arith.constant 0 : index
    %get3A_9 = vector.load %arg3[%get3A_7, %get3A_8] : memref<64x1xf32, #tpu.memory_space<vmem>>, vector<64x1xf32>
    %mul3A_10 = arith.mulf %get3A_9, %mul3A_3 : vector<64x1xf32>
    %sub3A = vector.broadcast %mul3A_10 : vector<64x1xf32> to vector<64x12800xf32>
    %sub3A_11 = arith.subf %get3A_6, %sub3A : vector<64x12800xf32>
    %iota3A = tpu.iota {dimensions = array<i32: 1>} : vector<64x12800xi32>
    %mul3A_12 = arith.constant 12800 : i32
    %mul3A_13 = arith.muli %arg0, %mul3A_12 : i32
    %add3A = vector.broadcast %mul3A_13 : i32 to vector<64x12800xi32>
    %add3A_14 = arith.addi %iota3A, %add3A : vector<64x12800xi32>
    %lt3A = arith.constant 50000 : i32
    %lt3A_15 = vector.broadcast %lt3A : i32 to vector<64x12800xi32>
    %lt3A_16 = arith.cmpi slt, %add3A_14, %lt3A_15 : vector<64x12800xi32>
    %jit3A = arith.constant 0.000000e+00 : f32
    %broadcast_in_dim3A = vector.broadcast %jit3A : f32 to vector<64x12800xf32>
    %select_n3A = arith.select %lt3A_16, %sub3A_11, %broadcast_in_dim3A : vector<64x12800xi1>, vector<64x12800xf32>
    %mul3A_17 = arith.mulf %select_n3A, %select_n3A : vector<64x12800xf32>
    %reduce_sum3A = arith.constant dense<0.000000e+00> : vector<64xf32>
    %reduce_sum3A_18 = vector.multi_reduction <add>, %mul3A_17, %reduce_sum3A [1] : vector<64x12800xf32> to vector<64xf32>
    %broadcast_in_dim3A_19 = vector.shape_cast %reduce_sum3A_18 : vector<64xf32> to vector<64x1xf32>
    %eq3A = arith.constant 0 : i32
    %eq3A_20 = arith.cmpi eq, %arg0, %eq3A : i32
    %convert_element_type3A = arith.extui %eq3A_20 : i1 to i32
    %cond3A = arith.constant 0 : i32
    %cond3A_21 = arith.cmpi ne, %convert_element_type3A, %cond3A : i32
    scf.if %cond3A_21 {
      %broadcast_in_dim3A_30 = arith.constant 0.000000e+00 : f32
      %broadcast_in_dim3A_31 = vector.broadcast %broadcast_in_dim3A_30 : f32 to vector<64x128xf32>
      %swap3A_32 = arith.constant 0 : index
      %swap3A_33 = arith.constant 0 : index
      %swap3A_34 = vector.load %arg4[%swap3A_32, %swap3A_33] : memref<64x128xf32, #tpu.memory_space<vmem>>, vector<64x128xf32>
      tpu.vector_store %arg4[%swap3A_32, %swap3A_33], %broadcast_in_dim3A_31 {strides = array<i32>} : memref<64x128xf32, #tpu.memory_space<vmem>>, vector<64x128xf32>,
    } else {
    }
    %get3A_22 = arith.constant 0 : index
    %get3A_23 = arith.constant 0 : index
    %get3A_24 = vector.load %arg4[%get3A_22, %get3A_23] : memref<64x128xf32, #tpu.memory_space<vmem>>, vector<64x128xf32>
    %broadcast_in_dim3A_25 = vector.shape_cast %broadcast_in_dim3A_19 : vector<64x1xf32> to vector<64x1xf32>
    %broadcast_in_dim3A_26 = vector.broadcast %broadcast_in_dim3A_25 : vector<64x1xf32> to vector<64x128xf32>
    %add3A_27 = arith.addf %get3A_24, %broadcast_in_dim3A_26 : vector<64x128xf32>
    %swap3A = arith.constant 0 : index
    %swap3A_28 = arith.constant 0 : index
    %swap3A_29 = vector.load %arg4[%swap3A, %swap3A_28] : memref<64x128xf32, #tpu.memory_space<vmem>>, vector<64x128xf32>
    tpu.vector_store %arg4[%swap3A, %swap3A_28], %add3A_27 {strides = array<i32>} : memref<64x128xf32, #tpu.memory_space<vmem>>, vector<64x128xf32>,
    return
  }
  func.func @transform_0(%arg0: i32) -> (i32, i32) {
    %c0_i32 = arith.constant 0 : i32
    %c0_i32_0 = arith.constant 0 : i32
    return %c0_i32, %arg0 : i32, i32
  }
  func.func @transform_1(%arg0: i32) -> (i32, i32) {
    %c0_i32 = arith.constant 0 : i32
    %c0_i32_0 = arith.constant 0 : i32
    %c0_i32_1 = arith.constant 0 : i32
    return %c0_i32, %c0_i32_0 : i32, i32
  }
  func.func @transform_2(%arg0: i32) -> (i32, i32) {
    %c0_i32 = arith.constant 0 : i32
    %c0_i32_0 = arith.constant 0 : i32
    %c0_i32_1 = arith.constant 0 : i32
    return %c0_i32, %c0_i32_0 : i32, i32
  }
  func.func @transform_3(%arg0: i32) -> (i32, i32) {
    %c0_i32 = arith.constant 0 : i32
    %c0_i32_0 = arith.constant 0 : i32
    %c0_i32_1 = arith.constant 0 : i32
    return %c0_i32, %c0_i32_0 : i32, i32
  }
}

module attributes {stable_mosaic.version = 14 : i64} {
  func.func @body(%arg0: i32, %arg1: memref<64x12800xf32, #tpu.memory_space<vmem>>, %arg2: memref<64x128xf32, #tpu.memory_space<vmem>>, %arg3: memref<64x128xf32, #tpu.memory_space<vmem>>, %arg4: memref<64x1xf32, #tpu.memory_space<vmem>>, %arg5: memref<64x1xf32, #tpu.memory_space<vmem>>, %arg6: memref<64x1xf32, #tpu.memory_space<vmem>>, %arg7: memref<64x12800xf32, #tpu.memory_space<vmem>>) attributes {dimension_semantics = [#tpu.dimension_semantics<arbitrary>], iteration_bounds = array<i64: 4>, scalar_prefetch = 0 : i64, scratch_operands = 0 : i64, tpu.core_type = #tpu.core_type<tc>, window_params = [{transform_indices = @transform_0, window_bounds = array<i64: 64, 12800>}, {pipeline_mode = #tpu.pipeline_mode<synchronous>, transform_indices = @transform_1, window_bounds = array<i64: 64, 128>}, {pipeline_mode = #tpu.pipeline_mode<synchronous>, transform_indices = @transform_2, window_bounds = array<i64: 64, 128>}, {pipeline_mode = #tpu.pipeline_mode<synchronous>, transform_indices = @transform_3, window_bounds = array<i64: 64, 1>}, {pipeline_mode = #tpu.pipeline_mode<synchronous>, transform_indices = @transform_4, window_bounds = array<i64: 64, 1>}, {pipeline_mode = #tpu.pipeline_mode<synchronous>, transform_indices = @transform_5, window_bounds = array<i64: 64, 1>}, {transform_indices = @transform_6, window_bounds = array<i64: 64, 12800>}]} {
    %get3A = arith.constant 0 : index
    %get3A_0 = arith.constant 0 : index
    %get3A_1 = vector.load %arg2[%get3A, %get3A_0] : memref<64x128xf32, #tpu.memory_space<vmem>>, vector<64x1xf32>
    %mul3A = arith.constant 2.000000e-05 : f32
    %mul3A_2 = vector.broadcast %mul3A : f32 to vector<64x1xf32>
    %mul3A_3 = arith.mulf %get3A_1, %mul3A_2 : vector<64x1xf32>
    %get3A_4 = arith.constant 0 : index
    %get3A_5 = arith.constant 0 : index
    %get3A_6 = vector.load %arg3[%get3A_4, %get3A_5] : memref<64x128xf32, #tpu.memory_space<vmem>>, vector<64x1xf32>
    %mul3A_7 = arith.constant 2.000000e-05 : f32
    %mul3A_8 = vector.broadcast %mul3A_7 : f32 to vector<64x1xf32>
    %mul3A_9 = arith.mulf %get3A_6, %mul3A_8 : vector<64x1xf32>
    %add3A = arith.constant 9.99999974E-6 : f32
    %add3A_10 = vector.broadcast %add3A : f32 to vector<64x1xf32>
    %add3A_11 = arith.addf %mul3A_9, %add3A_10 : vector<64x1xf32>
    %rsqrt3A = math.rsqrt %add3A_11 : vector<64x1xf32>
    %get3A_12 = arith.constant 0 : index
    %get3A_13 = arith.constant 0 : index
    %get3A_14 = vector.load %arg5[%get3A_12, %get3A_13] : memref<64x1xf32, #tpu.memory_space<vmem>>, vector<64x1xf32>
    %get3A_15 = arith.constant 0 : index
    %get3A_16 = arith.constant 0 : index
    %get3A_17 = vector.load %arg1[%get3A_15, %get3A_16] : memref<64x12800xf32, #tpu.memory_space<vmem>>, vector<64x12800xf32>
    %get3A_18 = arith.constant 0 : index
    %get3A_19 = arith.constant 0 : index
    %get3A_20 = vector.load %arg4[%get3A_18, %get3A_19] : memref<64x1xf32, #tpu.memory_space<vmem>>, vector<64x1xf32>
    %mul3A_21 = arith.mulf %get3A_20, %mul3A_3 : vector<64x1xf32>
    %sub3A = vector.broadcast %mul3A_21 : vector<64x1xf32> to vector<64x12800xf32>
    %sub3A_22 = arith.subf %get3A_17, %sub3A : vector<64x12800xf32>
    %mul3A_23 = vector.broadcast %get3A_14 : vector<64x1xf32> to vector<64x12800xf32>
    %mul3A_24 = arith.mulf %mul3A_23, %sub3A_22 : vector<64x12800xf32>
    %mul3A_25 = vector.broadcast %rsqrt3A : vector<64x1xf32> to vector<64x12800xf32>
    %mul3A_26 = arith.mulf %mul3A_24, %mul3A_25 : vector<64x12800xf32>
    %get3A_27 = arith.constant 0 : index
    %get3A_28 = arith.constant 0 : index
    %get3A_29 = vector.load %arg6[%get3A_27, %get3A_28] : memref<64x1xf32, #tpu.memory_space<vmem>>, vector<64x1xf32>
    %add3A_30 = vector.broadcast %get3A_29 : vector<64x1xf32> to vector<64x12800xf32>
    %add3A_31 = arith.addf %mul3A_26, %add3A_30 : vector<64x12800xf32>
    %max3A = arith.constant 0.000000e+00 : f32
    %max3A_32 = vector.broadcast %max3A : f32 to vector<64x12800xf32>
    %max3A_33 = arith.maximumf %add3A_31, %max3A_32 : vector<64x12800xf32>
    %swap3A = arith.constant 0 : index
    %swap3A_34 = arith.constant 0 : index
    %swap3A_35 = vector.load %arg7[%swap3A, %swap3A_34] : memref<64x12800xf32, #tpu.memory_space<vmem>>, vector<64x12800xf32>
    tpu.vector_store %arg7[%swap3A, %swap3A_34], %max3A_33 {strides = array<i32>} : memref<64x12800xf32, #tpu.memory_space<vmem>>, vector<64x12800xf32>,
    return
  }
  func.func @transform_0(%arg0: i32) -> (i32, i32) {
    %c0_i32 = arith.constant 0 : i32
    %c0_i32_0 = arith.constant 0 : i32
    return %c0_i32, %arg0 : i32, i32
  }
  func.func @transform_1(%arg0: i32) -> (i32, i32) {
    %c0_i32 = arith.constant 0 : i32
    %c0_i32_0 = arith.constant 0 : i32
    %c0_i32_1 = arith.constant 0 : i32
    return %c0_i32, %c0_i32_0 : i32, i32
  }
  func.func @transform_2(%arg0: i32) -> (i32, i32) {
    %c0_i32 = arith.constant 0 : i32
    %c0_i32_0 = arith.constant 0 : i32
    %c0_i32_1 = arith.constant 0 : i32
    return %c0_i32, %c0_i32_0 : i32, i32
  }
  func.func @transform_3(%arg0: i32) -> (i32, i32) {
    %c0_i32 = arith.constant 0 : i32
    %c0_i32_0 = arith.constant 0 : i32
    %c0_i32_1 = arith.constant 0 : i32
    return %c0_i32, %c0_i32_0 : i32, i32
  }
  func.func @transform_4(%arg0: i32) -> (i32, i32) {
    %c0_i32 = arith.constant 0 : i32
    %c0_i32_0 = arith.constant 0 : i32
    %c0_i32_1 = arith.constant 0 : i32
    return %c0_i32, %c0_i32_0 : i32, i32
  }
  func.func @transform_5(%arg0: i32) -> (i32, i32) {
    %c0_i32 = arith.constant 0 : i32
    %c0_i32_0 = arith.constant 0 : i32
    %c0_i32_1 = arith.constant 0 : i32
    return %c0_i32, %c0_i32_0 : i32, i32
  }
  func.func @transform_6(%arg0: i32) -> (i32, i32) {
    %c0_i32 = arith.constant 0 : i32
    %c0_i32_0 = arith.constant 0 : i32
    return %c0_i32, %arg0 : i32, i32
  }
}

module attributes {stable_mosaic.version = 14 : i64} {
  func.func @body(%arg0: i32, %arg1: memref<64x12800xf32, #tpu.memory_space<vmem>>, %arg2: memref<64x12800xf32, #tpu.memory_space<vmem>>, %arg3: memref<64x64xf32, #tpu.memory_space<vmem>>, %arg4: memref<64x64xf32, #tpu.memory_space<vmem>>, %arg5: memref<64x1xf32, #tpu.memory_space<vmem>>, %arg6: memref<64x1xf32, #tpu.memory_space<vmem>>, %arg7: memref<64x1xf32, #tpu.memory_space<vmem>>, %arg8: memref<64x1xf32, #tpu.memory_space<vmem>>, %arg9: memref<1x1xf32, #tpu.memory_space<vmem>>, %arg10: memref<2x64xf32, #tpu.memory_space<vmem>>, %arg11: memref<1x12800xf32, #tpu.memory_space<vmem>>, %arg12: memref<2x1xf32, #tpu.memory_space<vmem>>, %arg13: memref<2x1xf32, #tpu.memory_space<vmem>>, %arg14: memref<64x12800xf32, #tpu.memory_space<vmem>>, %arg15: memref<64x128xf32, #tpu.memory_space<vmem>>, %arg16: memref<2x12800xf32, #tpu.memory_space<vmem>>) attributes {dimension_semantics = [#tpu.dimension_semantics<arbitrary>], iteration_bounds = array<i64: 4>, scalar_prefetch = 0 : i64, scratch_operands = 0 : i64, tpu.core_type = #tpu.core_type<tc>, window_params = [{transform_indices = @transform_0, window_bounds = array<i64: 64, 12800>}, {transform_indices = @transform_1, window_bounds = array<i64: 64, 12800>}, {pipeline_mode = #tpu.pipeline_mode<synchronous>, transform_indices = @transform_2, window_bounds = array<i64: 64, 64>}, {pipeline_mode = #tpu.pipeline_mode<synchronous>, transform_indices = @transform_3, window_bounds = array<i64: 64, 64>}, {pipeline_mode = #tpu.pipeline_mode<synchronous>, transform_indices = @transform_4, window_bounds = array<i64: 64, 1>}, {pipeline_mode = #tpu.pipeline_mode<synchronous>, transform_indices = @transform_5, window_bounds = array<i64: 64, 1>}, {pipeline_mode = #tpu.pipeline_mode<synchronous>, transform_indices = @transform_6, window_bounds = array<i64: 64, 1>}, {pipeline_mode = #tpu.pipeline_mode<synchronous>, transform_indices = @transform_7, window_bounds = array<i64: 64, 1>}, {pipeline_mode = #tpu.pipeline_mode<synchronous>, transform_indices = @transform_8, window_bounds = array<i64: 1, 1>}, {pipeline_mode = #tpu.pipeline_mode<synchronous>, transform_indices = @transform_9, window_bounds = array<i64: 2, 64>}, {transform_indices = @transform_10, window_bounds = array<i64: 1, 12800>}, {pipeline_mode = #tpu.pipeline_mode<synchronous>, transform_indices = @transform_11, window_bounds = array<i64: 2, 1>}, {pipeline_mode = #tpu.pipeline_mode<synchronous>, transform_indices = @transform_12, window_bounds = array<i64: 2, 1>}, {transform_indices = @transform_13, window_bounds = array<i64: 64, 12800>}, {pipeline_mode = #tpu.pipeline_mode<synchronous>, transform_indices = @transform_14, window_bounds = array<i64: 64, 128>}, {transform_indices = @transform_15, window_bounds = array<i64: 2, 12800>}]} {
    %get3A = arith.constant 0 : index
    %get3A_0 = arith.constant 0 : index
    %get3A_1 = vector.load %arg12[%get3A, %get3A_0] : memref<2x1xf32, #tpu.memory_space<vmem>>, vector<2x1xf32>
    %get3A_2 = arith.constant 0 : index
    %get3A_3 = arith.constant 0 : index
    %get3A_4 = vector.load %arg11[%get3A_2, %get3A_3] : memref<1x12800xf32, #tpu.memory_space<vmem>>, vector<1x12800xf32>
    %mul3A = vector.broadcast %get3A_1 : vector<2x1xf32> to vector<2x12800xf32>
    %mul3A_5 = vector.broadcast %get3A_4 : vector<1x12800xf32> to vector<2x12800xf32>
    %mul3A_6 = arith.mulf %mul3A, %mul3A_5 : vector<2x12800xf32>
    %get3A_7 = arith.constant 0 : index
    %get3A_8 = arith.constant 0 : index
    %get3A_9 = vector.load %arg13[%get3A_7, %get3A_8] : memref<2x1xf32, #tpu.memory_space<vmem>>, vector<2x1xf32>
    %add3A = vector.broadcast %get3A_9 : vector<2x1xf32> to vector<2x12800xf32>
    %add3A_10 = arith.addf %mul3A_6, %add3A : vector<2x12800xf32>
    %get3A_11 = arith.constant 0 : index
    %get3A_12 = arith.constant 0 : index
    %get3A_13 = vector.load %arg10[%get3A_11, %get3A_12] : memref<2x64xf32, #tpu.memory_space<vmem>>, vector<2x64xf32>
    %get3A_14 = arith.constant 0 : index
    %get3A_15 = arith.constant 0 : index
    %get3A_16 = vector.load %arg2[%get3A_14, %get3A_15] : memref<64x12800xf32, #tpu.memory_space<vmem>>, vector<64x12800xf32>
    %dot_general3A = arith.constant dense<0.000000e+00> : vector<2x12800xf32>
    %dot_general3A_17 = tpu.matmul %get3A_13, %get3A_16, %dot_general3A {dimension_numbers = #tpu.dot_dimension_numbers<[1], [0], [0], [1], [0, 0, 1, 1], [], []>, transpose_lhs_hint = false} : vector<2x64xf32>, vector<64x12800xf32>, vector<2x12800xf32> -> vector<2x12800xf32>
    %add3A_18 = arith.addf %add3A_10, %dot_general3A_17 : vector<2x12800xf32>
    %swap3A = arith.constant 0 : index
    %swap3A_19 = arith.constant 0 : index
    %swap3A_20 = vector.load %arg16[%swap3A, %swap3A_19] : memref<2x12800xf32, #tpu.memory_space<vmem>>, vector<2x12800xf32>
    tpu.vector_store %arg16[%swap3A, %swap3A_19], %add3A_18 {strides = array<i32>} : memref<2x12800xf32, #tpu.memory_space<vmem>>, vector<2x12800xf32>,
    %get3A_21 = arith.constant 0 : index
    %get3A_22 = arith.constant 0 : index
    %get3A_23 = vector.load %arg1[%get3A_21, %get3A_22] : memref<64x12800xf32, #tpu.memory_space<vmem>>, vector<64x12800xf32>
    %get3A_24 = arith.constant 0 : index
    %get3A_25 = arith.constant 0 : index
    %get3A_26 = vector.load %arg9[%get3A_24, %get3A_25] : memref<1x1xf32, #tpu.memory_space<vmem>>, vector<1x1xf32>
    %get3A_27 = vector.extract %get3A_26[0, 0] : f32 from vector<1x1xf32>
    %get3A_28 = arith.constant 0 : index
    %get3A_29 = arith.constant 0 : index
    %get3A_30 = vector.load %arg2[%get3A_28, %get3A_29] : memref<64x12800xf32, #tpu.memory_space<vmem>>, vector<64x12800xf32>
    %mul3A_31 = vector.broadcast %get3A_27 : f32 to vector<64x12800xf32>
    %mul3A_32 = arith.mulf %mul3A_31, %get3A_30 : vector<64x12800xf32>
    %add3A_33 = arith.addf %get3A_23, %mul3A_32 : vector<64x12800xf32>
    %get3A_34 = arith.constant 0 : index
    %get3A_35 = arith.constant 0 : index
    %get3A_36 = vector.load %arg3[%get3A_34, %get3A_35] : memref<64x64xf32, #tpu.memory_space<vmem>>, vector<64x64xf32>
    %dot_general3A_37 = arith.constant dense<0.000000e+00> : vector<64x12800xf32>
    %dot_general3A_38 = tpu.matmul %get3A_36, %add3A_33, %dot_general3A_37 {dimension_numbers = #tpu.dot_dimension_numbers<[1], [0], [0], [1], [0, 0, 1, 1], [], []>, transpose_lhs_hint = false} : vector<64x64xf32>, vector<64x12800xf32>, vector<64x12800xf32> -> vector<64x12800xf32>
    %get3A_39 = arith.constant 0 : index
    %get3A_40 = arith.constant 0 : index
    %get3A_41 = vector.load %arg7[%get3A_39, %get3A_40] : memref<64x1xf32, #tpu.memory_space<vmem>>, vector<64x1xf32>
    %mul3A_42 = vector.broadcast %get3A_41 : vector<64x1xf32> to vector<64x12800xf32>
    %mul3A_43 = arith.mulf %dot_general3A_38, %mul3A_42 : vector<64x12800xf32>
    %get3A_44 = arith.constant 0 : index
    %get3A_45 = arith.constant 0 : index
    %get3A_46 = vector.load %arg5[%get3A_44, %get3A_45] : memref<64x1xf32, #tpu.memory_space<vmem>>, vector<64x1xf32>
    %get3A_47 = arith.constant 0 : index
    %get3A_48 = arith.constant 0 : index
    %get3A_49 = vector.load %arg7[%get3A_47, %get3A_48] : memref<64x1xf32, #tpu.memory_space<vmem>>, vector<64x1xf32>
    %mul3A_50 = arith.mulf %get3A_46, %get3A_49 : vector<64x1xf32>
    %get3A_51 = arith.constant 0 : index
    %get3A_52 = arith.constant 0 : index
    %get3A_53 = vector.load %arg8[%get3A_51, %get3A_52] : memref<64x1xf32, #tpu.memory_space<vmem>>, vector<64x1xf32>
    %add3A_54 = arith.addf %mul3A_50, %get3A_53 : vector<64x1xf32>
    %add3A_55 = vector.broadcast %add3A_54 : vector<64x1xf32> to vector<64x12800xf32>
    %add3A_56 = arith.addf %mul3A_43, %add3A_55 : vector<64x12800xf32>
    %max3A = arith.constant 0.000000e+00 : f32
    %max3A_57 = vector.broadcast %max3A : f32 to vector<64x12800xf32>
    %max3A_58 = arith.maximumf %add3A_56, %max3A_57 : vector<64x12800xf32>
    %get3A_59 = arith.constant 0 : index
    %get3A_60 = arith.constant 0 : index
    %get3A_61 = vector.load %arg4[%get3A_59, %get3A_60] : memref<64x64xf32, #tpu.memory_space<vmem>>, vector<64x64xf32>
    %dot_general3A_62 = arith.constant dense<0.000000e+00> : vector<64x12800xf32>
    %dot_general3A_63 = tpu.matmul %get3A_61, %max3A_58, %dot_general3A_62 {dimension_numbers = #tpu.dot_dimension_numbers<[1], [0], [0], [1], [0, 0, 1, 1], [], []>, transpose_lhs_hint = false} : vector<64x64xf32>, vector<64x12800xf32>, vector<64x12800xf32> -> vector<64x12800xf32>
    %get3A_64 = arith.constant 0 : index
    %get3A_65 = arith.constant 0 : index
    %get3A_66 = vector.load %arg6[%get3A_64, %get3A_65] : memref<64x1xf32, #tpu.memory_space<vmem>>, vector<64x1xf32>
    %add3A_67 = vector.broadcast %get3A_66 : vector<64x1xf32> to vector<64x12800xf32>
    %add3A_68 = arith.addf %dot_general3A_63, %add3A_67 : vector<64x12800xf32>
    %swap3A_69 = arith.constant 0 : index
    %swap3A_70 = arith.constant 0 : index
    %swap3A_71 = vector.load %arg14[%swap3A_69, %swap3A_70] : memref<64x12800xf32, #tpu.memory_space<vmem>>, vector<64x12800xf32>
    tpu.vector_store %arg14[%swap3A_69, %swap3A_70], %add3A_68 {strides = array<i32>} : memref<64x12800xf32, #tpu.memory_space<vmem>>, vector<64x12800xf32>,
    %iota3A = tpu.iota {dimensions = array<i32: 1>} : vector<64x12800xi32>
    %mul3A_72 = arith.constant 12800 : i32
    %mul3A_73 = arith.muli %arg0, %mul3A_72 : i32
    %add3A_74 = vector.broadcast %mul3A_73 : i32 to vector<64x12800xi32>
    %add3A_75 = arith.addi %iota3A, %add3A_74 : vector<64x12800xi32>
    %lt3A = arith.constant 50000 : i32
    %lt3A_76 = vector.broadcast %lt3A : i32 to vector<64x12800xi32>
    %lt3A_77 = arith.cmpi slt, %add3A_75, %lt3A_76 : vector<64x12800xi32>
    %jit3A = arith.constant 0.000000e+00 : f32
    %broadcast_in_dim3A = vector.broadcast %jit3A : f32 to vector<64x12800xf32>
    %select_n3A = arith.select %lt3A_77, %add3A_68, %broadcast_in_dim3A : vector<64x12800xi1>, vector<64x12800xf32>
    %reduce_sum3A = arith.constant dense<0.000000e+00> : vector<64xf32>
    %reduce_sum3A_78 = vector.multi_reduction <add>, %select_n3A, %reduce_sum3A [1] : vector<64x12800xf32> to vector<64xf32>
    %broadcast_in_dim3A_79 = vector.shape_cast %reduce_sum3A_78 : vector<64xf32> to vector<64x1xf32>
    %eq3A = arith.constant 0 : i32
    %eq3A_80 = arith.cmpi eq, %arg0, %eq3A : i32
    %convert_element_type3A = arith.extui %eq3A_80 : i1 to i32
    %cond3A = arith.constant 0 : i32
    %cond3A_81 = arith.cmpi ne, %convert_element_type3A, %cond3A : i32
    scf.if %cond3A_81 {
      %broadcast_in_dim3A_91 = arith.constant 0.000000e+00 : f32
      %broadcast_in_dim3A_92 = vector.broadcast %broadcast_in_dim3A_91 : f32 to vector<64x128xf32>
      %swap3A_93 = arith.constant 0 : index
      %swap3A_94 = arith.constant 0 : index
      %swap3A_95 = vector.load %arg15[%swap3A_93, %swap3A_94] : memref<64x128xf32, #tpu.memory_space<vmem>>, vector<64x128xf32>
      tpu.vector_store %arg15[%swap3A_93, %swap3A_94], %broadcast_in_dim3A_92 {strides = array<i32>} : memref<64x128xf32, #tpu.memory_space<vmem>>, vector<64x128xf32>,
    } else {
    }
    %get3A_82 = arith.constant 0 : index
    %get3A_83 = arith.constant 0 : index
    %get3A_84 = vector.load %arg15[%get3A_82, %get3A_83] : memref<64x128xf32, #tpu.memory_space<vmem>>, vector<64x128xf32>
    %broadcast_in_dim3A_85 = vector.shape_cast %broadcast_in_dim3A_79 : vector<64x1xf32> to vector<64x1xf32>
    %broadcast_in_dim3A_86 = vector.broadcast %broadcast_in_dim3A_85 : vector<64x1xf32> to vector<64x128xf32>
    %add3A_87 = arith.addf %get3A_84, %broadcast_in_dim3A_86 : vector<64x128xf32>
    %swap3A_88 = arith.constant 0 : index
    %swap3A_89 = arith.constant 0 : index
    %swap3A_90 = vector.load %arg15[%swap3A_88, %swap3A_89] : memref<64x128xf32, #tpu.memory_space<vmem>>, vector<64x128xf32>
    tpu.vector_store %arg15[%swap3A_88, %swap3A_89], %add3A_87 {strides = array<i32>} : memref<64x128xf32, #tpu.memory_space<vmem>>, vector<64x128xf32>,
    return
  }
  func.func @transform_0(%arg0: i32) -> (i32, i32) {
    %c0_i32 = arith.constant 0 : i32
    %c0_i32_0 = arith.constant 0 : i32
    return %c0_i32, %arg0 : i32, i32
  }
  func.func @transform_1(%arg0: i32) -> (i32, i32) {
    %c0_i32 = arith.constant 0 : i32
    %c0_i32_0 = arith.constant 0 : i32
    return %c0_i32, %arg0 : i32, i32
  }
  func.func @transform_2(%arg0: i32) -> (i32, i32) {
    %c0_i32 = arith.constant 0 : i32
    %c0_i32_0 = arith.constant 0 : i32
    %c0_i32_1 = arith.constant 0 : i32
    return %c0_i32, %c0_i32_0 : i32, i32
  }
  func.func @transform_3(%arg0: i32) -> (i32, i32) {
    %c0_i32 = arith.constant 0 : i32
    %c0_i32_0 = arith.constant 0 : i32
    %c0_i32_1 = arith.constant 0 : i32
    return %c0_i32, %c0_i32_0 : i32, i32
  }
  func.func @transform_4(%arg0: i32) -> (i32, i32) {
    %c0_i32 = arith.constant 0 : i32
    %c0_i32_0 = arith.constant 0 : i32
    %c0_i32_1 = arith.constant 0 : i32
    return %c0_i32, %c0_i32_0 : i32, i32
  }
  func.func @transform_5(%arg0: i32) -> (i32, i32) {
    %c0_i32 = arith.constant 0 : i32
    %c0_i32_0 = arith.constant 0 : i32
    %c0_i32_1 = arith.constant 0 : i32
    return %c0_i32, %c0_i32_0 : i32, i32
  }
  func.func @transform_6(%arg0: i32) -> (i32, i32) {
    %c0_i32 = arith.constant 0 : i32
    %c0_i32_0 = arith.constant 0 : i32
    %c0_i32_1 = arith.constant 0 : i32
    return %c0_i32, %c0_i32_0 : i32, i32
  }
  func.func @transform_7(%arg0: i32) -> (i32, i32) {
    %c0_i32 = arith.constant 0 : i32
    %c0_i32_0 = arith.constant 0 : i32
    %c0_i32_1 = arith.constant 0 : i32
    return %c0_i32, %c0_i32_0 : i32, i32
  }
  func.func @transform_8(%arg0: i32) -> (i32, i32) {
    %c0_i32 = arith.constant 0 : i32
    %c0_i32_0 = arith.constant 0 : i32
    %c0_i32_1 = arith.constant 0 : i32
    return %c0_i32, %c0_i32_0 : i32, i32
  }
  func.func @transform_9(%arg0: i32) -> (i32, i32) {
    %c0_i32 = arith.constant 0 : i32
    %c0_i32_0 = arith.constant 0 : i32
    %c0_i32_1 = arith.constant 0 : i32
    return %c0_i32, %c0_i32_0 : i32, i32
  }
  func.func @transform_10(%arg0: i32) -> (i32, i32) {
    %c0_i32 = arith.constant 0 : i32
    %c0_i32_0 = arith.constant 0 : i32
    return %c0_i32, %arg0 : i32, i32
  }
  func.func @transform_11(%arg0: i32) -> (i32, i32) {
    %c0_i32 = arith.constant 0 : i32
    %c0_i32_0 = arith.constant 0 : i32
    %c0_i32_1 = arith.constant 0 : i32
    return %c0_i32, %c0_i32_0 : i32, i32
  }
  func.func @transform_12(%arg0: i32) -> (i32, i32) {
    %c0_i32 = arith.constant 0 : i32
    %c0_i32_0 = arith.constant 0 : i32
    %c0_i32_1 = arith.constant 0 : i32
    return %c0_i32, %c0_i32_0 : i32, i32
  }
  func.func @transform_13(%arg0: i32) -> (i32, i32) {
    %c0_i32 = arith.constant 0 : i32
    %c0_i32_0 = arith.constant 0 : i32
    return %c0_i32, %arg0 : i32, i32
  }
  func.func @transform_14(%arg0: i32) -> (i32, i32) {
    %c0_i32 = arith.constant 0 : i32
    %c0_i32_0 = arith.constant 0 : i32
    %c0_i32_1 = arith.constant 0 : i32
    return %c0_i32, %c0_i32_0 : i32, i32
  }
  func.func @transform_15(%arg0: i32) -> (i32, i32) {
    %c0_i32 = arith.constant 0 : i32
    %c0_i32_0 = arith.constant 0 : i32
    return %c0_i32, %arg0 : i32, i32
  }
}

module attributes {stable_mosaic.version = 14 : i64} {
  func.func @body(%arg0: i32, %arg1: memref<64x12800xf32, #tpu.memory_space<vmem>>, %arg2: memref<64x12800xf32, #tpu.memory_space<vmem>>, %arg3: memref<64x64xf32, #tpu.memory_space<vmem>>, %arg4: memref<64x64xf32, #tpu.memory_space<vmem>>, %arg5: memref<64x1xf32, #tpu.memory_space<vmem>>, %arg6: memref<64x1xf32, #tpu.memory_space<vmem>>, %arg7: memref<64x1xf32, #tpu.memory_space<vmem>>, %arg8: memref<64x1xf32, #tpu.memory_space<vmem>>, %arg9: memref<1x1xf32, #tpu.memory_space<vmem>>, %arg10: memref<2x64xf32, #tpu.memory_space<vmem>>, %arg11: memref<2x12800xf32, #tpu.memory_space<vmem>>, %arg12: memref<64x12800xf32, #tpu.memory_space<vmem>>, %arg13: memref<64x128xf32, #tpu.memory_space<vmem>>, %arg14: memref<2x12800xf32, #tpu.memory_space<vmem>>) attributes {dimension_semantics = [#tpu.dimension_semantics<arbitrary>], iteration_bounds = array<i64: 4>, scalar_prefetch = 0 : i64, scratch_operands = 0 : i64, tpu.core_type = #tpu.core_type<tc>, window_params = [{transform_indices = @transform_0, window_bounds = array<i64: 64, 12800>}, {transform_indices = @transform_1, window_bounds = array<i64: 64, 12800>}, {pipeline_mode = #tpu.pipeline_mode<synchronous>, transform_indices = @transform_2, window_bounds = array<i64: 64, 64>}, {pipeline_mode = #tpu.pipeline_mode<synchronous>, transform_indices = @transform_3, window_bounds = array<i64: 64, 64>}, {pipeline_mode = #tpu.pipeline_mode<synchronous>, transform_indices = @transform_4, window_bounds = array<i64: 64, 1>}, {pipeline_mode = #tpu.pipeline_mode<synchronous>, transform_indices = @transform_5, window_bounds = array<i64: 64, 1>}, {pipeline_mode = #tpu.pipeline_mode<synchronous>, transform_indices = @transform_6, window_bounds = array<i64: 64, 1>}, {pipeline_mode = #tpu.pipeline_mode<synchronous>, transform_indices = @transform_7, window_bounds = array<i64: 64, 1>}, {pipeline_mode = #tpu.pipeline_mode<synchronous>, transform_indices = @transform_8, window_bounds = array<i64: 1, 1>}, {pipeline_mode = #tpu.pipeline_mode<synchronous>, transform_indices = @transform_9, window_bounds = array<i64: 2, 64>}, {transform_indices = @transform_10, window_bounds = array<i64: 2, 12800>}, {transform_indices = @transform_11, window_bounds = array<i64: 64, 12800>}, {pipeline_mode = #tpu.pipeline_mode<synchronous>, transform_indices = @transform_12, window_bounds = array<i64: 64, 128>}, {transform_indices = @transform_13, window_bounds = array<i64: 2, 12800>}]} {
    %get3A = arith.constant 0 : index
    %get3A_0 = arith.constant 0 : index
    %get3A_1 = vector.load %arg11[%get3A, %get3A_0] : memref<2x12800xf32, #tpu.memory_space<vmem>>, vector<2x12800xf32>
    %get3A_2 = arith.constant 0 : index
    %get3A_3 = arith.constant 0 : index
    %get3A_4 = vector.load %arg10[%get3A_2, %get3A_3] : memref<2x64xf32, #tpu.memory_space<vmem>>, vector<2x64xf32>
    %get3A_5 = arith.constant 0 : index
    %get3A_6 = arith.constant 0 : index
    %get3A_7 = vector.load %arg2[%get3A_5, %get3A_6] : memref<64x12800xf32, #tpu.memory_space<vmem>>, vector<64x12800xf32>
    %dot_general3A = arith.constant dense<0.000000e+00> : vector<2x12800xf32>
    %dot_general3A_8 = tpu.matmul %get3A_4, %get3A_7, %dot_general3A {dimension_numbers = #tpu.dot_dimension_numbers<[1], [0], [0], [1], [0, 0, 1, 1], [], []>, transpose_lhs_hint = false} : vector<2x64xf32>, vector<64x12800xf32>, vector<2x12800xf32> -> vector<2x12800xf32>
    %add3A = arith.addf %get3A_1, %dot_general3A_8 : vector<2x12800xf32>
    %swap3A = arith.constant 0 : index
    %swap3A_9 = arith.constant 0 : index
    %swap3A_10 = vector.load %arg14[%swap3A, %swap3A_9] : memref<2x12800xf32, #tpu.memory_space<vmem>>, vector<2x12800xf32>
    tpu.vector_store %arg14[%swap3A, %swap3A_9], %add3A {strides = array<i32>} : memref<2x12800xf32, #tpu.memory_space<vmem>>, vector<2x12800xf32>,
    %get3A_11 = arith.constant 0 : index
    %get3A_12 = arith.constant 0 : index
    %get3A_13 = vector.load %arg1[%get3A_11, %get3A_12] : memref<64x12800xf32, #tpu.memory_space<vmem>>, vector<64x12800xf32>
    %get3A_14 = arith.constant 0 : index
    %get3A_15 = arith.constant 0 : index
    %get3A_16 = vector.load %arg9[%get3A_14, %get3A_15] : memref<1x1xf32, #tpu.memory_space<vmem>>, vector<1x1xf32>
    %get3A_17 = vector.extract %get3A_16[0, 0] : f32 from vector<1x1xf32>
    %get3A_18 = arith.constant 0 : index
    %get3A_19 = arith.constant 0 : index
    %get3A_20 = vector.load %arg2[%get3A_18, %get3A_19] : memref<64x12800xf32, #tpu.memory_space<vmem>>, vector<64x12800xf32>
    %mul3A = vector.broadcast %get3A_17 : f32 to vector<64x12800xf32>
    %mul3A_21 = arith.mulf %mul3A, %get3A_20 : vector<64x12800xf32>
    %add3A_22 = arith.addf %get3A_13, %mul3A_21 : vector<64x12800xf32>
    %get3A_23 = arith.constant 0 : index
    %get3A_24 = arith.constant 0 : index
    %get3A_25 = vector.load %arg3[%get3A_23, %get3A_24] : memref<64x64xf32, #tpu.memory_space<vmem>>, vector<64x64xf32>
    %dot_general3A_26 = arith.constant dense<0.000000e+00> : vector<64x12800xf32>
    %dot_general3A_27 = tpu.matmul %get3A_25, %add3A_22, %dot_general3A_26 {dimension_numbers = #tpu.dot_dimension_numbers<[1], [0], [0], [1], [0, 0, 1, 1], [], []>, transpose_lhs_hint = false} : vector<64x64xf32>, vector<64x12800xf32>, vector<64x12800xf32> -> vector<64x12800xf32>
    %get3A_28 = arith.constant 0 : index
    %get3A_29 = arith.constant 0 : index
    %get3A_30 = vector.load %arg7[%get3A_28, %get3A_29] : memref<64x1xf32, #tpu.memory_space<vmem>>, vector<64x1xf32>
    %mul3A_31 = vector.broadcast %get3A_30 : vector<64x1xf32> to vector<64x12800xf32>
    %mul3A_32 = arith.mulf %dot_general3A_27, %mul3A_31 : vector<64x12800xf32>
    %get3A_33 = arith.constant 0 : index
    %get3A_34 = arith.constant 0 : index
    %get3A_35 = vector.load %arg5[%get3A_33, %get3A_34] : memref<64x1xf32, #tpu.memory_space<vmem>>, vector<64x1xf32>
    %get3A_36 = arith.constant 0 : index
    %get3A_37 = arith.constant 0 : index
    %get3A_38 = vector.load %arg7[%get3A_36, %get3A_37] : memref<64x1xf32, #tpu.memory_space<vmem>>, vector<64x1xf32>
    %mul3A_39 = arith.mulf %get3A_35, %get3A_38 : vector<64x1xf32>
    %get3A_40 = arith.constant 0 : index
    %get3A_41 = arith.constant 0 : index
    %get3A_42 = vector.load %arg8[%get3A_40, %get3A_41] : memref<64x1xf32, #tpu.memory_space<vmem>>, vector<64x1xf32>
    %add3A_43 = arith.addf %mul3A_39, %get3A_42 : vector<64x1xf32>
    %add3A_44 = vector.broadcast %add3A_43 : vector<64x1xf32> to vector<64x12800xf32>
    %add3A_45 = arith.addf %mul3A_32, %add3A_44 : vector<64x12800xf32>
    %max3A = arith.constant 0.000000e+00 : f32
    %max3A_46 = vector.broadcast %max3A : f32 to vector<64x12800xf32>
    %max3A_47 = arith.maximumf %add3A_45, %max3A_46 : vector<64x12800xf32>
    %get3A_48 = arith.constant 0 : index
    %get3A_49 = arith.constant 0 : index
    %get3A_50 = vector.load %arg4[%get3A_48, %get3A_49] : memref<64x64xf32, #tpu.memory_space<vmem>>, vector<64x64xf32>
    %dot_general3A_51 = arith.constant dense<0.000000e+00> : vector<64x12800xf32>
    %dot_general3A_52 = tpu.matmul %get3A_50, %max3A_47, %dot_general3A_51 {dimension_numbers = #tpu.dot_dimension_numbers<[1], [0], [0], [1], [0, 0, 1, 1], [], []>, transpose_lhs_hint = false} : vector<64x64xf32>, vector<64x12800xf32>, vector<64x12800xf32> -> vector<64x12800xf32>
    %get3A_53 = arith.constant 0 : index
    %get3A_54 = arith.constant 0 : index
    %get3A_55 = vector.load %arg6[%get3A_53, %get3A_54] : memref<64x1xf32, #tpu.memory_space<vmem>>, vector<64x1xf32>
    %add3A_56 = vector.broadcast %get3A_55 : vector<64x1xf32> to vector<64x12800xf32>
    %add3A_57 = arith.addf %dot_general3A_52, %add3A_56 : vector<64x12800xf32>
    %swap3A_58 = arith.constant 0 : index
    %swap3A_59 = arith.constant 0 : index
    %swap3A_60 = vector.load %arg12[%swap3A_58, %swap3A_59] : memref<64x12800xf32, #tpu.memory_space<vmem>>, vector<64x12800xf32>
    tpu.vector_store %arg12[%swap3A_58, %swap3A_59], %add3A_57 {strides = array<i32>} : memref<64x12800xf32, #tpu.memory_space<vmem>>, vector<64x12800xf32>,
    %iota3A = tpu.iota {dimensions = array<i32: 1>} : vector<64x12800xi32>
    %mul3A_61 = arith.constant 12800 : i32
    %mul3A_62 = arith.muli %arg0, %mul3A_61 : i32
    %add3A_63 = vector.broadcast %mul3A_62 : i32 to vector<64x12800xi32>
    %add3A_64 = arith.addi %iota3A, %add3A_63 : vector<64x12800xi32>
    %lt3A = arith.constant 50000 : i32
    %lt3A_65 = vector.broadcast %lt3A : i32 to vector<64x12800xi32>
    %lt3A_66 = arith.cmpi slt, %add3A_64, %lt3A_65 : vector<64x12800xi32>
    %jit3A = arith.constant 0.000000e+00 : f32
    %broadcast_in_dim3A = vector.broadcast %jit3A : f32 to vector<64x12800xf32>
    %select_n3A = arith.select %lt3A_66, %add3A_57, %broadcast_in_dim3A : vector<64x12800xi1>, vector<64x12800xf32>
    %reduce_sum3A = arith.constant dense<0.000000e+00> : vector<64xf32>
    %reduce_sum3A_67 = vector.multi_reduction <add>, %select_n3A, %reduce_sum3A [1] : vector<64x12800xf32> to vector<64xf32>
    %broadcast_in_dim3A_68 = vector.shape_cast %reduce_sum3A_67 : vector<64xf32> to vector<64x1xf32>
    %eq3A = arith.constant 0 : i32
    %eq3A_69 = arith.cmpi eq, %arg0, %eq3A : i32
    %convert_element_type3A = arith.extui %eq3A_69 : i1 to i32
    %cond3A = arith.constant 0 : i32
    %cond3A_70 = arith.cmpi ne, %convert_element_type3A, %cond3A : i32
    scf.if %cond3A_70 {
      %broadcast_in_dim3A_80 = arith.constant 0.000000e+00 : f32
      %broadcast_in_dim3A_81 = vector.broadcast %broadcast_in_dim3A_80 : f32 to vector<64x128xf32>
      %swap3A_82 = arith.constant 0 : index
      %swap3A_83 = arith.constant 0 : index
      %swap3A_84 = vector.load %arg13[%swap3A_82, %swap3A_83] : memref<64x128xf32, #tpu.memory_space<vmem>>, vector<64x128xf32>
      tpu.vector_store %arg13[%swap3A_82, %swap3A_83], %broadcast_in_dim3A_81 {strides = array<i32>} : memref<64x128xf32, #tpu.memory_space<vmem>>, vector<64x128xf32>,
    } else {
    }
    %get3A_71 = arith.constant 0 : index
    %get3A_72 = arith.constant 0 : index
    %get3A_73 = vector.load %arg13[%get3A_71, %get3A_72] : memref<64x128xf32, #tpu.memory_space<vmem>>, vector<64x128xf32>
    %broadcast_in_dim3A_74 = vector.shape_cast %broadcast_in_dim3A_68 : vector<64x1xf32> to vector<64x1xf32>
    %broadcast_in_dim3A_75 = vector.broadcast %broadcast_in_dim3A_74 : vector<64x1xf32> to vector<64x128xf32>
    %add3A_76 = arith.addf %get3A_73, %broadcast_in_dim3A_75 : vector<64x128xf32>
    %swap3A_77 = arith.constant 0 : index
    %swap3A_78 = arith.constant 0 : index
    %swap3A_79 = vector.load %arg13[%swap3A_77, %swap3A_78] : memref<64x128xf32, #tpu.memory_space<vmem>>, vector<64x128xf32>
    tpu.vector_store %arg13[%swap3A_77, %swap3A_78], %add3A_76 {strides = array<i32>} : memref<64x128xf32, #tpu.memory_space<vmem>>, vector<64x128xf32>,
    return
  }
  func.func @transform_0(%arg0: i32) -> (i32, i32) {
    %c0_i32 = arith.constant 0 : i32
    %c0_i32_0 = arith.constant 0 : i32
    return %c0_i32, %arg0 : i32, i32
  }
  func.func @transform_1(%arg0: i32) -> (i32, i32) {
    %c0_i32 = arith.constant 0 : i32
    %c0_i32_0 = arith.constant 0 : i32
    return %c0_i32, %arg0 : i32, i32
  }
  func.func @transform_2(%arg0: i32) -> (i32, i32) {
    %c0_i32 = arith.constant 0 : i32
    %c0_i32_0 = arith.constant 0 : i32
    %c0_i32_1 = arith.constant 0 : i32
    return %c0_i32, %c0_i32_0 : i32, i32
  }
  func.func @transform_3(%arg0: i32) -> (i32, i32) {
    %c0_i32 = arith.constant 0 : i32
    %c0_i32_0 = arith.constant 0 : i32
    %c0_i32_1 = arith.constant 0 : i32
    return %c0_i32, %c0_i32_0 : i32, i32
  }
  func.func @transform_4(%arg0: i32) -> (i32, i32) {
    %c0_i32 = arith.constant 0 : i32
    %c0_i32_0 = arith.constant 0 : i32
    %c0_i32_1 = arith.constant 0 : i32
    return %c0_i32, %c0_i32_0 : i32, i32
  }
  func.func @transform_5(%arg0: i32) -> (i32, i32) {
    %c0_i32 = arith.constant 0 : i32
    %c0_i32_0 = arith.constant 0 : i32
    %c0_i32_1 = arith.constant 0 : i32
    return %c0_i32, %c0_i32_0 : i32, i32
  }
  func.func @transform_6(%arg0: i32) -> (i32, i32) {
    %c0_i32 = arith.constant 0 : i32
    %c0_i32_0 = arith.constant 0 : i32
    %c0_i32_1 = arith.constant 0 : i32
    return %c0_i32, %c0_i32_0 : i32, i32
  }
  func.func @transform_7(%arg0: i32) -> (i32, i32) {
    %c0_i32 = arith.constant 0 : i32
    %c0_i32_0 = arith.constant 0 : i32
    %c0_i32_1 = arith.constant 0 : i32
    return %c0_i32, %c0_i32_0 : i32, i32
  }
  func.func @transform_8(%arg0: i32) -> (i32, i32) {
    %c0_i32 = arith.constant 0 : i32
    %c0_i32_0 = arith.constant 0 : i32
    %c0_i32_1 = arith.constant 0 : i32
    return %c0_i32, %c0_i32_0 : i32, i32
  }
  func.func @transform_9(%arg0: i32) -> (i32, i32) {
    %c0_i32 = arith.constant 0 : i32
    %c0_i32_0 = arith.constant 0 : i32
    %c0_i32_1 = arith.constant 0 : i32
    return %c0_i32, %c0_i32_0 : i32, i32
  }
  func.func @transform_10(%arg0: i32) -> (i32, i32) {
    %c0_i32 = arith.constant 0 : i32
    %c0_i32_0 = arith.constant 0 : i32
    return %c0_i32, %arg0 : i32, i32
  }
  func.func @transform_11(%arg0: i32) -> (i32, i32) {
    %c0_i32 = arith.constant 0 : i32
    %c0_i32_0 = arith.constant 0 : i32
    return %c0_i32, %arg0 : i32, i32
  }
  func.func @transform_12(%arg0: i32) -> (i32, i32) {
    %c0_i32 = arith.constant 0 : i32
    %c0_i32_0 = arith.constant 0 : i32
    %c0_i32_1 = arith.constant 0 : i32
    return %c0_i32, %c0_i32_0 : i32, i32
  }
  func.func @transform_13(%arg0: i32) -> (i32, i32) {
    %c0_i32 = arith.constant 0 : i32
    %c0_i32_0 = arith.constant 0 : i32
    return %c0_i32, %arg0 : i32, i32
  }
}

module attributes {stable_mosaic.version = 14 : i64} {
  func.func @body(%arg0: i32, %arg1: memref<2x12800xf32, #tpu.memory_space<vmem>>, %arg2: memref<64x12800xf32, #tpu.memory_space<vmem>>, %arg3: memref<2x64xf32, #tpu.memory_space<vmem>>, %arg4: memref<2x12800xf32, #tpu.memory_space<vmem>>) attributes {dimension_semantics = [#tpu.dimension_semantics<arbitrary>], iteration_bounds = array<i64: 4>, scalar_prefetch = 0 : i64, scratch_operands = 0 : i64, tpu.core_type = #tpu.core_type<tc>, window_params = [{transform_indices = @transform_0, window_bounds = array<i64: 2, 12800>}, {transform_indices = @transform_1, window_bounds = array<i64: 64, 12800>}, {pipeline_mode = #tpu.pipeline_mode<synchronous>, transform_indices = @transform_2, window_bounds = array<i64: 2, 64>}, {transform_indices = @transform_3, window_bounds = array<i64: 2, 12800>}]} {
    %get3A = arith.constant 0 : index
    %get3A_0 = arith.constant 0 : index
    %get3A_1 = vector.load %arg1[%get3A, %get3A_0] : memref<2x12800xf32, #tpu.memory_space<vmem>>, vector<2x12800xf32>
    %get3A_2 = arith.constant 0 : index
    %get3A_3 = arith.constant 0 : index
    %get3A_4 = vector.load %arg3[%get3A_2, %get3A_3] : memref<2x64xf32, #tpu.memory_space<vmem>>, vector<2x64xf32>
    %get3A_5 = arith.constant 0 : index
    %get3A_6 = arith.constant 0 : index
    %get3A_7 = vector.load %arg2[%get3A_5, %get3A_6] : memref<64x12800xf32, #tpu.memory_space<vmem>>, vector<64x12800xf32>
    %dot_general3A = arith.constant dense<0.000000e+00> : vector<2x12800xf32>
    %dot_general3A_8 = tpu.matmul %get3A_4, %get3A_7, %dot_general3A {dimension_numbers = #tpu.dot_dimension_numbers<[1], [0], [0], [1], [0, 0, 1, 1], [], []>, transpose_lhs_hint = false} : vector<2x64xf32>, vector<64x12800xf32>, vector<2x12800xf32> -> vector<2x12800xf32>
    %add3A = arith.addf %get3A_1, %dot_general3A_8 : vector<2x12800xf32>
    %swap3A = arith.constant 0 : index
    %swap3A_9 = arith.constant 0 : index
    %swap3A_10 = vector.load %arg4[%swap3A, %swap3A_9] : memref<2x12800xf32, #tpu.memory_space<vmem>>, vector<2x12800xf32>
    tpu.vector_store %arg4[%swap3A, %swap3A_9], %add3A {strides = array<i32>} : memref<2x12800xf32, #tpu.memory_space<vmem>>, vector<2x12800xf32>,
    return
  }
  func.func @transform_0(%arg0: i32) -> (i32, i32) {
    %c0_i32 = arith.constant 0 : i32
    %c0_i32_0 = arith.constant 0 : i32
    return %c0_i32, %arg0 : i32, i32
  }
  func.func @transform_1(%arg0: i32) -> (i32, i32) {
    %c0_i32 = arith.constant 0 : i32
    %c0_i32_0 = arith.constant 0 : i32
    return %c0_i32, %arg0 : i32, i32
  }
  func.func @transform_2(%arg0: i32) -> (i32, i32) {
    %c0_i32 = arith.constant 0 : i32
    %c0_i32_0 = arith.constant 0 : i32
    %c0_i32_1 = arith.constant 0 : i32
    return %c0_i32, %c0_i32_0 : i32, i32
  }
  func.func @transform_3(%arg0: i32) -> (i32, i32) {
    %c0_i32 = arith.constant 0 : i32
    %c0_i32_0 = arith.constant 0 : i32
    return %c0_i32, %arg0 : i32, i32
  }
}

</mosaic_0001>

<sc_bundles>
// kernel: kernel.19.cloned.1.call-start
scs
__scs_entry_jumppad:
0x0: {  	(pc) =	sbr.rel $0x88, $3  }
0x1: {  	(tag) =	ssettag $0x0;
	lr =	simm.s32 $0x1  }
0x2: {  	[smem:$0x3F90] =	sst lr;
	_ =	strace $0xD0000000  }
0x3: {  	_ = 	snop  }
0x4: {  	_ = 	snop  }
0x5: {  	_ = 	snop  }
0x6: {  	_ = 	snop  }
0x7: {  	_ = 	snop  }
__scs_overlays_trampoline_lowered:
0x8: {  	[smem:$0x3F9F] =	sst s0  }
0x9: {  	[smem:$0x3FA0] =	sst s1  }
0xa: {  	[smem:$0x3FA1] =	sst s2  }
0xb: {  	[smem:$0x3FA2] =	sst s3  }
0xc: {  	[smem:$0x3FA3] =	sst s4  }
0xd: {  	[smem:$0x3FA4] =	sst s5  }
0xe: {  	[smem:$0x3FA5] =	sst s6  }
0xf: {  	[smem:$0x3FA6] =	sst s7  }
0x10: {  	[smem:$0x3FA7] =	sst s8  }
0x11: {  	[smem:$0x3FA8] =	sst s9;
	s0 =	simm.s32 @!p0 $0x0  }
0x12: {  	s1 =	sld [smem:$0x3F8E];
	s0 =	simm.s32 @p0 $0x1  }
0x13: {  	[smem:$0x3FA9] =	sst s0;
	s0 =	simm.s32 @!p1 $0x0  }
0x14: {  	s2 =	sld [smem:$0x3F8D];
	s0 =	simm.s32 @p1 $0x1  }
0x15: {  	[smem:$0x3FAA] =	sst s0;
	s0 =	simm.s32 @!p2 $0x0  }
0x16: {  	s3 =	sld [smem:$0x3FDB];
	s0 =	simm.s32 @p2 $0x1  }
0x17: {  	s4 =	simm.s32 $0x1BF5;
	[smem:$0x3FAC] =	sst s0  }
0x18: {  	s0 =	sld [smem:$0x3F8F];
	_ =	swait.ge [sflag:s4], $0x0  }
0x19: {  	s7 =	sld [smem:$0x3F90]  }
0x1a: {  	s8 =	sadd.s32 $0xFFFFE003, lr  }
0x1b: {  	s9 =	sadd.s32 $0xFFFFFEF7, lr;
	s5 =	simm.s32 $0xFFFFFFFF;
	p2 =	slt.u32 s8, $0xFFFFF086  }
0x1c: {  	p1 =	slt.u32 s9, $0xF7A;
	s5 =	simm.s32 @!p2 $0x0  }
0x1d: {  	s5 =	simm.s32 @p1 $0x1;
	p0 =	seq.s32 s7, s2  }
0x1e: {  	s7 =	smul.u32 @!p0 $0xF7A, s2;
	p2 =	seq.s32 @!p0 s5, $0x0  }
0x1f: {  	s9 =	smul.u32 $0xF7A, s1;
	s8 =	simm.s32 @!p0 $0x1BF5;
	p2 =	por !p2, p0  }
0x20: {  	[sflag:s8] =	ssyncset.s32 @!p0 $0xFFFFF086;
	s6 =	sadd.s32 @!p0 s3, s7;
	s7 =	simm.s32 @!p0 $0x108  }
0x21: {  	s3 =	sadd.s32 s3, s9;
	s6 =	sadd.s32 @!p0 $0x88, s6;
	s7 =	simm.s32 @p2 $0x1082  }
0x22: {  	[simem:s7], [sflag:s8] =	dma.local @!p0 [hbm:s6], $0xF7A  }
0x23: {  	s9 =	sor.u32 $0xD0000000, s2;
	s6 =	simm.s32 $0x108;
	_ =	swait.ge @!p0 [sflag:s8], $0x0  }
0x24: {  	s3 =	sadd.s32 $0x88, s3;
	s6 =	simm.s32 @!p1 $0x1082;
	[sflag:s4] =	ssyncset.s32 $0xFFFFF086  }
0x25: {  	[simem:s6], [sflag:s4] =	dma.local [hbm:s3], $0xF7A  }
0x26: {  	[smem:$0x3F90] =	sst s1;
	(tag) =	ssettag s2;
	_ =	strace s9  }
0x27: {  	s1 =	sld [smem:$0x3FA0]  }
0x28: {  	s2 =	sld [smem:$0x3FA1]  }
0x29: {  	s4 =	sld [smem:$0x3FA3]  }
0x2a: {  	p0 =	seq.s32 s5, $0x0;
	s5 =	sld [smem:$0x3FA4]  }
0x2b: {  	s6 =	sld [smem:$0x3FA5]  }
0x2c: {  	s7 =	sld [smem:$0x3FA6]  }
0x2d: {  	s3 =	simm.s32 $0x108;
	s8 =	sld [smem:$0x3FA7]  }
0x2e: {  	s3 =	simm.s32 @!p0 $0x1082;
	s9 =	sld [smem:$0x3FA8]  }
0x2f: {  	lr =	sadd.s32 s0, s3;
	s0 =	sld [smem:$0x3F9F]  }
0x30: {  	s3 =	sld [smem:$0x3FA2]  }
0x31: {  	[smem:$0x3FAB] =	sst s10  }
0x32: {  	s10 =	sld [smem:$0x3FA9];
	_ =	sdelay $0x3  }
0x33: {  	p0 =	seq.s32 s10, $0x1;
	s10 =	sld [smem:$0x3FAB];
	_ =	sdelay $0x3  }
0x34: {  	[smem:$0x3FAB] =	sst s10  }
0x35: {  	s10 =	sld [smem:$0x3FAA];
	_ =	sdelay $0x3  }
0x36: {  	p1 =	seq.s32 s10, $0x1;
	s10 =	sld [smem:$0x3FAB];
	_ =	sdelay $0x3  }
0x37: {  	[smem:$0x3FAB] =	sst s10  }
0x38: {  	s10 =	sld [smem:$0x3FAC]  }
0x39: {  	_ = 	snop;
	(pc) =	sbr.ind lr, $3  }
0x3a: {  	_ = 	snop  }
0x3b: {  	_ = 	snop  }
0x3c: {  	p2 =	seq.s32 s10, $0x1;
	s10 =	sld [smem:$0x3FAB]  }
0x3d: {  	_ =	shalt  }
0x3e: {  	_ =	shalt  }
0x3f: {  	_ =	shalt  }
0x40: {  	_ =	shalt  }
0x41: {  	_ =	shalt  }
0x42: {  	_ =	shalt  }
0x43: {  	_ =	shalt  }
0x44: {  	_ =	shalt  }
0x45: {  	_ =	shalt  }
0x46: {  	_ =	shalt  }
0x47: {  	_ =	shalt  }
0x48: {  	_ =	shalt  }
0x49: {  	_ =	shalt  }
0x4a: {  	_ =	shalt  }
0x4b: {  	_ =	shalt  }
0x4c: {  	_ =	shalt  }
0x4d: {  	_ =	shalt  }
0x4e: {  	_ =	shalt  }
0x4f: {  	_ =	shalt  }
0x50: {  	_ =	shalt  }
0x51: {  	_ =	shalt  }
0x52: {  	_ =	shalt  }
0x53: {  	_ =	shalt  }
0x54: {  	_ =	shalt  }
0x55: {  	_ =	shalt  }
0x56: {  	_ =	shalt  }
0x57: {  	_ =	shalt  }
0x58: {  	_ =	shalt  }
0x59: {  	_ =	shalt  }
0x5a: {  	_ =	shalt  }
0x5b: {  	_ =	shalt  }
0x5c: {  	_ =	shalt  }
0x5d: {  	_ =	shalt  }
0x5e: {  	_ =	shalt  }
0x5f: {  	_ =	shalt  }
0x60: {  	_ =	shalt  }
0x61: {  	_ =	shalt  }
0x62: {  	_ =	shalt  }
0x63: {  	_ =	shalt  }
0x64: {  	_ =	shalt  }
0x65: {  	_ =	shalt  }
0x66: {  	_ =	shalt  }
0x67: {  	_ =	shalt  }
0x68: {  	_ =	shalt  }
0x69: {  	_ =	shalt  }
0x6a: {  	_ =	shalt  }
0x6b: {  	_ =	shalt  }
0x6c: {  	_ =	shalt  }
0x6d: {  	_ =	shalt  }
0x6e: {  	_ =	shalt  }
0x6f: {  	_ =	shalt  }
0x70: {  	_ =	shalt  }
0x71: {  	_ =	shalt  }
0x72: {  	_ =	shalt  }
0x73: {  	_ =	shalt  }
0x74: {  	_ =	shalt  }
0x75: {  	_ =	shalt  }
0x76: {  	_ =	shalt  }
0x77: {  	_ =	shalt  }
0x78: {  	_ =	shalt  }
0x79: {  	_ =	shalt  }
0x7a: {  	_ =	shalt  }
0x7b: {  	_ =	shalt  }
0x7c: {  	_ =	shalt  }
0x7d: {  	_ =	shalt  }
0x7e: {  	_ =	shalt  }
0x7f: {  	_ =	shalt  }
0x80: {  	_ =	shalt  }
0x81: {  	_ =	shalt  }
0x82: {  	_ =	shalt  }
0x83: {  	_ =	shalt  }
0x84: {  	_ =	shalt  }
0x85: {  	_ =	shalt  }
0x86: {  	_ =	shalt  }
0x87: {  	_ =	shalt  }
.Lfunc_end0:
.L_simem_size_0:
called_computation_lowered:
.L_overlay_start_0:
0x88: {  	s2 =	sld [smem:$0x3FD9]  }
0x89: {  	s3 =	sld [smem:$0x3FFE];
	_ =	sdelay $0x1  }
0x8a: {  	s1 =	srdreg.scid  }
0x8b: {  	s0 =	sand.u32 $0x1, s1  }
0x8c: {  	s17 =	sshll.u32 s0, $0xA;
	s2 =	sadd.s32 s3, s2  }
0x8d: {  	s2 =	sadd.s32 s2, s17  }
0x8e: {  	[smem:$0x3FB7] =	sst s2  }
0x8f: {  	_ = 	snop  }
0x90: {  	s2 =	sld [smem:$0x3FD0];
	(tm) =	ssettm $0x1  }
0x91: {  	s18 =	sld [smem:$0x3FFB];
	_ =	sdelay $0x3  }
0x92: {  	_ =	strace s18  }
0x93: {  	s3 =	sld [smem:$0x3FFC];
	_ =	sdelay $0x3  }
0x94: {  	_ =	strace s3  }
0x95: {  	s3 =	sld [smem:$0x3FFD];
	_ =	sdelay $0x3  }
0x96: {  	_ =	strace s3  }
0x97: {  	_ =	strace $0x8FFFFFFF  }
0x98: {  	s19 =	sld [smem:$0x3FDB];
	_ =	sdelay $0x1  }
0x99: {  	s4 =	simm.s32 $_scs_section_size  }
0x9a: {  	s5 =	simm.s32 $_size__tile_overlayer_lowered;
	s6 =	simm.s32 $_tile_overlayer_lowered  }
0x9b: {  	s22 =	simm.s32 $0x1BFF;
	s21 =	sshll.u32 s6, $0x1;
	s3 =	sadd.s32 s4, s19  }
0x9c: {  	s7 =	simm.s32 $0x0;
	s20 =	sshll.u32 s5, $0x1;
	s5 =	sadd.s32 s21, s3  }
0x9d: {  	[timem:s7], [sflag:s22] =	dma.local [hbm:s5], s20  }
0x9e: {  	_ =	swait.ge [sflag:s22], s20  }
0x9f: {  	s4 =	ssub.s32 $0x0, s20;
	[sflag:s22] =	ssyncset.done $0x0  }
0xa0: {  	[sflag:s22] =	ssyncadd.s32 s4;
	_ =	sdelay $0x1  }
0xa1: {  	s23 =	simm.s32 $0x1B8B  }
0xa2: {  	_ =	swait.ge [sflag:s23], $0x1  }
0xa3: {  	[sflag:s23] =	ssyncset.done $0x0  }
0xa4: {  	s25 =	simm.s32 $0x1B8E;
	s24 =	sld [smem:$0x3FFE];
	[sflag:s23] =	ssyncadd.s32 $0xFFFFFFFF  }
0xa5: {  	s26 =	simm.s32 $execute0_lowered;
	[smem:$0x3FD2] =	sst s25  }
0xa6: {  	s5 =	sshll.u32 s26, $0x1;
	_ =	strace $0x80000046;
	[dreg:$0x1] =	wrdreg $0xFFFFFFFF  }
0xa7: {  	s28 =	simm.s32 $_size_execute0_lowered;
	s3 =	sadd.s32 s3, s5;
	[dreg:$0x0] =	wrdreg $0x0  }
0xa8: {  	s5 =	sshll.u32 s28, $0x1;
	[dreg:$0x2] =	wrdreg s3  }
0xa9: {  	[dreg:$0x3] =	wrdreg s5  }
0xaa: {  	[dreg:$0x4] =	wrdreg $0xC0  }
0xab: {  	_ =	task [dreg:s7], $0x5FFFF  }
0xac: {  	[dreg:$0x1] =	wrdreg $0xFFFFFFFF  }
0xad: {  	[dreg:$0x0] =	wrdreg $0x60  }
0xae: {  	[dreg:$0x2] =	wrdreg s24  }
0xaf: {  	[dreg:$0x3] =	wrdreg s2  }
0xb0: {  	[dreg:$0x4] =	wrdreg $0x9  }
0xb1: {  	_ =	task.clear_ibuf [dreg:s7], $0x5FFFF;
	_ =	strace $0x90000046  }
0xb2: {  	s29 =	simm.s32 $0x9;
	_ =	strace $0x80000048  }
0xb3: {  	_ =	swait.ge [sflag:s29], $0x1  }
0xb4: {  	[sflag:s29] =	ssyncadd.s32 $0xFFFFFFFF  }
0xb5: {  	_ =	strace $0x90000048  }
0xb6: {  	_ =	sfence  }
0xb7: {  	s30 =	sld [smem:$0x0];
	_ =	sdelay $0x2  }
0xb8: {  	s31 =	sshll.u32 s1, $0xD;
	s1 =	sshrl.u32 s1, $0x2  }
0xb9: {  	s3 =	sand.u32 $0x4000, s31;
	s1 =	sadd.s32 s1, s30  }
0xba: {  	s0 =	sor.u32 s3, s0;
	s1 =	sshll.u32 s1, $0x11  }
0xbb: {  	s0 =	sor.u32 s1, s0  }
0xbc: {  	s0 =	sadd.s32 $0x8F2B, s0  }
0xbd: {  	[sflag:s0] =	ssyncadd.remote.s32 $0x1  }
0xbe: {  	_ =	sfence.sel $0xFFFF  }
0xbf: {  	[dreg:$0x0] =	wrdreg $0xFFFFFFFF;
	(pc) =	sbr.abs _section_cstart, $3  }
0xc0: {  	[dreg:$0x1] =	wrdreg $0xFFFFFFFF  }
0xc1: {  	_ =	task.clear_ibuf [dreg:s7], $0x2FFFF;
	_ =	strace $0x9FFFFFFF  }
0xc2: {  	(tm) =	ssettm $0x7FFFFFFF  }
0xc3: {  	_ =	shalt  }
tec
execute0_lowered:
.L_overlay_start_1:
0x0: {  	(tag) =	ssettag $0x1  }
0x1: {  	s0 =	rddreg [dreg:$0x0];
	s1 =	srdreg.scid  }
0x2: {  	s2 =	stileid.u32;
	s3 =	simm.s32 $0x0;
	s28 =	simm.s32 $0x1B100  }
0x3: {  	s29 =	simm.s32 $0xC800;
	s30 =	simm.s32 $0x1D200;
	s31 =	simm.s32 $0x0  }
0x4: {  	s1 =	sand.u32 $0x1, s1;
	s2 =	sshll.u32 s2, $0x1;
	[smem:$0x7FF] =	sst s3  }
0x5: {  	s5 =	sadd.s32 $0x6800, s0;
	s12 =	sadd.s32 $0x69600, s0;
	s14 =	sadd.s32 $0x3692A, s0  }
0x6: {  	s15 =	sadd.s32 $0x8108A, s0;
	s16 =	sadd.s32 $0x1E69C, s0;
	s17 =	sadd.s32 $0x36D3C, s0  }
0x7: {  	s18 =	sadd.s32 $0x8149C, s0;
	s19 =	sadd.s32 $0x1EAAE, s0;
	s20 =	sadd.s32 $0x3714E, s0  }
0x8: {  	s21 =	sadd.s32 $0x818AE, s0;
	s22 =	sadd.s32 $0x81CA0, s0;
	s2 =	sor.u32 s1, s2  }
0x9: {  	_ =	strace $0x80000047;
	s1 =	ssub.s32 $0x2, s1;
	s4 =	smul.u32 $0x61B0, s2  }
0xa: {  	s6 =	smul.u32 $0x1900, s2;
	s25 =	sshrl.u32 s1, $0x1;
	p0 =	seq.s32 s2, $0x1F  }
0xb: {  	s1 =	ssub.s32 s1, s25;
	s25 =	simm.s32 $0x1;
	s8 =	sshrl.u32 s4, $0x3  }
0xc: {  	s23 =	sadd.s32 s6, s0;
	s24 =	smax.u32 s1, $0x1;
	s4 =	sadd.s32 s5, s8  }
.Ltmp0:
0xd: {  	s9 =	sadd.s32 $0x412, s8;
	s6 =	sadd.s32 s12, s8;
	(pc) =	sbr.rel .LBB2_1-.Ltmp0, $4  }
0xe: {  	s13 =	sadd.s32 $0x824, s8;
	s23 =	sadd.s32 $0x37600, s23;
	s26 =	sadd.s32 $0x186A0, s4  }
0xf: {  	s7 =	sadd.s32 s5, s9;
	s8 =	sadd.s32 $0x18AB2, s4;
	s9 =	sadd.s32 s12, s9  }
0x10: {  	s10 =	sadd.s32 s5, s13;
	s11 =	sadd.s32 $0x18EC4, s4;
	s12 =	sadd.s32 s12, s13  }
0x11: {  	v0 =	vimm.f32 $0.0e+00;
	v1 =	vimm.s32 $0xC3500000;
	s13 =	sadd.s32 $0x1E28A, s0;
	[dreg:$0x3] =	wrdreg s26;
	s26 =	simm.s32 $0x19000  }
.LBB2_10:
0x12: {  	_ =	sdelay $0x3  }
0x13: {  	[tilespmem:v4+s29+$0x0] =	vst.idx.add.f32.msk $0xffff, v6  }
0x14: {  	[tilespmem:v2+s29+$0x0] =	vst.idx.add.f32.msk $0xffff, v5  }
0x15: {  	[tilespmem:v3+s29+$0x0] =	vst.idx.add.f32.msk $0xffff, v7  }
0x16: {  	v2 =	vld [tilespmem:$0x1B080]  }
0x17: {  	v3 =	vld [tilespmem:$0x1D180];
	_ =	sdelay $0x4  }
0x18: {  	v63 =	vshll.u32 v2, $0x10  }
0x19: {  	v4 =	vor.u32 v3, v63  }
0x1a: {  	[tilespmem:$0x1F280] =	vst v4  }
0x1b: {  	v3 =	vld.idx.msk [tilespmem:v3+s3+$0x0], $0xffff;
	_ =	sdelay $0x4  }
0x1c: {  	[tilespmem:v2+s29+$0x0] =	vst.idx.add.f32.msk $0xffff, v3  }
0x1d: {  	[hbm4b:s12+s3] =	stream.linear.scatter [tilespmem:s30], [sflag:$0x1], $0x2090, $0x38;
	[tilespmem:$0x1F300] =	vst v63  }
0x1e: {  	_ =	swait.ge [sflag:s25], $0x2090  }
0x1f: {  	[sflag:s25] =	ssyncset.done $0x0  }
0x20: {  	[sflag:s25] =	ssyncadd.s32 $0xFFFFDF70  }
.LBB2_20:
0x21: {  	s31 =	sadd.s32 $0x1, s31  }
0x22: {  	p1 =	sne.s32 s31, s24  }
.Ltmp1:
0x23: {  	_ = 	snop;
	(pc) =	sbr.rel @!p1 .LBB2_21-.Ltmp1, $4  }
0x24: {  	[hbm4b:s23+s3] =	stream.linear.scatter [tilespmem:s29], [sflag:$0x1], $0xC800, $0x38;
	[tilespmem:$0x1F300] =	vst v63  }
0x25: {  	_ =	swait.ge [sflag:s25], $0xC800  }
0x26: {  	[sflag:s25] =	ssyncset.done $0x0  }
0x27: {  	[sflag:s25] =	ssyncadd.s32 $0xFFFF3800  }
.LBB2_1:
0x28: {  	s0 =	rddreg [dreg:$0x1]  }
0x29: {  	[tilespmem:s3], [sflag:$0x1] =	stream.linear.gather [hbm4b:s0+s3], $0xC800, $0x38;
	[tilespmem:$0x1F300] =	vst v63  }
0x2a: {  	_ =	swait.ge [sflag:s25], $0xC800  }
0x2b: {  	[sflag:s25] =	ssyncset.done $0x0  }
0x2c: {  	s0 =	simm.s32 $0xC840;
	[sflag:s25] =	ssyncadd.s32 $0xFFFF3800  }
0x2d: {  	[tilespmem:s0+$0xFFFFFFC0] =	vst v0  }
0x2e: {  	[tilespmem:s0+$0x30] =	vst v0  }
0x2f: {  	[tilespmem:s0+$0x20] =	vst v0  }
0x30: {  	[tilespmem:s0+$0x10] =	vst v0  }
0x31: {  	[tilespmem:s0+$0x0] =	vst v0  }
0x32: {  	[tilespmem:s0+$0xFFFFFFF0] =	vst v0  }
0x33: {  	s1 =	simm.s32 $0x0;
	[tilespmem:s0+$0xFFFFFFE0] =	vst v0  }
.LBB2_2:
0x34: {  	s1 =	sadd.s32 $0x80, s1;
	[tilespmem:s0+$0xFFFFFFD0] =	vst v0;
	s0 =	sadd.s32 $0x80, s0  }
0x35: {  	[tilespmem:s0+$0xFFFFFFC0] =	vst v0;
	p1 =	slt.u32 s1, $0xC780  }
0x36: {  	[tilespmem:s0+$0x30] =	vst v0  }
.Ltmp2:
0x37: {  	[tilespmem:s0+$0x20] =	vst v0;
	(pc) =	sbr.rel @p1 .LBB2_2-.Ltmp2, $4  }
0x38: {  	[tilespmem:s0+$0x10] =	vst v0  }
0x39: {  	[tilespmem:s0+$0x0] =	vst v0  }
0x3a: {  	[tilespmem:s0+$0xFFFFFFF0] =	vst v0  }
0x3b: {  	[tilespmem:s0+$0xFFFFFFE0] =	vst v0  }
.Ltmp3:
0x3c: {  	(pc) =	sbr.rel @!p0 .LBB2_4-.Ltmp3, $2  }
0x3d: {  	_ =	sdelay $0x2  }
0x3e: {  	[tilespmem:s0+$0xFFFFFFD0] =	vst v0  }
0x3f: {  	[tilespmem:s26], [sflag:$0x1] =	stream.linear.gather [hbm4b:s13+s3], $0x2090, $0x38;
	[tilespmem:$0x1F300] =	vst v63  }
0x40: {  	_ =	swait.ge [sflag:s25], $0x2090  }
0x41: {  	[sflag:s25] =	ssyncset.done $0x0  }
0x42: {  	[sflag:s25] =	ssyncadd.s32 $0xFFFFDF70  }
0x43: {  	[tilespmem:s28], [sflag:$0x1] =	stream.linear.gather [hbm4b:s14+s3], $0x2090, $0x38;
	[tilespmem:$0x1F300] =	vst v63  }
0x44: {  	_ =	swait.ge [sflag:s25], $0x2090  }
0x45: {  	[sflag:s25] =	ssyncset.done $0x0  }
0x46: {  	s1 =	simm.s32 $0x1B140;
	[sflag:s25] =	ssyncadd.s32 $0xFFFFDF70  }
0x47: {  	s0 =	simm.s32 $0x19040;
	v6 =	vld [tilespmem:s1+$0x30]  }
0x48: {  	v8 =	vld [tilespmem:s0+$0x30]  }
0x49: {  	v5 =	vld [tilespmem:s1+$0x20]  }
0x4a: {  	v2 =	vld [tilespmem:s0+$0x20]  }
0x4b: {  	v7 =	vld [tilespmem:s1+$0x10]  }
0x4c: {  	v9 =	vld [tilespmem:s0+$0x10]  }
0x4d: {  	v10 =	vld [tilespmem:s1+$0x0]  }
0x4e: {  	v11 =	vld [tilespmem:s0+$0x0]  }
0x4f: {  	v12 =	vld [tilespmem:s1+$0xFFFFFFF0]  }
0x50: {  	v13 =	vld [tilespmem:s0+$0xFFFFFFF0]  }
0x51: {  	v14 =	vld [tilespmem:s1+$0xFFFFFFE0]  }
0x52: {  	v15 =	vld [tilespmem:s0+$0xFFFFFFE0]  }
0x53: {  	v3 =	vld [tilespmem:s0+$0xFFFFFFC0]  }
0x54: {  	v16 =	vld [tilespmem:s1+$0xFFFFFFD0];
	v17 =	vshll.u32 v11, $0x10  }
0x55: {  	s2 =	simm.s32 $0x1D240;
	v4 =	vld [tilespmem:s0+$0xFFFFFFD0];
	v18 =	vshll.u32 v9, $0x10;
	v17 =	vor.u32 v10, v17  }
0x56: {  	v19 =	vld [tilespmem:s1+$0xFFFFFFC0];
	v20 =	vshll.u32 v13, $0x10;
	v18 =	vor.u32 v7, v18;
	[tilespmem:s2+$0x0] =	vst v17  }
0x57: {  	v57 =	vshll.u32 v15, $0x10;
	v56 =	vor.u32 v12, v20;
	[tilespmem:s2+$0x10] =	vst v18;
	v10 =	vld.idx.msk [tilespmem:v10+s3+$0x0], $0xffff  }
0x58: {  	v55 =	vshll.u32 v2, $0x10;
	v59 =	vor.u32 v14, v57;
	[tilespmem:s2+$0xFFFFFFF0] =	vst v56;
	v7 =	vld.idx.msk [tilespmem:v7+s3+$0x0], $0xffff  }
0x59: {  	v58 =	vshll.u32 v8, $0x10;
	v17 =	vor.u32 v5, v55;
	[tilespmem:s2+$0xFFFFFFE0] =	vst v59;
	v12 =	vld.idx.msk [tilespmem:v12+s3+$0x0], $0xffff  }
0x5a: {  	v60 =	vshll.u32 v4, $0x10;
	v18 =	vor.u32 v6, v58;
	[tilespmem:s2+$0x20] =	vst v17;
	v14 =	vld.idx.msk [tilespmem:v14+s3+$0x0], $0xffff  }
0x5b: {  	v61 =	vshll.u32 v3, $0x10;
	v62 =	vor.u32 v16, v60;
	[tilespmem:s2+$0x30] =	vst v18;
	v5 =	vld.idx.msk [tilespmem:v5+s3+$0x0], $0xffff  }
0x5c: {  	[tilespmem:s2+$0xFFFFFFD0] =	vst v62;
	v17 =	vor.u32 v19, v61;
	v63 =	vld.idx.msk [tilespmem:v6+s3+$0x0], $0xffff  }
0x5d: {  	[tilespmem:s2+$0xFFFFFFC0] =	vst v17;
	v6 =	vld.idx.msk [tilespmem:v16+s3+$0x0], $0xffff  }
0x5e: {  	[tilespmem:v9+s29+$0x0] =	vst.idx.add.f32.msk $0xffff, v7  }
0x5f: {  	[tilespmem:v11+s29+$0x0] =	vst.idx.add.f32.msk $0xffff, v10  }
0x60: {  	v7 =	vld.idx.msk [tilespmem:v19+s3+$0x0], $0xffff  }
0x61: {  	[tilespmem:v15+s29+$0x0] =	vst.idx.add.f32.msk $0xffff, v14  }
0x62: {  	[tilespmem:v13+s29+$0x0] =	vst.idx.add.f32.msk $0xffff, v12  }
0x63: {  	s5 =	simm.s32 $0x1D2C0;
	s2 =	simm.s32 $0x0;
	[tilespmem:v8+s29+$0x0] =	vst.idx.add.f32.msk $0xffff, v63  }
.LBB2_12:
0x64: {  	s2 =	sadd.s32 $0x80, s2;
	[tilespmem:v4+s29+$0x0] =	vst.idx.add.f32.msk $0xffff, v6;
	s0 =	sadd.s32 $0x80, s0;
	s1 =	sadd.s32 $0x80, s1  }
0x65: {  	p1 =	slt.u32 s2, $0x2000;
	[tilespmem:v2+s29+$0x0] =	vst.idx.add.f32.msk $0xffff, v5  }
0x66: {  	[tilespmem:v3+s29+$0x0] =	vst.idx.add.f32.msk $0xffff, v7  }
0x67: {  	v6 =	vld [tilespmem:s1+$0x30]  }
0x68: {  	v8 =	vld [tilespmem:s0+$0x30]  }
0x69: {  	v5 =	vld [tilespmem:s1+$0x20]  }
0x6a: {  	v2 =	vld [tilespmem:s0+$0x20]  }
0x6b: {  	v3 =	vld [tilespmem:s0+$0xFFFFFFC0]  }
0x6c: {  	v7 =	vld [tilespmem:s1+$0x10]  }
0x6d: {  	v9 =	vld [tilespmem:s0+$0x10];
	v4 =	vshll.u32 v8, $0x10  }
0x6e: {  	v10 =	vld [tilespmem:s1+$0x0];
	v4 =	vor.u32 v6, v4  }
0x6f: {  	v11 =	vld [tilespmem:s0+$0x0];
	v12 =	vshll.u32 v2, $0x10;
	[tilespmem:s5+$0x30] =	vst v4  }
0x70: {  	v13 =	vld [tilespmem:s1+$0xFFFFFFF0];
	v4 =	vor.u32 v5, v12  }
0x71: {  	v12 =	vld [tilespmem:s0+$0xFFFFFFF0];
	[tilespmem:s5+$0x20] =	vst v4  }
0x72: {  	v14 =	vld [tilespmem:s1+$0xFFFFFFE0];
	v4 =	vshll.u32 v9, $0x10  }
0x73: {  	v15 =	vld [tilespmem:s0+$0xFFFFFFE0];
	v4 =	vor.u32 v7, v4  }
0x74: {  	v16 =	vld [tilespmem:s1+$0xFFFFFFD0];
	v17 =	vshll.u32 v11, $0x10;
	[tilespmem:s5+$0x10] =	vst v4  }
0x75: {  	v4 =	vld [tilespmem:s0+$0xFFFFFFD0];
	v17 =	vor.u32 v10, v17  }
0x76: {  	v18 =	vld [tilespmem:s1+$0xFFFFFFC0];
	v19 =	vshll.u32 v12, $0x10;
	[tilespmem:s5+$0x0] =	vst v17  }
0x77: {  	v17 =	vor.u32 v13, v19;
	v10 =	vld.idx.msk [tilespmem:v10+s3+$0x0], $0xffff  }
0x78: {  	v19 =	vshll.u32 v15, $0x10;
	[tilespmem:s5+$0xFFFFFFF0] =	vst v17;
	v7 =	vld.idx.msk [tilespmem:v7+s3+$0x0], $0xffff  }
0x79: {  	v17 =	vor.u32 v14, v19;
	v13 =	vld.idx.msk [tilespmem:v13+s3+$0x0], $0xffff  }
0x7a: {  	v19 =	vshll.u32 v3, $0x10;
	v20 =	vshll.u32 v4, $0x10;
	[tilespmem:s5+$0xFFFFFFE0] =	vst v17;
	v5 =	vld.idx.msk [tilespmem:v5+s3+$0x0], $0xffff  }
0x7b: {  	v17 =	vor.u32 v18, v19;
	v19 =	vor.u32 v16, v20;
	v14 =	vld.idx.msk [tilespmem:v14+s3+$0x0], $0xffff  }
0x7c: {  	[tilespmem:s5+$0xFFFFFFD0] =	vst v19;
	v19 =	vld.idx.msk [tilespmem:v6+s3+$0x0], $0xffff  }
0x7d: {  	[tilespmem:s5+$0xFFFFFFC0] =	vst v17;
	v6 =	vld.idx.msk [tilespmem:v16+s3+$0x0], $0xffff  }
0x7e: {  	[tilespmem:v9+s29+$0x0] =	vst.idx.add.f32.msk $0xffff, v7  }
.Ltmp4:
0x7f: {  	[tilespmem:v11+s29+$0x0] =	vst.idx.add.f32.msk $0xffff, v10;
	(pc) =	sbr.rel @p1 .LBB2_12-.Ltmp4, $4  }
0x80: {  	v7 =	vld.idx.msk [tilespmem:v18+s3+$0x0], $0xffff  }
0x81: {  	[tilespmem:v15+s29+$0x0] =	vst.idx.add.f32.msk $0xffff, v14  }
0x82: {  	[tilespmem:v8+s29+$0x0] =	vst.idx.add.f32.msk $0xffff, v19  }
0x83: {  	s5 =	sadd.s32 $0x80, s5;
	[tilespmem:v12+s29+$0x0] =	vst.idx.add.f32.msk $0xffff, v13  }
0x84: {  	_ =	sdelay $0x3  }
0x85: {  	[tilespmem:v4+s29+$0x0] =	vst.idx.add.f32.msk $0xffff, v6  }
0x86: {  	[tilespmem:v2+s29+$0x0] =	vst.idx.add.f32.msk $0xffff, v5  }
0x87: {  	[tilespmem:v3+s29+$0x0] =	vst.idx.add.f32.msk $0xffff, v7  }
0x88: {  	v2 =	vld [tilespmem:$0x1B080]  }
0x89: {  	v3 =	vld [tilespmem:$0x1D180];
	_ =	sdelay $0x4  }
0x8a: {  	v4 =	vshll.u32 v2, $0x10  }
0x8b: {  	v4 =	vor.u32 v3, v4  }
0x8c: {  	[tilespmem:$0x1F280] =	vst v4  }
0x8d: {  	v3 =	vld.idx.msk [tilespmem:v3+s3+$0x0], $0xffff;
	_ =	sdelay $0x4  }
0x8e: {  	[tilespmem:v2+s29+$0x0] =	vst.idx.add.f32.msk $0xffff, v3  }
0x8f: {  	[hbm4b:s15+s3] =	stream.linear.scatter [tilespmem:s30], [sflag:$0x1], $0x2090, $0x38;
	[tilespmem:$0x1F300] =	vst v63  }
0x90: {  	_ =	swait.ge [sflag:s25], $0x2090  }
0x91: {  	[sflag:s25] =	ssyncset.done $0x0  }
0x92: {  	[sflag:s25] =	ssyncadd.s32 $0xFFFFDF70  }
0x93: {  	[tilespmem:s26], [sflag:$0x1] =	stream.linear.gather [hbm4b:s16+s3], $0x2090, $0x38;
	[tilespmem:$0x1F300] =	vst v63  }
0x94: {  	_ =	swait.ge [sflag:s25], $0x2090  }
0x95: {  	[sflag:s25] =	ssyncset.done $0x0  }
0x96: {  	[sflag:s25] =	ssyncadd.s32 $0xFFFFDF70  }
0x97: {  	[tilespmem:s28], [sflag:$0x1] =	stream.linear.gather [hbm4b:s17+s3], $0x2090, $0x38;
	[tilespmem:$0x1F300] =	vst v63  }
0x98: {  	_ =	swait.ge [sflag:s25], $0x2090  }
0x99: {  	[sflag:s25] =	ssyncset.done $0x0  }
0x9a: {  	s1 =	simm.s32 $0x1B140;
	[sflag:s25] =	ssyncadd.s32 $0xFFFFDF70  }
0x9b: {  	s0 =	simm.s32 $0x19040;
	v6 =	vld [tilespmem:s1+$0x30]  }
0x9c: {  	v8 =	vld [tilespmem:s0+$0x30]  }
0x9d: {  	v5 =	vld [tilespmem:s1+$0x20]  }
0x9e: {  	v2 =	vld [tilespmem:s0+$0x20]  }
0x9f: {  	v7 =	vld [tilespmem:s1+$0x10]  }
0xa0: {  	v9 =	vld [tilespmem:s0+$0x10]  }
0xa1: {  	v10 =	vld [tilespmem:s1+$0x0]  }
0xa2: {  	v11 =	vld [tilespmem:s0+$0x0]  }
0xa3: {  	v12 =	vld [tilespmem:s1+$0xFFFFFFF0]  }
0xa4: {  	v13 =	vld [tilespmem:s0+$0xFFFFFFF0]  }
0xa5: {  	v14 =	vld [tilespmem:s1+$0xFFFFFFE0]  }
0xa6: {  	v15 =	vld [tilespmem:s0+$0xFFFFFFE0]  }
0xa7: {  	v3 =	vld [tilespmem:s0+$0xFFFFFFC0]  }
0xa8: {  	v16 =	vld [tilespmem:s1+$0xFFFFFFD0];
	v17 =	vshll.u32 v11, $0x10  }
0xa9: {  	s2 =	simm.s32 $0x1D240;
	v4 =	vld [tilespmem:s0+$0xFFFFFFD0];
	v18 =	vshll.u32 v9, $0x10;
	v17 =	vor.u32 v10, v17  }
0xaa: {  	v19 =	vld [tilespmem:s1+$0xFFFFFFC0];
	v20 =	vshll.u32 v13, $0x10;
	v18 =	vor.u32 v7, v18;
	[tilespmem:s2+$0x0] =	vst v17  }
0xab: {  	v57 =	vshll.u32 v15, $0x10;
	v56 =	vor.u32 v12, v20;
	[tilespmem:s2+$0x10] =	vst v18;
	v10 =	vld.idx.msk [tilespmem:v10+s3+$0x0], $0xffff  }
0xac: {  	v55 =	vshll.u32 v2, $0x10;
	v59 =	vor.u32 v14, v57;
	[tilespmem:s2+$0xFFFFFFF0] =	vst v56;
	v7 =	vld.idx.msk [tilespmem:v7+s3+$0x0], $0xffff  }
0xad: {  	v58 =	vshll.u32 v8, $0x10;
	v17 =	vor.u32 v5, v55;
	[tilespmem:s2+$0xFFFFFFE0] =	vst v59;
	v12 =	vld.idx.msk [tilespmem:v12+s3+$0x0], $0xffff  }
0xae: {  	v60 =	vshll.u32 v4, $0x10;
	v18 =	vor.u32 v6, v58;
	[tilespmem:s2+$0x20] =	vst v17;
	v14 =	vld.idx.msk [tilespmem:v14+s3+$0x0], $0xffff  }
0xaf: {  	v61 =	vshll.u32 v3, $0x10;
	v62 =	vor.u32 v16, v60;
	[tilespmem:s2+$0x30] =	vst v18;
	v5 =	vld.idx.msk [tilespmem:v5+s3+$0x0], $0xffff  }
0xb0: {  	[tilespmem:s2+$0xFFFFFFD0] =	vst v62;
	v17 =	vor.u32 v19, v61;
	v63 =	vld.idx.msk [tilespmem:v6+s3+$0x0], $0xffff  }
0xb1: {  	[tilespmem:s2+$0xFFFFFFC0] =	vst v17;
	v6 =	vld.idx.msk [tilespmem:v16+s3+$0x0], $0xffff  }
0xb2: {  	[tilespmem:v9+s29+$0x0] =	vst.idx.add.f32.msk $0xffff, v7  }
0xb3: {  	[tilespmem:v11+s29+$0x0] =	vst.idx.add.f32.msk $0xffff, v10  }
0xb4: {  	v7 =	vld.idx.msk [tilespmem:v19+s3+$0x0], $0xffff  }
0xb5: {  	[tilespmem:v15+s29+$0x0] =	vst.idx.add.f32.msk $0xffff, v14  }
0xb6: {  	[tilespmem:v13+s29+$0x0] =	vst.idx.add.f32.msk $0xffff, v12  }
0xb7: {  	s5 =	simm.s32 $0x1D2C0;
	s2 =	simm.s32 $0x0;
	[tilespmem:v8+s29+$0x0] =	vst.idx.add.f32.msk $0xffff, v63  }
.LBB2_14:
0xb8: {  	s2 =	sadd.s32 $0x80, s2;
	[tilespmem:v4+s29+$0x0] =	vst.idx.add.f32.msk $0xffff, v6;
	s0 =	sadd.s32 $0x80, s0;
	s1 =	sadd.s32 $0x80, s1  }
0xb9: {  	p1 =	slt.u32 s2, $0x2000;
	[tilespmem:v2+s29+$0x0] =	vst.idx.add.f32.msk $0xffff, v5  }
0xba: {  	[tilespmem:v3+s29+$0x0] =	vst.idx.add.f32.msk $0xffff, v7  }
0xbb: {  	v6 =	vld [tilespmem:s1+$0x30]  }
0xbc: {  	v8 =	vld [tilespmem:s0+$0x30]  }
0xbd: {  	v5 =	vld [tilespmem:s1+$0x20]  }
0xbe: {  	v2 =	vld [tilespmem:s0+$0x20]  }
0xbf: {  	v3 =	vld [tilespmem:s0+$0xFFFFFFC0]  }
0xc0: {  	v7 =	vld [tilespmem:s1+$0x10]  }
0xc1: {  	v9 =	vld [tilespmem:s0+$0x10];
	v4 =	vshll.u32 v8, $0x10  }
0xc2: {  	v10 =	vld [tilespmem:s1+$0x0];
	v4 =	vor.u32 v6, v4  }
0xc3: {  	v11 =	vld [tilespmem:s0+$0x0];
	v12 =	vshll.u32 v2, $0x10;
	[tilespmem:s5+$0x30] =	vst v4  }
0xc4: {  	v13 =	vld [tilespmem:s1+$0xFFFFFFF0];
	v4 =	vor.u32 v5, v12  }
0xc5: {  	v12 =	vld [tilespmem:s0+$0xFFFFFFF0];
	[tilespmem:s5+$0x20] =	vst v4  }
0xc6: {  	v14 =	vld [tilespmem:s1+$0xFFFFFFE0];
	v4 =	vshll.u32 v9, $0x10  }
0xc7: {  	v15 =	vld [tilespmem:s0+$0xFFFFFFE0];
	v4 =	vor.u32 v7, v4  }
0xc8: {  	v16 =	vld [tilespmem:s1+$0xFFFFFFD0];
	v17 =	vshll.u32 v11, $0x10;
	[tilespmem:s5+$0x10] =	vst v4  }
0xc9: {  	v4 =	vld [tilespmem:s0+$0xFFFFFFD0];
	v17 =	vor.u32 v10, v17  }
0xca: {  	v18 =	vld [tilespmem:s1+$0xFFFFFFC0];
	v19 =	vshll.u32 v12, $0x10;
	[tilespmem:s5+$0x0] =	vst v17  }
0xcb: {  	v17 =	vor.u32 v13, v19;
	v10 =	vld.idx.msk [tilespmem:v10+s3+$0x0], $0xffff  }
0xcc: {  	v19 =	vshll.u32 v15, $0x10;
	[tilespmem:s5+$0xFFFFFFF0] =	vst v17;
	v7 =	vld.idx.msk [tilespmem:v7+s3+$0x0], $0xffff  }
0xcd: {  	v17 =	vor.u32 v14, v19;
	v13 =	vld.idx.msk [tilespmem:v13+s3+$0x0], $0xffff  }
0xce: {  	v19 =	vshll.u32 v3, $0x10;
	v20 =	vshll.u32 v4, $0x10;
	[tilespmem:s5+$0xFFFFFFE0] =	vst v17;
	v5 =	vld.idx.msk [tilespmem:v5+s3+$0x0], $0xffff  }
0xcf: {  	v17 =	vor.u32 v18, v19;
	v19 =	vor.u32 v16, v20;
	v14 =	vld.idx.msk [tilespmem:v14+s3+$0x0], $0xffff  }
0xd0: {  	[tilespmem:s5+$0xFFFFFFD0] =	vst v19;
	v19 =	vld.idx.msk [tilespmem:v6+s3+$0x0], $0xffff  }
0xd1: {  	[tilespmem:s5+$0xFFFFFFC0] =	vst v17;
	v6 =	vld.idx.msk [tilespmem:v16+s3+$0x0], $0xffff  }
0xd2: {  	[tilespmem:v9+s29+$0x0] =	vst.idx.add.f32.msk $0xffff, v7  }
.Ltmp5:
0xd3: {  	[tilespmem:v11+s29+$0x0] =	vst.idx.add.f32.msk $0xffff, v10;
	(pc) =	sbr.rel @p1 .LBB2_14-.Ltmp5, $4  }
0xd4: {  	v7 =	vld.idx.msk [tilespmem:v18+s3+$0x0], $0xffff  }
0xd5: {  	[tilespmem:v15+s29+$0x0] =	vst.idx.add.f32.msk $0xffff, v14  }
0xd6: {  	[tilespmem:v8+s29+$0x0] =	vst.idx.add.f32.msk $0xffff, v19  }
0xd7: {  	s5 =	sadd.s32 $0x80, s5;
	[tilespmem:v12+s29+$0x0] =	vst.idx.add.f32.msk $0xffff, v13  }
0xd8: {  	_ =	sdelay $0x3  }
0xd9: {  	[tilespmem:v4+s29+$0x0] =	vst.idx.add.f32.msk $0xffff, v6  }
0xda: {  	[tilespmem:v2+s29+$0x0] =	vst.idx.add.f32.msk $0xffff, v5  }
0xdb: {  	[tilespmem:v3+s29+$0x0] =	vst.idx.add.f32.msk $0xffff, v7  }
0xdc: {  	v2 =	vld [tilespmem:$0x1B080]  }
0xdd: {  	v3 =	vld [tilespmem:$0x1D180];
	_ =	sdelay $0x4  }
0xde: {  	v4 =	vshll.u32 v2, $0x10  }
0xdf: {  	v4 =	vor.u32 v3, v4  }
0xe0: {  	[tilespmem:$0x1F280] =	vst v4  }
0xe1: {  	v3 =	vld.idx.msk [tilespmem:v3+s3+$0x0], $0xffff;
	_ =	sdelay $0x4  }
0xe2: {  	[tilespmem:v2+s29+$0x0] =	vst.idx.add.f32.msk $0xffff, v3  }
0xe3: {  	[hbm4b:s18+s3] =	stream.linear.scatter [tilespmem:s30], [sflag:$0x1], $0x2090, $0x38;
	[tilespmem:$0x1F300] =	vst v63  }
0xe4: {  	_ =	swait.ge [sflag:s25], $0x2090  }
0xe5: {  	[sflag:s25] =	ssyncset.done $0x0  }
0xe6: {  	[sflag:s25] =	ssyncadd.s32 $0xFFFFDF70  }
0xe7: {  	[tilespmem:s26], [sflag:$0x1] =	stream.linear.gather [hbm4b:s19+s3], $0x1F90, $0x38;
	[tilespmem:$0x1F300] =	vst v63  }
0xe8: {  	_ =	swait.ge [sflag:s25], $0x1F90  }
0xe9: {  	[sflag:s25] =	ssyncset.done $0x0  }
0xea: {  	[sflag:s25] =	ssyncadd.s32 $0xFFFFE070  }
0xeb: {  	[tilespmem:s28], [sflag:$0x1] =	stream.linear.gather [hbm4b:s20+s3], $0x1F90, $0x38;
	[tilespmem:$0x1F300] =	vst v63  }
0xec: {  	_ =	swait.ge [sflag:s25], $0x1F90  }
0xed: {  	[sflag:s25] =	ssyncset.done $0x0  }
0xee: {  	s1 =	simm.s32 $0x1B140;
	[sflag:s25] =	ssyncadd.s32 $0xFFFFE070  }
0xef: {  	s0 =	simm.s32 $0x19040;
	v6 =	vld [tilespmem:s1+$0x30]  }
0xf0: {  	v8 =	vld [tilespmem:s0+$0x30]  }
0xf1: {  	v5 =	vld [tilespmem:s1+$0x20]  }
0xf2: {  	v2 =	vld [tilespmem:s0+$0x20]  }
0xf3: {  	v7 =	vld [tilespmem:s1+$0x10]  }
0xf4: {  	v9 =	vld [tilespmem:s0+$0x10]  }
0xf5: {  	v10 =	vld [tilespmem:s1+$0x0]  }
0xf6: {  	v11 =	vld [tilespmem:s0+$0x0]  }
0xf7: {  	v12 =	vld [tilespmem:s1+$0xFFFFFFF0]  }
0xf8: {  	v13 =	vld [tilespmem:s0+$0xFFFFFFF0]  }
0xf9: {  	v14 =	vld [tilespmem:s1+$0xFFFFFFE0]  }
0xfa: {  	v15 =	vld [tilespmem:s0+$0xFFFFFFE0]  }
0xfb: {  	v3 =	vld [tilespmem:s0+$0xFFFFFFC0]  }
0xfc: {  	v16 =	vld [tilespmem:s1+$0xFFFFFFD0];
	v17 =	vshll.u32 v11, $0x10  }
0xfd: {  	s2 =	simm.s32 $0x1D240;
	v4 =	vld [tilespmem:s0+$0xFFFFFFD0];
	v18 =	vshll.u32 v9, $0x10;
	v17 =	vor.u32 v10, v17  }
0xfe: {  	v19 =	vld [tilespmem:s1+$0xFFFFFFC0];
	v20 =	vshll.u32 v13, $0x10;
	v18 =	vor.u32 v7, v18;
	[tilespmem:s2+$0x0] =	vst v17  }
0xff: {  	v57 =	vshll.u32 v15, $0x10;
	v56 =	vor.u32 v12, v20;
	[tilespmem:s2+$0x10] =	vst v18;
	v10 =	vld.idx.msk [tilespmem:v10+s3+$0x0], $0xffff  }
0x100: {  	v55 =	vshll.u32 v2, $0x10;
	v59 =	vor.u32 v14, v57;
	[tilespmem:s2+$0xFFFFFFF0] =	vst v56;
	v7 =	vld.idx.msk [tilespmem:v7+s3+$0x0], $0xffff  }
0x101: {  	v58 =	vshll.u32 v8, $0x10;
	v17 =	vor.u32 v5, v55;
	[tilespmem:s2+$0xFFFFFFE0] =	vst v59;
	v12 =	vld.idx.msk [tilespmem:v12+s3+$0x0], $0xffff  }
0x102: {  	v60 =	vshll.u32 v4, $0x10;
	v18 =	vor.u32 v6, v58;
	[tilespmem:s2+$0x20] =	vst v17;
	v14 =	vld.idx.msk [tilespmem:v14+s3+$0x0], $0xffff  }
0x103: {  	v61 =	vshll.u32 v3, $0x10;
	v62 =	vor.u32 v16, v60;
	[tilespmem:s2+$0x30] =	vst v18;
	v5 =	vld.idx.msk [tilespmem:v5+s3+$0x0], $0xffff  }
0x104: {  	[tilespmem:s2+$0xFFFFFFD0] =	vst v62;
	v17 =	vor.u32 v19, v61;
	v63 =	vld.idx.msk [tilespmem:v6+s3+$0x0], $0xffff  }
0x105: {  	[tilespmem:s2+$0xFFFFFFC0] =	vst v17;
	v6 =	vld.idx.msk [tilespmem:v16+s3+$0x0], $0xffff  }
0x106: {  	[tilespmem:v9+s29+$0x0] =	vst.idx.add.f32.msk $0xffff, v7  }
0x107: {  	[tilespmem:v11+s29+$0x0] =	vst.idx.add.f32.msk $0xffff, v10  }
0x108: {  	v7 =	vld.idx.msk [tilespmem:v19+s3+$0x0], $0xffff  }
0x109: {  	[tilespmem:v15+s29+$0x0] =	vst.idx.add.f32.msk $0xffff, v14  }
0x10a: {  	[tilespmem:v13+s29+$0x0] =	vst.idx.add.f32.msk $0xffff, v12  }
0x10b: {  	s5 =	simm.s32 $0x1D2C0;
	s2 =	simm.s32 $0x0;
	[tilespmem:v8+s29+$0x0] =	vst.idx.add.f32.msk $0xffff, v63  }
.LBB2_16:
0x10c: {  	s2 =	sadd.s32 $0x80, s2;
	[tilespmem:v4+s29+$0x0] =	vst.idx.add.f32.msk $0xffff, v6;
	s0 =	sadd.s32 $0x80, s0;
	s1 =	sadd.s32 $0x80, s1  }
0x10d: {  	p1 =	slt.u32 s2, $0x1F00;
	[tilespmem:v2+s29+$0x0] =	vst.idx.add.f32.msk $0xffff, v5  }
0x10e: {  	[tilespmem:v3+s29+$0x0] =	vst.idx.add.f32.msk $0xffff, v7  }
0x10f: {  	v6 =	vld [tilespmem:s1+$0x30]  }
0x110: {  	v8 =	vld [tilespmem:s0+$0x30]  }
0x111: {  	v5 =	vld [tilespmem:s1+$0x20]  }
0x112: {  	v2 =	vld [tilespmem:s0+$0x20]  }
0x113: {  	v3 =	vld [tilespmem:s0+$0xFFFFFFC0]  }
0x114: {  	v7 =	vld [tilespmem:s1+$0x10]  }
0x115: {  	v9 =	vld [tilespmem:s0+$0x10];
	v4 =	vshll.u32 v8, $0x10  }
0x116: {  	v10 =	vld [tilespmem:s1+$0x0];
	v4 =	vor.u32 v6, v4  }
0x117: {  	v11 =	vld [tilespmem:s0+$0x0];
	v12 =	vshll.u32 v2, $0x10;
	[tilespmem:s5+$0x30] =	vst v4  }
0x118: {  	v13 =	vld [tilespmem:s1+$0xFFFFFFF0];
	v4 =	vor.u32 v5, v12  }
0x119: {  	v12 =	vld [tilespmem:s0+$0xFFFFFFF0];
	[tilespmem:s5+$0x20] =	vst v4  }
0x11a: {  	v14 =	vld [tilespmem:s1+$0xFFFFFFE0];
	v4 =	vshll.u32 v9, $0x10  }
0x11b: {  	v15 =	vld [tilespmem:s0+$0xFFFFFFE0];
	v4 =	vor.u32 v7, v4  }
0x11c: {  	v16 =	vld [tilespmem:s1+$0xFFFFFFD0];
	v17 =	vshll.u32 v11, $0x10;
	[tilespmem:s5+$0x10] =	vst v4  }
0x11d: {  	v4 =	vld [tilespmem:s0+$0xFFFFFFD0];
	v17 =	vor.u32 v10, v17  }
0x11e: {  	v18 =	vld [tilespmem:s1+$0xFFFFFFC0];
	v19 =	vshll.u32 v12, $0x10;
	[tilespmem:s5+$0x0] =	vst v17  }
0x11f: {  	v17 =	vor.u32 v13, v19;
	v10 =	vld.idx.msk [tilespmem:v10+s3+$0x0], $0xffff  }
0x120: {  	v19 =	vshll.u32 v15, $0x10;
	[tilespmem:s5+$0xFFFFFFF0] =	vst v17;
	v7 =	vld.idx.msk [tilespmem:v7+s3+$0x0], $0xffff  }
0x121: {  	v17 =	vor.u32 v14, v19;
	v13 =	vld.idx.msk [tilespmem:v13+s3+$0x0], $0xffff  }
0x122: {  	v19 =	vshll.u32 v3, $0x10;
	v20 =	vshll.u32 v4, $0x10;
	[tilespmem:s5+$0xFFFFFFE0] =	vst v17;
	v5 =	vld.idx.msk [tilespmem:v5+s3+$0x0], $0xffff  }
0x123: {  	v17 =	vor.u32 v18, v19;
	v19 =	vor.u32 v16, v20;
	v14 =	vld.idx.msk [tilespmem:v14+s3+$0x0], $0xffff  }
0x124: {  	[tilespmem:s5+$0xFFFFFFD0] =	vst v19;
	v19 =	vld.idx.msk [tilespmem:v6+s3+$0x0], $0xffff  }
0x125: {  	[tilespmem:s5+$0xFFFFFFC0] =	vst v17;
	v6 =	vld.idx.msk [tilespmem:v16+s3+$0x0], $0xffff  }
0x126: {  	[tilespmem:v9+s29+$0x0] =	vst.idx.add.f32.msk $0xffff, v7  }
.Ltmp6:
0x127: {  	[tilespmem:v11+s29+$0x0] =	vst.idx.add.f32.msk $0xffff, v10;
	(pc) =	sbr.rel @p1 .LBB2_16-.Ltmp6, $4  }
0x128: {  	v7 =	vld.idx.msk [tilespmem:v18+s3+$0x0], $0xffff  }
0x129: {  	[tilespmem:v15+s29+$0x0] =	vst.idx.add.f32.msk $0xffff, v14  }
0x12a: {  	[tilespmem:v8+s29+$0x0] =	vst.idx.add.f32.msk $0xffff, v19  }
0x12b: {  	s5 =	sadd.s32 $0x80, s5;
	[tilespmem:v12+s29+$0x0] =	vst.idx.add.f32.msk $0xffff, v13  }
0x12c: {  	_ =	sdelay $0x3  }
0x12d: {  	[tilespmem:v4+s29+$0x0] =	vst.idx.add.f32.msk $0xffff, v6  }
0x12e: {  	[tilespmem:v2+s29+$0x0] =	vst.idx.add.f32.msk $0xffff, v5  }
0x12f: {  	[tilespmem:v3+s29+$0x0] =	vst.idx.add.f32.msk $0xffff, v7  }
0x130: {  	v2 =	vld [tilespmem:$0x1AF80]  }
0x131: {  	v3 =	vld [tilespmem:$0x1D080];
	_ =	sdelay $0x4  }
0x132: {  	v63 =	vshll.u32 v2, $0x10  }
0x133: {  	v4 =	vor.u32 v3, v63  }
0x134: {  	s0 =	simm.s32 $0x0;
	[tilespmem:$0x1F180] =	vst v4  }
0x135: {  	v3 =	vld.idx.msk [tilespmem:v3+s0+$0x0], $0xffff;
	_ =	sdelay $0x4  }
0x136: {  	[tilespmem:v2+s29+$0x0] =	vst.idx.add.f32.msk $0xffff, v3  }
0x137: {  	[hbm4b:s21+s0] =	stream.linear.scatter [tilespmem:s30], [sflag:$0x1], $0x1F90, $0x38;
	[tilespmem:$0x1F300] =	vst v63  }
0x138: {  	_ =	swait.ge [sflag:s25], $0x1F90  }
0x139: {  	[sflag:s25] =	ssyncset.done $0x0  }
0x13a: {  	p1 =	por $0x1, $0x1;
	[sflag:s25] =	ssyncadd.s32 $0xFFFFE070  }
.LBB2_18:
0x13b: {  	[tilespmem:s0+$0x1D200] =	vst v1  }
0x13c: {  	[tilespmem:s0+$0x1D210] =	vst v1  }
0x13d: {  	[tilespmem:s0+$0x1D220] =	vst v1;
	p2 =	por p1, p1  }
.Ltmp7:
0x13e: {  	[tilespmem:s0+$0x1D230] =	vst v1;
	(pc) =	sbr.rel @p2 .LBB2_18-.Ltmp7, $4  }
0x13f: {  	[tilespmem:s0+$0x1D240] =	vst v1  }
0x140: {  	[tilespmem:s0+$0x1D250] =	vst v1  }
0x141: {  	[tilespmem:s0+$0x1D260] =	vst v1  }
0x142: {  	[tilespmem:s0+$0x1D270] =	vst v1;
	s0 =	simm.s32 $0x80;
	p1 =	por $0x0, $0x0  }
.Ltmp8:
0x143: {  	(pc) =	sbr.rel .LBB2_20-.Ltmp8, $4  }
0x144: {  	[hbm4b:s22+s3] =	stream.linear.scatter [tilespmem:s30], [sflag:$0x1], $0x100, $0x38;
	[tilespmem:$0x1F300] =	vst v63  }
0x145: {  	_ =	swait.ge [sflag:s25], $0x100  }
0x146: {  	[sflag:s25] =	ssyncset.done $0x0  }
0x147: {  	[sflag:s25] =	ssyncadd.s32 $0xFFFFFF00  }
.LBB2_4:
0x148: {  	[tilespmem:s26], [sflag:$0x1] =	stream.linear.gather [hbm4b:s4+s3], $0x2090, $0x38;
	[tilespmem:$0x1F300] =	vst v63  }
0x149: {  	_ =	swait.ge [sflag:s25], $0x2090  }
0x14a: {  	[sflag:s25] =	ssyncset.done $0x0  }
0x14b: {  	s0 =	rddreg [dreg:$0x3];
	[sflag:s25] =	ssyncadd.s32 $0xFFFFDF70  }
0x14c: {  	[tilespmem:s28], [sflag:$0x1] =	stream.linear.gather [hbm4b:s0+s3], $0x2090, $0x38;
	[tilespmem:$0x1F300] =	vst v63  }
0x14d: {  	_ =	swait.ge [sflag:s25], $0x2090  }
0x14e: {  	[sflag:s25] =	ssyncset.done $0x0  }
0x14f: {  	s1 =	simm.s32 $0x1B140;
	[sflag:s25] =	ssyncadd.s32 $0xFFFFDF70  }
0x150: {  	s0 =	simm.s32 $0x19040;
	v6 =	vld [tilespmem:s1+$0x30]  }
0x151: {  	v8 =	vld [tilespmem:s0+$0x30]  }
0x152: {  	v5 =	vld [tilespmem:s1+$0x20]  }
0x153: {  	v2 =	vld [tilespmem:s0+$0x20]  }
0x154: {  	v7 =	vld [tilespmem:s1+$0x10]  }
0x155: {  	v9 =	vld [tilespmem:s0+$0x10]  }
0x156: {  	v10 =	vld [tilespmem:s1+$0x0]  }
0x157: {  	v11 =	vld [tilespmem:s0+$0x0]  }
0x158: {  	v12 =	vld [tilespmem:s1+$0xFFFFFFF0]  }
0x159: {  	v13 =	vld [tilespmem:s0+$0xFFFFFFF0]  }
0x15a: {  	v14 =	vld [tilespmem:s1+$0xFFFFFFE0]  }
0x15b: {  	v15 =	vld [tilespmem:s0+$0xFFFFFFE0]  }
0x15c: {  	v3 =	vld [tilespmem:s0+$0xFFFFFFC0]  }
0x15d: {  	v16 =	vld [tilespmem:s1+$0xFFFFFFD0];
	v17 =	vshll.u32 v11, $0x10  }
0x15e: {  	s2 =	simm.s32 $0x1D240;
	v4 =	vld [tilespmem:s0+$0xFFFFFFD0];
	v18 =	vshll.u32 v9, $0x10;
	v17 =	vor.u32 v10, v17  }
0x15f: {  	v19 =	vld [tilespmem:s1+$0xFFFFFFC0];
	v20 =	vshll.u32 v13, $0x10;
	v18 =	vor.u32 v7, v18;
	[tilespmem:s2+$0x0] =	vst v17  }
0x160: {  	v57 =	vshll.u32 v15, $0x10;
	v56 =	vor.u32 v12, v20;
	[tilespmem:s2+$0x10] =	vst v18;
	v10 =	vld.idx.msk [tilespmem:v10+s3+$0x0], $0xffff  }
0x161: {  	v55 =	vshll.u32 v2, $0x10;
	v59 =	vor.u32 v14, v57;
	[tilespmem:s2+$0xFFFFFFF0] =	vst v56;
	v7 =	vld.idx.msk [tilespmem:v7+s3+$0x0], $0xffff  }
0x162: {  	v58 =	vshll.u32 v8, $0x10;
	v17 =	vor.u32 v5, v55;
	[tilespmem:s2+$0xFFFFFFE0] =	vst v59;
	v12 =	vld.idx.msk [tilespmem:v12+s3+$0x0], $0xffff  }
0x163: {  	v60 =	vshll.u32 v4, $0x10;
	v18 =	vor.u32 v6, v58;
	[tilespmem:s2+$0x20] =	vst v17;
	v14 =	vld.idx.msk [tilespmem:v14+s3+$0x0], $0xffff  }
0x164: {  	v61 =	vshll.u32 v3, $0x10;
	v62 =	vor.u32 v16, v60;
	[tilespmem:s2+$0x30] =	vst v18;
	v5 =	vld.idx.msk [tilespmem:v5+s3+$0x0], $0xffff  }
0x165: {  	[tilespmem:s2+$0xFFFFFFD0] =	vst v62;
	v17 =	vor.u32 v19, v61;
	v63 =	vld.idx.msk [tilespmem:v6+s3+$0x0], $0xffff  }
0x166: {  	[tilespmem:s2+$0xFFFFFFC0] =	vst v17;
	v6 =	vld.idx.msk [tilespmem:v16+s3+$0x0], $0xffff  }
0x167: {  	[tilespmem:v9+s29+$0x0] =	vst.idx.add.f32.msk $0xffff, v7  }
0x168: {  	[tilespmem:v11+s29+$0x0] =	vst.idx.add.f32.msk $0xffff, v10  }
0x169: {  	v7 =	vld.idx.msk [tilespmem:v19+s3+$0x0], $0xffff  }
0x16a: {  	[tilespmem:v15+s29+$0x0] =	vst.idx.add.f32.msk $0xffff, v14  }
0x16b: {  	[tilespmem:v13+s29+$0x0] =	vst.idx.add.f32.msk $0xffff, v12  }
0x16c: {  	s5 =	simm.s32 $0x1D2C0;
	s2 =	simm.s32 $0x0;
	[tilespmem:v8+s29+$0x0] =	vst.idx.add.f32.msk $0xffff, v63  }
.LBB2_5:
0x16d: {  	s2 =	sadd.s32 $0x80, s2;
	[tilespmem:v4+s29+$0x0] =	vst.idx.add.f32.msk $0xffff, v6;
	s0 =	sadd.s32 $0x80, s0;
	s1 =	sadd.s32 $0x80, s1  }
0x16e: {  	p1 =	slt.u32 s2, $0x2000;
	[tilespmem:v2+s29+$0x0] =	vst.idx.add.f32.msk $0xffff, v5  }
0x16f: {  	[tilespmem:v3+s29+$0x0] =	vst.idx.add.f32.msk $0xffff, v7  }
0x170: {  	v6 =	vld [tilespmem:s1+$0x30]  }
0x171: {  	v8 =	vld [tilespmem:s0+$0x30]  }
0x172: {  	v5 =	vld [tilespmem:s1+$0x20]  }
0x173: {  	v2 =	vld [tilespmem:s0+$0x20]  }
0x174: {  	v3 =	vld [tilespmem:s0+$0xFFFFFFC0]  }
0x175: {  	v7 =	vld [tilespmem:s1+$0x10]  }
0x176: {  	v9 =	vld [tilespmem:s0+$0x10];
	v4 =	vshll.u32 v8, $0x10  }
0x177: {  	v10 =	vld [tilespmem:s1+$0x0];
	v4 =	vor.u32 v6, v4  }
0x178: {  	v11 =	vld [tilespmem:s0+$0x0];
	v12 =	vshll.u32 v2, $0x10;
	[tilespmem:s5+$0x30] =	vst v4  }
0x179: {  	v13 =	vld [tilespmem:s1+$0xFFFFFFF0];
	v4 =	vor.u32 v5, v12  }
0x17a: {  	v12 =	vld [tilespmem:s0+$0xFFFFFFF0];
	[tilespmem:s5+$0x20] =	vst v4  }
0x17b: {  	v14 =	vld [tilespmem:s1+$0xFFFFFFE0];
	v4 =	vshll.u32 v9, $0x10  }
0x17c: {  	v15 =	vld [tilespmem:s0+$0xFFFFFFE0];
	v4 =	vor.u32 v7, v4  }
0x17d: {  	v16 =	vld [tilespmem:s1+$0xFFFFFFD0];
	v17 =	vshll.u32 v11, $0x10;
	[tilespmem:s5+$0x10] =	vst v4  }
0x17e: {  	v4 =	vld [tilespmem:s0+$0xFFFFFFD0];
	v17 =	vor.u32 v10, v17  }
0x17f: {  	v18 =	vld [tilespmem:s1+$0xFFFFFFC0];
	v19 =	vshll.u32 v12, $0x10;
	[tilespmem:s5+$0x0] =	vst v17  }
0x180: {  	v17 =	vor.u32 v13, v19;
	v10 =	vld.idx.msk [tilespmem:v10+s3+$0x0], $0xffff  }
0x181: {  	v19 =	vshll.u32 v15, $0x10;
	[tilespmem:s5+$0xFFFFFFF0] =	vst v17;
	v7 =	vld.idx.msk [tilespmem:v7+s3+$0x0], $0xffff  }
0x182: {  	v17 =	vor.u32 v14, v19;
	v13 =	vld.idx.msk [tilespmem:v13+s3+$0x0], $0xffff  }
0x183: {  	v19 =	vshll.u32 v3, $0x10;
	v20 =	vshll.u32 v4, $0x10;
	[tilespmem:s5+$0xFFFFFFE0] =	vst v17;
	v5 =	vld.idx.msk [tilespmem:v5+s3+$0x0], $0xffff  }
0x184: {  	v17 =	vor.u32 v18, v19;
	v19 =	vor.u32 v16, v20;
	v14 =	vld.idx.msk [tilespmem:v14+s3+$0x0], $0xffff  }
0x185: {  	[tilespmem:s5+$0xFFFFFFD0] =	vst v19;
	v19 =	vld.idx.msk [tilespmem:v6+s3+$0x0], $0xffff  }
0x186: {  	[tilespmem:s5+$0xFFFFFFC0] =	vst v17;
	v6 =	vld.idx.msk [tilespmem:v16+s3+$0x0], $0xffff  }
0x187: {  	[tilespmem:v9+s29+$0x0] =	vst.idx.add.f32.msk $0xffff, v7  }
.Ltmp9:
0x188: {  	[tilespmem:v11+s29+$0x0] =	vst.idx.add.f32.msk $0xffff, v10;
	(pc) =	sbr.rel @p1 .LBB2_5-.Ltmp9, $4  }
0x189: {  	v7 =	vld.idx.msk [tilespmem:v18+s3+$0x0], $0xffff  }
0x18a: {  	[tilespmem:v15+s29+$0x0] =	vst.idx.add.f32.msk $0xffff, v14  }
0x18b: {  	[tilespmem:v8+s29+$0x0] =	vst.idx.add.f32.msk $0xffff, v19  }
0x18c: {  	s5 =	sadd.s32 $0x80, s5;
	[tilespmem:v12+s29+$0x0] =	vst.idx.add.f32.msk $0xffff, v13  }
0x18d: {  	_ =	sdelay $0x3  }
0x18e: {  	[tilespmem:v4+s29+$0x0] =	vst.idx.add.f32.msk $0xffff, v6  }
0x18f: {  	[tilespmem:v2+s29+$0x0] =	vst.idx.add.f32.msk $0xffff, v5  }
0x190: {  	[tilespmem:v3+s29+$0x0] =	vst.idx.add.f32.msk $0xffff, v7  }
0x191: {  	v2 =	vld [tilespmem:$0x1B080]  }
0x192: {  	v3 =	vld [tilespmem:$0x1D180];
	_ =	sdelay $0x4  }
0x193: {  	v4 =	vshll.u32 v2, $0x10  }
0x194: {  	v4 =	vor.u32 v3, v4  }
0x195: {  	[tilespmem:$0x1F280] =	vst v4  }
0x196: {  	v3 =	vld.idx.msk [tilespmem:v3+s3+$0x0], $0xffff;
	_ =	sdelay $0x4  }
0x197: {  	[tilespmem:v2+s29+$0x0] =	vst.idx.add.f32.msk $0xffff, v3  }
0x198: {  	[hbm4b:s6+s3] =	stream.linear.scatter [tilespmem:s30], [sflag:$0x1], $0x2090, $0x38;
	[tilespmem:$0x1F300] =	vst v63  }
0x199: {  	_ =	swait.ge [sflag:s25], $0x2090  }
0x19a: {  	[sflag:s25] =	ssyncset.done $0x0  }
0x19b: {  	[sflag:s25] =	ssyncadd.s32 $0xFFFFDF70  }
0x19c: {  	[tilespmem:s26], [sflag:$0x1] =	stream.linear.gather [hbm4b:s7+s3], $0x2090, $0x38;
	[tilespmem:$0x1F300] =	vst v63  }
0x19d: {  	_ =	swait.ge [sflag:s25], $0x2090  }
0x19e: {  	[sflag:s25] =	ssyncset.done $0x0  }
0x19f: {  	[sflag:s25] =	ssyncadd.s32 $0xFFFFDF70  }
0x1a0: {  	[tilespmem:s28], [sflag:$0x1] =	stream.linear.gather [hbm4b:s8+s3], $0x2090, $0x38;
	[tilespmem:$0x1F300] =	vst v63  }
0x1a1: {  	_ =	swait.ge [sflag:s25], $0x2090  }
0x1a2: {  	[sflag:s25] =	ssyncset.done $0x0  }
0x1a3: {  	s1 =	simm.s32 $0x1B140;
	[sflag:s25] =	ssyncadd.s32 $0xFFFFDF70  }
0x1a4: {  	s0 =	simm.s32 $0x19040;
	v6 =	vld [tilespmem:s1+$0x30]  }
0x1a5: {  	v8 =	vld [tilespmem:s0+$0x30]  }
0x1a6: {  	v5 =	vld [tilespmem:s1+$0x20]  }
0x1a7: {  	v2 =	vld [tilespmem:s0+$0x20]  }
0x1a8: {  	v7 =	vld [tilespmem:s1+$0x10]  }
0x1a9: {  	v9 =	vld [tilespmem:s0+$0x10]  }
0x1aa: {  	v10 =	vld [tilespmem:s1+$0x0]  }
0x1ab: {  	v11 =	vld [tilespmem:s0+$0x0]  }
0x1ac: {  	v12 =	vld [tilespmem:s1+$0xFFFFFFF0]  }
0x1ad: {  	v13 =	vld [tilespmem:s0+$0xFFFFFFF0]  }
0x1ae: {  	v14 =	vld [tilespmem:s1+$0xFFFFFFE0]  }
0x1af: {  	v15 =	vld [tilespmem:s0+$0xFFFFFFE0]  }
0x1b0: {  	v3 =	vld [tilespmem:s0+$0xFFFFFFC0]  }
0x1b1: {  	v16 =	vld [tilespmem:s1+$0xFFFFFFD0];
	v17 =	vshll.u32 v11, $0x10  }
0x1b2: {  	s2 =	simm.s32 $0x1D240;
	v4 =	vld [tilespmem:s0+$0xFFFFFFD0];
	v18 =	vshll.u32 v9, $0x10;
	v17 =	vor.u32 v10, v17  }
0x1b3: {  	v19 =	vld [tilespmem:s1+$0xFFFFFFC0];
	v20 =	vshll.u32 v13, $0x10;
	v18 =	vor.u32 v7, v18;
	[tilespmem:s2+$0x0] =	vst v17  }
0x1b4: {  	v57 =	vshll.u32 v15, $0x10;
	v56 =	vor.u32 v12, v20;
	[tilespmem:s2+$0x10] =	vst v18;
	v10 =	vld.idx.msk [tilespmem:v10+s3+$0x0], $0xffff  }
0x1b5: {  	v55 =	vshll.u32 v2, $0x10;
	v59 =	vor.u32 v14, v57;
	[tilespmem:s2+$0xFFFFFFF0] =	vst v56;
	v7 =	vld.idx.msk [tilespmem:v7+s3+$0x0], $0xffff  }
0x1b6: {  	v58 =	vshll.u32 v8, $0x10;
	v17 =	vor.u32 v5, v55;
	[tilespmem:s2+$0xFFFFFFE0] =	vst v59;
	v12 =	vld.idx.msk [tilespmem:v12+s3+$0x0], $0xffff  }
0x1b7: {  	v60 =	vshll.u32 v4, $0x10;
	v18 =	vor.u32 v6, v58;
	[tilespmem:s2+$0x20] =	vst v17;
	v14 =	vld.idx.msk [tilespmem:v14+s3+$0x0], $0xffff  }
0x1b8: {  	v61 =	vshll.u32 v3, $0x10;
	v62 =	vor.u32 v16, v60;
	[tilespmem:s2+$0x30] =	vst v18;
	v5 =	vld.idx.msk [tilespmem:v5+s3+$0x0], $0xffff  }
0x1b9: {  	[tilespmem:s2+$0xFFFFFFD0] =	vst v62;
	v17 =	vor.u32 v19, v61;
	v63 =	vld.idx.msk [tilespmem:v6+s3+$0x0], $0xffff  }
0x1ba: {  	[tilespmem:s2+$0xFFFFFFC0] =	vst v17;
	v6 =	vld.idx.msk [tilespmem:v16+s3+$0x0], $0xffff  }
0x1bb: {  	[tilespmem:v9+s29+$0x0] =	vst.idx.add.f32.msk $0xffff, v7  }
0x1bc: {  	[tilespmem:v11+s29+$0x0] =	vst.idx.add.f32.msk $0xffff, v10  }
0x1bd: {  	v7 =	vld.idx.msk [tilespmem:v19+s3+$0x0], $0xffff  }
0x1be: {  	[tilespmem:v15+s29+$0x0] =	vst.idx.add.f32.msk $0xffff, v14  }
0x1bf: {  	[tilespmem:v13+s29+$0x0] =	vst.idx.add.f32.msk $0xffff, v12  }
0x1c0: {  	s5 =	simm.s32 $0x1D2C0;
	s2 =	simm.s32 $0x0;
	[tilespmem:v8+s29+$0x0] =	vst.idx.add.f32.msk $0xffff, v63  }
.LBB2_7:
0x1c1: {  	s2 =	sadd.s32 $0x80, s2;
	[tilespmem:v4+s29+$0x0] =	vst.idx.add.f32.msk $0xffff, v6;
	s0 =	sadd.s32 $0x80, s0;
	s1 =	sadd.s32 $0x80, s1  }
0x1c2: {  	p1 =	slt.u32 s2, $0x2000;
	[tilespmem:v2+s29+$0x0] =	vst.idx.add.f32.msk $0xffff, v5  }
0x1c3: {  	[tilespmem:v3+s29+$0x0] =	vst.idx.add.f32.msk $0xffff, v7  }
0x1c4: {  	v6 =	vld [tilespmem:s1+$0x30]  }
0x1c5: {  	v8 =	vld [tilespmem:s0+$0x30]  }
0x1c6: {  	v5 =	vld [tilespmem:s1+$0x20]  }
0x1c7: {  	v2 =	vld [tilespmem:s0+$0x20]  }
0x1c8: {  	v3 =	vld [tilespmem:s0+$0xFFFFFFC0]  }
0x1c9: {  	v7 =	vld [tilespmem:s1+$0x10]  }
0x1ca: {  	v9 =	vld [tilespmem:s0+$0x10];
	v4 =	vshll.u32 v8, $0x10  }
0x1cb: {  	v10 =	vld [tilespmem:s1+$0x0];
	v4 =	vor.u32 v6, v4  }
0x1cc: {  	v11 =	vld [tilespmem:s0+$0x0];
	v12 =	vshll.u32 v2, $0x10;
	[tilespmem:s5+$0x30] =	vst v4  }
0x1cd: {  	v13 =	vld [tilespmem:s1+$0xFFFFFFF0];
	v4 =	vor.u32 v5, v12  }
0x1ce: {  	v12 =	vld [tilespmem:s0+$0xFFFFFFF0];
	[tilespmem:s5+$0x20] =	vst v4  }
0x1cf: {  	v14 =	vld [tilespmem:s1+$0xFFFFFFE0];
	v4 =	vshll.u32 v9, $0x10  }
0x1d0: {  	v15 =	vld [tilespmem:s0+$0xFFFFFFE0];
	v4 =	vor.u32 v7, v4  }
0x1d1: {  	v16 =	vld [tilespmem:s1+$0xFFFFFFD0];
	v17 =	vshll.u32 v11, $0x10;
	[tilespmem:s5+$0x10] =	vst v4  }
0x1d2: {  	v4 =	vld [tilespmem:s0+$0xFFFFFFD0];
	v17 =	vor.u32 v10, v17  }
0x1d3: {  	v18 =	vld [tilespmem:s1+$0xFFFFFFC0];
	v19 =	vshll.u32 v12, $0x10;
	[tilespmem:s5+$0x0] =	vst v17  }
0x1d4: {  	v17 =	vor.u32 v13, v19;
	v10 =	vld.idx.msk [tilespmem:v10+s3+$0x0], $0xffff  }
0x1d5: {  	v19 =	vshll.u32 v15, $0x10;
	[tilespmem:s5+$0xFFFFFFF0] =	vst v17;
	v7 =	vld.idx.msk [tilespmem:v7+s3+$0x0], $0xffff  }
0x1d6: {  	v17 =	vor.u32 v14, v19;
	v13 =	vld.idx.msk [tilespmem:v13+s3+$0x0], $0xffff  }
0x1d7: {  	v19 =	vshll.u32 v3, $0x10;
	v20 =	vshll.u32 v4, $0x10;
	[tilespmem:s5+$0xFFFFFFE0] =	vst v17;
	v5 =	vld.idx.msk [tilespmem:v5+s3+$0x0], $0xffff  }
0x1d8: {  	v17 =	vor.u32 v18, v19;
	v19 =	vor.u32 v16, v20;
	v14 =	vld.idx.msk [tilespmem:v14+s3+$0x0], $0xffff  }
0x1d9: {  	[tilespmem:s5+$0xFFFFFFD0] =	vst v19;
	v19 =	vld.idx.msk [tilespmem:v6+s3+$0x0], $0xffff  }
0x1da: {  	[tilespmem:s5+$0xFFFFFFC0] =	vst v17;
	v6 =	vld.idx.msk [tilespmem:v16+s3+$0x0], $0xffff  }
0x1db: {  	[tilespmem:v9+s29+$0x0] =	vst.idx.add.f32.msk $0xffff, v7  }
.Ltmp10:
0x1dc: {  	[tilespmem:v11+s29+$0x0] =	vst.idx.add.f32.msk $0xffff, v10;
	(pc) =	sbr.rel @p1 .LBB2_7-.Ltmp10, $4  }
0x1dd: {  	v7 =	vld.idx.msk [tilespmem:v18+s3+$0x0], $0xffff  }
0x1de: {  	[tilespmem:v15+s29+$0x0] =	vst.idx.add.f32.msk $0xffff, v14  }
0x1df: {  	[tilespmem:v8+s29+$0x0] =	vst.idx.add.f32.msk $0xffff, v19  }
0x1e0: {  	s5 =	sadd.s32 $0x80, s5;
	[tilespmem:v12+s29+$0x0] =	vst.idx.add.f32.msk $0xffff, v13  }
0x1e1: {  	_ =	sdelay $0x3  }
0x1e2: {  	[tilespmem:v4+s29+$0x0] =	vst.idx.add.f32.msk $0xffff, v6  }
0x1e3: {  	[tilespmem:v2+s29+$0x0] =	vst.idx.add.f32.msk $0xffff, v5  }
0x1e4: {  	[tilespmem:v3+s29+$0x0] =	vst.idx.add.f32.msk $0xffff, v7  }
0x1e5: {  	v2 =	vld [tilespmem:$0x1B080]  }
0x1e6: {  	v3 =	vld [tilespmem:$0x1D180];
	_ =	sdelay $0x4  }
0x1e7: {  	v4 =	vshll.u32 v2, $0x10  }
0x1e8: {  	v4 =	vor.u32 v3, v4  }
0x1e9: {  	[tilespmem:$0x1F280] =	vst v4  }
0x1ea: {  	v3 =	vld.idx.msk [tilespmem:v3+s3+$0x0], $0xffff;
	_ =	sdelay $0x4  }
0x1eb: {  	[tilespmem:v2+s29+$0x0] =	vst.idx.add.f32.msk $0xffff, v3  }
0x1ec: {  	[hbm4b:s9+s3] =	stream.linear.scatter [tilespmem:s30], [sflag:$0x1], $0x2090, $0x38;
	[tilespmem:$0x1F300] =	vst v63  }
0x1ed: {  	_ =	swait.ge [sflag:s25], $0x2090  }
0x1ee: {  	[sflag:s25] =	ssyncset.done $0x0  }
0x1ef: {  	[sflag:s25] =	ssyncadd.s32 $0xFFFFDF70  }
0x1f0: {  	[tilespmem:s26], [sflag:$0x1] =	stream.linear.gather [hbm4b:s10+s3], $0x2090, $0x38;
	[tilespmem:$0x1F300] =	vst v63  }
0x1f1: {  	_ =	swait.ge [sflag:s25], $0x2090  }
0x1f2: {  	[sflag:s25] =	ssyncset.done $0x0  }
0x1f3: {  	[sflag:s25] =	ssyncadd.s32 $0xFFFFDF70  }
0x1f4: {  	[tilespmem:s28], [sflag:$0x1] =	stream.linear.gather [hbm4b:s11+s3], $0x2090, $0x38;
	[tilespmem:$0x1F300] =	vst v63  }
0x1f5: {  	_ =	swait.ge [sflag:s25], $0x2090  }
0x1f6: {  	[sflag:s25] =	ssyncset.done $0x0  }
0x1f7: {  	s1 =	simm.s32 $0x1B140;
	[sflag:s25] =	ssyncadd.s32 $0xFFFFDF70  }
0x1f8: {  	s0 =	simm.s32 $0x19040;
	v6 =	vld [tilespmem:s1+$0x30]  }
0x1f9: {  	v8 =	vld [tilespmem:s0+$0x30]  }
0x1fa: {  	v5 =	vld [tilespmem:s1+$0x20]  }
0x1fb: {  	v2 =	vld [tilespmem:s0+$0x20]  }
0x1fc: {  	v7 =	vld [tilespmem:s1+$0x10]  }
0x1fd: {  	v9 =	vld [tilespmem:s0+$0x10]  }
0x1fe: {  	v10 =	vld [tilespmem:s1+$0x0]  }
0x1ff: {  	v11 =	vld [tilespmem:s0+$0x0]  }
0x200: {  	v12 =	vld [tilespmem:s1+$0xFFFFFFF0]  }
0x201: {  	v13 =	vld [tilespmem:s0+$0xFFFFFFF0]  }
0x202: {  	v14 =	vld [tilespmem:s1+$0xFFFFFFE0]  }
0x203: {  	v15 =	vld [tilespmem:s0+$0xFFFFFFE0]  }
0x204: {  	v3 =	vld [tilespmem:s0+$0xFFFFFFC0]  }
0x205: {  	v16 =	vld [tilespmem:s1+$0xFFFFFFD0];
	v17 =	vshll.u32 v11, $0x10  }
0x206: {  	s2 =	simm.s32 $0x1D240;
	v4 =	vld [tilespmem:s0+$0xFFFFFFD0];
	v18 =	vshll.u32 v9, $0x10;
	v17 =	vor.u32 v10, v17  }
0x207: {  	v19 =	vld [tilespmem:s1+$0xFFFFFFC0];
	v20 =	vshll.u32 v13, $0x10;
	v18 =	vor.u32 v7, v18;
	[tilespmem:s2+$0x0] =	vst v17  }
0x208: {  	v57 =	vshll.u32 v15, $0x10;
	v56 =	vor.u32 v12, v20;
	[tilespmem:s2+$0x10] =	vst v18;
	v10 =	vld.idx.msk [tilespmem:v10+s3+$0x0], $0xffff  }
0x209: {  	v55 =	vshll.u32 v2, $0x10;
	v59 =	vor.u32 v14, v57;
	[tilespmem:s2+$0xFFFFFFF0] =	vst v56;
	v7 =	vld.idx.msk [tilespmem:v7+s3+$0x0], $0xffff  }
0x20a: {  	v58 =	vshll.u32 v8, $0x10;
	v17 =	vor.u32 v5, v55;
	[tilespmem:s2+$0xFFFFFFE0] =	vst v59;
	v12 =	vld.idx.msk [tilespmem:v12+s3+$0x0], $0xffff  }
0x20b: {  	v60 =	vshll.u32 v4, $0x10;
	v18 =	vor.u32 v6, v58;
	[tilespmem:s2+$0x20] =	vst v17;
	v14 =	vld.idx.msk [tilespmem:v14+s3+$0x0], $0xffff  }
0x20c: {  	v61 =	vshll.u32 v3, $0x10;
	v62 =	vor.u32 v16, v60;
	[tilespmem:s2+$0x30] =	vst v18;
	v5 =	vld.idx.msk [tilespmem:v5+s3+$0x0], $0xffff  }
0x20d: {  	[tilespmem:s2+$0xFFFFFFD0] =	vst v62;
	v17 =	vor.u32 v19, v61;
	v63 =	vld.idx.msk [tilespmem:v6+s3+$0x0], $0xffff  }
0x20e: {  	[tilespmem:s2+$0xFFFFFFC0] =	vst v17;
	v6 =	vld.idx.msk [tilespmem:v16+s3+$0x0], $0xffff  }
0x20f: {  	[tilespmem:v9+s29+$0x0] =	vst.idx.add.f32.msk $0xffff, v7  }
0x210: {  	[tilespmem:v11+s29+$0x0] =	vst.idx.add.f32.msk $0xffff, v10  }
0x211: {  	v7 =	vld.idx.msk [tilespmem:v19+s3+$0x0], $0xffff  }
0x212: {  	[tilespmem:v15+s29+$0x0] =	vst.idx.add.f32.msk $0xffff, v14  }
0x213: {  	[tilespmem:v13+s29+$0x0] =	vst.idx.add.f32.msk $0xffff, v12  }
0x214: {  	s5 =	simm.s32 $0x1D2C0;
	s2 =	simm.s32 $0x0;
	[tilespmem:v8+s29+$0x0] =	vst.idx.add.f32.msk $0xffff, v63  }
.LBB2_9:
0x215: {  	s2 =	sadd.s32 $0x80, s2;
	[tilespmem:v4+s29+$0x0] =	vst.idx.add.f32.msk $0xffff, v6;
	s0 =	sadd.s32 $0x80, s0;
	s1 =	sadd.s32 $0x80, s1  }
0x216: {  	p1 =	slt.u32 s2, $0x2000;
	[tilespmem:v2+s29+$0x0] =	vst.idx.add.f32.msk $0xffff, v5  }
0x217: {  	[tilespmem:v3+s29+$0x0] =	vst.idx.add.f32.msk $0xffff, v7  }
0x218: {  	v6 =	vld [tilespmem:s1+$0x30]  }
0x219: {  	v8 =	vld [tilespmem:s0+$0x30]  }
0x21a: {  	v5 =	vld [tilespmem:s1+$0x20]  }
0x21b: {  	v2 =	vld [tilespmem:s0+$0x20]  }
0x21c: {  	v3 =	vld [tilespmem:s0+$0xFFFFFFC0]  }
0x21d: {  	v7 =	vld [tilespmem:s1+$0x10]  }
0x21e: {  	v9 =	vld [tilespmem:s0+$0x10];
	v4 =	vshll.u32 v8, $0x10  }
0x21f: {  	v10 =	vld [tilespmem:s1+$0x0];
	v4 =	vor.u32 v6, v4  }
0x220: {  	v11 =	vld [tilespmem:s0+$0x0];
	v12 =	vshll.u32 v2, $0x10;
	[tilespmem:s5+$0x30] =	vst v4  }
0x221: {  	v13 =	vld [tilespmem:s1+$0xFFFFFFF0];
	v4 =	vor.u32 v5, v12  }
0x222: {  	v12 =	vld [tilespmem:s0+$0xFFFFFFF0];
	[tilespmem:s5+$0x20] =	vst v4  }
0x223: {  	v14 =	vld [tilespmem:s1+$0xFFFFFFE0];
	v4 =	vshll.u32 v9, $0x10  }
0x224: {  	v15 =	vld [tilespmem:s0+$0xFFFFFFE0];
	v4 =	vor.u32 v7, v4  }
0x225: {  	v16 =	vld [tilespmem:s1+$0xFFFFFFD0];
	v17 =	vshll.u32 v11, $0x10;
	[tilespmem:s5+$0x10] =	vst v4  }
0x226: {  	v4 =	vld [tilespmem:s0+$0xFFFFFFD0];
	v17 =	vor.u32 v10, v17  }
0x227: {  	v18 =	vld [tilespmem:s1+$0xFFFFFFC0];
	v19 =	vshll.u32 v12, $0x10;
	[tilespmem:s5+$0x0] =	vst v17  }
0x228: {  	v17 =	vor.u32 v13, v19;
	v10 =	vld.idx.msk [tilespmem:v10+s3+$0x0], $0xffff  }
0x229: {  	v19 =	vshll.u32 v15, $0x10;
	[tilespmem:s5+$0xFFFFFFF0] =	vst v17;
	v7 =	vld.idx.msk [tilespmem:v7+s3+$0x0], $0xffff  }
0x22a: {  	v17 =	vor.u32 v14, v19;
	v13 =	vld.idx.msk [tilespmem:v13+s3+$0x0], $0xffff  }
0x22b: {  	v19 =	vshll.u32 v3, $0x10;
	v20 =	vshll.u32 v4, $0x10;
	[tilespmem:s5+$0xFFFFFFE0] =	vst v17;
	v5 =	vld.idx.msk [tilespmem:v5+s3+$0x0], $0xffff  }
0x22c: {  	v17 =	vor.u32 v18, v19;
	v19 =	vor.u32 v16, v20;
	v14 =	vld.idx.msk [tilespmem:v14+s3+$0x0], $0xffff  }
0x22d: {  	[tilespmem:s5+$0xFFFFFFD0] =	vst v19;
	v19 =	vld.idx.msk [tilespmem:v6+s3+$0x0], $0xffff  }
0x22e: {  	[tilespmem:s5+$0xFFFFFFC0] =	vst v17;
	v6 =	vld.idx.msk [tilespmem:v16+s3+$0x0], $0xffff  }
0x22f: {  	[tilespmem:v9+s29+$0x0] =	vst.idx.add.f32.msk $0xffff, v7  }
.Ltmp11:
0x230: {  	[tilespmem:v11+s29+$0x0] =	vst.idx.add.f32.msk $0xffff, v10;
	(pc) =	sbr.rel @p1 .LBB2_9-.Ltmp11, $4  }
0x231: {  	v7 =	vld.idx.msk [tilespmem:v18+s3+$0x0], $0xffff  }
0x232: {  	[tilespmem:v15+s29+$0x0] =	vst.idx.add.f32.msk $0xffff, v14  }
0x233: {  	[tilespmem:v8+s29+$0x0] =	vst.idx.add.f32.msk $0xffff, v19  }
0x234: {  	s5 =	sadd.s32 $0x80, s5;
	[tilespmem:v12+s29+$0x0] =	vst.idx.add.f32.msk $0xffff, v13  }
.Ltmp12:
0x235: {  	_ = 	snop;
	(pc) =	sbr.rel .LBB2_10-.Ltmp12, $1  }
0x236: {  	_ =	sdelay $0x3  }
.LBB2_21:
0x237: {  	_ =	sfence.sel $0x180000  }
0x238: {  	[bflag:$0x0] =	sbarrier.arrive $0xFFFF  }
0x239: {  	_ =	strace $0x90000047  }
0x23a: {  	s0 =	stileid.u32;
	[bflag:$0x2] =	sbarrier.arrive $0xFFFF  }
0x23b: {  	p0 =	sne.s32 s0, $0x0;
	s0 =	rddreg [dreg:$0x2]  }
0x23c: {  	s0 =	sadd.s32 @!p0 $0x100000, s0  }
0x23d: {  	[sflag:s0] =	ssyncadd.tile.s32 @!p0 $0x1;
	_ =	shalt  }
.Lfunc_end2:
_tile_overlayer_lowered:
.L_overlay_start_2:
0x23e: {  	(tag) =	ssettag $0x2  }
0x23f: {  	s0 =	rddreg [dreg:$0x0];
	s2 =	stileid.u32  }
0x240: {  	s1 =	rddreg [dreg:$0x1];
	p0 =	sne.s32 s2, $0x0  }
0x241: {  	s3 =	rddreg [dreg:$0x2];
	[bflag:$0x3] =	sbarrier.arrive $0xFFFF;
	s2 =	simm.s32 @!p0 $0x1C01  }
0x242: {  	[timem:s3], [sflag:s2] =	dma.local @!p0 [hbm:s0], s1  }
0x243: {  	s0 =	simm.s32 @!p0 $0x1  }
0x244: {  	_ =	swait.ge @!p0 [sflag:s0], s1  }
0x245: {  	s1 =	ssub.s32 @!p0 $0x0, s1;
	[sflag:s0] =	ssyncset.done @!p0 $0x0  }
0x246: {  	[sflag:s0] =	ssyncadd.s32 @!p0 s1  }
0x247: {  	[bflag:$0x3] =	sbarrier.arrive $0xFFFF  }
0x248: {  	_ =	shalt  }

// kernel: kernel.22.cloned.1.call-start
scs
__scs_entry_jumppad:
0x0: {  	(pc) =	sbr.rel $0x88, $3  }
0x1: {  	(tag) =	ssettag $0x0;
	lr =	simm.s32 $0x1  }
0x2: {  	[smem:$0x3F90] =	sst lr;
	_ =	strace $0xD0000000  }
0x3: {  	_ = 	snop  }
0x4: {  	_ = 	snop  }
0x5: {  	_ = 	snop  }
0x6: {  	_ = 	snop  }
0x7: {  	_ = 	snop  }
__scs_overlays_trampoline_lowered:
0x8: {  	[smem:$0x3F9F] =	sst s0  }
0x9: {  	[smem:$0x3FA0] =	sst s1  }
0xa: {  	[smem:$0x3FA1] =	sst s2  }
0xb: {  	[smem:$0x3FA2] =	sst s3  }
0xc: {  	[smem:$0x3FA3] =	sst s4  }
0xd: {  	[smem:$0x3FA4] =	sst s5  }
0xe: {  	[smem:$0x3FA5] =	sst s6  }
0xf: {  	[smem:$0x3FA6] =	sst s7  }
0x10: {  	[smem:$0x3FA7] =	sst s8  }
0x11: {  	[smem:$0x3FA8] =	sst s9;
	s0 =	simm.s32 @!p0 $0x0  }
0x12: {  	s1 =	sld [smem:$0x3F8E];
	s0 =	simm.s32 @p0 $0x1  }
0x13: {  	[smem:$0x3FA9] =	sst s0;
	s0 =	simm.s32 @!p1 $0x0  }
0x14: {  	s2 =	sld [smem:$0x3F8D];
	s0 =	simm.s32 @p1 $0x1  }
0x15: {  	[smem:$0x3FAA] =	sst s0;
	s0 =	simm.s32 @!p2 $0x0  }
0x16: {  	s3 =	sld [smem:$0x3FDB];
	s0 =	simm.s32 @p2 $0x1  }
0x17: {  	s4 =	simm.s32 $0x1BF5;
	[smem:$0x3FAC] =	sst s0  }
0x18: {  	s0 =	sld [smem:$0x3F8F];
	_ =	swait.ge [sflag:s4], $0x0  }
0x19: {  	s7 =	sld [smem:$0x3F90]  }
0x1a: {  	s8 =	sadd.s32 $0xFFFFE003, lr  }
0x1b: {  	s9 =	sadd.s32 $0xFFFFFEF7, lr;
	s5 =	simm.s32 $0xFFFFFFFF;
	p2 =	slt.u32 s8, $0xFFFFF086  }
0x1c: {  	p1 =	slt.u32 s9, $0xF7A;
	s5 =	simm.s32 @!p2 $0x0  }
0x1d: {  	s5 =	simm.s32 @p1 $0x1;
	p0 =	seq.s32 s7, s2  }
0x1e: {  	s7 =	smul.u32 @!p0 $0xF7A, s2;
	p2 =	seq.s32 @!p0 s5, $0x0  }
0x1f: {  	s9 =	smul.u32 $0xF7A, s1;
	s8 =	simm.s32 @!p0 $0x1BF5;
	p2 =	por !p2, p0  }
0x20: {  	[sflag:s8] =	ssyncset.s32 @!p0 $0xFFFFF086;
	s6 =	sadd.s32 @!p0 s3, s7;
	s7 =	simm.s32 @!p0 $0x108  }
0x21: {  	s3 =	sadd.s32 s3, s9;
	s6 =	sadd.s32 @!p0 $0x88, s6;
	s7 =	simm.s32 @p2 $0x1082  }
0x22: {  	[simem:s7], [sflag:s8] =	dma.local @!p0 [hbm:s6], $0xF7A  }
0x23: {  	s9 =	sor.u32 $0xD0000000, s2;
	s6 =	simm.s32 $0x108;
	_ =	swait.ge @!p0 [sflag:s8], $0x0  }
0x24: {  	s3 =	sadd.s32 $0x88, s3;
	s6 =	simm.s32 @!p1 $0x1082;
	[sflag:s4] =	ssyncset.s32 $0xFFFFF086  }
0x25: {  	[simem:s6], [sflag:s4] =	dma.local [hbm:s3], $0xF7A  }
0x26: {  	[smem:$0x3F90] =	sst s1;
	(tag) =	ssettag s2;
	_ =	strace s9  }
0x27: {  	s1 =	sld [smem:$0x3FA0]  }
0x28: {  	s2 =	sld [smem:$0x3FA1]  }
0x29: {  	s4 =	sld [smem:$0x3FA3]  }
0x2a: {  	p0 =	seq.s32 s5, $0x0;
	s5 =	sld [smem:$0x3FA4]  }
0x2b: {  	s6 =	sld [smem:$0x3FA5]  }
0x2c: {  	s7 =	sld [smem:$0x3FA6]  }
0x2d: {  	s3 =	simm.s32 $0x108;
	s8 =	sld [smem:$0x3FA7]  }
0x2e: {  	s3 =	simm.s32 @!p0 $0x1082;
	s9 =	sld [smem:$0x3FA8]  }
0x2f: {  	lr =	sadd.s32 s0, s3;
	s0 =	sld [smem:$0x3F9F]  }
0x30: {  	s3 =	sld [smem:$0x3FA2]  }
0x31: {  	[smem:$0x3FAB] =	sst s10  }
0x32: {  	s10 =	sld [smem:$0x3FA9];
	_ =	sdelay $0x3  }
0x33: {  	p0 =	seq.s32 s10, $0x1;
	s10 =	sld [smem:$0x3FAB];
	_ =	sdelay $0x3  }
0x34: {  	[smem:$0x3FAB] =	sst s10  }
0x35: {  	s10 =	sld [smem:$0x3FAA];
	_ =	sdelay $0x3  }
0x36: {  	p1 =	seq.s32 s10, $0x1;
	s10 =	sld [smem:$0x3FAB];
	_ =	sdelay $0x3  }
0x37: {  	[smem:$0x3FAB] =	sst s10  }
0x38: {  	s10 =	sld [smem:$0x3FAC]  }
0x39: {  	_ = 	snop;
	(pc) =	sbr.ind lr, $3  }
0x3a: {  	_ = 	snop  }
0x3b: {  	_ = 	snop  }
0x3c: {  	p2 =	seq.s32 s10, $0x1;
	s10 =	sld [smem:$0x3FAB]  }
0x3d: {  	_ =	shalt  }
0x3e: {  	_ =	shalt  }
0x3f: {  	_ =	shalt  }
0x40: {  	_ =	shalt  }
0x41: {  	_ =	shalt  }
0x42: {  	_ =	shalt  }
0x43: {  	_ =	shalt  }
0x44: {  	_ =	shalt  }
0x45: {  	_ =	shalt  }
0x46: {  	_ =	shalt  }
0x47: {  	_ =	shalt  }
0x48: {  	_ =	shalt  }
0x49: {  	_ =	shalt  }
0x4a: {  	_ =	shalt  }
0x4b: {  	_ =	shalt  }
0x4c: {  	_ =	shalt  }
0x4d: {  	_ =	shalt  }
0x4e: {  	_ =	shalt  }
0x4f: {  	_ =	shalt  }
0x50: {  	_ =	shalt  }
0x51: {  	_ =	shalt  }
0x52: {  	_ =	shalt  }
0x53: {  	_ =	shalt  }
0x54: {  	_ =	shalt  }
0x55: {  	_ =	shalt  }
0x56: {  	_ =	shalt  }
0x57: {  	_ =	shalt  }
0x58: {  	_ =	shalt  }
0x59: {  	_ =	shalt  }
0x5a: {  	_ =	shalt  }
0x5b: {  	_ =	shalt  }
0x5c: {  	_ =	shalt  }
0x5d: {  	_ =	shalt  }
0x5e: {  	_ =	shalt  }
0x5f: {  	_ =	shalt  }
0x60: {  	_ =	shalt  }
0x61: {  	_ =	shalt  }
0x62: {  	_ =	shalt  }
0x63: {  	_ =	shalt  }
0x64: {  	_ =	shalt  }
0x65: {  	_ =	shalt  }
0x66: {  	_ =	shalt  }
0x67: {  	_ =	shalt  }
0x68: {  	_ =	shalt  }
0x69: {  	_ =	shalt  }
0x6a: {  	_ =	shalt  }
0x6b: {  	_ =	shalt  }
0x6c: {  	_ =	shalt  }
0x6d: {  	_ =	shalt  }
0x6e: {  	_ =	shalt  }
0x6f: {  	_ =	shalt  }
0x70: {  	_ =	shalt  }
0x71: {  	_ =	shalt  }
0x72: {  	_ =	shalt  }
0x73: {  	_ =	shalt  }
0x74: {  	_ =	shalt  }
0x75: {  	_ =	shalt  }
0x76: {  	_ =	shalt  }
0x77: {  	_ =	shalt  }
0x78: {  	_ =	shalt  }
0x79: {  	_ =	shalt  }
0x7a: {  	_ =	shalt  }
0x7b: {  	_ =	shalt  }
0x7c: {  	_ =	shalt  }
0x7d: {  	_ =	shalt  }
0x7e: {  	_ =	shalt  }
0x7f: {  	_ =	shalt  }
0x80: {  	_ =	shalt  }
0x81: {  	_ =	shalt  }
0x82: {  	_ =	shalt  }
0x83: {  	_ =	shalt  }
0x84: {  	_ =	shalt  }
0x85: {  	_ =	shalt  }
0x86: {  	_ =	shalt  }
0x87: {  	_ =	shalt  }
.Lfunc_end0:
.L_simem_size_0:
called_computation.1_lowered:
.L_overlay_start_0:
0x88: {  	s2 =	sld [smem:$0x3FD9]  }
0x89: {  	s3 =	sld [smem:$0x3FFE];
	_ =	sdelay $0x1  }
0x8a: {  	s1 =	srdreg.scid  }
0x8b: {  	s0 =	sand.u32 $0x1, s1  }
0x8c: {  	s16 =	sshll.u32 s0, $0xA;
	s2 =	sadd.s32 s3, s2  }
0x8d: {  	s2 =	sadd.s32 s2, s16  }
0x8e: {  	[smem:$0x3FB7] =	sst s2  }
0x8f: {  	_ = 	snop  }
0x90: {  	(tm) =	ssettm $0x1  }
0x91: {  	s17 =	sld [smem:$0x3FFB];
	_ =	sdelay $0x3  }
0x92: {  	_ =	strace s17  }
0x93: {  	s2 =	sld [smem:$0x3FFC];
	_ =	sdelay $0x3  }
0x94: {  	_ =	strace s2  }
0x95: {  	s2 =	sld [smem:$0x3FFD];
	_ =	sdelay $0x3  }
0x96: {  	_ =	strace s2  }
0x97: {  	_ =	strace $0x8FFFFFFF  }
0x98: {  	s18 =	sld [smem:$0x3FDB];
	_ =	sdelay $0x1  }
0x99: {  	s19 =	simm.s32 $_scs_section_size  }
0x9a: {  	s4 =	simm.s32 $_size__tile_overlayer_lowered;
	s5 =	simm.s32 $_tile_overlayer_lowered  }
0x9b: {  	s22 =	simm.s32 $0x1BFF;
	s21 =	sshll.u32 s5, $0x1;
	s2 =	sadd.s32 s19, s18  }
0x9c: {  	s6 =	simm.s32 $0x0;
	s20 =	sshll.u32 s4, $0x1;
	s4 =	sadd.s32 s21, s2  }
0x9d: {  	[timem:s6], [sflag:s22] =	dma.local [hbm:s4], s20  }
0x9e: {  	_ =	swait.ge [sflag:s22], s20  }
0x9f: {  	s3 =	ssub.s32 $0x0, s20;
	[sflag:s22] =	ssyncset.done $0x0  }
0xa0: {  	[sflag:s22] =	ssyncadd.s32 s3;
	_ =	sdelay $0x1  }
0xa1: {  	s23 =	simm.s32 $0x1B8B  }
0xa2: {  	_ =	swait.ge [sflag:s23], $0x1  }
0xa3: {  	[sflag:s23] =	ssyncset.done $0x0  }
0xa4: {  	s25 =	simm.s32 $0x1B8E;
	s24 =	sld [smem:$0x3FFE];
	[sflag:s23] =	ssyncadd.s32 $0xFFFFFFFF  }
0xa5: {  	s26 =	simm.s32 $execute0_lowered;
	[smem:$0x3FD2] =	sst s25  }
0xa6: {  	s4 =	sshll.u32 s26, $0x1;
	_ =	strace $0x80000049;
	[dreg:$0x1] =	wrdreg $0xFFFFFFFF  }
0xa7: {  	s28 =	simm.s32 $_size_execute0_lowered;
	s2 =	sadd.s32 s2, s4;
	[dreg:$0x0] =	wrdreg $0x0  }
0xa8: {  	s4 =	sshll.u32 s28, $0x1;
	[dreg:$0x2] =	wrdreg s2  }
0xa9: {  	[dreg:$0x3] =	wrdreg s4  }
0xaa: {  	[dreg:$0x4] =	wrdreg $0xC0  }
0xab: {  	_ =	task [dreg:s6], $0x5FFFF  }
0xac: {  	[dreg:$0x1] =	wrdreg $0xFFFFFFFF  }
0xad: {  	[dreg:$0x0] =	wrdreg $0x60  }
0xae: {  	[dreg:$0x2] =	wrdreg s24  }
0xaf: {  	[dreg:$0x3] =	wrdreg $0x9  }
0xb0: {  	_ =	task.clear_ibuf [dreg:s6], $0x4FFFF;
	_ =	strace $0x90000049  }
0xb1: {  	s29 =	simm.s32 $0x9;
	_ =	strace $0x8000004B  }
0xb2: {  	_ =	swait.ge [sflag:s29], $0x1  }
0xb3: {  	[sflag:s29] =	ssyncadd.s32 $0xFFFFFFFF  }
0xb4: {  	_ =	strace $0x9000004B  }
0xb5: {  	_ =	sfence  }
0xb6: {  	s30 =	sld [smem:$0x0];
	_ =	sdelay $0x2  }
0xb7: {  	s31 =	sshll.u32 s1, $0xD;
	s1 =	sshrl.u32 s1, $0x2  }
0xb8: {  	s3 =	sand.u32 $0x4000, s31;
	s1 =	sadd.s32 s1, s30  }
0xb9: {  	s0 =	sor.u32 s3, s0;
	s1 =	sshll.u32 s1, $0x11  }
0xba: {  	s0 =	sor.u32 s1, s0  }
0xbb: {  	s0 =	sadd.s32 $0x8F2B, s0  }
0xbc: {  	[sflag:s0] =	ssyncadd.remote.s32 $0x1  }
0xbd: {  	_ =	sfence.sel $0xFFFF  }
0xbe: {  	[dreg:$0x0] =	wrdreg $0xFFFFFFFF;
	(pc) =	sbr.abs _section_cstart, $3  }
0xbf: {  	[dreg:$0x1] =	wrdreg $0xFFFFFFFF  }
0xc0: {  	_ =	task.clear_ibuf [dreg:s6], $0x2FFFF;
	_ =	strace $0x9FFFFFFF  }
0xc1: {  	(tm) =	ssettm $0x7FFFFFFF  }
tec
execute0_lowered:
.L_overlay_start_1:
0x0: {  	(tag) =	ssettag $0x1  }
0x1: {  	s5 =	rddreg [dreg:$0x0]  }
0x2: {  	s0 =	rddreg [dreg:$0x1]  }
0x3: {  	s3 =	srdreg.scid;
	s1 =	stileid.u32  }
0x4: {  	s2 =	simm.s32 $0x0;
	s11 =	simm.s32 $0x19000;
	s12 =	simm.s32 $0x1B100  }
0x5: {  	s13 =	simm.s32 $0x1;
	s14 =	simm.s32 $0xC800;
	s15 =	simm.s32 $0x2  }
0x6: {  	s16 =	simm.s32 $0x0;
	s4 =	sand.u32 $0x1, s3;
	s31 =	sshll.u32 s1, $0x1  }
0x7: {  	[smem:$0x7FF] =	sst s2;
	s7 =	sadd.s32 $0xE7400, s5;
	s6 =	sor.u32 s4, s31  }
0x8: {  	s3 =	sadd.s32 $0x69600, s5;
	s9 =	sadd.s32 $0x14B400, s5;
	s8 =	smul.u32 $0xC800, s6  }
.Ltmp0:
0x9: {  	s5 =	sadd.s32 $0x69A12, s5;
	s4 =	ssub.s32 $0x2, s4;
	(pc) =	sbr.rel .LBB2_1-.Ltmp0, $4  }
0xa: {  	s6 =	smul.u32 $0x1900, s6;
	s10 =	sshrl.u32 s4, $0x1;
	s8 =	sshrl.u32 s8, $0x3  }
0xb: {  	_ =	strace $0x8000004A;
	s10 =	ssub.s32 s4, s10;
	s8 =	sadd.s32 $0x32000, s8  }
0xc: {  	s4 =	sadd.s32 s7, s6;
	s6 =	sadd.s32 s9, s6;
	s7 =	sadd.s32 s7, s8  }
0xd: {  	v0 =	vimm.f32 $0.0e+00;
	s8 =	sadd.s32 s9, s8;
	s9 =	smax.u32 s10, $0x1;
	s10 =	simm.s32 $0x3  }
.LBB2_19:
0xe: {  	s16 =	sadd.s32 $0x1, s16  }
0xf: {  	p0 =	sne.s32 s16, s9  }
.Ltmp1:
0x10: {  	_ = 	snop;
	(pc) =	sbr.rel @!p0 .LBB2_20-.Ltmp1, $4  }
0x11: {  	[hbm4b:s8+s2] =	stream.linear.scatter [tilespmem:s14], [sflag:$0x3], $0xC800, $0x38;
	[tilespmem:$0x1D200] =	vst v63  }
0x12: {  	_ =	swait.ge [sflag:s10], $0xC800  }
0x13: {  	[sflag:s10] =	ssyncset.done $0x0  }
0x14: {  	[sflag:s10] =	ssyncadd.s32 $0xFFFF3800  }
.LBB2_1:
0x15: {  	[tilespmem:s2], [sflag:$0x3] =	stream.linear.gather [hbm4b:s4+s2], $0xC800, $0x38;
	[tilespmem:$0x1D200] =	vst v63  }
0x16: {  	_ =	swait.ge [sflag:s10], $0xC800  }
0x17: {  	[sflag:s10] =	ssyncset.done $0x0  }
0x18: {  	s17 =	simm.s32 $0xC840;
	[sflag:s10] =	ssyncadd.s32 $0xFFFF3800  }
0x19: {  	[tilespmem:s17+$0xFFFFFFC0] =	vst v0  }
0x1a: {  	[tilespmem:s17+$0x30] =	vst v0  }
0x1b: {  	[tilespmem:s17+$0x20] =	vst v0  }
0x1c: {  	[tilespmem:s17+$0x10] =	vst v0  }
0x1d: {  	[tilespmem:s17+$0x0] =	vst v0  }
0x1e: {  	[tilespmem:s17+$0xFFFFFFF0] =	vst v0  }
0x1f: {  	s18 =	simm.s32 $0x0;
	[tilespmem:s17+$0xFFFFFFE0] =	vst v0  }
.LBB2_2:
0x20: {  	s18 =	sadd.s32 $0x80, s18;
	[tilespmem:s17+$0xFFFFFFD0] =	vst v0;
	s17 =	sadd.s32 $0x80, s17  }
0x21: {  	[tilespmem:s17+$0xFFFFFFC0] =	vst v0;
	p0 =	slt.u32 s18, $0xC780  }
0x22: {  	[tilespmem:s17+$0x30] =	vst v0  }
.Ltmp2:
0x23: {  	[tilespmem:s17+$0x20] =	vst v0;
	(pc) =	sbr.rel @p0 .LBB2_2-.Ltmp2, $4  }
0x24: {  	[tilespmem:s17+$0x10] =	vst v0  }
0x25: {  	[tilespmem:s17+$0x0] =	vst v0  }
0x26: {  	[tilespmem:s17+$0xFFFFFFF0] =	vst v0  }
0x27: {  	[tilespmem:s17+$0xFFFFFFE0] =	vst v0  }
0x28: {  	[tilespmem:s17+$0xFFFFFFD0] =	vst v0;
	s17 =	simm.s32 $0x0  }
0x29: {  	[tilespmem:s11], [sflag:$0x1] =	stream.linear.gather [hbm4b:s3+s17], $0x2090, $0x38;
	[tilespmem:$0x1D200] =	vst v63  }
0x2a: {  	_ = 	snop  }
0x2b: {  	[tilespmem:s12], [sflag:$0x2] =	stream.linear.gather [hbm4b:s5+s17], $0x2090, $0x38;
	[tilespmem:$0x1D200] =	vst v63  }
.LBB2_4:
0x2c: {  	_ =	swait.ge [sflag:s13], $0x2090  }
0x2d: {  	[sflag:s13] =	ssyncset.done $0x0  }
0x2e: {  	s18 =	simm.s32 $0x19040;
	[sflag:s13] =	ssyncadd.s32 $0xFFFFDF70  }
0x2f: {  	v1 =	vld [tilespmem:s18+$0x30]  }
0x30: {  	v2 =	vld [tilespmem:s18+$0xFFFFFFD0]  }
0x31: {  	v3 =	vld [tilespmem:s18+$0xFFFFFFE0]  }
0x32: {  	v4 =	vld [tilespmem:s18+$0xFFFFFFF0]  }
0x33: {  	v5 =	vld [tilespmem:s18+$0x0]  }
0x34: {  	v6 =	vld [tilespmem:s18+$0x10];
	v7 =	vand.u32 $0xFFFF, v1  }
0x35: {  	v11 =	vld [tilespmem:s18+$0x20];
	v8 =	vand.u32 $0xFFFF, v2  }
0x36: {  	v10 =	vand.u32 $0xFFFF, v3  }
0x37: {  	v9 =	vld [tilespmem:s18+$0xFFFFFFC0];
	v12 =	vand.u32 $0xFFFF, v4  }
0x38: {  	v13 =	vand.u32 $0xFFFF, v5  }
0x39: {  	v14 =	vand.u32 $0xFFFF, v6;
	v7 =	vld.idx.msk [tilespmem:v7+s2+$0x0], $0xffff  }
0x3a: {  	v16 =	vand.u32 $0xFFFF, v11;
	v8 =	vld.idx.msk [tilespmem:v8+s2+$0x0], $0xffff  }
0x3b: {  	v1 =	vshrl.u32 v1, $0x10;
	v10 =	vld.idx.msk [tilespmem:v10+s2+$0x0], $0xffff  }
0x3c: {  	v15 =	vand.u32 $0xFFFF, v9;
	v12 =	vld.idx.msk [tilespmem:v12+s2+$0x0], $0xffff  }
0x3d: {  	v2 =	vshrl.u32 v2, $0x10;
	v13 =	vld.idx.msk [tilespmem:v13+s2+$0x0], $0xffff  }
0x3e: {  	v17 =	vshrl.u32 v3, $0x10;
	v3 =	vld.idx.msk [tilespmem:v14+s2+$0x0], $0xffff  }
0x3f: {  	v63 =	vshrl.u32 v4, $0x10;
	v4 =	vld.idx.msk [tilespmem:v16+s2+$0x0], $0xffff  }
0x40: {  	[tilespmem:v1+s14+$0x0] =	vst.idx.add.f32.msk $0xffff, v7;
	v1 =	vshrl.u32 v5, $0x10  }
0x41: {  	v5 =	vld.idx.msk [tilespmem:v15+s2+$0x0], $0xffff;
	v7 =	vshrl.u32 v9, $0x10  }
0x42: {  	[tilespmem:v2+s14+$0x0] =	vst.idx.add.f32.msk $0xffff, v8  }
0x43: {  	[tilespmem:v17+s14+$0x0] =	vst.idx.add.f32.msk $0xffff, v10  }
0x44: {  	[tilespmem:v63+s14+$0x0] =	vst.idx.add.f32.msk $0xffff, v12  }
0x45: {  	[tilespmem:v1+s14+$0x0] =	vst.idx.add.f32.msk $0xffff, v13  }
0x46: {  	s19 =	simm.s32 $0x190C0;
	s18 =	simm.s32 $0x0;
	v2 =	vshrl.u32 v11, $0x10;
	v1 =	vshrl.u32 v6, $0x10;
	[tilespmem:v7+s14+$0x0] =	vst.idx.add.f32.msk $0xffff, v5  }
.LBB2_5:
0x47: {  	v5 =	vld [tilespmem:s19+$0x30];
	s18 =	sadd.s32 $0x80, s18  }
0x48: {  	v6 =	vld [tilespmem:s19+$0xFFFFFFD0];
	p0 =	slt.u32 s18, $0x2000  }
0x49: {  	v7 =	vld [tilespmem:s19+$0xFFFFFFE0]  }
0x4a: {  	v8 =	vld [tilespmem:s19+$0xFFFFFFF0]  }
0x4b: {  	v9 =	vld [tilespmem:s19+$0x0]  }
0x4c: {  	v10 =	vld [tilespmem:s19+$0x10];
	v11 =	vand.u32 $0xFFFF, v5  }
0x4d: {  	v12 =	vshrl.u32 v6, $0x10;
	v6 =	vand.u32 $0xFFFF, v6;
	v13 =	vld [tilespmem:s19+$0x20]  }
0x4e: {  	v14 =	vld [tilespmem:s19+$0xFFFFFFC0];
	v15 =	vshrl.u32 v7, $0x10;
	v7 =	vand.u32 $0xFFFF, v7  }
0x4f: {  	v16 =	vshrl.u32 v8, $0x10;
	v8 =	vand.u32 $0xFFFF, v8;
	[tilespmem:v1+s14+$0x0] =	vst.idx.add.f32.msk $0xffff, v3  }
0x50: {  	v17 =	vshrl.u32 v9, $0x10;
	v3 =	vand.u32 $0xFFFF, v9;
	[tilespmem:v2+s14+$0x0] =	vst.idx.add.f32.msk $0xffff, v4  }
0x51: {  	v1 =	vshrl.u32 v10, $0x10;
	v4 =	vand.u32 $0xFFFF, v10;
	v9 =	vld.idx.msk [tilespmem:v11+s2+$0x0], $0xffff  }
0x52: {  	v5 =	vshrl.u32 v5, $0x10;
	v6 =	vld.idx.msk [tilespmem:v6+s2+$0x0], $0xffff;
	v2 =	vshrl.u32 v13, $0x10;
	v10 =	vand.u32 $0xFFFF, v13  }
0x53: {  	v11 =	vshrl.u32 v14, $0x10;
	v13 =	vand.u32 $0xFFFF, v14;
	v7 =	vld.idx.msk [tilespmem:v7+s2+$0x0], $0xffff  }
0x54: {  	v8 =	vld.idx.msk [tilespmem:v8+s2+$0x0], $0xffff  }
0x55: {  	v14 =	vld.idx.msk [tilespmem:v3+s2+$0x0], $0xffff  }
0x56: {  	v3 =	vld.idx.msk [tilespmem:v4+s2+$0x0], $0xffff  }
0x57: {  	[tilespmem:v5+s14+$0x0] =	vst.idx.add.f32.msk $0xffff, v9  }
0x58: {  	v5 =	vld.idx.msk [tilespmem:v13+s2+$0x0], $0xffff  }
0x59: {  	v4 =	vld.idx.msk [tilespmem:v10+s2+$0x0], $0xffff  }
.Ltmp3:
0x5a: {  	[tilespmem:v12+s14+$0x0] =	vst.idx.add.f32.msk $0xffff, v6;
	(pc) =	sbr.rel @p0 .LBB2_5-.Ltmp3, $4  }
0x5b: {  	[tilespmem:v15+s14+$0x0] =	vst.idx.add.f32.msk $0xffff, v7  }
0x5c: {  	[tilespmem:v16+s14+$0x0] =	vst.idx.add.f32.msk $0xffff, v8  }
0x5d: {  	[tilespmem:v17+s14+$0x0] =	vst.idx.add.f32.msk $0xffff, v14  }
0x5e: {  	s19 =	sadd.s32 $0x80, s19;
	[tilespmem:v11+s14+$0x0] =	vst.idx.add.f32.msk $0xffff, v5  }
0x5f: {  	_ =	sdelay $0x3  }
0x60: {  	[tilespmem:v1+s14+$0x0] =	vst.idx.add.f32.msk $0xffff, v3  }
0x61: {  	[tilespmem:v2+s14+$0x0] =	vst.idx.add.f32.msk $0xffff, v4  }
0x62: {  	v1 =	vld [tilespmem:$0x1B080];
	_ =	sdelay $0x4  }
0x63: {  	v2 =	vand.u32 $0xFFFF, v1;
	_ =	sdelay $0x4  }
0x64: {  	p0 =	seq.s32 s17, $0x2F;
	v1 =	vshrl.u32 v1, $0x10;
	v2 =	vld.idx.msk [tilespmem:v2+s2+$0x0], $0xffff  }
0x65: {  	s18 =	smul.u32 @!p0 $0x4120, s17;
	_ =	sdelay $0x1  }
0x66: {  	s18 =	sshrl.u32 @!p0 s18, $0x3  }
0x67: {  	s18 =	sadd.s32 @!p0 s3, s18  }
0x68: {  	s19 =	simm.s32 @!p0 $0x0;
	s20 =	simm.s32 @!p0 $0x19000;
	s18 =	sadd.s32 @!p0 $0x824, s18;
	[tilespmem:v1+s14+$0x0] =	vst.idx.add.f32.msk $0xffff, v2  }
0x69: {  	[tilespmem:s20], [sflag:$0x1] =	stream.linear.gather @!p0 [hbm4b:s18+s19], $0x2090, $0x38;
	[tilespmem:$0x1D200] =	vst v63  }
0x6a: {  	_ =	swait.ge [sflag:s15], $0x2090  }
0x6b: {  	[sflag:s15] =	ssyncset.done $0x0  }
0x6c: {  	s31 =	simm.s32 $0x1B140;
	[sflag:s15] =	ssyncadd.s32 $0xFFFFDF70  }
0x6d: {  	v1 =	vld [tilespmem:s31+$0x30]  }
0x6e: {  	v2 =	vld [tilespmem:s31+$0xFFFFFFD0]  }
0x6f: {  	v3 =	vld [tilespmem:s31+$0xFFFFFFE0]  }
0x70: {  	v4 =	vld [tilespmem:s31+$0xFFFFFFF0]  }
0x71: {  	v5 =	vld [tilespmem:s31+$0x0]  }
0x72: {  	v6 =	vld [tilespmem:s31+$0x10];
	v7 =	vand.u32 $0xFFFF, v1  }
0x73: {  	v11 =	vld [tilespmem:s31+$0x20];
	v8 =	vand.u32 $0xFFFF, v2  }
0x74: {  	v10 =	vand.u32 $0xFFFF, v3  }
0x75: {  	v9 =	vld [tilespmem:s31+$0xFFFFFFC0];
	v12 =	vand.u32 $0xFFFF, v4  }
0x76: {  	v13 =	vand.u32 $0xFFFF, v5  }
0x77: {  	v14 =	vand.u32 $0xFFFF, v6;
	v7 =	vld.idx.msk [tilespmem:v7+s2+$0x0], $0xffff  }
0x78: {  	v16 =	vand.u32 $0xFFFF, v11;
	v8 =	vld.idx.msk [tilespmem:v8+s2+$0x0], $0xffff  }
0x79: {  	v1 =	vshrl.u32 v1, $0x10;
	v10 =	vld.idx.msk [tilespmem:v10+s2+$0x0], $0xffff  }
0x7a: {  	v15 =	vand.u32 $0xFFFF, v9;
	v12 =	vld.idx.msk [tilespmem:v12+s2+$0x0], $0xffff  }
0x7b: {  	v2 =	vshrl.u32 v2, $0x10;
	v13 =	vld.idx.msk [tilespmem:v13+s2+$0x0], $0xffff  }
0x7c: {  	v17 =	vshrl.u32 v3, $0x10;
	v3 =	vld.idx.msk [tilespmem:v14+s2+$0x0], $0xffff  }
0x7d: {  	v63 =	vshrl.u32 v4, $0x10;
	v4 =	vld.idx.msk [tilespmem:v16+s2+$0x0], $0xffff  }
0x7e: {  	[tilespmem:v1+s14+$0x0] =	vst.idx.add.f32.msk $0xffff, v7;
	v1 =	vshrl.u32 v5, $0x10  }
0x7f: {  	v5 =	vld.idx.msk [tilespmem:v15+s2+$0x0], $0xffff;
	v7 =	vshrl.u32 v9, $0x10  }
0x80: {  	[tilespmem:v2+s14+$0x0] =	vst.idx.add.f32.msk $0xffff, v8  }
0x81: {  	[tilespmem:v17+s14+$0x0] =	vst.idx.add.f32.msk $0xffff, v10  }
0x82: {  	[tilespmem:v63+s14+$0x0] =	vst.idx.add.f32.msk $0xffff, v12  }
0x83: {  	[tilespmem:v1+s14+$0x0] =	vst.idx.add.f32.msk $0xffff, v13  }
0x84: {  	s18 =	simm.s32 $0x0;
	s19 =	simm.s32 $0x1B1C0;
	v2 =	vshrl.u32 v11, $0x10;
	v1 =	vshrl.u32 v6, $0x10;
	[tilespmem:v7+s14+$0x0] =	vst.idx.add.f32.msk $0xffff, v5  }
.LBB2_7:
0x85: {  	v5 =	vld [tilespmem:s19+$0x30];
	s18 =	sadd.s32 $0x80, s18  }
0x86: {  	v6 =	vld [tilespmem:s19+$0xFFFFFFD0];
	p1 =	slt.u32 s18, $0x2000  }
0x87: {  	v7 =	vld [tilespmem:s19+$0xFFFFFFE0]  }
0x88: {  	v8 =	vld [tilespmem:s19+$0xFFFFFFF0]  }
0x89: {  	v9 =	vld [tilespmem:s19+$0x0]  }
0x8a: {  	v10 =	vld [tilespmem:s19+$0x10];
	v11 =	vand.u32 $0xFFFF, v5  }
0x8b: {  	v12 =	vshrl.u32 v6, $0x10;
	v6 =	vand.u32 $0xFFFF, v6;
	v13 =	vld [tilespmem:s19+$0x20]  }
0x8c: {  	v14 =	vld [tilespmem:s19+$0xFFFFFFC0];
	v15 =	vshrl.u32 v7, $0x10;
	v7 =	vand.u32 $0xFFFF, v7  }
0x8d: {  	v16 =	vshrl.u32 v8, $0x10;
	v8 =	vand.u32 $0xFFFF, v8;
	[tilespmem:v1+s14+$0x0] =	vst.idx.add.f32.msk $0xffff, v3  }
0x8e: {  	v17 =	vshrl.u32 v9, $0x10;
	v3 =	vand.u32 $0xFFFF, v9;
	[tilespmem:v2+s14+$0x0] =	vst.idx.add.f32.msk $0xffff, v4  }
0x8f: {  	v1 =	vshrl.u32 v10, $0x10;
	v4 =	vand.u32 $0xFFFF, v10;
	v9 =	vld.idx.msk [tilespmem:v11+s2+$0x0], $0xffff  }
0x90: {  	v5 =	vshrl.u32 v5, $0x10;
	v6 =	vld.idx.msk [tilespmem:v6+s2+$0x0], $0xffff;
	v2 =	vshrl.u32 v13, $0x10;
	v10 =	vand.u32 $0xFFFF, v13  }
0x91: {  	v11 =	vshrl.u32 v14, $0x10;
	v13 =	vand.u32 $0xFFFF, v14;
	v7 =	vld.idx.msk [tilespmem:v7+s2+$0x0], $0xffff  }
0x92: {  	v8 =	vld.idx.msk [tilespmem:v8+s2+$0x0], $0xffff  }
0x93: {  	v14 =	vld.idx.msk [tilespmem:v3+s2+$0x0], $0xffff  }
0x94: {  	v3 =	vld.idx.msk [tilespmem:v4+s2+$0x0], $0xffff  }
0x95: {  	[tilespmem:v5+s14+$0x0] =	vst.idx.add.f32.msk $0xffff, v9  }
0x96: {  	v5 =	vld.idx.msk [tilespmem:v13+s2+$0x0], $0xffff  }
0x97: {  	v4 =	vld.idx.msk [tilespmem:v10+s2+$0x0], $0xffff  }
.Ltmp4:
0x98: {  	[tilespmem:v12+s14+$0x0] =	vst.idx.add.f32.msk $0xffff, v6;
	(pc) =	sbr.rel @p1 .LBB2_7-.Ltmp4, $4  }
0x99: {  	[tilespmem:v15+s14+$0x0] =	vst.idx.add.f32.msk $0xffff, v7  }
0x9a: {  	[tilespmem:v16+s14+$0x0] =	vst.idx.add.f32.msk $0xffff, v8  }
0x9b: {  	[tilespmem:v17+s14+$0x0] =	vst.idx.add.f32.msk $0xffff, v14  }
0x9c: {  	s19 =	sadd.s32 $0x80, s19;
	[tilespmem:v11+s14+$0x0] =	vst.idx.add.f32.msk $0xffff, v5  }
0x9d: {  	_ =	sdelay $0x3  }
0x9e: {  	[tilespmem:v1+s14+$0x0] =	vst.idx.add.f32.msk $0xffff, v3  }
0x9f: {  	[tilespmem:v2+s14+$0x0] =	vst.idx.add.f32.msk $0xffff, v4  }
0xa0: {  	v1 =	vld [tilespmem:$0x1D180];
	_ =	sdelay $0x4  }
0xa1: {  	v2 =	vand.u32 $0xFFFF, v1;
	_ =	sdelay $0x4  }
0xa2: {  	v1 =	vshrl.u32 v1, $0x10;
	v2 =	vld.idx.msk [tilespmem:v2+s2+$0x0], $0xffff  }
.Ltmp5:
0xa3: {  	_ = 	snop;
	(pc) =	sbr.rel @p0 .LBB2_10-.Ltmp5, $2  }
0xa4: {  	_ =	sdelay $0x2  }
0xa5: {  	[tilespmem:v1+s14+$0x0] =	vst.idx.add.f32.msk $0xffff, v2  }
0xa6: {  	s18 =	smul.u32 $0x4120, s17  }
.Ltmp6:
0xa7: {  	_ = 	snop;
	(pc) =	sbr.rel .LBB2_4-.Ltmp6, $4  }
0xa8: {  	s18 =	sshrl.u32 s18, $0x3  }
0xa9: {  	s18 =	sadd.s32 s3, s18  }
0xaa: {  	s17 =	sadd.s32 $0x1, s17;
	s18 =	sadd.s32 $0xC36, s18  }
0xab: {  	[tilespmem:s12], [sflag:$0x2] =	stream.linear.gather [hbm4b:s18+s2], $0x2090, $0x38;
	[tilespmem:$0x1D200] =	vst v63  }
.LBB2_10:
0xac: {  	[hbm4b:s6+s2] =	stream.linear.scatter [tilespmem:s14], [sflag:$0x3], $0xC800, $0x38;
	[tilespmem:$0x1D200] =	vst v63  }
0xad: {  	_ =	swait.ge [sflag:s10], $0xC800  }
0xae: {  	[sflag:s10] =	ssyncset.done $0x0  }
0xaf: {  	[sflag:s10] =	ssyncadd.s32 $0xFFFF3800  }
0xb0: {  	[tilespmem:s2], [sflag:$0x3] =	stream.linear.gather [hbm4b:s7+s2], $0xC800, $0x38;
	[tilespmem:$0x1D200] =	vst v63  }
0xb1: {  	_ =	swait.ge [sflag:s10], $0xC800  }
0xb2: {  	[sflag:s10] =	ssyncset.done $0x0  }
0xb3: {  	s17 =	simm.s32 $0xC840;
	[sflag:s10] =	ssyncadd.s32 $0xFFFF3800  }
0xb4: {  	[tilespmem:s17+$0xFFFFFFC0] =	vst v0  }
0xb5: {  	[tilespmem:s17+$0x30] =	vst v0  }
0xb6: {  	[tilespmem:s17+$0x20] =	vst v0  }
0xb7: {  	[tilespmem:s17+$0x10] =	vst v0  }
0xb8: {  	[tilespmem:s17+$0x0] =	vst v0  }
0xb9: {  	[tilespmem:s17+$0xFFFFFFF0] =	vst v0  }
0xba: {  	s18 =	simm.s32 $0x0;
	[tilespmem:s17+$0xFFFFFFE0] =	vst v0  }
.LBB2_11:
0xbb: {  	s18 =	sadd.s32 $0x80, s18;
	[tilespmem:s17+$0xFFFFFFD0] =	vst v0;
	s17 =	sadd.s32 $0x80, s17  }
0xbc: {  	[tilespmem:s17+$0xFFFFFFC0] =	vst v0;
	p0 =	slt.u32 s18, $0xC780  }
0xbd: {  	[tilespmem:s17+$0x30] =	vst v0  }
.Ltmp7:
0xbe: {  	[tilespmem:s17+$0x20] =	vst v0;
	(pc) =	sbr.rel @p0 .LBB2_11-.Ltmp7, $4  }
0xbf: {  	[tilespmem:s17+$0x10] =	vst v0  }
0xc0: {  	[tilespmem:s17+$0x0] =	vst v0  }
0xc1: {  	[tilespmem:s17+$0xFFFFFFF0] =	vst v0  }
0xc2: {  	[tilespmem:s17+$0xFFFFFFE0] =	vst v0  }
0xc3: {  	[tilespmem:s17+$0xFFFFFFD0] =	vst v0;
	s17 =	simm.s32 $0x0  }
0xc4: {  	[tilespmem:s11], [sflag:$0x1] =	stream.linear.gather [hbm4b:s3+s17], $0x2090, $0x38;
	[tilespmem:$0x1D200] =	vst v63  }
0xc5: {  	_ = 	snop  }
0xc6: {  	[tilespmem:s12], [sflag:$0x2] =	stream.linear.gather [hbm4b:s5+s17], $0x2090, $0x38;
	[tilespmem:$0x1D200] =	vst v63  }
.LBB2_13:
0xc7: {  	_ =	swait.ge [sflag:s13], $0x2090  }
0xc8: {  	[sflag:s13] =	ssyncset.done $0x0  }
0xc9: {  	s18 =	simm.s32 $0x19040;
	[sflag:s13] =	ssyncadd.s32 $0xFFFFDF70  }
0xca: {  	v1 =	vld [tilespmem:s18+$0x30]  }
0xcb: {  	v2 =	vld [tilespmem:s18+$0xFFFFFFD0]  }
0xcc: {  	v3 =	vld [tilespmem:s18+$0xFFFFFFE0]  }
0xcd: {  	v4 =	vld [tilespmem:s18+$0xFFFFFFF0]  }
0xce: {  	v5 =	vld [tilespmem:s18+$0x0]  }
0xcf: {  	v6 =	vld [tilespmem:s18+$0x10];
	v7 =	vand.u32 $0xFFFF, v1  }
0xd0: {  	v11 =	vld [tilespmem:s18+$0x20];
	v8 =	vand.u32 $0xFFFF, v2  }
0xd1: {  	v10 =	vand.u32 $0xFFFF, v3  }
0xd2: {  	v9 =	vld [tilespmem:s18+$0xFFFFFFC0];
	v12 =	vand.u32 $0xFFFF, v4  }
0xd3: {  	v13 =	vand.u32 $0xFFFF, v5  }
0xd4: {  	v14 =	vand.u32 $0xFFFF, v6;
	v7 =	vld.idx.msk [tilespmem:v7+s2+$0x0], $0xffff  }
0xd5: {  	v16 =	vand.u32 $0xFFFF, v11;
	v8 =	vld.idx.msk [tilespmem:v8+s2+$0x0], $0xffff  }
0xd6: {  	v1 =	vshrl.u32 v1, $0x10;
	v10 =	vld.idx.msk [tilespmem:v10+s2+$0x0], $0xffff  }
0xd7: {  	v15 =	vand.u32 $0xFFFF, v9;
	v12 =	vld.idx.msk [tilespmem:v12+s2+$0x0], $0xffff  }
0xd8: {  	v2 =	vshrl.u32 v2, $0x10;
	v13 =	vld.idx.msk [tilespmem:v13+s2+$0x0], $0xffff  }
0xd9: {  	v17 =	vshrl.u32 v3, $0x10;
	v3 =	vld.idx.msk [tilespmem:v14+s2+$0x0], $0xffff  }
0xda: {  	v63 =	vshrl.u32 v4, $0x10;
	v4 =	vld.idx.msk [tilespmem:v16+s2+$0x0], $0xffff  }
0xdb: {  	[tilespmem:v1+s14+$0x0] =	vst.idx.add.f32.msk $0xffff, v7;
	v1 =	vshrl.u32 v5, $0x10  }
0xdc: {  	v5 =	vld.idx.msk [tilespmem:v15+s2+$0x0], $0xffff;
	v7 =	vshrl.u32 v9, $0x10  }
0xdd: {  	[tilespmem:v2+s14+$0x0] =	vst.idx.add.f32.msk $0xffff, v8  }
0xde: {  	[tilespmem:v17+s14+$0x0] =	vst.idx.add.f32.msk $0xffff, v10  }
0xdf: {  	[tilespmem:v63+s14+$0x0] =	vst.idx.add.f32.msk $0xffff, v12  }
0xe0: {  	[tilespmem:v1+s14+$0x0] =	vst.idx.add.f32.msk $0xffff, v13  }
0xe1: {  	s19 =	simm.s32 $0x190C0;
	s18 =	simm.s32 $0x0;
	v2 =	vshrl.u32 v11, $0x10;
	v1 =	vshrl.u32 v6, $0x10;
	[tilespmem:v7+s14+$0x0] =	vst.idx.add.f32.msk $0xffff, v5  }
.LBB2_14:
0xe2: {  	v5 =	vld [tilespmem:s19+$0x30];
	s18 =	sadd.s32 $0x80, s18  }
0xe3: {  	v6 =	vld [tilespmem:s19+$0xFFFFFFD0];
	p0 =	slt.u32 s18, $0x2000  }
0xe4: {  	v7 =	vld [tilespmem:s19+$0xFFFFFFE0]  }
0xe5: {  	v8 =	vld [tilespmem:s19+$0xFFFFFFF0]  }
0xe6: {  	v9 =	vld [tilespmem:s19+$0x0]  }
0xe7: {  	v10 =	vld [tilespmem:s19+$0x10];
	v11 =	vand.u32 $0xFFFF, v5  }
0xe8: {  	v12 =	vshrl.u32 v6, $0x10;
	v6 =	vand.u32 $0xFFFF, v6;
	v13 =	vld [tilespmem:s19+$0x20]  }
0xe9: {  	v14 =	vld [tilespmem:s19+$0xFFFFFFC0];
	v15 =	vshrl.u32 v7, $0x10;
	v7 =	vand.u32 $0xFFFF, v7  }
0xea: {  	v16 =	vshrl.u32 v8, $0x10;
	v8 =	vand.u32 $0xFFFF, v8;
	[tilespmem:v1+s14+$0x0] =	vst.idx.add.f32.msk $0xffff, v3  }
0xeb: {  	v17 =	vshrl.u32 v9, $0x10;
	v3 =	vand.u32 $0xFFFF, v9;
	[tilespmem:v2+s14+$0x0] =	vst.idx.add.f32.msk $0xffff, v4  }
0xec: {  	v1 =	vshrl.u32 v10, $0x10;
	v4 =	vand.u32 $0xFFFF, v10;
	v9 =	vld.idx.msk [tilespmem:v11+s2+$0x0], $0xffff  }
0xed: {  	v5 =	vshrl.u32 v5, $0x10;
	v6 =	vld.idx.msk [tilespmem:v6+s2+$0x0], $0xffff;
	v2 =	vshrl.u32 v13, $0x10;
	v10 =	vand.u32 $0xFFFF, v13  }
0xee: {  	v11 =	vshrl.u32 v14, $0x10;
	v13 =	vand.u32 $0xFFFF, v14;
	v7 =	vld.idx.msk [tilespmem:v7+s2+$0x0], $0xffff  }
0xef: {  	v8 =	vld.idx.msk [tilespmem:v8+s2+$0x0], $0xffff  }
0xf0: {  	v14 =	vld.idx.msk [tilespmem:v3+s2+$0x0], $0xffff  }
0xf1: {  	v3 =	vld.idx.msk [tilespmem:v4+s2+$0x0], $0xffff  }
0xf2: {  	[tilespmem:v5+s14+$0x0] =	vst.idx.add.f32.msk $0xffff, v9  }
0xf3: {  	v5 =	vld.idx.msk [tilespmem:v13+s2+$0x0], $0xffff  }
0xf4: {  	v4 =	vld.idx.msk [tilespmem:v10+s2+$0x0], $0xffff  }
.Ltmp8:
0xf5: {  	[tilespmem:v12+s14+$0x0] =	vst.idx.add.f32.msk $0xffff, v6;
	(pc) =	sbr.rel @p0 .LBB2_14-.Ltmp8, $4  }
0xf6: {  	[tilespmem:v15+s14+$0x0] =	vst.idx.add.f32.msk $0xffff, v7  }
0xf7: {  	[tilespmem:v16+s14+$0x0] =	vst.idx.add.f32.msk $0xffff, v8  }
0xf8: {  	[tilespmem:v17+s14+$0x0] =	vst.idx.add.f32.msk $0xffff, v14  }
0xf9: {  	s19 =	sadd.s32 $0x80, s19;
	[tilespmem:v11+s14+$0x0] =	vst.idx.add.f32.msk $0xffff, v5  }
0xfa: {  	_ =	sdelay $0x3  }
0xfb: {  	[tilespmem:v1+s14+$0x0] =	vst.idx.add.f32.msk $0xffff, v3  }
0xfc: {  	[tilespmem:v2+s14+$0x0] =	vst.idx.add.f32.msk $0xffff, v4  }
0xfd: {  	v1 =	vld [tilespmem:$0x1B080];
	_ =	sdelay $0x4  }
0xfe: {  	v2 =	vand.u32 $0xFFFF, v1;
	_ =	sdelay $0x4  }
0xff: {  	p0 =	seq.s32 s17, $0x2F;
	v1 =	vshrl.u32 v1, $0x10;
	v2 =	vld.idx.msk [tilespmem:v2+s2+$0x0], $0xffff  }
0x100: {  	s18 =	smul.u32 @!p0 $0x4120, s17;
	_ =	sdelay $0x1  }
0x101: {  	s18 =	sshrl.u32 @!p0 s18, $0x3  }
0x102: {  	s18 =	sadd.s32 @!p0 s3, s18  }
0x103: {  	s19 =	simm.s32 @!p0 $0x0;
	s20 =	simm.s32 @!p0 $0x19000;
	s18 =	sadd.s32 @!p0 $0x824, s18;
	[tilespmem:v1+s14+$0x0] =	vst.idx.add.f32.msk $0xffff, v2  }
0x104: {  	[tilespmem:s20], [sflag:$0x1] =	stream.linear.gather @!p0 [hbm4b:s18+s19], $0x2090, $0x38;
	[tilespmem:$0x1D200] =	vst v63  }
0x105: {  	_ =	swait.ge [sflag:s15], $0x2090  }
0x106: {  	[sflag:s15] =	ssyncset.done $0x0  }
0x107: {  	s31 =	simm.s32 $0x1B140;
	[sflag:s15] =	ssyncadd.s32 $0xFFFFDF70  }
0x108: {  	v1 =	vld [tilespmem:s31+$0x30]  }
0x109: {  	v2 =	vld [tilespmem:s31+$0xFFFFFFD0]  }
0x10a: {  	v3 =	vld [tilespmem:s31+$0xFFFFFFE0]  }
0x10b: {  	v4 =	vld [tilespmem:s31+$0xFFFFFFF0]  }
0x10c: {  	v5 =	vld [tilespmem:s31+$0x0]  }
0x10d: {  	v6 =	vld [tilespmem:s31+$0x10];
	v7 =	vand.u32 $0xFFFF, v1  }
0x10e: {  	v11 =	vld [tilespmem:s31+$0x20];
	v8 =	vand.u32 $0xFFFF, v2  }
0x10f: {  	v10 =	vand.u32 $0xFFFF, v3  }
0x110: {  	v9 =	vld [tilespmem:s31+$0xFFFFFFC0];
	v12 =	vand.u32 $0xFFFF, v4  }
0x111: {  	v13 =	vand.u32 $0xFFFF, v5  }
0x112: {  	v14 =	vand.u32 $0xFFFF, v6;
	v7 =	vld.idx.msk [tilespmem:v7+s2+$0x0], $0xffff  }
0x113: {  	v16 =	vand.u32 $0xFFFF, v11;
	v8 =	vld.idx.msk [tilespmem:v8+s2+$0x0], $0xffff  }
0x114: {  	v1 =	vshrl.u32 v1, $0x10;
	v10 =	vld.idx.msk [tilespmem:v10+s2+$0x0], $0xffff  }
0x115: {  	v15 =	vand.u32 $0xFFFF, v9;
	v12 =	vld.idx.msk [tilespmem:v12+s2+$0x0], $0xffff  }
0x116: {  	v2 =	vshrl.u32 v2, $0x10;
	v13 =	vld.idx.msk [tilespmem:v13+s2+$0x0], $0xffff  }
0x117: {  	v17 =	vshrl.u32 v3, $0x10;
	v3 =	vld.idx.msk [tilespmem:v14+s2+$0x0], $0xffff  }
0x118: {  	v63 =	vshrl.u32 v4, $0x10;
	v4 =	vld.idx.msk [tilespmem:v16+s2+$0x0], $0xffff  }
0x119: {  	[tilespmem:v1+s14+$0x0] =	vst.idx.add.f32.msk $0xffff, v7;
	v1 =	vshrl.u32 v5, $0x10  }
0x11a: {  	v5 =	vld.idx.msk [tilespmem:v15+s2+$0x0], $0xffff;
	v7 =	vshrl.u32 v9, $0x10  }
0x11b: {  	[tilespmem:v2+s14+$0x0] =	vst.idx.add.f32.msk $0xffff, v8  }
0x11c: {  	[tilespmem:v17+s14+$0x0] =	vst.idx.add.f32.msk $0xffff, v10  }
0x11d: {  	[tilespmem:v63+s14+$0x0] =	vst.idx.add.f32.msk $0xffff, v12  }
0x11e: {  	[tilespmem:v1+s14+$0x0] =	vst.idx.add.f32.msk $0xffff, v13  }
0x11f: {  	s18 =	simm.s32 $0x0;
	s19 =	simm.s32 $0x1B1C0;
	v2 =	vshrl.u32 v11, $0x10;
	v1 =	vshrl.u32 v6, $0x10;
	[tilespmem:v7+s14+$0x0] =	vst.idx.add.f32.msk $0xffff, v5  }
.LBB2_16:
0x120: {  	v5 =	vld [tilespmem:s19+$0x30];
	s18 =	sadd.s32 $0x80, s18  }
0x121: {  	v6 =	vld [tilespmem:s19+$0xFFFFFFD0];
	p1 =	slt.u32 s18, $0x2000  }
0x122: {  	v7 =	vld [tilespmem:s19+$0xFFFFFFE0]  }
0x123: {  	v8 =	vld [tilespmem:s19+$0xFFFFFFF0]  }
0x124: {  	v9 =	vld [tilespmem:s19+$0x0]  }
0x125: {  	v10 =	vld [tilespmem:s19+$0x10];
	v11 =	vand.u32 $0xFFFF, v5  }
0x126: {  	v12 =	vshrl.u32 v6, $0x10;
	v6 =	vand.u32 $0xFFFF, v6;
	v13 =	vld [tilespmem:s19+$0x20]  }
0x127: {  	v14 =	vld [tilespmem:s19+$0xFFFFFFC0];
	v15 =	vshrl.u32 v7, $0x10;
	v7 =	vand.u32 $0xFFFF, v7  }
0x128: {  	v16 =	vshrl.u32 v8, $0x10;
	v8 =	vand.u32 $0xFFFF, v8;
	[tilespmem:v1+s14+$0x0] =	vst.idx.add.f32.msk $0xffff, v3  }
0x129: {  	v17 =	vshrl.u32 v9, $0x10;
	v3 =	vand.u32 $0xFFFF, v9;
	[tilespmem:v2+s14+$0x0] =	vst.idx.add.f32.msk $0xffff, v4  }
0x12a: {  	v1 =	vshrl.u32 v10, $0x10;
	v4 =	vand.u32 $0xFFFF, v10;
	v9 =	vld.idx.msk [tilespmem:v11+s2+$0x0], $0xffff  }
0x12b: {  	v5 =	vshrl.u32 v5, $0x10;
	v6 =	vld.idx.msk [tilespmem:v6+s2+$0x0], $0xffff;
	v2 =	vshrl.u32 v13, $0x10;
	v10 =	vand.u32 $0xFFFF, v13  }
0x12c: {  	v11 =	vshrl.u32 v14, $0x10;
	v13 =	vand.u32 $0xFFFF, v14;
	v7 =	vld.idx.msk [tilespmem:v7+s2+$0x0], $0xffff  }
0x12d: {  	v8 =	vld.idx.msk [tilespmem:v8+s2+$0x0], $0xffff  }
0x12e: {  	v14 =	vld.idx.msk [tilespmem:v3+s2+$0x0], $0xffff  }
0x12f: {  	v3 =	vld.idx.msk [tilespmem:v4+s2+$0x0], $0xffff  }
0x130: {  	[tilespmem:v5+s14+$0x0] =	vst.idx.add.f32.msk $0xffff, v9  }
0x131: {  	v5 =	vld.idx.msk [tilespmem:v13+s2+$0x0], $0xffff  }
0x132: {  	v4 =	vld.idx.msk [tilespmem:v10+s2+$0x0], $0xffff  }
.Ltmp9:
0x133: {  	[tilespmem:v12+s14+$0x0] =	vst.idx.add.f32.msk $0xffff, v6;
	(pc) =	sbr.rel @p1 .LBB2_16-.Ltmp9, $4  }
0x134: {  	[tilespmem:v15+s14+$0x0] =	vst.idx.add.f32.msk $0xffff, v7  }
0x135: {  	[tilespmem:v16+s14+$0x0] =	vst.idx.add.f32.msk $0xffff, v8  }
0x136: {  	[tilespmem:v17+s14+$0x0] =	vst.idx.add.f32.msk $0xffff, v14  }
0x137: {  	s19 =	sadd.s32 $0x80, s19;
	[tilespmem:v11+s14+$0x0] =	vst.idx.add.f32.msk $0xffff, v5  }
0x138: {  	_ =	sdelay $0x3  }
0x139: {  	[tilespmem:v1+s14+$0x0] =	vst.idx.add.f32.msk $0xffff, v3  }
0x13a: {  	[tilespmem:v2+s14+$0x0] =	vst.idx.add.f32.msk $0xffff, v4  }
0x13b: {  	v1 =	vld [tilespmem:$0x1D180];
	_ =	sdelay $0x4  }
0x13c: {  	v2 =	vand.u32 $0xFFFF, v1;
	_ =	sdelay $0x4  }
0x13d: {  	v1 =	vshrl.u32 v1, $0x10;
	v2 =	vld.idx.msk [tilespmem:v2+s2+$0x0], $0xffff  }
.Ltmp10:
0x13e: {  	_ = 	snop;
	(pc) =	sbr.rel @p0 .LBB2_19-.Ltmp10, $2  }
0x13f: {  	_ =	sdelay $0x2  }
0x140: {  	[tilespmem:v1+s14+$0x0] =	vst.idx.add.f32.msk $0xffff, v2  }
0x141: {  	s18 =	smul.u32 $0x4120, s17  }
.Ltmp11:
0x142: {  	_ = 	snop;
	(pc) =	sbr.rel .LBB2_13-.Ltmp11, $4  }
0x143: {  	s18 =	sshrl.u32 s18, $0x3  }
0x144: {  	s18 =	sadd.s32 s3, s18  }
0x145: {  	s17 =	sadd.s32 $0x1, s17;
	s18 =	sadd.s32 $0xC36, s18  }
0x146: {  	[tilespmem:s12], [sflag:$0x2] =	stream.linear.gather [hbm4b:s18+s2], $0x2090, $0x38;
	[tilespmem:$0x1D200] =	vst v63  }
.LBB2_20:
0x147: {  	_ =	sfence.sel $0x180000  }
0x148: {  	[bflag:$0x0] =	sbarrier.arrive $0xFFFF  }
0x149: {  	p0 =	sne.s32 s1, $0x0;
	_ =	strace $0x9000004A  }
0x14a: {  	s0 =	sadd.s32 @!p0 $0x100000, s0;
	[bflag:$0x2] =	sbarrier.arrive $0xFFFF  }
0x14b: {  	[sflag:s0] =	ssyncadd.tile.s32 @!p0 $0x1;
	_ =	shalt  }
.Lfunc_end2:
_tile_overlayer_lowered:
.L_overlay_start_2:
0x14c: {  	(tag) =	ssettag $0x2  }
0x14d: {  	s0 =	rddreg [dreg:$0x0];
	s2 =	stileid.u32  }
0x14e: {  	s1 =	rddreg [dreg:$0x1];
	p0 =	sne.s32 s2, $0x0  }
0x14f: {  	s3 =	rddreg [dreg:$0x2];
	[bflag:$0x3] =	sbarrier.arrive $0xFFFF;
	s2 =	simm.s32 @!p0 $0x1C03  }
0x150: {  	[timem:s3], [sflag:s2] =	dma.local @!p0 [hbm:s0], s1  }
0x151: {  	s0 =	simm.s32 @!p0 $0x3  }
0x152: {  	_ =	swait.ge @!p0 [sflag:s0], s1  }
0x153: {  	s1 =	ssub.s32 @!p0 $0x0, s1;
	[sflag:s0] =	ssyncset.done @!p0 $0x0  }
0x154: {  	[sflag:s0] =	ssyncadd.s32 @!p0 s1  }
0x155: {  	[bflag:$0x3] =	sbarrier.arrive $0xFFFF  }
0x156: {  	_ =	shalt  }

// kernel: kernel.25.cloned.1.call-start
scs
__scs_entry_jumppad:
0x0: {  	(pc) =	sbr.rel $0x88, $3  }
0x1: {  	(tag) =	ssettag $0x0;
	lr =	simm.s32 $0x1  }
0x2: {  	[smem:$0x3F90] =	sst lr;
	_ =	strace $0xD0000000  }
0x3: {  	_ = 	snop  }
0x4: {  	_ = 	snop  }
0x5: {  	_ = 	snop  }
0x6: {  	_ = 	snop  }
0x7: {  	_ = 	snop  }
__scs_overlays_trampoline_lowered:
0x8: {  	[smem:$0x3F9F] =	sst s0  }
0x9: {  	[smem:$0x3FA0] =	sst s1  }
0xa: {  	[smem:$0x3FA1] =	sst s2  }
0xb: {  	[smem:$0x3FA2] =	sst s3  }
0xc: {  	[smem:$0x3FA3] =	sst s4  }
0xd: {  	[smem:$0x3FA4] =	sst s5  }
0xe: {  	[smem:$0x3FA5] =	sst s6  }
0xf: {  	[smem:$0x3FA6] =	sst s7  }
0x10: {  	[smem:$0x3FA7] =	sst s8  }
0x11: {  	[smem:$0x3FA8] =	sst s9;
	s0 =	simm.s32 @!p0 $0x0  }
0x12: {  	s1 =	sld [smem:$0x3F8E];
	s0 =	simm.s32 @p0 $0x1  }
0x13: {  	[smem:$0x3FA9] =	sst s0;
	s0 =	simm.s32 @!p1 $0x0  }
0x14: {  	s2 =	sld [smem:$0x3F8D];
	s0 =	simm.s32 @p1 $0x1  }
0x15: {  	[smem:$0x3FAA] =	sst s0;
	s0 =	simm.s32 @!p2 $0x0  }
0x16: {  	s3 =	sld [smem:$0x3FDB];
	s0 =	simm.s32 @p2 $0x1  }
0x17: {  	s4 =	simm.s32 $0x1BF5;
	[smem:$0x3FAC] =	sst s0  }
0x18: {  	s0 =	sld [smem:$0x3F8F];
	_ =	swait.ge [sflag:s4], $0x0  }
0x19: {  	s7 =	sld [smem:$0x3F90]  }
0x1a: {  	s8 =	sadd.s32 $0xFFFFE003, lr  }
0x1b: {  	s9 =	sadd.s32 $0xFFFFFEF7, lr;
	s5 =	simm.s32 $0xFFFFFFFF;
	p2 =	slt.u32 s8, $0xFFFFF086  }
0x1c: {  	p1 =	slt.u32 s9, $0xF7A;
	s5 =	simm.s32 @!p2 $0x0  }
0x1d: {  	s5 =	simm.s32 @p1 $0x1;
	p0 =	seq.s32 s7, s2  }
0x1e: {  	s7 =	smul.u32 @!p0 $0xF7A, s2;
	p2 =	seq.s32 @!p0 s5, $0x0  }
0x1f: {  	s9 =	smul.u32 $0xF7A, s1;
	s8 =	simm.s32 @!p0 $0x1BF5;
	p2 =	por !p2, p0  }
0x20: {  	[sflag:s8] =	ssyncset.s32 @!p0 $0xFFFFF086;
	s6 =	sadd.s32 @!p0 s3, s7;
	s7 =	simm.s32 @!p0 $0x108  }
0x21: {  	s3 =	sadd.s32 s3, s9;
	s6 =	sadd.s32 @!p0 $0x88, s6;
	s7 =	simm.s32 @p2 $0x1082  }
0x22: {  	[simem:s7], [sflag:s8] =	dma.local @!p0 [hbm:s6], $0xF7A  }
0x23: {  	s9 =	sor.u32 $0xD0000000, s2;
	s6 =	simm.s32 $0x108;
	_ =	swait.ge @!p0 [sflag:s8], $0x0  }
0x24: {  	s3 =	sadd.s32 $0x88, s3;
	s6 =	simm.s32 @!p1 $0x1082;
	[sflag:s4] =	ssyncset.s32 $0xFFFFF086  }
0x25: {  	[simem:s6], [sflag:s4] =	dma.local [hbm:s3], $0xF7A  }
0x26: {  	[smem:$0x3F90] =	sst s1;
	(tag) =	ssettag s2;
	_ =	strace s9  }
0x27: {  	s1 =	sld [smem:$0x3FA0]  }
0x28: {  	s2 =	sld [smem:$0x3FA1]  }
0x29: {  	s4 =	sld [smem:$0x3FA3]  }
0x2a: {  	p0 =	seq.s32 s5, $0x0;
	s5 =	sld [smem:$0x3FA4]  }
0x2b: {  	s6 =	sld [smem:$0x3FA5]  }
0x2c: {  	s7 =	sld [smem:$0x3FA6]  }
0x2d: {  	s3 =	simm.s32 $0x108;
	s8 =	sld [smem:$0x3FA7]  }
0x2e: {  	s3 =	simm.s32 @!p0 $0x1082;
	s9 =	sld [smem:$0x3FA8]  }
0x2f: {  	lr =	sadd.s32 s0, s3;
	s0 =	sld [smem:$0x3F9F]  }
0x30: {  	s3 =	sld [smem:$0x3FA2]  }
0x31: {  	[smem:$0x3FAB] =	sst s10  }
0x32: {  	s10 =	sld [smem:$0x3FA9];
	_ =	sdelay $0x3  }
0x33: {  	p0 =	seq.s32 s10, $0x1;
	s10 =	sld [smem:$0x3FAB];
	_ =	sdelay $0x3  }
0x34: {  	[smem:$0x3FAB] =	sst s10  }
0x35: {  	s10 =	sld [smem:$0x3FAA];
	_ =	sdelay $0x3  }
0x36: {  	p1 =	seq.s32 s10, $0x1;
	s10 =	sld [smem:$0x3FAB];
	_ =	sdelay $0x3  }
0x37: {  	[smem:$0x3FAB] =	sst s10  }
0x38: {  	s10 =	sld [smem:$0x3FAC]  }
0x39: {  	_ = 	snop;
	(pc) =	sbr.ind lr, $3  }
0x3a: {  	_ = 	snop  }
0x3b: {  	_ = 	snop  }
0x3c: {  	p2 =	seq.s32 s10, $0x1;
	s10 =	sld [smem:$0x3FAB]  }
0x3d: {  	_ =	shalt  }
0x3e: {  	_ =	shalt  }
0x3f: {  	_ =	shalt  }
0x40: {  	_ =	shalt  }
0x41: {  	_ =	shalt  }
0x42: {  	_ =	shalt  }
0x43: {  	_ =	shalt  }
0x44: {  	_ =	shalt  }
0x45: {  	_ =	shalt  }
0x46: {  	_ =	shalt  }
0x47: {  	_ =	shalt  }
0x48: {  	_ =	shalt  }
0x49: {  	_ =	shalt  }
0x4a: {  	_ =	shalt  }
0x4b: {  	_ =	shalt  }
0x4c: {  	_ =	shalt  }
0x4d: {  	_ =	shalt  }
0x4e: {  	_ =	shalt  }
0x4f: {  	_ =	shalt  }
0x50: {  	_ =	shalt  }
0x51: {  	_ =	shalt  }
0x52: {  	_ =	shalt  }
0x53: {  	_ =	shalt  }
0x54: {  	_ =	shalt  }
0x55: {  	_ =	shalt  }
0x56: {  	_ =	shalt  }
0x57: {  	_ =	shalt  }
0x58: {  	_ =	shalt  }
0x59: {  	_ =	shalt  }
0x5a: {  	_ =	shalt  }
0x5b: {  	_ =	shalt  }
0x5c: {  	_ =	shalt  }
0x5d: {  	_ =	shalt  }
0x5e: {  	_ =	shalt  }
0x5f: {  	_ =	shalt  }
0x60: {  	_ =	shalt  }
0x61: {  	_ =	shalt  }
0x62: {  	_ =	shalt  }
0x63: {  	_ =	shalt  }
0x64: {  	_ =	shalt  }
0x65: {  	_ =	shalt  }
0x66: {  	_ =	shalt  }
0x67: {  	_ =	shalt  }
0x68: {  	_ =	shalt  }
0x69: {  	_ =	shalt  }
0x6a: {  	_ =	shalt  }
0x6b: {  	_ =	shalt  }
0x6c: {  	_ =	shalt  }
0x6d: {  	_ =	shalt  }
0x6e: {  	_ =	shalt  }
0x6f: {  	_ =	shalt  }
0x70: {  	_ =	shalt  }
0x71: {  	_ =	shalt  }
0x72: {  	_ =	shalt  }
0x73: {  	_ =	shalt  }
0x74: {  	_ =	shalt  }
0x75: {  	_ =	shalt  }
0x76: {  	_ =	shalt  }
0x77: {  	_ =	shalt  }
0x78: {  	_ =	shalt  }
0x79: {  	_ =	shalt  }
0x7a: {  	_ =	shalt  }
0x7b: {  	_ =	shalt  }
0x7c: {  	_ =	shalt  }
0x7d: {  	_ =	shalt  }
0x7e: {  	_ =	shalt  }
0x7f: {  	_ =	shalt  }
0x80: {  	_ =	shalt  }
0x81: {  	_ =	shalt  }
0x82: {  	_ =	shalt  }
0x83: {  	_ =	shalt  }
0x84: {  	_ =	shalt  }
0x85: {  	_ =	shalt  }
0x86: {  	_ =	shalt  }
0x87: {  	_ =	shalt  }
.Lfunc_end0:
.L_simem_size_0:
called_computation.2_lowered:
.L_overlay_start_0:
0x88: {  	s2 =	sld [smem:$0x3FD9]  }
0x89: {  	s3 =	sld [smem:$0x3FFE];
	_ =	sdelay $0x1  }
0x8a: {  	s1 =	srdreg.scid  }
0x8b: {  	s0 =	sand.u32 $0x1, s1  }
0x8c: {  	s16 =	sshll.u32 s0, $0xA;
	s2 =	sadd.s32 s3, s2  }
0x8d: {  	s2 =	sadd.s32 s2, s16  }
0x8e: {  	[smem:$0x3FB7] =	sst s2  }
0x8f: {  	_ = 	snop  }
0x90: {  	(tm) =	ssettm $0x1  }
0x91: {  	s17 =	sld [smem:$0x3FFB];
	_ =	sdelay $0x3  }
0x92: {  	_ =	strace s17  }
0x93: {  	s2 =	sld [smem:$0x3FFC];
	_ =	sdelay $0x3  }
0x94: {  	_ =	strace s2  }
0x95: {  	s2 =	sld [smem:$0x3FFD];
	_ =	sdelay $0x3  }
0x96: {  	_ =	strace s2  }
0x97: {  	_ =	strace $0x8FFFFFFF  }
0x98: {  	s18 =	sld [smem:$0x3FDB];
	_ =	sdelay $0x1  }
0x99: {  	s19 =	simm.s32 $_scs_section_size  }
0x9a: {  	s4 =	simm.s32 $_size__tile_overlayer_lowered;
	s5 =	simm.s32 $_tile_overlayer_lowered  }
0x9b: {  	s22 =	simm.s32 $0x1BFF;
	s21 =	sshll.u32 s5, $0x1;
	s2 =	sadd.s32 s19, s18  }
0x9c: {  	s6 =	simm.s32 $0x0;
	s20 =	sshll.u32 s4, $0x1;
	s4 =	sadd.s32 s21, s2  }
0x9d: {  	[timem:s6], [sflag:s22] =	dma.local [hbm:s4], s20  }
0x9e: {  	_ =	swait.ge [sflag:s22], s20  }
0x9f: {  	s3 =	ssub.s32 $0x0, s20;
	[sflag:s22] =	ssyncset.done $0x0  }
0xa0: {  	[sflag:s22] =	ssyncadd.s32 s3;
	_ =	sdelay $0x1  }
0xa1: {  	s23 =	simm.s32 $0x1B8B  }
0xa2: {  	_ =	swait.ge [sflag:s23], $0x1  }
0xa3: {  	[sflag:s23] =	ssyncset.done $0x0  }
0xa4: {  	s25 =	simm.s32 $0x1B8E;
	s24 =	sld [smem:$0x3FFE];
	[sflag:s23] =	ssyncadd.s32 $0xFFFFFFFF  }
0xa5: {  	s26 =	simm.s32 $execute0_lowered;
	[smem:$0x3FD2] =	sst s25  }
0xa6: {  	s4 =	sshll.u32 s26, $0x1;
	_ =	strace $0x8000004C;
	[dreg:$0x1] =	wrdreg $0xFFFFFFFF  }
0xa7: {  	s28 =	simm.s32 $_size_execute0_lowered;
	s2 =	sadd.s32 s2, s4;
	[dreg:$0x0] =	wrdreg $0x0  }
0xa8: {  	s4 =	sshll.u32 s28, $0x1;
	[dreg:$0x2] =	wrdreg s2  }
0xa9: {  	[dreg:$0x3] =	wrdreg s4  }
0xaa: {  	[dreg:$0x4] =	wrdreg $0xC0  }
0xab: {  	_ =	task [dreg:s6], $0x5FFFF  }
0xac: {  	[dreg:$0x1] =	wrdreg $0xFFFFFFFF  }
0xad: {  	[dreg:$0x0] =	wrdreg $0x60  }
0xae: {  	[dreg:$0x2] =	wrdreg s24  }
0xaf: {  	[dreg:$0x3] =	wrdreg $0x9  }
0xb0: {  	_ =	task.clear_ibuf [dreg:s6], $0x4FFFF;
	_ =	strace $0x9000004C  }
0xb1: {  	s29 =	simm.s32 $0x9;
	_ =	strace $0x8000004E  }
0xb2: {  	_ =	swait.ge [sflag:s29], $0x1  }
0xb3: {  	[sflag:s29] =	ssyncadd.s32 $0xFFFFFFFF  }
0xb4: {  	_ =	strace $0x9000004E  }
0xb5: {  	_ =	sfence  }
0xb6: {  	s30 =	sld [smem:$0x0];
	_ =	sdelay $0x2  }
0xb7: {  	s31 =	sshll.u32 s1, $0xD;
	s1 =	sshrl.u32 s1, $0x2  }
0xb8: {  	s3 =	sand.u32 $0x4000, s31;
	s1 =	sadd.s32 s1, s30  }
0xb9: {  	s0 =	sor.u32 s3, s0;
	s1 =	sshll.u32 s1, $0x11  }
0xba: {  	s0 =	sor.u32 s1, s0  }
0xbb: {  	s0 =	sadd.s32 $0x8F2B, s0  }
0xbc: {  	[sflag:s0] =	ssyncadd.remote.s32 $0x1  }
0xbd: {  	_ =	sfence.sel $0xFFFF  }
0xbe: {  	[dreg:$0x0] =	wrdreg $0xFFFFFFFF;
	(pc) =	sbr.abs _section_cstart, $3  }
0xbf: {  	[dreg:$0x1] =	wrdreg $0xFFFFFFFF  }
0xc0: {  	_ =	task.clear_ibuf [dreg:s6], $0x2FFFF;
	_ =	strace $0x9FFFFFFF  }
0xc1: {  	(tm) =	ssettm $0x7FFFFFFF  }
tec
execute0_lowered:
.L_overlay_start_1:
0x0: {  	(tag) =	ssettag $0x1  }
0x1: {  	s5 =	rddreg [dreg:$0x0]  }
0x2: {  	s0 =	rddreg [dreg:$0x1]  }
0x3: {  	s3 =	srdreg.scid;
	s1 =	stileid.u32  }
0x4: {  	s2 =	simm.s32 $0x0;
	s11 =	simm.s32 $0x19000;
	s12 =	simm.s32 $0x1B100  }
0x5: {  	s13 =	simm.s32 $0x1;
	s14 =	simm.s32 $0xC800;
	s15 =	simm.s32 $0x2  }
0x6: {  	s16 =	simm.s32 $0x0;
	s4 =	sand.u32 $0x1, s3;
	s31 =	sshll.u32 s1, $0x1  }
0x7: {  	[smem:$0x7FF] =	sst s2;
	s7 =	sadd.s32 $0xE7400, s5;
	s6 =	sor.u32 s4, s31  }
0x8: {  	s3 =	sadd.s32 $0x69600, s5;
	s9 =	sadd.s32 $0x14B400, s5;
	s8 =	smul.u32 $0xC800, s6  }
.Ltmp0:
0x9: {  	s5 =	sadd.s32 $0x69A12, s5;
	s4 =	ssub.s32 $0x2, s4;
	(pc) =	sbr.rel .LBB2_1-.Ltmp0, $4  }
0xa: {  	s6 =	smul.u32 $0x1900, s6;
	s10 =	sshrl.u32 s4, $0x1;
	s8 =	sshrl.u32 s8, $0x3  }
0xb: {  	_ =	strace $0x8000004D;
	s10 =	ssub.s32 s4, s10;
	s8 =	sadd.s32 $0x32000, s8  }
0xc: {  	s4 =	sadd.s32 s7, s6;
	s6 =	sadd.s32 s9, s6;
	s7 =	sadd.s32 s7, s8  }
0xd: {  	v0 =	vimm.f32 $0.0e+00;
	s8 =	sadd.s32 s9, s8;
	s9 =	smax.u32 s10, $0x1;
	s10 =	simm.s32 $0x3  }
.LBB2_19:
0xe: {  	s16 =	sadd.s32 $0x1, s16  }
0xf: {  	p0 =	sne.s32 s16, s9  }
.Ltmp1:
0x10: {  	_ = 	snop;
	(pc) =	sbr.rel @!p0 .LBB2_20-.Ltmp1, $4  }
0x11: {  	[hbm4b:s8+s2] =	stream.linear.scatter [tilespmem:s14], [sflag:$0x3], $0xC800, $0x38;
	[tilespmem:$0x1D200] =	vst v63  }
0x12: {  	_ =	swait.ge [sflag:s10], $0xC800  }
0x13: {  	[sflag:s10] =	ssyncset.done $0x0  }
0x14: {  	[sflag:s10] =	ssyncadd.s32 $0xFFFF3800  }
.LBB2_1:
0x15: {  	[tilespmem:s2], [sflag:$0x3] =	stream.linear.gather [hbm4b:s4+s2], $0xC800, $0x38;
	[tilespmem:$0x1D200] =	vst v63  }
0x16: {  	_ =	swait.ge [sflag:s10], $0xC800  }
0x17: {  	[sflag:s10] =	ssyncset.done $0x0  }
0x18: {  	s17 =	simm.s32 $0xC840;
	[sflag:s10] =	ssyncadd.s32 $0xFFFF3800  }
0x19: {  	[tilespmem:s17+$0xFFFFFFC0] =	vst v0  }
0x1a: {  	[tilespmem:s17+$0x30] =	vst v0  }
0x1b: {  	[tilespmem:s17+$0x20] =	vst v0  }
0x1c: {  	[tilespmem:s17+$0x10] =	vst v0  }
0x1d: {  	[tilespmem:s17+$0x0] =	vst v0  }
0x1e: {  	[tilespmem:s17+$0xFFFFFFF0] =	vst v0  }
0x1f: {  	s18 =	simm.s32 $0x0;
	[tilespmem:s17+$0xFFFFFFE0] =	vst v0  }
.LBB2_2:
0x20: {  	s18 =	sadd.s32 $0x80, s18;
	[tilespmem:s17+$0xFFFFFFD0] =	vst v0;
	s17 =	sadd.s32 $0x80, s17  }
0x21: {  	[tilespmem:s17+$0xFFFFFFC0] =	vst v0;
	p0 =	slt.u32 s18, $0xC780  }
0x22: {  	[tilespmem:s17+$0x30] =	vst v0  }
.Ltmp2:
0x23: {  	[tilespmem:s17+$0x20] =	vst v0;
	(pc) =	sbr.rel @p0 .LBB2_2-.Ltmp2, $4  }
0x24: {  	[tilespmem:s17+$0x10] =	vst v0  }
0x25: {  	[tilespmem:s17+$0x0] =	vst v0  }
0x26: {  	[tilespmem:s17+$0xFFFFFFF0] =	vst v0  }
0x27: {  	[tilespmem:s17+$0xFFFFFFE0] =	vst v0  }
0x28: {  	[tilespmem:s17+$0xFFFFFFD0] =	vst v0;
	s17 =	simm.s32 $0x0  }
0x29: {  	[tilespmem:s11], [sflag:$0x1] =	stream.linear.gather [hbm4b:s3+s17], $0x2090, $0x38;
	[tilespmem:$0x1D200] =	vst v63  }
0x2a: {  	_ = 	snop  }
0x2b: {  	[tilespmem:s12], [sflag:$0x2] =	stream.linear.gather [hbm4b:s5+s17], $0x2090, $0x38;
	[tilespmem:$0x1D200] =	vst v63  }
.LBB2_4:
0x2c: {  	_ =	swait.ge [sflag:s13], $0x2090  }
0x2d: {  	[sflag:s13] =	ssyncset.done $0x0  }
0x2e: {  	s18 =	simm.s32 $0x19040;
	[sflag:s13] =	ssyncadd.s32 $0xFFFFDF70  }
0x2f: {  	v1 =	vld [tilespmem:s18+$0x30]  }
0x30: {  	v2 =	vld [tilespmem:s18+$0xFFFFFFD0]  }
0x31: {  	v3 =	vld [tilespmem:s18+$0xFFFFFFE0]  }
0x32: {  	v4 =	vld [tilespmem:s18+$0xFFFFFFF0]  }
0x33: {  	v5 =	vld [tilespmem:s18+$0x0]  }
0x34: {  	v6 =	vld [tilespmem:s18+$0x10];
	v7 =	vand.u32 $0xFFFF, v1  }
0x35: {  	v11 =	vld [tilespmem:s18+$0x20];
	v8 =	vand.u32 $0xFFFF, v2  }
0x36: {  	v10 =	vand.u32 $0xFFFF, v3  }
0x37: {  	v9 =	vld [tilespmem:s18+$0xFFFFFFC0];
	v12 =	vand.u32 $0xFFFF, v4  }
0x38: {  	v13 =	vand.u32 $0xFFFF, v5  }
0x39: {  	v14 =	vand.u32 $0xFFFF, v6;
	v7 =	vld.idx.msk [tilespmem:v7+s2+$0x0], $0xffff  }
0x3a: {  	v16 =	vand.u32 $0xFFFF, v11;
	v8 =	vld.idx.msk [tilespmem:v8+s2+$0x0], $0xffff  }
0x3b: {  	v1 =	vshrl.u32 v1, $0x10;
	v10 =	vld.idx.msk [tilespmem:v10+s2+$0x0], $0xffff  }
0x3c: {  	v15 =	vand.u32 $0xFFFF, v9;
	v12 =	vld.idx.msk [tilespmem:v12+s2+$0x0], $0xffff  }
0x3d: {  	v2 =	vshrl.u32 v2, $0x10;
	v13 =	vld.idx.msk [tilespmem:v13+s2+$0x0], $0xffff  }
0x3e: {  	v17 =	vshrl.u32 v3, $0x10;
	v3 =	vld.idx.msk [tilespmem:v14+s2+$0x0], $0xffff  }
0x3f: {  	v63 =	vshrl.u32 v4, $0x10;
	v4 =	vld.idx.msk [tilespmem:v16+s2+$0x0], $0xffff  }
0x40: {  	[tilespmem:v1+s14+$0x0] =	vst.idx.add.f32.msk $0xffff, v7;
	v1 =	vshrl.u32 v5, $0x10  }
0x41: {  	v5 =	vld.idx.msk [tilespmem:v15+s2+$0x0], $0xffff;
	v7 =	vshrl.u32 v9, $0x10  }
0x42: {  	[tilespmem:v2+s14+$0x0] =	vst.idx.add.f32.msk $0xffff, v8  }
0x43: {  	[tilespmem:v17+s14+$0x0] =	vst.idx.add.f32.msk $0xffff, v10  }
0x44: {  	[tilespmem:v63+s14+$0x0] =	vst.idx.add.f32.msk $0xffff, v12  }
0x45: {  	[tilespmem:v1+s14+$0x0] =	vst.idx.add.f32.msk $0xffff, v13  }
0x46: {  	s19 =	simm.s32 $0x190C0;
	s18 =	simm.s32 $0x0;
	v2 =	vshrl.u32 v11, $0x10;
	v1 =	vshrl.u32 v6, $0x10;
	[tilespmem:v7+s14+$0x0] =	vst.idx.add.f32.msk $0xffff, v5  }
.LBB2_5:
0x47: {  	v5 =	vld [tilespmem:s19+$0x30];
	s18 =	sadd.s32 $0x80, s18  }
0x48: {  	v6 =	vld [tilespmem:s19+$0xFFFFFFD0];
	p0 =	slt.u32 s18, $0x2000  }
0x49: {  	v7 =	vld [tilespmem:s19+$0xFFFFFFE0]  }
0x4a: {  	v8 =	vld [tilespmem:s19+$0xFFFFFFF0]  }
0x4b: {  	v9 =	vld [tilespmem:s19+$0x0]  }
0x4c: {  	v10 =	vld [tilespmem:s19+$0x10];
	v11 =	vand.u32 $0xFFFF, v5  }
0x4d: {  	v12 =	vshrl.u32 v6, $0x10;
	v6 =	vand.u32 $0xFFFF, v6;
	v13 =	vld [tilespmem:s19+$0x20]  }
0x4e: {  	v14 =	vld [tilespmem:s19+$0xFFFFFFC0];
	v15 =	vshrl.u32 v7, $0x10;
	v7 =	vand.u32 $0xFFFF, v7  }
0x4f: {  	v16 =	vshrl.u32 v8, $0x10;
	v8 =	vand.u32 $0xFFFF, v8;
	[tilespmem:v1+s14+$0x0] =	vst.idx.add.f32.msk $0xffff, v3  }
0x50: {  	v17 =	vshrl.u32 v9, $0x10;
	v3 =	vand.u32 $0xFFFF, v9;
	[tilespmem:v2+s14+$0x0] =	vst.idx.add.f32.msk $0xffff, v4  }
0x51: {  	v1 =	vshrl.u32 v10, $0x10;
	v4 =	vand.u32 $0xFFFF, v10;
	v9 =	vld.idx.msk [tilespmem:v11+s2+$0x0], $0xffff  }
0x52: {  	v5 =	vshrl.u32 v5, $0x10;
	v6 =	vld.idx.msk [tilespmem:v6+s2+$0x0], $0xffff;
	v2 =	vshrl.u32 v13, $0x10;
	v10 =	vand.u32 $0xFFFF, v13  }
0x53: {  	v11 =	vshrl.u32 v14, $0x10;
	v13 =	vand.u32 $0xFFFF, v14;
	v7 =	vld.idx.msk [tilespmem:v7+s2+$0x0], $0xffff  }
0x54: {  	v8 =	vld.idx.msk [tilespmem:v8+s2+$0x0], $0xffff  }
0x55: {  	v14 =	vld.idx.msk [tilespmem:v3+s2+$0x0], $0xffff  }
0x56: {  	v3 =	vld.idx.msk [tilespmem:v4+s2+$0x0], $0xffff  }
0x57: {  	[tilespmem:v5+s14+$0x0] =	vst.idx.add.f32.msk $0xffff, v9  }
0x58: {  	v5 =	vld.idx.msk [tilespmem:v13+s2+$0x0], $0xffff  }
0x59: {  	v4 =	vld.idx.msk [tilespmem:v10+s2+$0x0], $0xffff  }
.Ltmp3:
0x5a: {  	[tilespmem:v12+s14+$0x0] =	vst.idx.add.f32.msk $0xffff, v6;
	(pc) =	sbr.rel @p0 .LBB2_5-.Ltmp3, $4  }
0x5b: {  	[tilespmem:v15+s14+$0x0] =	vst.idx.add.f32.msk $0xffff, v7  }
0x5c: {  	[tilespmem:v16+s14+$0x0] =	vst.idx.add.f32.msk $0xffff, v8  }
0x5d: {  	[tilespmem:v17+s14+$0x0] =	vst.idx.add.f32.msk $0xffff, v14  }
0x5e: {  	s19 =	sadd.s32 $0x80, s19;
	[tilespmem:v11+s14+$0x0] =	vst.idx.add.f32.msk $0xffff, v5  }
0x5f: {  	_ =	sdelay $0x3  }
0x60: {  	[tilespmem:v1+s14+$0x0] =	vst.idx.add.f32.msk $0xffff, v3  }
0x61: {  	[tilespmem:v2+s14+$0x0] =	vst.idx.add.f32.msk $0xffff, v4  }
0x62: {  	v1 =	vld [tilespmem:$0x1B080];
	_ =	sdelay $0x4  }
0x63: {  	v2 =	vand.u32 $0xFFFF, v1;
	_ =	sdelay $0x4  }
0x64: {  	p0 =	seq.s32 s17, $0x2F;
	v1 =	vshrl.u32 v1, $0x10;
	v2 =	vld.idx.msk [tilespmem:v2+s2+$0x0], $0xffff  }
0x65: {  	s18 =	smul.u32 @!p0 $0x4120, s17;
	_ =	sdelay $0x1  }
0x66: {  	s18 =	sshrl.u32 @!p0 s18, $0x3  }
0x67: {  	s18 =	sadd.s32 @!p0 s3, s18  }
0x68: {  	s19 =	simm.s32 @!p0 $0x0;
	s20 =	simm.s32 @!p0 $0x19000;
	s18 =	sadd.s32 @!p0 $0x824, s18;
	[tilespmem:v1+s14+$0x0] =	vst.idx.add.f32.msk $0xffff, v2  }
0x69: {  	[tilespmem:s20], [sflag:$0x1] =	stream.linear.gather @!p0 [hbm4b:s18+s19], $0x2090, $0x38;
	[tilespmem:$0x1D200] =	vst v63  }
0x6a: {  	_ =	swait.ge [sflag:s15], $0x2090  }
0x6b: {  	[sflag:s15] =	ssyncset.done $0x0  }
0x6c: {  	s31 =	simm.s32 $0x1B140;
	[sflag:s15] =	ssyncadd.s32 $0xFFFFDF70  }
0x6d: {  	v1 =	vld [tilespmem:s31+$0x30]  }
0x6e: {  	v2 =	vld [tilespmem:s31+$0xFFFFFFD0]  }
0x6f: {  	v3 =	vld [tilespmem:s31+$0xFFFFFFE0]  }
0x70: {  	v4 =	vld [tilespmem:s31+$0xFFFFFFF0]  }
0x71: {  	v5 =	vld [tilespmem:s31+$0x0]  }
0x72: {  	v6 =	vld [tilespmem:s31+$0x10];
	v7 =	vand.u32 $0xFFFF, v1  }
0x73: {  	v11 =	vld [tilespmem:s31+$0x20];
	v8 =	vand.u32 $0xFFFF, v2  }
0x74: {  	v10 =	vand.u32 $0xFFFF, v3  }
0x75: {  	v9 =	vld [tilespmem:s31+$0xFFFFFFC0];
	v12 =	vand.u32 $0xFFFF, v4  }
0x76: {  	v13 =	vand.u32 $0xFFFF, v5  }
0x77: {  	v14 =	vand.u32 $0xFFFF, v6;
	v7 =	vld.idx.msk [tilespmem:v7+s2+$0x0], $0xffff  }
0x78: {  	v16 =	vand.u32 $0xFFFF, v11;
	v8 =	vld.idx.msk [tilespmem:v8+s2+$0x0], $0xffff  }
0x79: {  	v1 =	vshrl.u32 v1, $0x10;
	v10 =	vld.idx.msk [tilespmem:v10+s2+$0x0], $0xffff  }
0x7a: {  	v15 =	vand.u32 $0xFFFF, v9;
	v12 =	vld.idx.msk [tilespmem:v12+s2+$0x0], $0xffff  }
0x7b: {  	v2 =	vshrl.u32 v2, $0x10;
	v13 =	vld.idx.msk [tilespmem:v13+s2+$0x0], $0xffff  }
0x7c: {  	v17 =	vshrl.u32 v3, $0x10;
	v3 =	vld.idx.msk [tilespmem:v14+s2+$0x0], $0xffff  }
0x7d: {  	v63 =	vshrl.u32 v4, $0x10;
	v4 =	vld.idx.msk [tilespmem:v16+s2+$0x0], $0xffff  }
0x7e: {  	[tilespmem:v1+s14+$0x0] =	vst.idx.add.f32.msk $0xffff, v7;
	v1 =	vshrl.u32 v5, $0x10  }
0x7f: {  	v5 =	vld.idx.msk [tilespmem:v15+s2+$0x0], $0xffff;
	v7 =	vshrl.u32 v9, $0x10  }
0x80: {  	[tilespmem:v2+s14+$0x0] =	vst.idx.add.f32.msk $0xffff, v8  }
0x81: {  	[tilespmem:v17+s14+$0x0] =	vst.idx.add.f32.msk $0xffff, v10  }
0x82: {  	[tilespmem:v63+s14+$0x0] =	vst.idx.add.f32.msk $0xffff, v12  }
0x83: {  	[tilespmem:v1+s14+$0x0] =	vst.idx.add.f32.msk $0xffff, v13  }
0x84: {  	s18 =	simm.s32 $0x0;
	s19 =	simm.s32 $0x1B1C0;
	v2 =	vshrl.u32 v11, $0x10;
	v1 =	vshrl.u32 v6, $0x10;
	[tilespmem:v7+s14+$0x0] =	vst.idx.add.f32.msk $0xffff, v5  }
.LBB2_7:
0x85: {  	v5 =	vld [tilespmem:s19+$0x30];
	s18 =	sadd.s32 $0x80, s18  }
0x86: {  	v6 =	vld [tilespmem:s19+$0xFFFFFFD0];
	p1 =	slt.u32 s18, $0x2000  }
0x87: {  	v7 =	vld [tilespmem:s19+$0xFFFFFFE0]  }
0x88: {  	v8 =	vld [tilespmem:s19+$0xFFFFFFF0]  }
0x89: {  	v9 =	vld [tilespmem:s19+$0x0]  }
0x8a: {  	v10 =	vld [tilespmem:s19+$0x10];
	v11 =	vand.u32 $0xFFFF, v5  }
0x8b: {  	v12 =	vshrl.u32 v6, $0x10;
	v6 =	vand.u32 $0xFFFF, v6;
	v13 =	vld [tilespmem:s19+$0x20]  }
0x8c: {  	v14 =	vld [tilespmem:s19+$0xFFFFFFC0];
	v15 =	vshrl.u32 v7, $0x10;
	v7 =	vand.u32 $0xFFFF, v7  }
0x8d: {  	v16 =	vshrl.u32 v8, $0x10;
	v8 =	vand.u32 $0xFFFF, v8;
	[tilespmem:v1+s14+$0x0] =	vst.idx.add.f32.msk $0xffff, v3  }
0x8e: {  	v17 =	vshrl.u32 v9, $0x10;
	v3 =	vand.u32 $0xFFFF, v9;
	[tilespmem:v2+s14+$0x0] =	vst.idx.add.f32.msk $0xffff, v4  }
0x8f: {  	v1 =	vshrl.u32 v10, $0x10;
	v4 =	vand.u32 $0xFFFF, v10;
	v9 =	vld.idx.msk [tilespmem:v11+s2+$0x0], $0xffff  }
0x90: {  	v5 =	vshrl.u32 v5, $0x10;
	v6 =	vld.idx.msk [tilespmem:v6+s2+$0x0], $0xffff;
	v2 =	vshrl.u32 v13, $0x10;
	v10 =	vand.u32 $0xFFFF, v13  }
0x91: {  	v11 =	vshrl.u32 v14, $0x10;
	v13 =	vand.u32 $0xFFFF, v14;
	v7 =	vld.idx.msk [tilespmem:v7+s2+$0x0], $0xffff  }
0x92: {  	v8 =	vld.idx.msk [tilespmem:v8+s2+$0x0], $0xffff  }
0x93: {  	v14 =	vld.idx.msk [tilespmem:v3+s2+$0x0], $0xffff  }
0x94: {  	v3 =	vld.idx.msk [tilespmem:v4+s2+$0x0], $0xffff  }
0x95: {  	[tilespmem:v5+s14+$0x0] =	vst.idx.add.f32.msk $0xffff, v9  }
0x96: {  	v5 =	vld.idx.msk [tilespmem:v13+s2+$0x0], $0xffff  }
0x97: {  	v4 =	vld.idx.msk [tilespmem:v10+s2+$0x0], $0xffff  }
.Ltmp4:
0x98: {  	[tilespmem:v12+s14+$0x0] =	vst.idx.add.f32.msk $0xffff, v6;
	(pc) =	sbr.rel @p1 .LBB2_7-.Ltmp4, $4  }
0x99: {  	[tilespmem:v15+s14+$0x0] =	vst.idx.add.f32.msk $0xffff, v7  }
0x9a: {  	[tilespmem:v16+s14+$0x0] =	vst.idx.add.f32.msk $0xffff, v8  }
0x9b: {  	[tilespmem:v17+s14+$0x0] =	vst.idx.add.f32.msk $0xffff, v14  }
0x9c: {  	s19 =	sadd.s32 $0x80, s19;
	[tilespmem:v11+s14+$0x0] =	vst.idx.add.f32.msk $0xffff, v5  }
0x9d: {  	_ =	sdelay $0x3  }
0x9e: {  	[tilespmem:v1+s14+$0x0] =	vst.idx.add.f32.msk $0xffff, v3  }
0x9f: {  	[tilespmem:v2+s14+$0x0] =	vst.idx.add.f32.msk $0xffff, v4  }
0xa0: {  	v1 =	vld [tilespmem:$0x1D180];
	_ =	sdelay $0x4  }
0xa1: {  	v2 =	vand.u32 $0xFFFF, v1;
	_ =	sdelay $0x4  }
0xa2: {  	v1 =	vshrl.u32 v1, $0x10;
	v2 =	vld.idx.msk [tilespmem:v2+s2+$0x0], $0xffff  }
.Ltmp5:
0xa3: {  	_ = 	snop;
	(pc) =	sbr.rel @p0 .LBB2_10-.Ltmp5, $2  }
0xa4: {  	_ =	sdelay $0x2  }
0xa5: {  	[tilespmem:v1+s14+$0x0] =	vst.idx.add.f32.msk $0xffff, v2  }
0xa6: {  	s18 =	smul.u32 $0x4120, s17  }
.Ltmp6:
0xa7: {  	_ = 	snop;
	(pc) =	sbr.rel .LBB2_4-.Ltmp6, $4  }
0xa8: {  	s18 =	sshrl.u32 s18, $0x3  }
0xa9: {  	s18 =	sadd.s32 s3, s18  }
0xaa: {  	s17 =	sadd.s32 $0x1, s17;
	s18 =	sadd.s32 $0xC36, s18  }
0xab: {  	[tilespmem:s12], [sflag:$0x2] =	stream.linear.gather [hbm4b:s18+s2], $0x2090, $0x38;
	[tilespmem:$0x1D200] =	vst v63  }
.LBB2_10:
0xac: {  	[hbm4b:s6+s2] =	stream.linear.scatter [tilespmem:s14], [sflag:$0x3], $0xC800, $0x38;
	[tilespmem:$0x1D200] =	vst v63  }
0xad: {  	_ =	swait.ge [sflag:s10], $0xC800  }
0xae: {  	[sflag:s10] =	ssyncset.done $0x0  }
0xaf: {  	[sflag:s10] =	ssyncadd.s32 $0xFFFF3800  }
0xb0: {  	[tilespmem:s2], [sflag:$0x3] =	stream.linear.gather [hbm4b:s7+s2], $0xC800, $0x38;
	[tilespmem:$0x1D200] =	vst v63  }
0xb1: {  	_ =	swait.ge [sflag:s10], $0xC800  }
0xb2: {  	[sflag:s10] =	ssyncset.done $0x0  }
0xb3: {  	s17 =	simm.s32 $0xC840;
	[sflag:s10] =	ssyncadd.s32 $0xFFFF3800  }
0xb4: {  	[tilespmem:s17+$0xFFFFFFC0] =	vst v0  }
0xb5: {  	[tilespmem:s17+$0x30] =	vst v0  }
0xb6: {  	[tilespmem:s17+$0x20] =	vst v0  }
0xb7: {  	[tilespmem:s17+$0x10] =	vst v0  }
0xb8: {  	[tilespmem:s17+$0x0] =	vst v0  }
0xb9: {  	[tilespmem:s17+$0xFFFFFFF0] =	vst v0  }
0xba: {  	s18 =	simm.s32 $0x0;
	[tilespmem:s17+$0xFFFFFFE0] =	vst v0  }
.LBB2_11:
0xbb: {  	s18 =	sadd.s32 $0x80, s18;
	[tilespmem:s17+$0xFFFFFFD0] =	vst v0;
	s17 =	sadd.s32 $0x80, s17  }
0xbc: {  	[tilespmem:s17+$0xFFFFFFC0] =	vst v0;
	p0 =	slt.u32 s18, $0xC780  }
0xbd: {  	[tilespmem:s17+$0x30] =	vst v0  }
.Ltmp7:
0xbe: {  	[tilespmem:s17+$0x20] =	vst v0;
	(pc) =	sbr.rel @p0 .LBB2_11-.Ltmp7, $4  }
0xbf: {  	[tilespmem:s17+$0x10] =	vst v0  }
0xc0: {  	[tilespmem:s17+$0x0] =	vst v0  }
0xc1: {  	[tilespmem:s17+$0xFFFFFFF0] =	vst v0  }
0xc2: {  	[tilespmem:s17+$0xFFFFFFE0] =	vst v0  }
0xc3: {  	[tilespmem:s17+$0xFFFFFFD0] =	vst v0;
	s17 =	simm.s32 $0x0  }
0xc4: {  	[tilespmem:s11], [sflag:$0x1] =	stream.linear.gather [hbm4b:s3+s17], $0x2090, $0x38;
	[tilespmem:$0x1D200] =	vst v63  }
0xc5: {  	_ = 	snop  }
0xc6: {  	[tilespmem:s12], [sflag:$0x2] =	stream.linear.gather [hbm4b:s5+s17], $0x2090, $0x38;
	[tilespmem:$0x1D200] =	vst v63  }
.LBB2_13:
0xc7: {  	_ =	swait.ge [sflag:s13], $0x2090  }
0xc8: {  	[sflag:s13] =	ssyncset.done $0x0  }
0xc9: {  	s18 =	simm.s32 $0x19040;
	[sflag:s13] =	ssyncadd.s32 $0xFFFFDF70  }
0xca: {  	v1 =	vld [tilespmem:s18+$0x30]  }
0xcb: {  	v2 =	vld [tilespmem:s18+$0xFFFFFFD0]  }
0xcc: {  	v3 =	vld [tilespmem:s18+$0xFFFFFFE0]  }
0xcd: {  	v4 =	vld [tilespmem:s18+$0xFFFFFFF0]  }
0xce: {  	v5 =	vld [tilespmem:s18+$0x0]  }
0xcf: {  	v6 =	vld [tilespmem:s18+$0x10];
	v7 =	vand.u32 $0xFFFF, v1  }
0xd0: {  	v11 =	vld [tilespmem:s18+$0x20];
	v8 =	vand.u32 $0xFFFF, v2  }
0xd1: {  	v10 =	vand.u32 $0xFFFF, v3  }
0xd2: {  	v9 =	vld [tilespmem:s18+$0xFFFFFFC0];
	v12 =	vand.u32 $0xFFFF, v4  }
0xd3: {  	v13 =	vand.u32 $0xFFFF, v5  }
0xd4: {  	v14 =	vand.u32 $0xFFFF, v6;
	v7 =	vld.idx.msk [tilespmem:v7+s2+$0x0], $0xffff  }
0xd5: {  	v16 =	vand.u32 $0xFFFF, v11;
	v8 =	vld.idx.msk [tilespmem:v8+s2+$0x0], $0xffff  }
0xd6: {  	v1 =	vshrl.u32 v1, $0x10;
	v10 =	vld.idx.msk [tilespmem:v10+s2+$0x0], $0xffff  }
0xd7: {  	v15 =	vand.u32 $0xFFFF, v9;
	v12 =	vld.idx.msk [tilespmem:v12+s2+$0x0], $0xffff  }
0xd8: {  	v2 =	vshrl.u32 v2, $0x10;
	v13 =	vld.idx.msk [tilespmem:v13+s2+$0x0], $0xffff  }
0xd9: {  	v17 =	vshrl.u32 v3, $0x10;
	v3 =	vld.idx.msk [tilespmem:v14+s2+$0x0], $0xffff  }
0xda: {  	v63 =	vshrl.u32 v4, $0x10;
	v4 =	vld.idx.msk [tilespmem:v16+s2+$0x0], $0xffff  }
0xdb: {  	[tilespmem:v1+s14+$0x0] =	vst.idx.add.f32.msk $0xffff, v7;
	v1 =	vshrl.u32 v5, $0x10  }
0xdc: {  	v5 =	vld.idx.msk [tilespmem:v15+s2+$0x0], $0xffff;
	v7 =	vshrl.u32 v9, $0x10  }
0xdd: {  	[tilespmem:v2+s14+$0x0] =	vst.idx.add.f32.msk $0xffff, v8  }
0xde: {  	[tilespmem:v17+s14+$0x0] =	vst.idx.add.f32.msk $0xffff, v10  }
0xdf: {  	[tilespmem:v63+s14+$0x0] =	vst.idx.add.f32.msk $0xffff, v12  }
0xe0: {  	[tilespmem:v1+s14+$0x0] =	vst.idx.add.f32.msk $0xffff, v13  }
0xe1: {  	s19 =	simm.s32 $0x190C0;
	s18 =	simm.s32 $0x0;
	v2 =	vshrl.u32 v11, $0x10;
	v1 =	vshrl.u32 v6, $0x10;
	[tilespmem:v7+s14+$0x0] =	vst.idx.add.f32.msk $0xffff, v5  }
.LBB2_14:
0xe2: {  	v5 =	vld [tilespmem:s19+$0x30];
	s18 =	sadd.s32 $0x80, s18  }
0xe3: {  	v6 =	vld [tilespmem:s19+$0xFFFFFFD0];
	p0 =	slt.u32 s18, $0x2000  }
0xe4: {  	v7 =	vld [tilespmem:s19+$0xFFFFFFE0]  }
0xe5: {  	v8 =	vld [tilespmem:s19+$0xFFFFFFF0]  }
0xe6: {  	v9 =	vld [tilespmem:s19+$0x0]  }
0xe7: {  	v10 =	vld [tilespmem:s19+$0x10];
	v11 =	vand.u32 $0xFFFF, v5  }
0xe8: {  	v12 =	vshrl.u32 v6, $0x10;
	v6 =	vand.u32 $0xFFFF, v6;
	v13 =	vld [tilespmem:s19+$0x20]  }
0xe9: {  	v14 =	vld [tilespmem:s19+$0xFFFFFFC0];
	v15 =	vshrl.u32 v7, $0x10;
	v7 =	vand.u32 $0xFFFF, v7  }
0xea: {  	v16 =	vshrl.u32 v8, $0x10;
	v8 =	vand.u32 $0xFFFF, v8;
	[tilespmem:v1+s14+$0x0] =	vst.idx.add.f32.msk $0xffff, v3  }
0xeb: {  	v17 =	vshrl.u32 v9, $0x10;
	v3 =	vand.u32 $0xFFFF, v9;
	[tilespmem:v2+s14+$0x0] =	vst.idx.add.f32.msk $0xffff, v4  }
0xec: {  	v1 =	vshrl.u32 v10, $0x10;
	v4 =	vand.u32 $0xFFFF, v10;
	v9 =	vld.idx.msk [tilespmem:v11+s2+$0x0], $0xffff  }
0xed: {  	v5 =	vshrl.u32 v5, $0x10;
	v6 =	vld.idx.msk [tilespmem:v6+s2+$0x0], $0xffff;
	v2 =	vshrl.u32 v13, $0x10;
	v10 =	vand.u32 $0xFFFF, v13  }
0xee: {  	v11 =	vshrl.u32 v14, $0x10;
	v13 =	vand.u32 $0xFFFF, v14;
	v7 =	vld.idx.msk [tilespmem:v7+s2+$0x0], $0xffff  }
0xef: {  	v8 =	vld.idx.msk [tilespmem:v8+s2+$0x0], $0xffff  }
0xf0: {  	v14 =	vld.idx.msk [tilespmem:v3+s2+$0x0], $0xffff  }
0xf1: {  	v3 =	vld.idx.msk [tilespmem:v4+s2+$0x0], $0xffff  }
0xf2: {  	[tilespmem:v5+s14+$0x0] =	vst.idx.add.f32.msk $0xffff, v9  }
0xf3: {  	v5 =	vld.idx.msk [tilespmem:v13+s2+$0x0], $0xffff  }
0xf4: {  	v4 =	vld.idx.msk [tilespmem:v10+s2+$0x0], $0xffff  }
.Ltmp8:
0xf5: {  	[tilespmem:v12+s14+$0x0] =	vst.idx.add.f32.msk $0xffff, v6;
	(pc) =	sbr.rel @p0 .LBB2_14-.Ltmp8, $4  }
0xf6: {  	[tilespmem:v15+s14+$0x0] =	vst.idx.add.f32.msk $0xffff, v7  }
0xf7: {  	[tilespmem:v16+s14+$0x0] =	vst.idx.add.f32.msk $0xffff, v8  }
0xf8: {  	[tilespmem:v17+s14+$0x0] =	vst.idx.add.f32.msk $0xffff, v14  }
0xf9: {  	s19 =	sadd.s32 $0x80, s19;
	[tilespmem:v11+s14+$0x0] =	vst.idx.add.f32.msk $0xffff, v5  }
0xfa: {  	_ =	sdelay $0x3  }
0xfb: {  	[tilespmem:v1+s14+$0x0] =	vst.idx.add.f32.msk $0xffff, v3  }
0xfc: {  	[tilespmem:v2+s14+$0x0] =	vst.idx.add.f32.msk $0xffff, v4  }
0xfd: {  	v1 =	vld [tilespmem:$0x1B080];
	_ =	sdelay $0x4  }
0xfe: {  	v2 =	vand.u32 $0xFFFF, v1;
	_ =	sdelay $0x4  }
0xff: {  	p0 =	seq.s32 s17, $0x2F;
	v1 =	vshrl.u32 v1, $0x10;
	v2 =	vld.idx.msk [tilespmem:v2+s2+$0x0], $0xffff  }
0x100: {  	s18 =	smul.u32 @!p0 $0x4120, s17;
	_ =	sdelay $0x1  }
0x101: {  	s18 =	sshrl.u32 @!p0 s18, $0x3  }
0x102: {  	s18 =	sadd.s32 @!p0 s3, s18  }
0x103: {  	s19 =	simm.s32 @!p0 $0x0;
	s20 =	simm.s32 @!p0 $0x19000;
	s18 =	sadd.s32 @!p0 $0x824, s18;
	[tilespmem:v1+s14+$0x0] =	vst.idx.add.f32.msk $0xffff, v2  }
0x104: {  	[tilespmem:s20], [sflag:$0x1] =	stream.linear.gather @!p0 [hbm4b:s18+s19], $0x2090, $0x38;
	[tilespmem:$0x1D200] =	vst v63  }
0x105: {  	_ =	swait.ge [sflag:s15], $0x2090  }
0x106: {  	[sflag:s15] =	ssyncset.done $0x0  }
0x107: {  	s31 =	simm.s32 $0x1B140;
	[sflag:s15] =	ssyncadd.s32 $0xFFFFDF70  }
0x108: {  	v1 =	vld [tilespmem:s31+$0x30]  }
0x109: {  	v2 =	vld [tilespmem:s31+$0xFFFFFFD0]  }
0x10a: {  	v3 =	vld [tilespmem:s31+$0xFFFFFFE0]  }
0x10b: {  	v4 =	vld [tilespmem:s31+$0xFFFFFFF0]  }
0x10c: {  	v5 =	vld [tilespmem:s31+$0x0]  }
0x10d: {  	v6 =	vld [tilespmem:s31+$0x10];
	v7 =	vand.u32 $0xFFFF, v1  }
0x10e: {  	v11 =	vld [tilespmem:s31+$0x20];
	v8 =	vand.u32 $0xFFFF, v2  }
0x10f: {  	v10 =	vand.u32 $0xFFFF, v3  }
0x110: {  	v9 =	vld [tilespmem:s31+$0xFFFFFFC0];
	v12 =	vand.u32 $0xFFFF, v4  }
0x111: {  	v13 =	vand.u32 $0xFFFF, v5  }
0x112: {  	v14 =	vand.u32 $0xFFFF, v6;
	v7 =	vld.idx.msk [tilespmem:v7+s2+$0x0], $0xffff  }
0x113: {  	v16 =	vand.u32 $0xFFFF, v11;
	v8 =	vld.idx.msk [tilespmem:v8+s2+$0x0], $0xffff  }
0x114: {  	v1 =	vshrl.u32 v1, $0x10;
	v10 =	vld.idx.msk [tilespmem:v10+s2+$0x0], $0xffff  }
0x115: {  	v15 =	vand.u32 $0xFFFF, v9;
	v12 =	vld.idx.msk [tilespmem:v12+s2+$0x0], $0xffff  }
0x116: {  	v2 =	vshrl.u32 v2, $0x10;
	v13 =	vld.idx.msk [tilespmem:v13+s2+$0x0], $0xffff  }
0x117: {  	v17 =	vshrl.u32 v3, $0x10;
	v3 =	vld.idx.msk [tilespmem:v14+s2+$0x0], $0xffff  }
0x118: {  	v63 =	vshrl.u32 v4, $0x10;
	v4 =	vld.idx.msk [tilespmem:v16+s2+$0x0], $0xffff  }
0x119: {  	[tilespmem:v1+s14+$0x0] =	vst.idx.add.f32.msk $0xffff, v7;
	v1 =	vshrl.u32 v5, $0x10  }
0x11a: {  	v5 =	vld.idx.msk [tilespmem:v15+s2+$0x0], $0xffff;
	v7 =	vshrl.u32 v9, $0x10  }
0x11b: {  	[tilespmem:v2+s14+$0x0] =	vst.idx.add.f32.msk $0xffff, v8  }
0x11c: {  	[tilespmem:v17+s14+$0x0] =	vst.idx.add.f32.msk $0xffff, v10  }
0x11d: {  	[tilespmem:v63+s14+$0x0] =	vst.idx.add.f32.msk $0xffff, v12  }
0x11e: {  	[tilespmem:v1+s14+$0x0] =	vst.idx.add.f32.msk $0xffff, v13  }
0x11f: {  	s18 =	simm.s32 $0x0;
	s19 =	simm.s32 $0x1B1C0;
	v2 =	vshrl.u32 v11, $0x10;
	v1 =	vshrl.u32 v6, $0x10;
	[tilespmem:v7+s14+$0x0] =	vst.idx.add.f32.msk $0xffff, v5  }
.LBB2_16:
0x120: {  	v5 =	vld [tilespmem:s19+$0x30];
	s18 =	sadd.s32 $0x80, s18  }
0x121: {  	v6 =	vld [tilespmem:s19+$0xFFFFFFD0];
	p1 =	slt.u32 s18, $0x2000  }
0x122: {  	v7 =	vld [tilespmem:s19+$0xFFFFFFE0]  }
0x123: {  	v8 =	vld [tilespmem:s19+$0xFFFFFFF0]  }
0x124: {  	v9 =	vld [tilespmem:s19+$0x0]  }
0x125: {  	v10 =	vld [tilespmem:s19+$0x10];
	v11 =	vand.u32 $0xFFFF, v5  }
0x126: {  	v12 =	vshrl.u32 v6, $0x10;
	v6 =	vand.u32 $0xFFFF, v6;
	v13 =	vld [tilespmem:s19+$0x20]  }
0x127: {  	v14 =	vld [tilespmem:s19+$0xFFFFFFC0];
	v15 =	vshrl.u32 v7, $0x10;
	v7 =	vand.u32 $0xFFFF, v7  }
0x128: {  	v16 =	vshrl.u32 v8, $0x10;
	v8 =	vand.u32 $0xFFFF, v8;
	[tilespmem:v1+s14+$0x0] =	vst.idx.add.f32.msk $0xffff, v3  }
0x129: {  	v17 =	vshrl.u32 v9, $0x10;
	v3 =	vand.u32 $0xFFFF, v9;
	[tilespmem:v2+s14+$0x0] =	vst.idx.add.f32.msk $0xffff, v4  }
0x12a: {  	v1 =	vshrl.u32 v10, $0x10;
	v4 =	vand.u32 $0xFFFF, v10;
	v9 =	vld.idx.msk [tilespmem:v11+s2+$0x0], $0xffff  }
0x12b: {  	v5 =	vshrl.u32 v5, $0x10;
	v6 =	vld.idx.msk [tilespmem:v6+s2+$0x0], $0xffff;
	v2 =	vshrl.u32 v13, $0x10;
	v10 =	vand.u32 $0xFFFF, v13  }
0x12c: {  	v11 =	vshrl.u32 v14, $0x10;
	v13 =	vand.u32 $0xFFFF, v14;
	v7 =	vld.idx.msk [tilespmem:v7+s2+$0x0], $0xffff  }
0x12d: {  	v8 =	vld.idx.msk [tilespmem:v8+s2+$0x0], $0xffff  }
0x12e: {  	v14 =	vld.idx.msk [tilespmem:v3+s2+$0x0], $0xffff  }
0x12f: {  	v3 =	vld.idx.msk [tilespmem:v4+s2+$0x0], $0xffff  }
0x130: {  	[tilespmem:v5+s14+$0x0] =	vst.idx.add.f32.msk $0xffff, v9  }
0x131: {  	v5 =	vld.idx.msk [tilespmem:v13+s2+$0x0], $0xffff  }
0x132: {  	v4 =	vld.idx.msk [tilespmem:v10+s2+$0x0], $0xffff  }
.Ltmp9:
0x133: {  	[tilespmem:v12+s14+$0x0] =	vst.idx.add.f32.msk $0xffff, v6;
	(pc) =	sbr.rel @p1 .LBB2_16-.Ltmp9, $4  }
0x134: {  	[tilespmem:v15+s14+$0x0] =	vst.idx.add.f32.msk $0xffff, v7  }
0x135: {  	[tilespmem:v16+s14+$0x0] =	vst.idx.add.f32.msk $0xffff, v8  }
0x136: {  	[tilespmem:v17+s14+$0x0] =	vst.idx.add.f32.msk $0xffff, v14  }
0x137: {  	s19 =	sadd.s32 $0x80, s19;
	[tilespmem:v11+s14+$0x0] =	vst.idx.add.f32.msk $0xffff, v5  }
0x138: {  	_ =	sdelay $0x3  }
0x139: {  	[tilespmem:v1+s14+$0x0] =	vst.idx.add.f32.msk $0xffff, v3  }
0x13a: {  	[tilespmem:v2+s14+$0x0] =	vst.idx.add.f32.msk $0xffff, v4  }
0x13b: {  	v1 =	vld [tilespmem:$0x1D180];
	_ =	sdelay $0x4  }
0x13c: {  	v2 =	vand.u32 $0xFFFF, v1;
	_ =	sdelay $0x4  }
0x13d: {  	v1 =	vshrl.u32 v1, $0x10;
	v2 =	vld.idx.msk [tilespmem:v2+s2+$0x0], $0xffff  }
.Ltmp10:
0x13e: {  	_ = 	snop;
	(pc) =	sbr.rel @p0 .LBB2_19-.Ltmp10, $2  }
0x13f: {  	_ =	sdelay $0x2  }
0x140: {  	[tilespmem:v1+s14+$0x0] =	vst.idx.add.f32.msk $0xffff, v2  }
0x141: {  	s18 =	smul.u32 $0x4120, s17  }
.Ltmp11:
0x142: {  	_ = 	snop;
	(pc) =	sbr.rel .LBB2_13-.Ltmp11, $4  }
0x143: {  	s18 =	sshrl.u32 s18, $0x3  }
0x144: {  	s18 =	sadd.s32 s3, s18  }
0x145: {  	s17 =	sadd.s32 $0x1, s17;
	s18 =	sadd.s32 $0xC36, s18  }
0x146: {  	[tilespmem:s12], [sflag:$0x2] =	stream.linear.gather [hbm4b:s18+s2], $0x2090, $0x38;
	[tilespmem:$0x1D200] =	vst v63  }
.LBB2_20:
0x147: {  	_ =	sfence.sel $0x180000  }
0x148: {  	[bflag:$0x0] =	sbarrier.arrive $0xFFFF  }
0x149: {  	p0 =	sne.s32 s1, $0x0;
	_ =	strace $0x9000004D  }
0x14a: {  	s0 =	sadd.s32 @!p0 $0x100000, s0;
	[bflag:$0x2] =	sbarrier.arrive $0xFFFF  }
0x14b: {  	[sflag:s0] =	ssyncadd.tile.s32 @!p0 $0x1;
	_ =	shalt  }
.Lfunc_end2:
_tile_overlayer_lowered:
.L_overlay_start_2:
0x14c: {  	(tag) =	ssettag $0x2  }
0x14d: {  	s0 =	rddreg [dreg:$0x0];
	s2 =	stileid.u32  }
0x14e: {  	s1 =	rddreg [dreg:$0x1];
	p0 =	sne.s32 s2, $0x0  }
0x14f: {  	s3 =	rddreg [dreg:$0x2];
	[bflag:$0x3] =	sbarrier.arrive $0xFFFF;
	s2 =	simm.s32 @!p0 $0x1C03  }
0x150: {  	[timem:s3], [sflag:s2] =	dma.local @!p0 [hbm:s0], s1  }
0x151: {  	s0 =	simm.s32 @!p0 $0x3  }
0x152: {  	_ =	swait.ge @!p0 [sflag:s0], s1  }
0x153: {  	s1 =	ssub.s32 @!p0 $0x0, s1;
	[sflag:s0] =	ssyncset.done @!p0 $0x0  }
0x154: {  	[sflag:s0] =	ssyncadd.s32 @!p0 s1  }
0x155: {  	[bflag:$0x3] =	sbarrier.arrive $0xFFFF  }
0x156: {  	_ =	shalt  }

// kernel: kernel.28.cloned.1.call-start
scs
__scs_entry_jumppad:
0x0: {  	(pc) =	sbr.rel $0x88, $3  }
0x1: {  	(tag) =	ssettag $0x0;
	lr =	simm.s32 $0x1  }
0x2: {  	[smem:$0x3F90] =	sst lr;
	_ =	strace $0xD0000000  }
0x3: {  	_ = 	snop  }
0x4: {  	_ = 	snop  }
0x5: {  	_ = 	snop  }
0x6: {  	_ = 	snop  }
0x7: {  	_ = 	snop  }
__scs_overlays_trampoline_lowered:
0x8: {  	[smem:$0x3F9F] =	sst s0  }
0x9: {  	[smem:$0x3FA0] =	sst s1  }
0xa: {  	[smem:$0x3FA1] =	sst s2  }
0xb: {  	[smem:$0x3FA2] =	sst s3  }
0xc: {  	[smem:$0x3FA3] =	sst s4  }
0xd: {  	[smem:$0x3FA4] =	sst s5  }
0xe: {  	[smem:$0x3FA5] =	sst s6  }
0xf: {  	[smem:$0x3FA6] =	sst s7  }
0x10: {  	[smem:$0x3FA7] =	sst s8  }
0x11: {  	[smem:$0x3FA8] =	sst s9;
	s0 =	simm.s32 @!p0 $0x0  }
0x12: {  	s1 =	sld [smem:$0x3F8E];
	s0 =	simm.s32 @p0 $0x1  }
0x13: {  	[smem:$0x3FA9] =	sst s0;
	s0 =	simm.s32 @!p1 $0x0  }
0x14: {  	s2 =	sld [smem:$0x3F8D];
	s0 =	simm.s32 @p1 $0x1  }
0x15: {  	[smem:$0x3FAA] =	sst s0;
	s0 =	simm.s32 @!p2 $0x0  }
0x16: {  	s3 =	sld [smem:$0x3FDB];
	s0 =	simm.s32 @p2 $0x1  }
0x17: {  	s4 =	simm.s32 $0x1BF5;
	[smem:$0x3FAC] =	sst s0  }
0x18: {  	s0 =	sld [smem:$0x3F8F];
	_ =	swait.ge [sflag:s4], $0x0  }
0x19: {  	s7 =	sld [smem:$0x3F90]  }
0x1a: {  	s8 =	sadd.s32 $0xFFFFE003, lr  }
0x1b: {  	s9 =	sadd.s32 $0xFFFFFEF7, lr;
	s5 =	simm.s32 $0xFFFFFFFF;
	p2 =	slt.u32 s8, $0xFFFFF086  }
0x1c: {  	p1 =	slt.u32 s9, $0xF7A;
	s5 =	simm.s32 @!p2 $0x0  }
0x1d: {  	s5 =	simm.s32 @p1 $0x1;
	p0 =	seq.s32 s7, s2  }
0x1e: {  	s7 =	smul.u32 @!p0 $0xF7A, s2;
	p2 =	seq.s32 @!p0 s5, $0x0  }
0x1f: {  	s9 =	smul.u32 $0xF7A, s1;
	s8 =	simm.s32 @!p0 $0x1BF5;
	p2 =	por !p2, p0  }
0x20: {  	[sflag:s8] =	ssyncset.s32 @!p0 $0xFFFFF086;
	s6 =	sadd.s32 @!p0 s3, s7;
	s7 =	simm.s32 @!p0 $0x108  }
0x21: {  	s3 =	sadd.s32 s3, s9;
	s6 =	sadd.s32 @!p0 $0x88, s6;
	s7 =	simm.s32 @p2 $0x1082  }
0x22: {  	[simem:s7], [sflag:s8] =	dma.local @!p0 [hbm:s6], $0xF7A  }
0x23: {  	s9 =	sor.u32 $0xD0000000, s2;
	s6 =	simm.s32 $0x108;
	_ =	swait.ge @!p0 [sflag:s8], $0x0  }
0x24: {  	s3 =	sadd.s32 $0x88, s3;
	s6 =	simm.s32 @!p1 $0x1082;
	[sflag:s4] =	ssyncset.s32 $0xFFFFF086  }
0x25: {  	[simem:s6], [sflag:s4] =	dma.local [hbm:s3], $0xF7A  }
0x26: {  	[smem:$0x3F90] =	sst s1;
	(tag) =	ssettag s2;
	_ =	strace s9  }
0x27: {  	s1 =	sld [smem:$0x3FA0]  }
0x28: {  	s2 =	sld [smem:$0x3FA1]  }
0x29: {  	s4 =	sld [smem:$0x3FA3]  }
0x2a: {  	p0 =	seq.s32 s5, $0x0;
	s5 =	sld [smem:$0x3FA4]  }
0x2b: {  	s6 =	sld [smem:$0x3FA5]  }
0x2c: {  	s7 =	sld [smem:$0x3FA6]  }
0x2d: {  	s3 =	simm.s32 $0x108;
	s8 =	sld [smem:$0x3FA7]  }
0x2e: {  	s3 =	simm.s32 @!p0 $0x1082;
	s9 =	sld [smem:$0x3FA8]  }
0x2f: {  	lr =	sadd.s32 s0, s3;
	s0 =	sld [smem:$0x3F9F]  }
0x30: {  	s3 =	sld [smem:$0x3FA2]  }
0x31: {  	[smem:$0x3FAB] =	sst s10  }
0x32: {  	s10 =	sld [smem:$0x3FA9];
	_ =	sdelay $0x3  }
0x33: {  	p0 =	seq.s32 s10, $0x1;
	s10 =	sld [smem:$0x3FAB];
	_ =	sdelay $0x3  }
0x34: {  	[smem:$0x3FAB] =	sst s10  }
0x35: {  	s10 =	sld [smem:$0x3FAA];
	_ =	sdelay $0x3  }
0x36: {  	p1 =	seq.s32 s10, $0x1;
	s10 =	sld [smem:$0x3FAB];
	_ =	sdelay $0x3  }
0x37: {  	[smem:$0x3FAB] =	sst s10  }
0x38: {  	s10 =	sld [smem:$0x3FAC]  }
0x39: {  	_ = 	snop;
	(pc) =	sbr.ind lr, $3  }
0x3a: {  	_ = 	snop  }
0x3b: {  	_ = 	snop  }
0x3c: {  	p2 =	seq.s32 s10, $0x1;
	s10 =	sld [smem:$0x3FAB]  }
0x3d: {  	_ =	shalt  }
0x3e: {  	_ =	shalt  }
0x3f: {  	_ =	shalt  }
0x40: {  	_ =	shalt  }
0x41: {  	_ =	shalt  }
0x42: {  	_ =	shalt  }
0x43: {  	_ =	shalt  }
0x44: {  	_ =	shalt  }
0x45: {  	_ =	shalt  }
0x46: {  	_ =	shalt  }
0x47: {  	_ =	shalt  }
0x48: {  	_ =	shalt  }
0x49: {  	_ =	shalt  }
0x4a: {  	_ =	shalt  }
0x4b: {  	_ =	shalt  }
0x4c: {  	_ =	shalt  }
0x4d: {  	_ =	shalt  }
0x4e: {  	_ =	shalt  }
0x4f: {  	_ =	shalt  }
0x50: {  	_ =	shalt  }
0x51: {  	_ =	shalt  }
0x52: {  	_ =	shalt  }
0x53: {  	_ =	shalt  }
0x54: {  	_ =	shalt  }
0x55: {  	_ =	shalt  }
0x56: {  	_ =	shalt  }
0x57: {  	_ =	shalt  }
0x58: {  	_ =	shalt  }
0x59: {  	_ =	shalt  }
0x5a: {  	_ =	shalt  }
0x5b: {  	_ =	shalt  }
0x5c: {  	_ =	shalt  }
0x5d: {  	_ =	shalt  }
0x5e: {  	_ =	shalt  }
0x5f: {  	_ =	shalt  }
0x60: {  	_ =	shalt  }
0x61: {  	_ =	shalt  }
0x62: {  	_ =	shalt  }
0x63: {  	_ =	shalt  }
0x64: {  	_ =	shalt  }
0x65: {  	_ =	shalt  }
0x66: {  	_ =	shalt  }
0x67: {  	_ =	shalt  }
0x68: {  	_ =	shalt  }
0x69: {  	_ =	shalt  }
0x6a: {  	_ =	shalt  }
0x6b: {  	_ =	shalt  }
0x6c: {  	_ =	shalt  }
0x6d: {  	_ =	shalt  }
0x6e: {  	_ =	shalt  }
0x6f: {  	_ =	shalt  }
0x70: {  	_ =	shalt  }
0x71: {  	_ =	shalt  }
0x72: {  	_ =	shalt  }
0x73: {  	_ =	shalt  }
0x74: {  	_ =	shalt  }
0x75: {  	_ =	shalt  }
0x76: {  	_ =	shalt  }
0x77: {  	_ =	shalt  }
0x78: {  	_ =	shalt  }
0x79: {  	_ =	shalt  }
0x7a: {  	_ =	shalt  }
0x7b: {  	_ =	shalt  }
0x7c: {  	_ =	shalt  }
0x7d: {  	_ =	shalt  }
0x7e: {  	_ =	shalt  }
0x7f: {  	_ =	shalt  }
0x80: {  	_ =	shalt  }
0x81: {  	_ =	shalt  }
0x82: {  	_ =	shalt  }
0x83: {  	_ =	shalt  }
0x84: {  	_ =	shalt  }
0x85: {  	_ =	shalt  }
0x86: {  	_ =	shalt  }
0x87: {  	_ =	shalt  }
.Lfunc_end0:
.L_simem_size_0:
called_computation.3_lowered:
.L_overlay_start_0:
0x88: {  	s2 =	sld [smem:$0x3FD9]  }
0x89: {  	s3 =	sld [smem:$0x3FFE];
	_ =	sdelay $0x1  }
0x8a: {  	s1 =	srdreg.scid  }
0x8b: {  	s0 =	sand.u32 $0x1, s1  }
0x8c: {  	s16 =	sshll.u32 s0, $0xA;
	s2 =	sadd.s32 s3, s2  }
0x8d: {  	s2 =	sadd.s32 s2, s16  }
0x8e: {  	[smem:$0x3FB7] =	sst s2  }
0x8f: {  	_ = 	snop  }
0x90: {  	(tm) =	ssettm $0x1  }
0x91: {  	s17 =	sld [smem:$0x3FFB];
	_ =	sdelay $0x3  }
0x92: {  	_ =	strace s17  }
0x93: {  	s2 =	sld [smem:$0x3FFC];
	_ =	sdelay $0x3  }
0x94: {  	_ =	strace s2  }
0x95: {  	s2 =	sld [smem:$0x3FFD];
	_ =	sdelay $0x3  }
0x96: {  	_ =	strace s2  }
0x97: {  	_ =	strace $0x8FFFFFFF  }
0x98: {  	s18 =	sld [smem:$0x3FDB];
	_ =	sdelay $0x1  }
0x99: {  	s19 =	simm.s32 $_scs_section_size  }
0x9a: {  	s4 =	simm.s32 $_size__tile_overlayer_lowered;
	s5 =	simm.s32 $_tile_overlayer_lowered  }
0x9b: {  	s22 =	simm.s32 $0x1BFF;
	s21 =	sshll.u32 s5, $0x1;
	s2 =	sadd.s32 s19, s18  }
0x9c: {  	s6 =	simm.s32 $0x0;
	s20 =	sshll.u32 s4, $0x1;
	s4 =	sadd.s32 s21, s2  }
0x9d: {  	[timem:s6], [sflag:s22] =	dma.local [hbm:s4], s20  }
0x9e: {  	_ =	swait.ge [sflag:s22], s20  }
0x9f: {  	s3 =	ssub.s32 $0x0, s20;
	[sflag:s22] =	ssyncset.done $0x0  }
0xa0: {  	[sflag:s22] =	ssyncadd.s32 s3;
	_ =	sdelay $0x1  }
0xa1: {  	s23 =	simm.s32 $0x1B8B  }
0xa2: {  	_ =	swait.ge [sflag:s23], $0x1  }
0xa3: {  	[sflag:s23] =	ssyncset.done $0x0  }
0xa4: {  	s25 =	simm.s32 $0x1B8E;
	s24 =	sld [smem:$0x3FFE];
	[sflag:s23] =	ssyncadd.s32 $0xFFFFFFFF  }
0xa5: {  	s26 =	simm.s32 $execute0_lowered;
	[smem:$0x3FD2] =	sst s25  }
0xa6: {  	s4 =	sshll.u32 s26, $0x1;
	_ =	strace $0x8000004F;
	[dreg:$0x1] =	wrdreg $0xFFFFFFFF  }
0xa7: {  	s28 =	simm.s32 $_size_execute0_lowered;
	s2 =	sadd.s32 s2, s4;
	[dreg:$0x0] =	wrdreg $0x0  }
0xa8: {  	s4 =	sshll.u32 s28, $0x1;
	[dreg:$0x2] =	wrdreg s2  }
0xa9: {  	[dreg:$0x3] =	wrdreg s4  }
0xaa: {  	[dreg:$0x4] =	wrdreg $0xC0  }
0xab: {  	_ =	task [dreg:s6], $0x5FFFF  }
0xac: {  	[dreg:$0x1] =	wrdreg $0xFFFFFFFF  }
0xad: {  	[dreg:$0x0] =	wrdreg $0x60  }
0xae: {  	[dreg:$0x2] =	wrdreg s24  }
0xaf: {  	[dreg:$0x3] =	wrdreg $0x9  }
0xb0: {  	_ =	task.clear_ibuf [dreg:s6], $0x4FFFF;
	_ =	strace $0x9000004F  }
0xb1: {  	s29 =	simm.s32 $0x9;
	_ =	strace $0x80000051  }
0xb2: {  	_ =	swait.ge [sflag:s29], $0x1  }
0xb3: {  	[sflag:s29] =	ssyncadd.s32 $0xFFFFFFFF  }
0xb4: {  	_ =	strace $0x90000051  }
0xb5: {  	_ =	sfence  }
0xb6: {  	s30 =	sld [smem:$0x0];
	_ =	sdelay $0x2  }
0xb7: {  	s31 =	sshll.u32 s1, $0xD;
	s1 =	sshrl.u32 s1, $0x2  }
0xb8: {  	s3 =	sand.u32 $0x4000, s31;
	s1 =	sadd.s32 s1, s30  }
0xb9: {  	s0 =	sor.u32 s3, s0;
	s1 =	sshll.u32 s1, $0x11  }
0xba: {  	s0 =	sor.u32 s1, s0  }
0xbb: {  	s0 =	sadd.s32 $0x8F2B, s0  }
0xbc: {  	[sflag:s0] =	ssyncadd.remote.s32 $0x1  }
0xbd: {  	_ =	sfence.sel $0xFFFF  }
0xbe: {  	[dreg:$0x0] =	wrdreg $0xFFFFFFFF;
	(pc) =	sbr.abs _section_cstart, $3  }
0xbf: {  	[dreg:$0x1] =	wrdreg $0xFFFFFFFF  }
0xc0: {  	_ =	task.clear_ibuf [dreg:s6], $0x2FFFF;
	_ =	strace $0x9FFFFFFF  }
0xc1: {  	(tm) =	ssettm $0x7FFFFFFF  }
tec
execute0_lowered:
.L_overlay_start_1:
0x0: {  	(tag) =	ssettag $0x1  }
0x1: {  	s5 =	rddreg [dreg:$0x0]  }
0x2: {  	s0 =	rddreg [dreg:$0x1]  }
0x3: {  	s3 =	srdreg.scid;
	s1 =	stileid.u32  }
0x4: {  	s2 =	simm.s32 $0x0;
	s11 =	simm.s32 $0x19000;
	s12 =	simm.s32 $0x1B100  }
0x5: {  	s13 =	simm.s32 $0x1;
	s14 =	simm.s32 $0xC800;
	s15 =	simm.s32 $0x2  }
0x6: {  	s16 =	simm.s32 $0x0;
	s4 =	sand.u32 $0x1, s3;
	s31 =	sshll.u32 s1, $0x1  }
0x7: {  	[smem:$0x7FF] =	sst s2;
	s7 =	sadd.s32 $0xE7400, s5;
	s6 =	sor.u32 s4, s31  }
0x8: {  	s3 =	sadd.s32 $0x69600, s5;
	s9 =	sadd.s32 $0x14B400, s5;
	s8 =	smul.u32 $0xC800, s6  }
.Ltmp0:
0x9: {  	s5 =	sadd.s32 $0x69A12, s5;
	s4 =	ssub.s32 $0x2, s4;
	(pc) =	sbr.rel .LBB2_1-.Ltmp0, $4  }
0xa: {  	s6 =	smul.u32 $0x1900, s6;
	s10 =	sshrl.u32 s4, $0x1;
	s8 =	sshrl.u32 s8, $0x3  }
0xb: {  	_ =	strace $0x80000050;
	s10 =	ssub.s32 s4, s10;
	s8 =	sadd.s32 $0x32000, s8  }
0xc: {  	s4 =	sadd.s32 s7, s6;
	s6 =	sadd.s32 s9, s6;
	s7 =	sadd.s32 s7, s8  }
0xd: {  	v0 =	vimm.f32 $0.0e+00;
	s8 =	sadd.s32 s9, s8;
	s9 =	smax.u32 s10, $0x1;
	s10 =	simm.s32 $0x3  }
.LBB2_19:
0xe: {  	s16 =	sadd.s32 $0x1, s16  }
0xf: {  	p0 =	sne.s32 s16, s9  }
.Ltmp1:
0x10: {  	_ = 	snop;
	(pc) =	sbr.rel @!p0 .LBB2_20-.Ltmp1, $4  }
0x11: {  	[hbm4b:s8+s2] =	stream.linear.scatter [tilespmem:s14], [sflag:$0x3], $0xC800, $0x38;
	[tilespmem:$0x1D200] =	vst v63  }
0x12: {  	_ =	swait.ge [sflag:s10], $0xC800  }
0x13: {  	[sflag:s10] =	ssyncset.done $0x0  }
0x14: {  	[sflag:s10] =	ssyncadd.s32 $0xFFFF3800  }
.LBB2_1:
0x15: {  	[tilespmem:s2], [sflag:$0x3] =	stream.linear.gather [hbm4b:s4+s2], $0xC800, $0x38;
	[tilespmem:$0x1D200] =	vst v63  }
0x16: {  	_ =	swait.ge [sflag:s10], $0xC800  }
0x17: {  	[sflag:s10] =	ssyncset.done $0x0  }
0x18: {  	s17 =	simm.s32 $0xC840;
	[sflag:s10] =	ssyncadd.s32 $0xFFFF3800  }
0x19: {  	[tilespmem:s17+$0xFFFFFFC0] =	vst v0  }
0x1a: {  	[tilespmem:s17+$0x30] =	vst v0  }
0x1b: {  	[tilespmem:s17+$0x20] =	vst v0  }
0x1c: {  	[tilespmem:s17+$0x10] =	vst v0  }
0x1d: {  	[tilespmem:s17+$0x0] =	vst v0  }
0x1e: {  	[tilespmem:s17+$0xFFFFFFF0] =	vst v0  }
0x1f: {  	s18 =	simm.s32 $0x0;
	[tilespmem:s17+$0xFFFFFFE0] =	vst v0  }
.LBB2_2:
0x20: {  	s18 =	sadd.s32 $0x80, s18;
	[tilespmem:s17+$0xFFFFFFD0] =	vst v0;
	s17 =	sadd.s32 $0x80, s17  }
0x21: {  	[tilespmem:s17+$0xFFFFFFC0] =	vst v0;
	p0 =	slt.u32 s18, $0xC780  }
0x22: {  	[tilespmem:s17+$0x30] =	vst v0  }
.Ltmp2:
0x23: {  	[tilespmem:s17+$0x20] =	vst v0;
	(pc) =	sbr.rel @p0 .LBB2_2-.Ltmp2, $4  }
0x24: {  	[tilespmem:s17+$0x10] =	vst v0  }
0x25: {  	[tilespmem:s17+$0x0] =	vst v0  }
0x26: {  	[tilespmem:s17+$0xFFFFFFF0] =	vst v0  }
0x27: {  	[tilespmem:s17+$0xFFFFFFE0] =	vst v0  }
0x28: {  	[tilespmem:s17+$0xFFFFFFD0] =	vst v0;
	s17 =	simm.s32 $0x0  }
0x29: {  	[tilespmem:s11], [sflag:$0x1] =	stream.linear.gather [hbm4b:s3+s17], $0x2090, $0x38;
	[tilespmem:$0x1D200] =	vst v63  }
0x2a: {  	_ = 	snop  }
0x2b: {  	[tilespmem:s12], [sflag:$0x2] =	stream.linear.gather [hbm4b:s5+s17], $0x2090, $0x38;
	[tilespmem:$0x1D200] =	vst v63  }
.LBB2_4:
0x2c: {  	_ =	swait.ge [sflag:s13], $0x2090  }
0x2d: {  	[sflag:s13] =	ssyncset.done $0x0  }
0x2e: {  	s18 =	simm.s32 $0x19040;
	[sflag:s13] =	ssyncadd.s32 $0xFFFFDF70  }
0x2f: {  	v1 =	vld [tilespmem:s18+$0x30]  }
0x30: {  	v2 =	vld [tilespmem:s18+$0xFFFFFFD0]  }
0x31: {  	v3 =	vld [tilespmem:s18+$0xFFFFFFE0]  }
0x32: {  	v4 =	vld [tilespmem:s18+$0xFFFFFFF0]  }
0x33: {  	v5 =	vld [tilespmem:s18+$0x0]  }
0x34: {  	v6 =	vld [tilespmem:s18+$0x10];
	v7 =	vand.u32 $0xFFFF, v1  }
0x35: {  	v11 =	vld [tilespmem:s18+$0x20];
	v8 =	vand.u32 $0xFFFF, v2  }
0x36: {  	v10 =	vand.u32 $0xFFFF, v3  }
0x37: {  	v9 =	vld [tilespmem:s18+$0xFFFFFFC0];
	v12 =	vand.u32 $0xFFFF, v4  }
0x38: {  	v13 =	vand.u32 $0xFFFF, v5  }
0x39: {  	v14 =	vand.u32 $0xFFFF, v6;
	v7 =	vld.idx.msk [tilespmem:v7+s2+$0x0], $0xffff  }
0x3a: {  	v16 =	vand.u32 $0xFFFF, v11;
	v8 =	vld.idx.msk [tilespmem:v8+s2+$0x0], $0xffff  }
0x3b: {  	v1 =	vshrl.u32 v1, $0x10;
	v10 =	vld.idx.msk [tilespmem:v10+s2+$0x0], $0xffff  }
0x3c: {  	v15 =	vand.u32 $0xFFFF, v9;
	v12 =	vld.idx.msk [tilespmem:v12+s2+$0x0], $0xffff  }
0x3d: {  	v2 =	vshrl.u32 v2, $0x10;
	v13 =	vld.idx.msk [tilespmem:v13+s2+$0x0], $0xffff  }
0x3e: {  	v17 =	vshrl.u32 v3, $0x10;
	v3 =	vld.idx.msk [tilespmem:v14+s2+$0x0], $0xffff  }
0x3f: {  	v63 =	vshrl.u32 v4, $0x10;
	v4 =	vld.idx.msk [tilespmem:v16+s2+$0x0], $0xffff  }
0x40: {  	[tilespmem:v1+s14+$0x0] =	vst.idx.add.f32.msk $0xffff, v7;
	v1 =	vshrl.u32 v5, $0x10  }
0x41: {  	v5 =	vld.idx.msk [tilespmem:v15+s2+$0x0], $0xffff;
	v7 =	vshrl.u32 v9, $0x10  }
0x42: {  	[tilespmem:v2+s14+$0x0] =	vst.idx.add.f32.msk $0xffff, v8  }
0x43: {  	[tilespmem:v17+s14+$0x0] =	vst.idx.add.f32.msk $0xffff, v10  }
0x44: {  	[tilespmem:v63+s14+$0x0] =	vst.idx.add.f32.msk $0xffff, v12  }
0x45: {  	[tilespmem:v1+s14+$0x0] =	vst.idx.add.f32.msk $0xffff, v13  }
0x46: {  	s19 =	simm.s32 $0x190C0;
	s18 =	simm.s32 $0x0;
	v2 =	vshrl.u32 v11, $0x10;
	v1 =	vshrl.u32 v6, $0x10;
	[tilespmem:v7+s14+$0x0] =	vst.idx.add.f32.msk $0xffff, v5  }
.LBB2_5:
0x47: {  	v5 =	vld [tilespmem:s19+$0x30];
	s18 =	sadd.s32 $0x80, s18  }
0x48: {  	v6 =	vld [tilespmem:s19+$0xFFFFFFD0];
	p0 =	slt.u32 s18, $0x2000  }
0x49: {  	v7 =	vld [tilespmem:s19+$0xFFFFFFE0]  }
0x4a: {  	v8 =	vld [tilespmem:s19+$0xFFFFFFF0]  }
0x4b: {  	v9 =	vld [tilespmem:s19+$0x0]  }
0x4c: {  	v10 =	vld [tilespmem:s19+$0x10];
	v11 =	vand.u32 $0xFFFF, v5  }
0x4d: {  	v12 =	vshrl.u32 v6, $0x10;
	v6 =	vand.u32 $0xFFFF, v6;
	v13 =	vld [tilespmem:s19+$0x20]  }
0x4e: {  	v14 =	vld [tilespmem:s19+$0xFFFFFFC0];
	v15 =	vshrl.u32 v7, $0x10;
	v7 =	vand.u32 $0xFFFF, v7  }
0x4f: {  	v16 =	vshrl.u32 v8, $0x10;
	v8 =	vand.u32 $0xFFFF, v8;
	[tilespmem:v1+s14+$0x0] =	vst.idx.add.f32.msk $0xffff, v3  }
0x50: {  	v17 =	vshrl.u32 v9, $0x10;
	v3 =	vand.u32 $0xFFFF, v9;
	[tilespmem:v2+s14+$0x0] =	vst.idx.add.f32.msk $0xffff, v4  }
0x51: {  	v1 =	vshrl.u32 v10, $0x10;
	v4 =	vand.u32 $0xFFFF, v10;
	v9 =	vld.idx.msk [tilespmem:v11+s2+$0x0], $0xffff  }
0x52: {  	v5 =	vshrl.u32 v5, $0x10;
	v6 =	vld.idx.msk [tilespmem:v6+s2+$0x0], $0xffff;
	v2 =	vshrl.u32 v13, $0x10;
	v10 =	vand.u32 $0xFFFF, v13  }
0x53: {  	v11 =	vshrl.u32 v14, $0x10;
	v13 =	vand.u32 $0xFFFF, v14;
	v7 =	vld.idx.msk [tilespmem:v7+s2+$0x0], $0xffff  }
0x54: {  	v8 =	vld.idx.msk [tilespmem:v8+s2+$0x0], $0xffff  }
0x55: {  	v14 =	vld.idx.msk [tilespmem:v3+s2+$0x0], $0xffff  }
0x56: {  	v3 =	vld.idx.msk [tilespmem:v4+s2+$0x0], $0xffff  }
0x57: {  	[tilespmem:v5+s14+$0x0] =	vst.idx.add.f32.msk $0xffff, v9  }
0x58: {  	v5 =	vld.idx.msk [tilespmem:v13+s2+$0x0], $0xffff  }
0x59: {  	v4 =	vld.idx.msk [tilespmem:v10+s2+$0x0], $0xffff  }
.Ltmp3:
0x5a: {  	[tilespmem:v12+s14+$0x0] =	vst.idx.add.f32.msk $0xffff, v6;
	(pc) =	sbr.rel @p0 .LBB2_5-.Ltmp3, $4  }
0x5b: {  	[tilespmem:v15+s14+$0x0] =	vst.idx.add.f32.msk $0xffff, v7  }
0x5c: {  	[tilespmem:v16+s14+$0x0] =	vst.idx.add.f32.msk $0xffff, v8  }
0x5d: {  	[tilespmem:v17+s14+$0x0] =	vst.idx.add.f32.msk $0xffff, v14  }
0x5e: {  	s19 =	sadd.s32 $0x80, s19;
	[tilespmem:v11+s14+$0x0] =	vst.idx.add.f32.msk $0xffff, v5  }
0x5f: {  	_ =	sdelay $0x3  }
0x60: {  	[tilespmem:v1+s14+$0x0] =	vst.idx.add.f32.msk $0xffff, v3  }
0x61: {  	[tilespmem:v2+s14+$0x0] =	vst.idx.add.f32.msk $0xffff, v4  }
0x62: {  	v1 =	vld [tilespmem:$0x1B080];
	_ =	sdelay $0x4  }
0x63: {  	v2 =	vand.u32 $0xFFFF, v1;
	_ =	sdelay $0x4  }
0x64: {  	p0 =	seq.s32 s17, $0x2F;
	v1 =	vshrl.u32 v1, $0x10;
	v2 =	vld.idx.msk [tilespmem:v2+s2+$0x0], $0xffff  }
0x65: {  	s18 =	smul.u32 @!p0 $0x4120, s17;
	_ =	sdelay $0x1  }
0x66: {  	s18 =	sshrl.u32 @!p0 s18, $0x3  }
0x67: {  	s18 =	sadd.s32 @!p0 s3, s18  }
0x68: {  	s19 =	simm.s32 @!p0 $0x0;
	s20 =	simm.s32 @!p0 $0x19000;
	s18 =	sadd.s32 @!p0 $0x824, s18;
	[tilespmem:v1+s14+$0x0] =	vst.idx.add.f32.msk $0xffff, v2  }
0x69: {  	[tilespmem:s20], [sflag:$0x1] =	stream.linear.gather @!p0 [hbm4b:s18+s19], $0x2090, $0x38;
	[tilespmem:$0x1D200] =	vst v63  }
0x6a: {  	_ =	swait.ge [sflag:s15], $0x2090  }
0x6b: {  	[sflag:s15] =	ssyncset.done $0x0  }
0x6c: {  	s31 =	simm.s32 $0x1B140;
	[sflag:s15] =	ssyncadd.s32 $0xFFFFDF70  }
0x6d: {  	v1 =	vld [tilespmem:s31+$0x30]  }
0x6e: {  	v2 =	vld [tilespmem:s31+$0xFFFFFFD0]  }
0x6f: {  	v3 =	vld [tilespmem:s31+$0xFFFFFFE0]  }
0x70: {  	v4 =	vld [tilespmem:s31+$0xFFFFFFF0]  }
0x71: {  	v5 =	vld [tilespmem:s31+$0x0]  }
0x72: {  	v6 =	vld [tilespmem:s31+$0x10];
	v7 =	vand.u32 $0xFFFF, v1  }
0x73: {  	v11 =	vld [tilespmem:s31+$0x20];
	v8 =	vand.u32 $0xFFFF, v2  }
0x74: {  	v10 =	vand.u32 $0xFFFF, v3  }
0x75: {  	v9 =	vld [tilespmem:s31+$0xFFFFFFC0];
	v12 =	vand.u32 $0xFFFF, v4  }
0x76: {  	v13 =	vand.u32 $0xFFFF, v5  }
0x77: {  	v14 =	vand.u32 $0xFFFF, v6;
	v7 =	vld.idx.msk [tilespmem:v7+s2+$0x0], $0xffff  }
0x78: {  	v16 =	vand.u32 $0xFFFF, v11;
	v8 =	vld.idx.msk [tilespmem:v8+s2+$0x0], $0xffff  }
0x79: {  	v1 =	vshrl.u32 v1, $0x10;
	v10 =	vld.idx.msk [tilespmem:v10+s2+$0x0], $0xffff  }
0x7a: {  	v15 =	vand.u32 $0xFFFF, v9;
	v12 =	vld.idx.msk [tilespmem:v12+s2+$0x0], $0xffff  }
0x7b: {  	v2 =	vshrl.u32 v2, $0x10;
	v13 =	vld.idx.msk [tilespmem:v13+s2+$0x0], $0xffff  }
0x7c: {  	v17 =	vshrl.u32 v3, $0x10;
	v3 =	vld.idx.msk [tilespmem:v14+s2+$0x0], $0xffff  }
0x7d: {  	v63 =	vshrl.u32 v4, $0x10;
	v4 =	vld.idx.msk [tilespmem:v16+s2+$0x0], $0xffff  }
0x7e: {  	[tilespmem:v1+s14+$0x0] =	vst.idx.add.f32.msk $0xffff, v7;
	v1 =	vshrl.u32 v5, $0x10  }
0x7f: {  	v5 =	vld.idx.msk [tilespmem:v15+s2+$0x0], $0xffff;
	v7 =	vshrl.u32 v9, $0x10  }
0x80: {  	[tilespmem:v2+s14+$0x0] =	vst.idx.add.f32.msk $0xffff, v8  }
0x81: {  	[tilespmem:v17+s14+$0x0] =	vst.idx.add.f32.msk $0xffff, v10  }
0x82: {  	[tilespmem:v63+s14+$0x0] =	vst.idx.add.f32.msk $0xffff, v12  }
0x83: {  	[tilespmem:v1+s14+$0x0] =	vst.idx.add.f32.msk $0xffff, v13  }
0x84: {  	s18 =	simm.s32 $0x0;
	s19 =	simm.s32 $0x1B1C0;
	v2 =	vshrl.u32 v11, $0x10;
	v1 =	vshrl.u32 v6, $0x10;
	[tilespmem:v7+s14+$0x0] =	vst.idx.add.f32.msk $0xffff, v5  }
.LBB2_7:
0x85: {  	v5 =	vld [tilespmem:s19+$0x30];
	s18 =	sadd.s32 $0x80, s18  }
0x86: {  	v6 =	vld [tilespmem:s19+$0xFFFFFFD0];
	p1 =	slt.u32 s18, $0x2000  }
0x87: {  	v7 =	vld [tilespmem:s19+$0xFFFFFFE0]  }
0x88: {  	v8 =	vld [tilespmem:s19+$0xFFFFFFF0]  }
0x89: {  	v9 =	vld [tilespmem:s19+$0x0]  }
0x8a: {  	v10 =	vld [tilespmem:s19+$0x10];
	v11 =	vand.u32 $0xFFFF, v5  }
0x8b: {  	v12 =	vshrl.u32 v6, $0x10;
	v6 =	vand.u32 $0xFFFF, v6;
	v13 =	vld [tilespmem:s19+$0x20]  }
0x8c: {  	v14 =	vld [tilespmem:s19+$0xFFFFFFC0];
	v15 =	vshrl.u32 v7, $0x10;
	v7 =	vand.u32 $0xFFFF, v7  }
0x8d: {  	v16 =	vshrl.u32 v8, $0x10;
	v8 =	vand.u32 $0xFFFF, v8;
	[tilespmem:v1+s14+$0x0] =	vst.idx.add.f32.msk $0xffff, v3  }
0x8e: {  	v17 =	vshrl.u32 v9, $0x10;
	v3 =	vand.u32 $0xFFFF, v9;
	[tilespmem:v2+s14+$0x0] =	vst.idx.add.f32.msk $0xffff, v4  }
0x8f: {  	v1 =	vshrl.u32 v10, $0x10;
	v4 =	vand.u32 $0xFFFF, v10;
	v9 =	vld.idx.msk [tilespmem:v11+s2+$0x0], $0xffff  }
0x90: {  	v5 =	vshrl.u32 v5, $0x10;
	v6 =	vld.idx.msk [tilespmem:v6+s2+$0x0], $0xffff;
	v2 =	vshrl.u32 v13, $0x10;
	v10 =	vand.u32 $0xFFFF, v13  }
0x91: {  	v11 =	vshrl.u32 v14, $0x10;
	v13 =	vand.u32 $0xFFFF, v14;
	v7 =	vld.idx.msk [tilespmem:v7+s2+$0x0], $0xffff  }
0x92: {  	v8 =	vld.idx.msk [tilespmem:v8+s2+$0x0], $0xffff  }
0x93: {  	v14 =	vld.idx.msk [tilespmem:v3+s2+$0x0], $0xffff  }
0x94: {  	v3 =	vld.idx.msk [tilespmem:v4+s2+$0x0], $0xffff  }
0x95: {  	[tilespmem:v5+s14+$0x0] =	vst.idx.add.f32.msk $0xffff, v9  }
0x96: {  	v5 =	vld.idx.msk [tilespmem:v13+s2+$0x0], $0xffff  }
0x97: {  	v4 =	vld.idx.msk [tilespmem:v10+s2+$0x0], $0xffff  }
.Ltmp4:
0x98: {  	[tilespmem:v12+s14+$0x0] =	vst.idx.add.f32.msk $0xffff, v6;
	(pc) =	sbr.rel @p1 .LBB2_7-.Ltmp4, $4  }
0x99: {  	[tilespmem:v15+s14+$0x0] =	vst.idx.add.f32.msk $0xffff, v7  }
0x9a: {  	[tilespmem:v16+s14+$0x0] =	vst.idx.add.f32.msk $0xffff, v8  }
0x9b: {  	[tilespmem:v17+s14+$0x0] =	vst.idx.add.f32.msk $0xffff, v14  }
0x9c: {  	s19 =	sadd.s32 $0x80, s19;
	[tilespmem:v11+s14+$0x0] =	vst.idx.add.f32.msk $0xffff, v5  }
0x9d: {  	_ =	sdelay $0x3  }
0x9e: {  	[tilespmem:v1+s14+$0x0] =	vst.idx.add.f32.msk $0xffff, v3  }
0x9f: {  	[tilespmem:v2+s14+$0x0] =	vst.idx.add.f32.msk $0xffff, v4  }
0xa0: {  	v1 =	vld [tilespmem:$0x1D180];
	_ =	sdelay $0x4  }
0xa1: {  	v2 =	vand.u32 $0xFFFF, v1;
	_ =	sdelay $0x4  }
0xa2: {  	v1 =	vshrl.u32 v1, $0x10;
	v2 =	vld.idx.msk [tilespmem:v2+s2+$0x0], $0xffff  }
.Ltmp5:
0xa3: {  	_ = 	snop;
	(pc) =	sbr.rel @p0 .LBB2_10-.Ltmp5, $2  }
0xa4: {  	_ =	sdelay $0x2  }
0xa5: {  	[tilespmem:v1+s14+$0x0] =	vst.idx.add.f32.msk $0xffff, v2  }
0xa6: {  	s18 =	smul.u32 $0x4120, s17  }
.Ltmp6:
0xa7: {  	_ = 	snop;
	(pc) =	sbr.rel .LBB2_4-.Ltmp6, $4  }
0xa8: {  	s18 =	sshrl.u32 s18, $0x3  }
0xa9: {  	s18 =	sadd.s32 s3, s18  }
0xaa: {  	s17 =	sadd.s32 $0x1, s17;
	s18 =	sadd.s32 $0xC36, s18  }
0xab: {  	[tilespmem:s12], [sflag:$0x2] =	stream.linear.gather [hbm4b:s18+s2], $0x2090, $0x38;
	[tilespmem:$0x1D200] =	vst v63  }
.LBB2_10:
0xac: {  	[hbm4b:s6+s2] =	stream.linear.scatter [tilespmem:s14], [sflag:$0x3], $0xC800, $0x38;
	[tilespmem:$0x1D200] =	vst v63  }
0xad: {  	_ =	swait.ge [sflag:s10], $0xC800  }
0xae: {  	[sflag:s10] =	ssyncset.done $0x0  }
0xaf: {  	[sflag:s10] =	ssyncadd.s32 $0xFFFF3800  }
0xb0: {  	[tilespmem:s2], [sflag:$0x3] =	stream.linear.gather [hbm4b:s7+s2], $0xC800, $0x38;
	[tilespmem:$0x1D200] =	vst v63  }
0xb1: {  	_ =	swait.ge [sflag:s10], $0xC800  }
0xb2: {  	[sflag:s10] =	ssyncset.done $0x0  }
0xb3: {  	s17 =	simm.s32 $0xC840;
	[sflag:s10] =	ssyncadd.s32 $0xFFFF3800  }
0xb4: {  	[tilespmem:s17+$0xFFFFFFC0] =	vst v0  }
0xb5: {  	[tilespmem:s17+$0x30] =	vst v0  }
0xb6: {  	[tilespmem:s17+$0x20] =	vst v0  }
0xb7: {  	[tilespmem:s17+$0x10] =	vst v0  }
0xb8: {  	[tilespmem:s17+$0x0] =	vst v0  }
0xb9: {  	[tilespmem:s17+$0xFFFFFFF0] =	vst v0  }
0xba: {  	s18 =	simm.s32 $0x0;
	[tilespmem:s17+$0xFFFFFFE0] =	vst v0  }
.LBB2_11:
0xbb: {  	s18 =	sadd.s32 $0x80, s18;
	[tilespmem:s17+$0xFFFFFFD0] =	vst v0;
	s17 =	sadd.s32 $0x80, s17  }
0xbc: {  	[tilespmem:s17+$0xFFFFFFC0] =	vst v0;
	p0 =	slt.u32 s18, $0xC780  }
0xbd: {  	[tilespmem:s17+$0x30] =	vst v0  }
.Ltmp7:
0xbe: {  	[tilespmem:s17+$0x20] =	vst v0;
	(pc) =	sbr.rel @p0 .LBB2_11-.Ltmp7, $4  }
0xbf: {  	[tilespmem:s17+$0x10] =	vst v0  }
0xc0: {  	[tilespmem:s17+$0x0] =	vst v0  }
0xc1: {  	[tilespmem:s17+$0xFFFFFFF0] =	vst v0  }
0xc2: {  	[tilespmem:s17+$0xFFFFFFE0] =	vst v0  }
0xc3: {  	[tilespmem:s17+$0xFFFFFFD0] =	vst v0;
	s17 =	simm.s32 $0x0  }
0xc4: {  	[tilespmem:s11], [sflag:$0x1] =	stream.linear.gather [hbm4b:s3+s17], $0x2090, $0x38;
	[tilespmem:$0x1D200] =	vst v63  }
0xc5: {  	_ = 	snop  }
0xc6: {  	[tilespmem:s12], [sflag:$0x2] =	stream.linear.gather [hbm4b:s5+s17], $0x2090, $0x38;
	[tilespmem:$0x1D200] =	vst v63  }
.LBB2_13:
0xc7: {  	_ =	swait.ge [sflag:s13], $0x2090  }
0xc8: {  	[sflag:s13] =	ssyncset.done $0x0  }
0xc9: {  	s18 =	simm.s32 $0x19040;
	[sflag:s13] =	ssyncadd.s32 $0xFFFFDF70  }
0xca: {  	v1 =	vld [tilespmem:s18+$0x30]  }
0xcb: {  	v2 =	vld [tilespmem:s18+$0xFFFFFFD0]  }
0xcc: {  	v3 =	vld [tilespmem:s18+$0xFFFFFFE0]  }
0xcd: {  	v4 =	vld [tilespmem:s18+$0xFFFFFFF0]  }
0xce: {  	v5 =	vld [tilespmem:s18+$0x0]  }
0xcf: {  	v6 =	vld [tilespmem:s18+$0x10];
	v7 =	vand.u32 $0xFFFF, v1  }
0xd0: {  	v11 =	vld [tilespmem:s18+$0x20];
	v8 =	vand.u32 $0xFFFF, v2  }
0xd1: {  	v10 =	vand.u32 $0xFFFF, v3  }
0xd2: {  	v9 =	vld [tilespmem:s18+$0xFFFFFFC0];
	v12 =	vand.u32 $0xFFFF, v4  }
0xd3: {  	v13 =	vand.u32 $0xFFFF, v5  }
0xd4: {  	v14 =	vand.u32 $0xFFFF, v6;
	v7 =	vld.idx.msk [tilespmem:v7+s2+$0x0], $0xffff  }
0xd5: {  	v16 =	vand.u32 $0xFFFF, v11;
	v8 =	vld.idx.msk [tilespmem:v8+s2+$0x0], $0xffff  }
0xd6: {  	v1 =	vshrl.u32 v1, $0x10;
	v10 =	vld.idx.msk [tilespmem:v10+s2+$0x0], $0xffff  }
0xd7: {  	v15 =	vand.u32 $0xFFFF, v9;
	v12 =	vld.idx.msk [tilespmem:v12+s2+$0x0], $0xffff  }
0xd8: {  	v2 =	vshrl.u32 v2, $0x10;
	v13 =	vld.idx.msk [tilespmem:v13+s2+$0x0], $0xffff  }
0xd9: {  	v17 =	vshrl.u32 v3, $0x10;
	v3 =	vld.idx.msk [tilespmem:v14+s2+$0x0], $0xffff  }
0xda: {  	v63 =	vshrl.u32 v4, $0x10;
	v4 =	vld.idx.msk [tilespmem:v16+s2+$0x0], $0xffff  }
0xdb: {  	[tilespmem:v1+s14+$0x0] =	vst.idx.add.f32.msk $0xffff, v7;
	v1 =	vshrl.u32 v5, $0x10  }
0xdc: {  	v5 =	vld.idx.msk [tilespmem:v15+s2+$0x0], $0xffff;
	v7 =	vshrl.u32 v9, $0x10  }
0xdd: {  	[tilespmem:v2+s14+$0x0] =	vst.idx.add.f32.msk $0xffff, v8  }
0xde: {  	[tilespmem:v17+s14+$0x0] =	vst.idx.add.f32.msk $0xffff, v10  }
0xdf: {  	[tilespmem:v63+s14+$0x0] =	vst.idx.add.f32.msk $0xffff, v12  }
0xe0: {  	[tilespmem:v1+s14+$0x0] =	vst.idx.add.f32.msk $0xffff, v13  }
0xe1: {  	s19 =	simm.s32 $0x190C0;
	s18 =	simm.s32 $0x0;
	v2 =	vshrl.u32 v11, $0x10;
	v1 =	vshrl.u32 v6, $0x10;
	[tilespmem:v7+s14+$0x0] =	vst.idx.add.f32.msk $0xffff, v5  }
.LBB2_14:
0xe2: {  	v5 =	vld [tilespmem:s19+$0x30];
	s18 =	sadd.s32 $0x80, s18  }
0xe3: {  	v6 =	vld [tilespmem:s19+$0xFFFFFFD0];
	p0 =	slt.u32 s18, $0x2000  }
0xe4: {  	v7 =	vld [tilespmem:s19+$0xFFFFFFE0]  }
0xe5: {  	v8 =	vld [tilespmem:s19+$0xFFFFFFF0]  }
0xe6: {  	v9 =	vld [tilespmem:s19+$0x0]  }
0xe7: {  	v10 =	vld [tilespmem:s19+$0x10];
	v11 =	vand.u32 $0xFFFF, v5  }
0xe8: {  	v12 =	vshrl.u32 v6, $0x10;
	v6 =	vand.u32 $0xFFFF, v6;
	v13 =	vld [tilespmem:s19+$0x20]  }
0xe9: {  	v14 =	vld [tilespmem:s19+$0xFFFFFFC0];
	v15 =	vshrl.u32 v7, $0x10;
	v7 =	vand.u32 $0xFFFF, v7  }
0xea: {  	v16 =	vshrl.u32 v8, $0x10;
	v8 =	vand.u32 $0xFFFF, v8;
	[tilespmem:v1+s14+$0x0] =	vst.idx.add.f32.msk $0xffff, v3  }
0xeb: {  	v17 =	vshrl.u32 v9, $0x10;
	v3 =	vand.u32 $0xFFFF, v9;
	[tilespmem:v2+s14+$0x0] =	vst.idx.add.f32.msk $0xffff, v4  }
0xec: {  	v1 =	vshrl.u32 v10, $0x10;
	v4 =	vand.u32 $0xFFFF, v10;
	v9 =	vld.idx.msk [tilespmem:v11+s2+$0x0], $0xffff  }
0xed: {  	v5 =	vshrl.u32 v5, $0x10;
	v6 =	vld.idx.msk [tilespmem:v6+s2+$0x0], $0xffff;
	v2 =	vshrl.u32 v13, $0x10;
	v10 =	vand.u32 $0xFFFF, v13  }
0xee: {  	v11 =	vshrl.u32 v14, $0x10;
	v13 =	vand.u32 $0xFFFF, v14;
	v7 =	vld.idx.msk [tilespmem:v7+s2+$0x0], $0xffff  }
0xef: {  	v8 =	vld.idx.msk [tilespmem:v8+s2+$0x0], $0xffff  }
0xf0: {  	v14 =	vld.idx.msk [tilespmem:v3+s2+$0x0], $0xffff  }
0xf1: {  	v3 =	vld.idx.msk [tilespmem:v4+s2+$0x0], $0xffff  }
0xf2: {  	[tilespmem:v5+s14+$0x0] =	vst.idx.add.f32.msk $0xffff, v9  }
0xf3: {  	v5 =	vld.idx.msk [tilespmem:v13+s2+$0x0], $0xffff  }
0xf4: {  	v4 =	vld.idx.msk [tilespmem:v10+s2+$0x0], $0xffff  }
.Ltmp8:
0xf5: {  	[tilespmem:v12+s14+$0x0] =	vst.idx.add.f32.msk $0xffff, v6;
	(pc) =	sbr.rel @p0 .LBB2_14-.Ltmp8, $4  }
0xf6: {  	[tilespmem:v15+s14+$0x0] =	vst.idx.add.f32.msk $0xffff, v7  }
0xf7: {  	[tilespmem:v16+s14+$0x0] =	vst.idx.add.f32.msk $0xffff, v8  }
0xf8: {  	[tilespmem:v17+s14+$0x0] =	vst.idx.add.f32.msk $0xffff, v14  }
0xf9: {  	s19 =	sadd.s32 $0x80, s19;
	[tilespmem:v11+s14+$0x0] =	vst.idx.add.f32.msk $0xffff, v5  }
0xfa: {  	_ =	sdelay $0x3  }
0xfb: {  	[tilespmem:v1+s14+$0x0] =	vst.idx.add.f32.msk $0xffff, v3  }
0xfc: {  	[tilespmem:v2+s14+$0x0] =	vst.idx.add.f32.msk $0xffff, v4  }
0xfd: {  	v1 =	vld [tilespmem:$0x1B080];
	_ =	sdelay $0x4  }
0xfe: {  	v2 =	vand.u32 $0xFFFF, v1;
	_ =	sdelay $0x4  }
0xff: {  	p0 =	seq.s32 s17, $0x2F;
	v1 =	vshrl.u32 v1, $0x10;
	v2 =	vld.idx.msk [tilespmem:v2+s2+$0x0], $0xffff  }
0x100: {  	s18 =	smul.u32 @!p0 $0x4120, s17;
	_ =	sdelay $0x1  }
0x101: {  	s18 =	sshrl.u32 @!p0 s18, $0x3  }
0x102: {  	s18 =	sadd.s32 @!p0 s3, s18  }
0x103: {  	s19 =	simm.s32 @!p0 $0x0;
	s20 =	simm.s32 @!p0 $0x19000;
	s18 =	sadd.s32 @!p0 $0x824, s18;
	[tilespmem:v1+s14+$0x0] =	vst.idx.add.f32.msk $0xffff, v2  }
0x104: {  	[tilespmem:s20], [sflag:$0x1] =	stream.linear.gather @!p0 [hbm4b:s18+s19], $0x2090, $0x38;
	[tilespmem:$0x1D200] =	vst v63  }
0x105: {  	_ =	swait.ge [sflag:s15], $0x2090  }
0x106: {  	[sflag:s15] =	ssyncset.done $0x0  }
0x107: {  	s31 =	simm.s32 $0x1B140;
	[sflag:s15] =	ssyncadd.s32 $0xFFFFDF70  }
0x108: {  	v1 =	vld [tilespmem:s31+$0x30]  }
0x109: {  	v2 =	vld [tilespmem:s31+$0xFFFFFFD0]  }
0x10a: {  	v3 =	vld [tilespmem:s31+$0xFFFFFFE0]  }
0x10b: {  	v4 =	vld [tilespmem:s31+$0xFFFFFFF0]  }
0x10c: {  	v5 =	vld [tilespmem:s31+$0x0]  }
0x10d: {  	v6 =	vld [tilespmem:s31+$0x10];
	v7 =	vand.u32 $0xFFFF, v1  }
0x10e: {  	v11 =	vld [tilespmem:s31+$0x20];
	v8 =	vand.u32 $0xFFFF, v2  }
0x10f: {  	v10 =	vand.u32 $0xFFFF, v3  }
0x110: {  	v9 =	vld [tilespmem:s31+$0xFFFFFFC0];
	v12 =	vand.u32 $0xFFFF, v4  }
0x111: {  	v13 =	vand.u32 $0xFFFF, v5  }
0x112: {  	v14 =	vand.u32 $0xFFFF, v6;
	v7 =	vld.idx.msk [tilespmem:v7+s2+$0x0], $0xffff  }
0x113: {  	v16 =	vand.u32 $0xFFFF, v11;
	v8 =	vld.idx.msk [tilespmem:v8+s2+$0x0], $0xffff  }
0x114: {  	v1 =	vshrl.u32 v1, $0x10;
	v10 =	vld.idx.msk [tilespmem:v10+s2+$0x0], $0xffff  }
0x115: {  	v15 =	vand.u32 $0xFFFF, v9;
	v12 =	vld.idx.msk [tilespmem:v12+s2+$0x0], $0xffff  }
0x116: {  	v2 =	vshrl.u32 v2, $0x10;
	v13 =	vld.idx.msk [tilespmem:v13+s2+$0x0], $0xffff  }
0x117: {  	v17 =	vshrl.u32 v3, $0x10;
	v3 =	vld.idx.msk [tilespmem:v14+s2+$0x0], $0xffff  }
0x118: {  	v63 =	vshrl.u32 v4, $0x10;
	v4 =	vld.idx.msk [tilespmem:v16+s2+$0x0], $0xffff  }
0x119: {  	[tilespmem:v1+s14+$0x0] =	vst.idx.add.f32.msk $0xffff, v7;
	v1 =	vshrl.u32 v5, $0x10  }
0x11a: {  	v5 =	vld.idx.msk [tilespmem:v15+s2+$0x0], $0xffff;
	v7 =	vshrl.u32 v9, $0x10  }
0x11b: {  	[tilespmem:v2+s14+$0x0] =	vst.idx.add.f32.msk $0xffff, v8  }
0x11c: {  	[tilespmem:v17+s14+$0x0] =	vst.idx.add.f32.msk $0xffff, v10  }
0x11d: {  	[tilespmem:v63+s14+$0x0] =	vst.idx.add.f32.msk $0xffff, v12  }
0x11e: {  	[tilespmem:v1+s14+$0x0] =	vst.idx.add.f32.msk $0xffff, v13  }
0x11f: {  	s18 =	simm.s32 $0x0;
	s19 =	simm.s32 $0x1B1C0;
	v2 =	vshrl.u32 v11, $0x10;
	v1 =	vshrl.u32 v6, $0x10;
	[tilespmem:v7+s14+$0x0] =	vst.idx.add.f32.msk $0xffff, v5  }
.LBB2_16:
0x120: {  	v5 =	vld [tilespmem:s19+$0x30];
	s18 =	sadd.s32 $0x80, s18  }
0x121: {  	v6 =	vld [tilespmem:s19+$0xFFFFFFD0];
	p1 =	slt.u32 s18, $0x2000  }
0x122: {  	v7 =	vld [tilespmem:s19+$0xFFFFFFE0]  }
0x123: {  	v8 =	vld [tilespmem:s19+$0xFFFFFFF0]  }
0x124: {  	v9 =	vld [tilespmem:s19+$0x0]  }
0x125: {  	v10 =	vld [tilespmem:s19+$0x10];
	v11 =	vand.u32 $0xFFFF, v5  }
0x126: {  	v12 =	vshrl.u32 v6, $0x10;
	v6 =	vand.u32 $0xFFFF, v6;
	v13 =	vld [tilespmem:s19+$0x20]  }
0x127: {  	v14 =	vld [tilespmem:s19+$0xFFFFFFC0];
	v15 =	vshrl.u32 v7, $0x10;
	v7 =	vand.u32 $0xFFFF, v7  }
0x128: {  	v16 =	vshrl.u32 v8, $0x10;
	v8 =	vand.u32 $0xFFFF, v8;
	[tilespmem:v1+s14+$0x0] =	vst.idx.add.f32.msk $0xffff, v3  }
0x129: {  	v17 =	vshrl.u32 v9, $0x10;
	v3 =	vand.u32 $0xFFFF, v9;
	[tilespmem:v2+s14+$0x0] =	vst.idx.add.f32.msk $0xffff, v4  }
0x12a: {  	v1 =	vshrl.u32 v10, $0x10;
	v4 =	vand.u32 $0xFFFF, v10;
	v9 =	vld.idx.msk [tilespmem:v11+s2+$0x0], $0xffff  }
0x12b: {  	v5 =	vshrl.u32 v5, $0x10;
	v6 =	vld.idx.msk [tilespmem:v6+s2+$0x0], $0xffff;
	v2 =	vshrl.u32 v13, $0x10;
	v10 =	vand.u32 $0xFFFF, v13  }
0x12c: {  	v11 =	vshrl.u32 v14, $0x10;
	v13 =	vand.u32 $0xFFFF, v14;
	v7 =	vld.idx.msk [tilespmem:v7+s2+$0x0], $0xffff  }
0x12d: {  	v8 =	vld.idx.msk [tilespmem:v8+s2+$0x0], $0xffff  }
0x12e: {  	v14 =	vld.idx.msk [tilespmem:v3+s2+$0x0], $0xffff  }
0x12f: {  	v3 =	vld.idx.msk [tilespmem:v4+s2+$0x0], $0xffff  }
0x130: {  	[tilespmem:v5+s14+$0x0] =	vst.idx.add.f32.msk $0xffff, v9  }
0x131: {  	v5 =	vld.idx.msk [tilespmem:v13+s2+$0x0], $0xffff  }
0x132: {  	v4 =	vld.idx.msk [tilespmem:v10+s2+$0x0], $0xffff  }
.Ltmp9:
0x133: {  	[tilespmem:v12+s14+$0x0] =	vst.idx.add.f32.msk $0xffff, v6;
	(pc) =	sbr.rel @p1 .LBB2_16-.Ltmp9, $4  }
0x134: {  	[tilespmem:v15+s14+$0x0] =	vst.idx.add.f32.msk $0xffff, v7  }
0x135: {  	[tilespmem:v16+s14+$0x0] =	vst.idx.add.f32.msk $0xffff, v8  }
0x136: {  	[tilespmem:v17+s14+$0x0] =	vst.idx.add.f32.msk $0xffff, v14  }
0x137: {  	s19 =	sadd.s32 $0x80, s19;
	[tilespmem:v11+s14+$0x0] =	vst.idx.add.f32.msk $0xffff, v5  }
0x138: {  	_ =	sdelay $0x3  }
0x139: {  	[tilespmem:v1+s14+$0x0] =	vst.idx.add.f32.msk $0xffff, v3  }
0x13a: {  	[tilespmem:v2+s14+$0x0] =	vst.idx.add.f32.msk $0xffff, v4  }
0x13b: {  	v1 =	vld [tilespmem:$0x1D180];
	_ =	sdelay $0x4  }
0x13c: {  	v2 =	vand.u32 $0xFFFF, v1;
	_ =	sdelay $0x4  }
0x13d: {  	v1 =	vshrl.u32 v1, $0x10;
	v2 =	vld.idx.msk [tilespmem:v2+s2+$0x0], $0xffff  }
.Ltmp10:
0x13e: {  	_ = 	snop;
	(pc) =	sbr.rel @p0 .LBB2_19-.Ltmp10, $2  }
0x13f: {  	_ =	sdelay $0x2  }
0x140: {  	[tilespmem:v1+s14+$0x0] =	vst.idx.add.f32.msk $0xffff, v2  }
0x141: {  	s18 =	smul.u32 $0x4120, s17  }
.Ltmp11:
0x142: {  	_ = 	snop;
	(pc) =	sbr.rel .LBB2_13-.Ltmp11, $4  }
0x143: {  	s18 =	sshrl.u32 s18, $0x3  }
0x144: {  	s18 =	sadd.s32 s3, s18  }
0x145: {  	s17 =	sadd.s32 $0x1, s17;
	s18 =	sadd.s32 $0xC36, s18  }
0x146: {  	[tilespmem:s12], [sflag:$0x2] =	stream.linear.gather [hbm4b:s18+s2], $0x2090, $0x38;
	[tilespmem:$0x1D200] =	vst v63  }
.LBB2_20:
0x147: {  	_ =	sfence.sel $0x180000  }
0x148: {  	[bflag:$0x0] =	sbarrier.arrive $0xFFFF  }
0x149: {  	p0 =	sne.s32 s1, $0x0;
	_ =	strace $0x90000050  }
0x14a: {  	s0 =	sadd.s32 @!p0 $0x100000, s0;
	[bflag:$0x2] =	sbarrier.arrive $0xFFFF  }
0x14b: {  	[sflag:s0] =	ssyncadd.tile.s32 @!p0 $0x1;
	_ =	shalt  }
.Lfunc_end2:
_tile_overlayer_lowered:
.L_overlay_start_2:
0x14c: {  	(tag) =	ssettag $0x2  }
0x14d: {  	s0 =	rddreg [dreg:$0x0];
	s2 =	stileid.u32  }
0x14e: {  	s1 =	rddreg [dreg:$0x1];
	p0 =	sne.s32 s2, $0x0  }
0x14f: {  	s3 =	rddreg [dreg:$0x2];
	[bflag:$0x3] =	sbarrier.arrive $0xFFFF;
	s2 =	simm.s32 @!p0 $0x1C03  }
0x150: {  	[timem:s3], [sflag:s2] =	dma.local @!p0 [hbm:s0], s1  }
0x151: {  	s0 =	simm.s32 @!p0 $0x3  }
0x152: {  	_ =	swait.ge @!p0 [sflag:s0], s1  }
0x153: {  	s1 =	ssub.s32 @!p0 $0x0, s1;
	[sflag:s0] =	ssyncset.done @!p0 $0x0  }
0x154: {  	[sflag:s0] =	ssyncadd.s32 @!p0 s1  }
0x155: {  	[bflag:$0x3] =	sbarrier.arrive $0xFFFF  }
0x156: {  	_ =	shalt  }

</sc_bundles>
